<compile_context>
chip_gen: v7x
topology: tpu7x:2x2x1
jax: 0.10.2.dev20260603
libtpu: 0.0.44.dev20260713+nightly
codegen_flags: <defaults>
</compile_context>

<pallas_src>
import functools

import jax
import jax.numpy as jnp
from jax import lax
from jax.experimental import pallas as pl
from jax.experimental.pallas import tpu as pltpu
from jax.experimental.pallas import tpu_sc as plsc

N = 10000
B = 32
K = 16
DF = 153
DL = 256
H = 128

NPAD = 10240
R = 256
CCH = 512
NBLK = NPAD // R
NCH = NPAD // CCH
DPAD = 256

BIG = 1e9
FINF = 3e38

NC = 2
NS = 16
NW = NC * NS
NODES_PW = NPAD // NW
GCH = 8
NGB = 4
STEP = GCH * NGB
OUTER = NODES_PW // STEP


def _lang_body(lang_ref, wl1_ref, bl1_ref, bng_ref, bnb_ref, wl2_ref, bl2_ref,
               out_ref):
    h = jnp.dot(lang_ref[...], wl1_ref[...],
                preferred_element_type=jnp.float32) + bl1_ref[...][None, :]
    mu = jnp.mean(h, axis=0, keepdims=True)
    var = jnp.mean((h - mu) ** 2, axis=0, keepdims=True)
    h = (h - mu) / jnp.sqrt(var + 1e-5) * bng_ref[...][None, :] \
        + bnb_ref[...][None, :]
    h = jnp.maximum(h, 0.0)
    out_ref[...] = jnp.dot(h, wl2_ref[...],
                           preferred_element_type=jnp.float32) \
        + bl2_ref[...][None, :]


def _pre_body(f_ref, wa_ref, wc_ref, be_ref, a_ref, c_ref):
    blk = pl.program_id(0)
    r0 = jnp.minimum(blk * R, N - R)
    f = f_ref[pl.ds(r0, R), :]
    a_ref[pl.ds(r0, R), :] = jnp.dot(
        f, wa_ref[...], preferred_element_type=jnp.float32) \
        + be_ref[...][None, :]
    c_ref[pl.ds(r0, R), :] = jnp.dot(
        f, wc_ref[...], preferred_element_type=jnp.float32)


def _knn_body(bounds_ref, p_ref, pt3_ref, out_ref):
    blk = pl.program_id(0)
    r0 = blk * R
    row = p_ref[...]
    xr = row[:, 0:1]
    yr = row[:, 1:2]
    zr = row[:, 2:3]
    sqr = row[:, 3:4]
    bir = row[:, 4:5]
    rowid = r0 + lax.broadcasted_iota(jnp.int32, (R, 1), 0)
    kc0 = bounds_ref[blk, 0]
    kc1 = bounds_ref[blk, 1]

    init_v = jnp.full((R, K), FINF, jnp.float32)
    init_i = jnp.broadcast_to(
        lax.broadcasted_iota(jnp.int32, (1, K), 1) + NPAD, (R, K))

    def chunk_body(kc, carry):
        cv, ci = carry
        c0 = kc * CCH
        ch = pt3_ref[kc]
        xc = ch[0:1, :]
        yc = ch[1:2, :]
        zc = ch[2:3, :]
        sqc = ch[3:4, :]
        bic = ch[4:5, :]
        dot = xr * xc + yr * yc + zr * zc
        d2 = sqr + sqc - 2.0 * dot
        colid = c0 + lax.broadcasted_iota(jnp.int32, (1, CCH), 1)
        d2 = d2 + jnp.where(bir != bic, BIG, 0.0) \
            + jnp.where(rowid == colid, BIG, 0.0)
        cand_v = jnp.concatenate([cv, d2], axis=1)
        cand_i = jnp.concatenate(
            [ci, jnp.broadcast_to(colid, (R, CCH))], axis=1)
        vs = []
        isel = []
        for _ in range(K):
            m = jnp.min(cand_v, axis=1, keepdims=True)
            si = jnp.min(jnp.where(cand_v == m, cand_i, jnp.int32(2**31 - 1)),
                         axis=1, keepdims=True)
            vs.append(m)
            isel.append(si)
            cand_v = jnp.where(cand_i == si, FINF, cand_v)
        return jnp.concatenate(vs, axis=1), jnp.concatenate(isel, axis=1)

    _, idx = lax.fori_loop(kc0, kc1, chunk_body, (init_v, init_i))
    out_ref[...] = jnp.clip(idx, 0, N - 1)


def _vis_body(a_ref, g_ref, p_ref, lang_ref, wv1_ref, bv1_ref, lng_ref,
              lnb_ref, wv2_ref, bv2_ref, out_ref):
    node = jnp.maximum(a_ref[...] + g_ref[...], 0.0)
    v = jnp.dot(node, wv1_ref[...],
                preferred_element_type=jnp.float32) + bv1_ref[...][None, :]
    mu = jnp.mean(v, axis=1, keepdims=True)
    var = jnp.mean((v - mu) ** 2, axis=1, keepdims=True)
    v = (v - mu) / jnp.sqrt(var + 1e-5) * lng_ref[...][None, :] \
        + lnb_ref[...][None, :]
    v = jnp.maximum(v, 0.0)
    v = jnp.dot(v, wv2_ref[...],
                preferred_element_type=jnp.float32) + bv2_ref[...][None, :]
    bi = p_ref[...][:, 4:5]
    ioti = lax.broadcasted_iota(jnp.int32, (R, B), 1).astype(jnp.float32)
    onehot = (bi == ioti).astype(jnp.float32)
    lf = jnp.dot(onehot, lang_ref[...], preferred_element_type=jnp.float32)
    num = jnp.sum(v * lf, axis=1, keepdims=True)
    den = jnp.sqrt(jnp.sum(v * v, axis=1, keepdims=True)) \
        * jnp.sqrt(jnp.sum(lf * lf, axis=1, keepdims=True)) + 1e-8
    out_ref[...] = num / den


def _sc_gather_max(idx_flat, ctab):
    mesh = plsc.VectorSubcoreMesh(core_axis_name="c", subcore_axis_name="s",
                                  num_cores=NC, num_subcores=NS)

    @functools.partial(
        pl.kernel,
        out_type=jax.ShapeDtypeStruct((NPAD, H), jnp.float32),
        mesh=mesh,
        scratch_types=(
            [pltpu.VMEM((GCH * K,), jnp.int32) for _ in range(NGB)]
            + [pltpu.VMEM((GCH * K, H), jnp.float32) for _ in range(NGB)]
            + [pltpu.VMEM((STEP, H), jnp.float32), pltpu.SemaphoreType.DMA]
        ),
    )
    def kfn(idx_hbm, c_hbm, out_hbm, i0, i1, i2, i3, r0, r1, r2, r3, outv,
            sem):
        ivs = (i0, i1, i2, i3)
        rvs = (r0, r1, r2, r3)
        wid = lax.axis_index("s") * NC + lax.axis_index("c")
        base = wid * NODES_PW

        def outer(t, carry):
            node0 = base + t * STEP
            for j in range(NGB):
                pltpu.sync_copy(
                    idx_hbm.at[pl.ds((node0 + j * GCH) * K, GCH * K)], ivs[j])
            cps = [pltpu.async_copy(c_hbm.at[ivs[j]], rvs[j], sem)
                   for j in range(NGB)]
            for cp in cps:
                cp.wait()
            for j in range(NGB):
                rv = rvs[j]

                def nbody(n, c2, rv=rv, j=j):
                    rbase = n * K
                    for dg in range(H // 16):
                        acc = rv[rbase, pl.ds(dg * 16, 16)]
                        for k in range(1, K):
                            acc = jnp.maximum(
                                acc, rv[rbase + k, pl.ds(dg * 16, 16)])
                        outv[j * GCH + n, pl.ds(dg * 16, 16)] = acc
                    return c2

                lax.fori_loop(0, GCH, nbody, 0)
            pltpu.sync_copy(outv, out_hbm.at[pl.ds(node0, STEP)])
            return carry

        lax.fori_loop(0, OUTER, outer, 0)

    return kfn(idx_flat, ctab)


def kernel(feats153, support_xyz, batch_index, filtered_index, lang_rel_feats,
           W_l1, b_l1, bn_g, bn_b, W_l2, b_l2, W_e, b_e, W_v1, b_v1, ln_g,
           ln_b, W_v2, b_v2):
    f32 = jnp.float32

    Wa = W_e[:DF] - W_e[DF:]
    Wc = W_e[DF:]

    sq = jnp.sum(support_xyz * support_xyz, axis=1)
    u = lax.bitcast_convert_type(support_xyz, jnp.uint32)
    u = (u + jnp.uint32(0x7FFF) + ((u >> 16) & jnp.uint32(1))) \
        & jnp.uint32(0xFFFF0000)
    xyz_r = lax.bitcast_convert_type(u, jnp.float32)
    bi_f = batch_index.astype(f32)
    pcore = jnp.concatenate(
        [xyz_r, sq[:, None], bi_f[:, None], jnp.zeros((N, 3), f32)],
        axis=1)
    prow_pad = jnp.zeros((NPAD - N, 8), f32).at[:, 4].set(-1.0)
    P = jnp.concatenate([pcore, prow_pad], axis=0)
    PT3 = jnp.transpose(P.T.reshape(8, NCH, CCH), (1, 0, 2))

    ar = jnp.arange(B, dtype=batch_index.dtype)
    starts = jnp.searchsorted(batch_index, ar, side='left').astype(jnp.int32)
    ends = jnp.searchsorted(batch_index, ar, side='right').astype(jnp.int32)
    first = jnp.minimum(jnp.arange(NBLK) * R, N - 1)
    last = jnp.minimum(jnp.arange(NBLK) * R + R - 1, N - 1)
    c_lo = starts[batch_index[first]]
    c_hi = ends[batch_index[last]]
    kc0 = c_lo // CCH
    kc1 = (c_hi + CCH - 1) // CCH
    bounds = jnp.stack([kc0, kc1], axis=1).astype(jnp.int32)

    lang_emb = pl.pallas_call(
        _lang_body,
        out_shape=jax.ShapeDtypeStruct((B, H), f32),
    )(lang_rel_feats, W_l1, b_l1, bn_g, bn_b, W_l2, b_l2)

    a, c = pl.pallas_call(
        _pre_body,
        grid=(NBLK,),
        in_specs=[
            pl.BlockSpec(memory_space=pltpu.VMEM),
            pl.BlockSpec((DF, H), lambda i: (0, 0)),
            pl.BlockSpec((DF, H), lambda i: (0, 0)),
            pl.BlockSpec((H,), lambda i: (0,)),
        ],
        out_specs=[
            pl.BlockSpec(memory_space=pltpu.VMEM),
            pl.BlockSpec(memory_space=pltpu.VMEM),
        ],
        out_shape=[jax.ShapeDtypeStruct((NPAD, H), f32)] * 2,
    )(feats153, Wa, Wc, b_e)

    idx = pl.pallas_call(
        _knn_body,
        grid=(NBLK,),
        in_specs=[
            pl.BlockSpec(memory_space=pltpu.SMEM),
            pl.BlockSpec((R, 8), lambda i: (i, 0)),
            pl.BlockSpec((NCH, 8, CCH), lambda i: (0, 0, 0)),
        ],
        out_specs=pl.BlockSpec((R, K), lambda i: (i, 0)),
        out_shape=jax.ShapeDtypeStruct((NPAD, K), jnp.int32),
    )(bounds, P, PT3)

    g = _sc_gather_max(idx.reshape(NPAD * K), c)

    scores = pl.pallas_call(
        _vis_body,
        grid=(NBLK,),
        in_specs=[
            pl.BlockSpec((R, H), lambda i: (i, 0)),
            pl.BlockSpec((R, H), lambda i: (i, 0)),
            pl.BlockSpec((R, 8), lambda i: (i, 0)),
            pl.BlockSpec((B, H), lambda i: (0, 0)),
            pl.BlockSpec((H, H), lambda i: (0, 0)),
            pl.BlockSpec((H,), lambda i: (0,)),
            pl.BlockSpec((H,), lambda i: (0,)),
            pl.BlockSpec((H,), lambda i: (0,)),
            pl.BlockSpec((H, H), lambda i: (0, 0)),
            pl.BlockSpec((H,), lambda i: (0,)),
        ],
        out_specs=pl.BlockSpec((R, 1), lambda i: (i, 0)),
        out_shape=jax.ShapeDtypeStruct((NPAD, 1), f32),
    )(a, g, P, lang_emb, W_v1, b_v1, ln_g, ln_b, W_v2, b_v2)

    return scores[:N, 0]

# --- scband reference (transcript-rebuilt; emitter-appended) ---
"""Pipeline reference for scband-relation-module-86208583565829 (READ-ONLY COPY).

The authoritative reference and input builder live on the scoring server;
editing this copy changes nothing except your own understanding.
"""

import jax, jax.numpy as jnp
import numpy as np

N = 10000
B = 32
K = 16
DF = 153
DL = 256
H = 128

def setup_inputs(seed: int = 0):
    key = jax.random.key(seed)
    ks = jax.random.split(key, 20)
    s = 0.05
    inp = {}
    inp['feats153'] = jax.random.normal(ks[0], (N, DF), jnp.float32)
    inp['support_xyz'] = jax.random.uniform(ks[1], (N, 3), dtype=jnp.float32)
    inp['batch_index'] = jnp.sort(jax.random.randint(ks[2], (N,), 0, B))
    inp['filtered_index'] = jax.random.randint(ks[3], (2000,), 0, N)
    inp['lang_rel_feats'] = jax.random.normal(ks[4], (B, DL), jnp.float32)
    inp['W_l1'] = jax.random.normal(ks[5], (DL, H), jnp.float32) * s
    inp['b_l1'] = jnp.zeros((H,), jnp.float32)
    inp['bn_g'] = jnp.ones((H,), jnp.float32)
    inp['bn_b'] = jnp.zeros((H,), jnp.float32)
    inp['W_l2'] = jax.random.normal(ks[6], (H, H), jnp.float32) * s
    inp['b_l2'] = jnp.zeros((H,), jnp.float32)
    inp['W_e'] = jax.random.normal(ks[7], (2 * DF, H), jnp.float32) * s
    inp['b_e'] = jnp.zeros((H,), jnp.float32)
    inp['W_v1'] = jax.random.normal(ks[8], (H, H), jnp.float32) * s
    inp['b_v1'] = jnp.zeros((H,), jnp.float32)
    inp['ln_g'] = jnp.ones((H,), jnp.float32)
    inp['ln_b'] = jnp.zeros((H,), jnp.float32)
    inp['W_v2'] = jax.random.normal(ks[9], (H, H), jnp.float32) * s
    inp['b_v2'] = jnp.zeros((H,), jnp.float32)
    return inp

def _knn_idx(xyz, batch_index):
    sq = jnp.sum(xyz * xyz, axis=1)
    d2 = sq[:, None] + sq[None, :] - 2.0 * (xyz @ xyz.T)
    big = jnp.float32(1e9)
    mask = (batch_index[:, None] != batch_index[None, :]).astype(jnp.float32)
    d2 = d2 + mask * big + jnp.eye(N, dtype=jnp.float32) * big
    _, idx = jax.lax.top_k(-d2, K)
    return idx

def reference(feats153, support_xyz, batch_index, filtered_index, lang_rel_feats, W_l1, b_l1, bn_g, bn_b, W_l2, b_l2, W_e, b_e, W_v1, b_v1, ln_g, ln_b, W_v2, b_v2):
    # lang_emb_fc: Linear -> BatchNorm1d (batch stats) -> ReLU -> Dropout(identity eval) -> Linear
    h = lang_rel_feats @ W_l1 + b_l1
    mu = jnp.mean(h, axis=0)
    var = jnp.var(h, axis=0)
    h = (h - mu) / jnp.sqrt(var + 1e-5) * bn_g + bn_b
    h = jax.nn.relu(h)
    lang_emb = h @ W_l2 + b_l2
    # repeat lang feat per candidate object (gather by scene index)
    lang_flat = jnp.take(lang_emb, batch_index, axis=0)
    # DynamicEdgeConv153: kNN graph on obb centers within each scene, EdgeConv + max aggregation
    idx = _knn_idx(support_xyz, batch_index)
    xj = jnp.take(feats153, idx, axis=0)
    xi = jnp.broadcast_to(feats153[:, None, :], xj.shape)
    e = jnp.concatenate([xi, xj - xi], axis=-1)
    m = jax.nn.relu(e @ W_e + b_e)
    node = jnp.max(m, axis=1)
    # vis_emb_fc: Linear -> LayerNorm -> ReLU -> Dropout(identity) -> Linear
    v = node @ W_v1 + b_v1
    mu2 = jnp.mean(v, axis=-1, keepdims=True)
    var2 = jnp.var(v, axis=-1, keepdims=True)
    v = (v - mu2) / jnp.sqrt(var2 + 1e-5) * ln_g + ln_b
    v = jax.nn.relu(v)
    v = v @ W_v2 + b_v2
    # cosine similarity per object
    num = jnp.sum(v * lang_flat, axis=1)
    den = jnp.linalg.norm(v, axis=1) * jnp.linalg.norm(lang_flat, axis=1) + 1e-8
    scores = num / den
    return scores

if __name__ == "__main__":
    import jax
    _d = setup_inputs()
    print(jax.jit(kernel)(*tuple(_d.values())))

</pallas_src>

<mosaic_0001>
#map = affine_map<(d0, d1) -> (0)>
#map1 = affine_map<(d0, d1) -> (0, 0)>
module attributes {stable_mosaic.version = 14 : i64} {
  func.func @kfn(%arg0: i32, %arg1: i32, %arg2: memref<163840xi32, #tpu.memory_space<hbm>>, %arg3: memref<10240x128xf32, #tpu.memory_space<hbm>>, %arg4: memref<10240x128xf32, #tpu.memory_space<hbm>>, %arg5: memref<128xi32, #tpu.memory_space<vmem>>, %arg6: memref<128xi32, #tpu.memory_space<vmem>>, %arg7: memref<128xi32, #tpu.memory_space<vmem>>, %arg8: memref<128xi32, #tpu.memory_space<vmem>>, %arg9: memref<128x128xf32, #tpu.memory_space<vmem>>, %arg10: memref<128x128xf32, #tpu.memory_space<vmem>>, %arg11: memref<128x128xf32, #tpu.memory_space<vmem>>, %arg12: memref<128x128xf32, #tpu.memory_space<vmem>>, %arg13: memref<32x128xf32, #tpu.memory_space<vmem>>, %arg14: memref<!tpu.dma_semaphore, #tpu.memory_space<semaphore_mem>>) attributes {dimension_semantics = [#tpu.dimension_semantics<core_parallel>, #tpu.dimension_semantics<subcore_parallel>], iteration_bounds = array<i64: 2, 16>, scalar_prefetch = 0 : i64, scratch_operands = 10 : i64, tpu.core_type = #tpu.core_type<sc_vector_subcore>, window_params = [{transform_indices = #map}, {transform_indices = #map1}, {transform_indices = #map1}]} {
    %mul3A = arith.constant 2 : i32
    %mul3A_0 = arith.muli %arg1, %mul3A : i32
    %add3A = arith.addi %mul3A_0, %arg0 : i32
    %mul3A_1 = arith.constant 320 : i32
    %mul3A_2 = arith.muli %add3A, %mul3A_1 : i32
    %scan3A = arith.constant 0 : i32
    %scan3A_3 = arith.constant 0 : i32
    %scan3A_4 = arith.constant 10 : i32
    %scan3A_5 = arith.addi %scan3A_3, %scan3A_4 : i32
    %scan3A_6 = arith.constant 1 : i32
    scf.for %scan3A_8 = %scan3A_3 to %scan3A_5 step %scan3A_6  : i32 {
      %mul3A_9 = arith.constant 32 : i32
      %mul3A_10 = arith.muli %scan3A_8, %mul3A_9 : i32
      %add3A_11 = arith.addi %mul3A_2, %mul3A_10 : i32
      %add3A_12 = arith.constant 0 : i32
      %add3A_13 = arith.addi %add3A_11, %add3A_12 : i32
      %mul3A_14 = arith.constant 16 : i32
      %mul3A_15 = arith.muli %add3A_13, %mul3A_14 : i32
      "tpu.region"() ({
        %run_scoped3A = tpu.sem_alloc : memref<!tpu.dma_semaphore, #tpu.memory_space<semaphore_mem>>
        %dma_start3A_74 = tpu.memref_slice %arg2[%mul3A_15] : memref<163840xi32, #tpu.memory_space<hbm>> -> memref<128xi32, #tpu.memory_space<hbm>>
        %dma_start3A_75 = tpu.memref_slice %arg2[%mul3A_15] : memref<163840xi32, #tpu.memory_space<hbm>> -> memref<128xi32, #tpu.memory_space<hbm>>
        tpu.enqueue_dma source(%dma_start3A_75 : memref<128xi32, #tpu.memory_space<hbm>>) target(%arg5 : memref<128xi32, #tpu.memory_space<vmem>>) target_semaphore(%run_scoped3A : memref<!tpu.dma_semaphore, #tpu.memory_space<semaphore_mem>>)
        %dma_wait3A_76 = tpu.memref_slice %arg2[%mul3A_15] : memref<163840xi32, #tpu.memory_space<hbm>> -> memref<128xi32, #tpu.memory_space<hbm>>
        %dma_wait3A_77 = tpu.memref_slice %arg2[%mul3A_15] : memref<163840xi32, #tpu.memory_space<hbm>> -> memref<128xi32, #tpu.memory_space<hbm>>
        tpu.wait_dma2 semaphore(%run_scoped3A : memref<!tpu.dma_semaphore, #tpu.memory_space<semaphore_mem>>) src(%dma_wait3A_77 : memref<128xi32, #tpu.memory_space<hbm>>) dst(%arg5 : memref<128xi32, #tpu.memory_space<vmem>>)
        tpu.yield
      }) : () -> ()
      %add3A_16 = arith.constant 8 : i32
      %add3A_17 = arith.addi %add3A_11, %add3A_16 : i32
      %mul3A_18 = arith.constant 16 : i32
      %mul3A_19 = arith.muli %add3A_17, %mul3A_18 : i32
      "tpu.region"() ({
        %run_scoped3A = tpu.sem_alloc : memref<!tpu.dma_semaphore, #tpu.memory_space<semaphore_mem>>
        %dma_start3A_74 = tpu.memref_slice %arg2[%mul3A_19] : memref<163840xi32, #tpu.memory_space<hbm>> -> memref<128xi32, #tpu.memory_space<hbm>>
        %dma_start3A_75 = tpu.memref_slice %arg2[%mul3A_19] : memref<163840xi32, #tpu.memory_space<hbm>> -> memref<128xi32, #tpu.memory_space<hbm>>
        tpu.enqueue_dma source(%dma_start3A_75 : memref<128xi32, #tpu.memory_space<hbm>>) target(%arg6 : memref<128xi32, #tpu.memory_space<vmem>>) target_semaphore(%run_scoped3A : memref<!tpu.dma_semaphore, #tpu.memory_space<semaphore_mem>>)
        %dma_wait3A_76 = tpu.memref_slice %arg2[%mul3A_19] : memref<163840xi32, #tpu.memory_space<hbm>> -> memref<128xi32, #tpu.memory_space<hbm>>
        %dma_wait3A_77 = tpu.memref_slice %arg2[%mul3A_19] : memref<163840xi32, #tpu.memory_space<hbm>> -> memref<128xi32, #tpu.memory_space<hbm>>
        tpu.wait_dma2 semaphore(%run_scoped3A : memref<!tpu.dma_semaphore, #tpu.memory_space<semaphore_mem>>) src(%dma_wait3A_77 : memref<128xi32, #tpu.memory_space<hbm>>) dst(%arg6 : memref<128xi32, #tpu.memory_space<vmem>>)
        tpu.yield
      }) : () -> ()
      %add3A_20 = arith.constant 16 : i32
      %add3A_21 = arith.addi %add3A_11, %add3A_20 : i32
      %mul3A_22 = arith.constant 16 : i32
      %mul3A_23 = arith.muli %add3A_21, %mul3A_22 : i32
      "tpu.region"() ({
        %run_scoped3A = tpu.sem_alloc : memref<!tpu.dma_semaphore, #tpu.memory_space<semaphore_mem>>
        %dma_start3A_74 = tpu.memref_slice %arg2[%mul3A_23] : memref<163840xi32, #tpu.memory_space<hbm>> -> memref<128xi32, #tpu.memory_space<hbm>>
        %dma_start3A_75 = tpu.memref_slice %arg2[%mul3A_23] : memref<163840xi32, #tpu.memory_space<hbm>> -> memref<128xi32, #tpu.memory_space<hbm>>
        tpu.enqueue_dma source(%dma_start3A_75 : memref<128xi32, #tpu.memory_space<hbm>>) target(%arg7 : memref<128xi32, #tpu.memory_space<vmem>>) target_semaphore(%run_scoped3A : memref<!tpu.dma_semaphore, #tpu.memory_space<semaphore_mem>>)
        %dma_wait3A_76 = tpu.memref_slice %arg2[%mul3A_23] : memref<163840xi32, #tpu.memory_space<hbm>> -> memref<128xi32, #tpu.memory_space<hbm>>
        %dma_wait3A_77 = tpu.memref_slice %arg2[%mul3A_23] : memref<163840xi32, #tpu.memory_space<hbm>> -> memref<128xi32, #tpu.memory_space<hbm>>
        tpu.wait_dma2 semaphore(%run_scoped3A : memref<!tpu.dma_semaphore, #tpu.memory_space<semaphore_mem>>) src(%dma_wait3A_77 : memref<128xi32, #tpu.memory_space<hbm>>) dst(%arg7 : memref<128xi32, #tpu.memory_space<vmem>>)
        tpu.yield
      }) : () -> ()
      %add3A_24 = arith.constant 24 : i32
      %add3A_25 = arith.addi %add3A_11, %add3A_24 : i32
      %mul3A_26 = arith.constant 16 : i32
      %mul3A_27 = arith.muli %add3A_25, %mul3A_26 : i32
      "tpu.region"() ({
        %run_scoped3A = tpu.sem_alloc : memref<!tpu.dma_semaphore, #tpu.memory_space<semaphore_mem>>
        %dma_start3A_74 = tpu.memref_slice %arg2[%mul3A_27] : memref<163840xi32, #tpu.memory_space<hbm>> -> memref<128xi32, #tpu.memory_space<hbm>>
        %dma_start3A_75 = tpu.memref_slice %arg2[%mul3A_27] : memref<163840xi32, #tpu.memory_space<hbm>> -> memref<128xi32, #tpu.memory_space<hbm>>
        tpu.enqueue_dma source(%dma_start3A_75 : memref<128xi32, #tpu.memory_space<hbm>>) target(%arg8 : memref<128xi32, #tpu.memory_space<vmem>>) target_semaphore(%run_scoped3A : memref<!tpu.dma_semaphore, #tpu.memory_space<semaphore_mem>>)
        %dma_wait3A_76 = tpu.memref_slice %arg2[%mul3A_27] : memref<163840xi32, #tpu.memory_space<hbm>> -> memref<128xi32, #tpu.memory_space<hbm>>
        %dma_wait3A_77 = tpu.memref_slice %arg2[%mul3A_27] : memref<163840xi32, #tpu.memory_space<hbm>> -> memref<128xi32, #tpu.memory_space<hbm>>
        tpu.wait_dma2 semaphore(%run_scoped3A : memref<!tpu.dma_semaphore, #tpu.memory_space<semaphore_mem>>) src(%dma_wait3A_77 : memref<128xi32, #tpu.memory_space<hbm>>) dst(%arg8 : memref<128xi32, #tpu.memory_space<vmem>>)
        tpu.yield
      }) : () -> ()
      %dma_start3A = arith.constant 0 : i32
      %dma_start3A_28 = arith.constant 0 : i32
      %dma_start3A_29 = tpu.memref_slice %arg3[%dma_start3A, %dma_start3A_28] : memref<10240x128xf32, #tpu.memory_space<hbm>> -> memref<10240x128xf32, #tpu.memory_space<hbm>>
      tpu.enqueue_indirect_dma source(%dma_start3A_29 : memref<10240x128xf32, #tpu.memory_space<hbm>>) target(%arg9 : memref<128x128xf32, #tpu.memory_space<vmem>>) offsets(%arg5 : memref<128xi32, #tpu.memory_space<vmem>>) semaphore(%arg14 : memref<!tpu.dma_semaphore, #tpu.memory_space<semaphore_mem>>)
      %dma_start3A_30 = arith.constant 0 : i32
      %dma_start3A_31 = arith.constant 0 : i32
      %dma_start3A_32 = tpu.memref_slice %arg3[%dma_start3A_30, %dma_start3A_31] : memref<10240x128xf32, #tpu.memory_space<hbm>> -> memref<10240x128xf32, #tpu.memory_space<hbm>>
      tpu.enqueue_indirect_dma source(%dma_start3A_32 : memref<10240x128xf32, #tpu.memory_space<hbm>>) target(%arg10 : memref<128x128xf32, #tpu.memory_space<vmem>>) offsets(%arg6 : memref<128xi32, #tpu.memory_space<vmem>>) semaphore(%arg14 : memref<!tpu.dma_semaphore, #tpu.memory_space<semaphore_mem>>)
      %dma_start3A_33 = arith.constant 0 : i32
      %dma_start3A_34 = arith.constant 0 : i32
      %dma_start3A_35 = tpu.memref_slice %arg3[%dma_start3A_33, %dma_start3A_34] : memref<10240x128xf32, #tpu.memory_space<hbm>> -> memref<10240x128xf32, #tpu.memory_space<hbm>>
      tpu.enqueue_indirect_dma source(%dma_start3A_35 : memref<10240x128xf32, #tpu.memory_space<hbm>>) target(%arg11 : memref<128x128xf32, #tpu.memory_space<vmem>>) offsets(%arg7 : memref<128xi32, #tpu.memory_space<vmem>>) semaphore(%arg14 : memref<!tpu.dma_semaphore, #tpu.memory_space<semaphore_mem>>)
      %dma_start3A_36 = arith.constant 0 : i32
      %dma_start3A_37 = arith.constant 0 : i32
      %dma_start3A_38 = tpu.memref_slice %arg3[%dma_start3A_36, %dma_start3A_37] : memref<10240x128xf32, #tpu.memory_space<hbm>> -> memref<10240x128xf32, #tpu.memory_space<hbm>>
      tpu.enqueue_indirect_dma source(%dma_start3A_38 : memref<10240x128xf32, #tpu.memory_space<hbm>>) target(%arg12 : memref<128x128xf32, #tpu.memory_space<vmem>>) offsets(%arg8 : memref<128xi32, #tpu.memory_space<vmem>>) semaphore(%arg14 : memref<!tpu.dma_semaphore, #tpu.memory_space<semaphore_mem>>)
      %dma_wait3A = arith.constant 0 : i32
      %dma_wait3A_39 = arith.constant 0 : i32
      %dma_wait3A_40 = tpu.memref_slice %arg3[%dma_wait3A, %dma_wait3A_39] : memref<10240x128xf32, #tpu.memory_space<hbm>> -> memref<10240x128xf32, #tpu.memory_space<hbm>>
      tpu.wait_indirect_dma semaphore(%arg14 : memref<!tpu.dma_semaphore, #tpu.memory_space<semaphore_mem>>) src(%dma_wait3A_40 : memref<10240x128xf32, #tpu.memory_space<hbm>>) dst(%arg9 : memref<128x128xf32, #tpu.memory_space<vmem>>)
      %dma_wait3A_41 = arith.constant 0 : i32
      %dma_wait3A_42 = arith.constant 0 : i32
      %dma_wait3A_43 = tpu.memref_slice %arg3[%dma_wait3A_41, %dma_wait3A_42] : memref<10240x128xf32, #tpu.memory_space<hbm>> -> memref<10240x128xf32, #tpu.memory_space<hbm>>
      tpu.wait_indirect_dma semaphore(%arg14 : memref<!tpu.dma_semaphore, #tpu.memory_space<semaphore_mem>>) src(%dma_wait3A_43 : memref<10240x128xf32, #tpu.memory_space<hbm>>) dst(%arg10 : memref<128x128xf32, #tpu.memory_space<vmem>>)
      %dma_wait3A_44 = arith.constant 0 : i32
      %dma_wait3A_45 = arith.constant 0 : i32
      %dma_wait3A_46 = tpu.memref_slice %arg3[%dma_wait3A_44, %dma_wait3A_45] : memref<10240x128xf32, #tpu.memory_space<hbm>> -> memref<10240x128xf32, #tpu.memory_space<hbm>>
      tpu.wait_indirect_dma semaphore(%arg14 : memref<!tpu.dma_semaphore, #tpu.memory_space<semaphore_mem>>) src(%dma_wait3A_46 : memref<10240x128xf32, #tpu.memory_space<hbm>>) dst(%arg11 : memref<128x128xf32, #tpu.memory_space<vmem>>)
      %dma_wait3A_47 = arith.constant 0 : i32
      %dma_wait3A_48 = arith.constant 0 : i32
      %dma_wait3A_49 = tpu.memref_slice %arg3[%dma_wait3A_47, %dma_wait3A_48] : memref<10240x128xf32, #tpu.memory_space<hbm>> -> memref<10240x128xf32, #tpu.memory_space<hbm>>
      tpu.wait_indirect_dma semaphore(%arg14 : memref<!tpu.dma_semaphore, #tpu.memory_space<semaphore_mem>>) src(%dma_wait3A_49 : memref<10240x128xf32, #tpu.memory_space<hbm>>) dst(%arg12 : memref<128x128xf32, #tpu.memory_space<vmem>>)
      %scan3A_50 = arith.constant 0 : i32
      %scan3A_51 = arith.constant 0 : i32
      %scan3A_52 = arith.constant 8 : i32
      %scan3A_53 = arith.addi %scan3A_51, %scan3A_52 : i32
      %scan3A_54 = arith.constant 1 : i32
      scf.for %scan3A_74 = %scan3A_51 to %scan3A_53 step %scan3A_54  : i32 {
        %mul3A_75 = arith.constant 16 : i32
        %mul3A_76 = arith.muli %scan3A_74, %mul3A_75 : i32
        %get3A = arith.index_cast %mul3A_76 : i32 to index
        %get3A_77 = arith.constant 0 : index
        %get3A_78 = tpu.vector_load %arg9[%get3A, %get3A_77] {strides = array<i32>} : memref<128x128xf32, #tpu.memory_space<vmem>>, vector<1x16xf32>,
        %get3A_79 = vector.shape_cast %get3A_78 : vector<1x16xf32> to vector<16xf32>
        %add3A_80 = arith.constant 1 : i32
        %add3A_81 = arith.addi %mul3A_76, %add3A_80 : i32
        %get3A_82 = arith.index_cast %add3A_81 : i32 to index
        %get3A_83 = arith.constant 0 : index
        %get3A_84 = tpu.vector_load %arg9[%get3A_82, %get3A_83] {strides = array<i32>} : memref<128x128xf32, #tpu.memory_space<vmem>>, vector<1x16xf32>,
        %get3A_85 = vector.shape_cast %get3A_84 : vector<1x16xf32> to vector<16xf32>
        %max3A = arith.maximumf %get3A_79, %get3A_85 : vector<16xf32>
        %add3A_86 = arith.constant 2 : i32
        %add3A_87 = arith.addi %mul3A_76, %add3A_86 : i32
        %get3A_88 = arith.index_cast %add3A_87 : i32 to index
        %get3A_89 = arith.constant 0 : index
        %get3A_90 = tpu.vector_load %arg9[%get3A_88, %get3A_89] {strides = array<i32>} : memref<128x128xf32, #tpu.memory_space<vmem>>, vector<1x16xf32>,
        %get3A_91 = vector.shape_cast %get3A_90 : vector<1x16xf32> to vector<16xf32>
        %max3A_92 = arith.maximumf %max3A, %get3A_91 : vector<16xf32>
        %add3A_93 = arith.constant 3 : i32
        %add3A_94 = arith.addi %mul3A_76, %add3A_93 : i32
        %get3A_95 = arith.index_cast %add3A_94 : i32 to index
        %get3A_96 = arith.constant 0 : index
        %get3A_97 = tpu.vector_load %arg9[%get3A_95, %get3A_96] {strides = array<i32>} : memref<128x128xf32, #tpu.memory_space<vmem>>, vector<1x16xf32>,
        %get3A_98 = vector.shape_cast %get3A_97 : vector<1x16xf32> to vector<16xf32>
        %max3A_99 = arith.maximumf %max3A_92, %get3A_98 : vector<16xf32>
        %add3A_100 = arith.constant 4 : i32
        %add3A_101 = arith.addi %mul3A_76, %add3A_100 : i32
        %get3A_102 = arith.index_cast %add3A_101 : i32 to index
        %get3A_103 = arith.constant 0 : index
        %get3A_104 = tpu.vector_load %arg9[%get3A_102, %get3A_103] {strides = array<i32>} : memref<128x128xf32, #tpu.memory_space<vmem>>, vector<1x16xf32>,
        %get3A_105 = vector.shape_cast %get3A_104 : vector<1x16xf32> to vector<16xf32>
        %max3A_106 = arith.maximumf %max3A_99, %get3A_105 : vector<16xf32>
        %add3A_107 = arith.constant 5 : i32
        %add3A_108 = arith.addi %mul3A_76, %add3A_107 : i32
        %get3A_109 = arith.index_cast %add3A_108 : i32 to index
        %get3A_110 = arith.constant 0 : index
        %get3A_111 = tpu.vector_load %arg9[%get3A_109, %get3A_110] {strides = array<i32>} : memref<128x128xf32, #tpu.memory_space<vmem>>, vector<1x16xf32>,
        %get3A_112 = vector.shape_cast %get3A_111 : vector<1x16xf32> to vector<16xf32>
        %max3A_113 = arith.maximumf %max3A_106, %get3A_112 : vector<16xf32>
        %add3A_114 = arith.constant 6 : i32
        %add3A_115 = arith.addi %mul3A_76, %add3A_114 : i32
        %get3A_116 = arith.index_cast %add3A_115 : i32 to index
        %get3A_117 = arith.constant 0 : index
        %get3A_118 = tpu.vector_load %arg9[%get3A_116, %get3A_117] {strides = array<i32>} : memref<128x128xf32, #tpu.memory_space<vmem>>, vector<1x16xf32>,
        %get3A_119 = vector.shape_cast %get3A_118 : vector<1x16xf32> to vector<16xf32>
        %max3A_120 = arith.maximumf %max3A_113, %get3A_119 : vector<16xf32>
        %add3A_121 = arith.constant 7 : i32
        %add3A_122 = arith.addi %mul3A_76, %add3A_121 : i32
        %get3A_123 = arith.index_cast %add3A_122 : i32 to index
        %get3A_124 = arith.constant 0 : index
        %get3A_125 = tpu.vector_load %arg9[%get3A_123, %get3A_124] {strides = array<i32>} : memref<128x128xf32, #tpu.memory_space<vmem>>, vector<1x16xf32>,
        %get3A_126 = vector.shape_cast %get3A_125 : vector<1x16xf32> to vector<16xf32>
        %max3A_127 = arith.maximumf %max3A_120, %get3A_126 : vector<16xf32>
        %add3A_128 = arith.constant 8 : i32
        %add3A_129 = arith.addi %mul3A_76, %add3A_128 : i32
        %get3A_130 = arith.index_cast %add3A_129 : i32 to index
        %get3A_131 = arith.constant 0 : index
        %get3A_132 = tpu.vector_load %arg9[%get3A_130, %get3A_131] {strides = array<i32>} : memref<128x128xf32, #tpu.memory_space<vmem>>, vector<1x16xf32>,
        %get3A_133 = vector.shape_cast %get3A_132 : vector<1x16xf32> to vector<16xf32>
        %max3A_134 = arith.maximumf %max3A_127, %get3A_133 : vector<16xf32>
        %add3A_135 = arith.constant 9 : i32
        %add3A_136 = arith.addi %mul3A_76, %add3A_135 : i32
        %get3A_137 = arith.index_cast %add3A_136 : i32 to index
        %get3A_138 = arith.constant 0 : index
        %get3A_139 = tpu.vector_load %arg9[%get3A_137, %get3A_138] {strides = array<i32>} : memref<128x128xf32, #tpu.memory_space<vmem>>, vector<1x16xf32>,
        %get3A_140 = vector.shape_cast %get3A_139 : vector<1x16xf32> to vector<16xf32>
        %max3A_141 = arith.maximumf %max3A_134, %get3A_140 : vector<16xf32>
        %add3A_142 = arith.constant 10 : i32
        %add3A_143 = arith.addi %mul3A_76, %add3A_142 : i32
        %get3A_144 = arith.index_cast %add3A_143 : i32 to index
        %get3A_145 = arith.constant 0 : index
        %get3A_146 = tpu.vector_load %arg9[%get3A_144, %get3A_145] {strides = array<i32>} : memref<128x128xf32, #tpu.memory_space<vmem>>, vector<1x16xf32>,
        %get3A_147 = vector.shape_cast %get3A_146 : vector<1x16xf32> to vector<16xf32>
        %max3A_148 = arith.maximumf %max3A_141, %get3A_147 : vector<16xf32>
        %add3A_149 = arith.constant 11 : i32
        %add3A_150 = arith.addi %mul3A_76, %add3A_149 : i32
        %get3A_151 = arith.index_cast %add3A_150 : i32 to index
        %get3A_152 = arith.constant 0 : index
        %get3A_153 = tpu.vector_load %arg9[%get3A_151, %get3A_152] {strides = array<i32>} : memref<128x128xf32, #tpu.memory_space<vmem>>, vector<1x16xf32>,
        %get3A_154 = vector.shape_cast %get3A_153 : vector<1x16xf32> to vector<16xf32>
        %max3A_155 = arith.maximumf %max3A_148, %get3A_154 : vector<16xf32>
        %add3A_156 = arith.constant 12 : i32
        %add3A_157 = arith.addi %mul3A_76, %add3A_156 : i32
        %get3A_158 = arith.index_cast %add3A_157 : i32 to index
        %get3A_159 = arith.constant 0 : index
        %get3A_160 = tpu.vector_load %arg9[%get3A_158, %get3A_159] {strides = array<i32>} : memref<128x128xf32, #tpu.memory_space<vmem>>, vector<1x16xf32>,
        %get3A_161 = vector.shape_cast %get3A_160 : vector<1x16xf32> to vector<16xf32>
        %max3A_162 = arith.maximumf %max3A_155, %get3A_161 : vector<16xf32>
        %add3A_163 = arith.constant 13 : i32
        %add3A_164 = arith.addi %mul3A_76, %add3A_163 : i32
        %get3A_165 = arith.index_cast %add3A_164 : i32 to index
        %get3A_166 = arith.constant 0 : index
        %get3A_167 = tpu.vector_load %arg9[%get3A_165, %get3A_166] {strides = array<i32>} : memref<128x128xf32, #tpu.memory_space<vmem>>, vector<1x16xf32>,
        %get3A_168 = vector.shape_cast %get3A_167 : vector<1x16xf32> to vector<16xf32>
        %max3A_169 = arith.maximumf %max3A_162, %get3A_168 : vector<16xf32>
        %add3A_170 = arith.constant 14 : i32
        %add3A_171 = arith.addi %mul3A_76, %add3A_170 : i32
        %get3A_172 = arith.index_cast %add3A_171 : i32 to index
        %get3A_173 = arith.constant 0 : index
        %get3A_174 = tpu.vector_load %arg9[%get3A_172, %get3A_173] {strides = array<i32>} : memref<128x128xf32, #tpu.memory_space<vmem>>, vector<1x16xf32>,
        %get3A_175 = vector.shape_cast %get3A_174 : vector<1x16xf32> to vector<16xf32>
        %max3A_176 = arith.maximumf %max3A_169, %get3A_175 : vector<16xf32>
        %add3A_177 = arith.constant 15 : i32
        %add3A_178 = arith.addi %mul3A_76, %add3A_177 : i32
        %get3A_179 = arith.index_cast %add3A_178 : i32 to index
        %get3A_180 = arith.constant 0 : index
        %get3A_181 = tpu.vector_load %arg9[%get3A_179, %get3A_180] {strides = array<i32>} : memref<128x128xf32, #tpu.memory_space<vmem>>, vector<1x16xf32>,
        %get3A_182 = vector.shape_cast %get3A_181 : vector<1x16xf32> to vector<16xf32>
        %max3A_183 = arith.maximumf %max3A_176, %get3A_182 : vector<16xf32>
        %add3A_184 = arith.constant 0 : i32
        %add3A_185 = arith.addi %add3A_184, %scan3A_74 : i32
        %swap3A = arith.index_cast %add3A_185 : i32 to index
        %swap3A_186 = arith.constant 0 : index
        %swap3A_187 = tpu.vector_load %arg13[%swap3A, %swap3A_186] {strides = array<i32>} : memref<32x128xf32, #tpu.memory_space<vmem>>, vector<1x16xf32>,
        %swap3A_188 = vector.shape_cast %swap3A_187 : vector<1x16xf32> to vector<16xf32>
        %swap3A_189 = vector.shape_cast %max3A_183 : vector<16xf32> to vector<1x16xf32>
        tpu.vector_store %arg13[%swap3A, %swap3A_186], %swap3A_189 {strides = array<i32>} : memref<32x128xf32, #tpu.memory_space<vmem>>, vector<1x16xf32>,
        %get3A_190 = arith.index_cast %mul3A_76 : i32 to index
        %get3A_191 = arith.constant 16 : index
        %get3A_192 = tpu.vector_load %arg9[%get3A_190, %get3A_191] {strides = array<i32>} : memref<128x128xf32, #tpu.memory_space<vmem>>, vector<1x16xf32>,
        %get3A_193 = vector.shape_cast %get3A_192 : vector<1x16xf32> to vector<16xf32>
        %add3A_194 = arith.constant 1 : i32
        %add3A_195 = arith.addi %mul3A_76, %add3A_194 : i32
        %get3A_196 = arith.index_cast %add3A_195 : i32 to index
        %get3A_197 = arith.constant 16 : index
        %get3A_198 = tpu.vector_load %arg9[%get3A_196, %get3A_197] {strides = array<i32>} : memref<128x128xf32, #tpu.memory_space<vmem>>, vector<1x16xf32>,
        %get3A_199 = vector.shape_cast %get3A_198 : vector<1x16xf32> to vector<16xf32>
        %max3A_200 = arith.maximumf %get3A_193, %get3A_199 : vector<16xf32>
        %add3A_201 = arith.constant 2 : i32
        %add3A_202 = arith.addi %mul3A_76, %add3A_201 : i32
        %get3A_203 = arith.index_cast %add3A_202 : i32 to index
        %get3A_204 = arith.constant 16 : index
        %get3A_205 = tpu.vector_load %arg9[%get3A_203, %get3A_204] {strides = array<i32>} : memref<128x128xf32, #tpu.memory_space<vmem>>, vector<1x16xf32>,
        %get3A_206 = vector.shape_cast %get3A_205 : vector<1x16xf32> to vector<16xf32>
        %max3A_207 = arith.maximumf %max3A_200, %get3A_206 : vector<16xf32>
        %add3A_208 = arith.constant 3 : i32
        %add3A_209 = arith.addi %mul3A_76, %add3A_208 : i32
        %get3A_210 = arith.index_cast %add3A_209 : i32 to index
        %get3A_211 = arith.constant 16 : index
        %get3A_212 = tpu.vector_load %arg9[%get3A_210, %get3A_211] {strides = array<i32>} : memref<128x128xf32, #tpu.memory_space<vmem>>, vector<1x16xf32>,
        %get3A_213 = vector.shape_cast %get3A_212 : vector<1x16xf32> to vector<16xf32>
        %max3A_214 = arith.maximumf %max3A_207, %get3A_213 : vector<16xf32>
        %add3A_215 = arith.constant 4 : i32
        %add3A_216 = arith.addi %mul3A_76, %add3A_215 : i32
        %get3A_217 = arith.index_cast %add3A_216 : i32 to index
        %get3A_218 = arith.constant 16 : index
        %get3A_219 = tpu.vector_load %arg9[%get3A_217, %get3A_218] {strides = array<i32>} : memref<128x128xf32, #tpu.memory_space<vmem>>, vector<1x16xf32>,
        %get3A_220 = vector.shape_cast %get3A_219 : vector<1x16xf32> to vector<16xf32>
        %max3A_221 = arith.maximumf %max3A_214, %get3A_220 : vector<16xf32>
        %add3A_222 = arith.constant 5 : i32
        %add3A_223 = arith.addi %mul3A_76, %add3A_222 : i32
        %get3A_224 = arith.index_cast %add3A_223 : i32 to index
        %get3A_225 = arith.constant 16 : index
        %get3A_226 = tpu.vector_load %arg9[%get3A_224, %get3A_225] {strides = array<i32>} : memref<128x128xf32, #tpu.memory_space<vmem>>, vector<1x16xf32>,
        %get3A_227 = vector.shape_cast %get3A_226 : vector<1x16xf32> to vector<16xf32>
        %max3A_228 = arith.maximumf %max3A_221, %get3A_227 : vector<16xf32>
        %add3A_229 = arith.constant 6 : i32
        %add3A_230 = arith.addi %mul3A_76, %add3A_229 : i32
        %get3A_231 = arith.index_cast %add3A_230 : i32 to index
        %get3A_232 = arith.constant 16 : index
        %get3A_233 = tpu.vector_load %arg9[%get3A_231, %get3A_232] {strides = array<i32>} : memref<128x128xf32, #tpu.memory_space<vmem>>, vector<1x16xf32>,
        %get3A_234 = vector.shape_cast %get3A_233 : vector<1x16xf32> to vector<16xf32>
        %max3A_235 = arith.maximumf %max3A_228, %get3A_234 : vector<16xf32>
        %add3A_236 = arith.constant 7 : i32
        %add3A_237 = arith.addi %mul3A_76, %add3A_236 : i32
        %get3A_238 = arith.index_cast %add3A_237 : i32 to index
        %get3A_239 = arith.constant 16 : index
        %get3A_240 = tpu.vector_load %arg9[%get3A_238, %get3A_239] {strides = array<i32>} : memref<128x128xf32, #tpu.memory_space<vmem>>, vector<1x16xf32>,
        %get3A_241 = vector.shape_cast %get3A_240 : vector<1x16xf32> to vector<16xf32>
        %max3A_242 = arith.maximumf %max3A_235, %get3A_241 : vector<16xf32>
        %add3A_243 = arith.constant 8 : i32
        %add3A_244 = arith.addi %mul3A_76, %add3A_243 : i32
        %get3A_245 = arith.index_cast %add3A_244 : i32 to index
        %get3A_246 = arith.constant 16 : index
        %get3A_247 = tpu.vector_load %arg9[%get3A_245, %get3A_246] {strides = array<i32>} : memref<128x128xf32, #tpu.memory_space<vmem>>, vector<1x16xf32>,
        %get3A_248 = vector.shape_cast %get3A_247 : vector<1x16xf32> to vector<16xf32>
        %max3A_249 = arith.maximumf %max3A_242, %get3A_248 : vector<16xf32>
        %add3A_250 = arith.constant 9 : i32
        %add3A_251 = arith.addi %mul3A_76, %add3A_250 : i32
        %get3A_252 = arith.index_cast %add3A_251 : i32 to index
        %get3A_253 = arith.constant 16 : index
        %get3A_254 = tpu.vector_load %arg9[%get3A_252, %get3A_253] {strides = array<i32>} : memref<128x128xf32, #tpu.memory_space<vmem>>, vector<1x16xf32>,
        %get3A_255 = vector.shape_cast %get3A_254 : vector<1x16xf32> to vector<16xf32>
        %max3A_256 = arith.maximumf %max3A_249, %get3A_255 : vector<16xf32>
        %add3A_257 = arith.constant 10 : i32
        %add3A_258 = arith.addi %mul3A_76, %add3A_257 : i32
        %get3A_259 = arith.index_cast %add3A_258 : i32 to index
        %get3A_260 = arith.constant 16 : index
        %get3A_261 = tpu.vector_load %arg9[%get3A_259, %get3A_260] {strides = array<i32>} : memref<128x128xf32, #tpu.memory_space<vmem>>, vector<1x16xf32>,
        %get3A_262 = vector.shape_cast %get3A_261 : vector<1x16xf32> to vector<16xf32>
        %max3A_263 = arith.maximumf %max3A_256, %get3A_262 : vector<16xf32>
        %add3A_264 = arith.constant 11 : i32
        %add3A_265 = arith.addi %mul3A_76, %add3A_264 : i32
        %get3A_266 = arith.index_cast %add3A_265 : i32 to index
        %get3A_267 = arith.constant 16 : index
        %get3A_268 = tpu.vector_load %arg9[%get3A_266, %get3A_267] {strides = array<i32>} : memref<128x128xf32, #tpu.memory_space<vmem>>, vector<1x16xf32>,
        %get3A_269 = vector.shape_cast %get3A_268 : vector<1x16xf32> to vector<16xf32>
        %max3A_270 = arith.maximumf %max3A_263, %get3A_269 : vector<16xf32>
        %add3A_271 = arith.constant 12 : i32
        %add3A_272 = arith.addi %mul3A_76, %add3A_271 : i32
        %get3A_273 = arith.index_cast %add3A_272 : i32 to index
        %get3A_274 = arith.constant 16 : index
        %get3A_275 = tpu.vector_load %arg9[%get3A_273, %get3A_274] {strides = array<i32>} : memref<128x128xf32, #tpu.memory_space<vmem>>, vector<1x16xf32>,
        %get3A_276 = vector.shape_cast %get3A_275 : vector<1x16xf32> to vector<16xf32>
        %max3A_277 = arith.maximumf %max3A_270, %get3A_276 : vector<16xf32>
        %add3A_278 = arith.constant 13 : i32
        %add3A_279 = arith.addi %mul3A_76, %add3A_278 : i32
        %get3A_280 = arith.index_cast %add3A_279 : i32 to index
        %get3A_281 = arith.constant 16 : index
        %get3A_282 = tpu.vector_load %arg9[%get3A_280, %get3A_281] {strides = array<i32>} : memref<128x128xf32, #tpu.memory_space<vmem>>, vector<1x16xf32>,
        %get3A_283 = vector.shape_cast %get3A_282 : vector<1x16xf32> to vector<16xf32>
        %max3A_284 = arith.maximumf %max3A_277, %get3A_283 : vector<16xf32>
        %add3A_285 = arith.constant 14 : i32
        %add3A_286 = arith.addi %mul3A_76, %add3A_285 : i32
        %get3A_287 = arith.index_cast %add3A_286 : i32 to index
        %get3A_288 = arith.constant 16 : index
        %get3A_289 = tpu.vector_load %arg9[%get3A_287, %get3A_288] {strides = array<i32>} : memref<128x128xf32, #tpu.memory_space<vmem>>, vector<1x16xf32>,
        %get3A_290 = vector.shape_cast %get3A_289 : vector<1x16xf32> to vector<16xf32>
        %max3A_291 = arith.maximumf %max3A_284, %get3A_290 : vector<16xf32>
        %add3A_292 = arith.constant 15 : i32
        %add3A_293 = arith.addi %mul3A_76, %add3A_292 : i32
        %get3A_294 = arith.index_cast %add3A_293 : i32 to index
        %get3A_295 = arith.constant 16 : index
        %get3A_296 = tpu.vector_load %arg9[%get3A_294, %get3A_295] {strides = array<i32>} : memref<128x128xf32, #tpu.memory_space<vmem>>, vector<1x16xf32>,
        %get3A_297 = vector.shape_cast %get3A_296 : vector<1x16xf32> to vector<16xf32>
        %max3A_298 = arith.maximumf %max3A_291, %get3A_297 : vector<16xf32>
        %add3A_299 = arith.constant 0 : i32
        %add3A_300 = arith.addi %add3A_299, %scan3A_74 : i32
        %swap3A_301 = arith.index_cast %add3A_300 : i32 to index
        %swap3A_302 = arith.constant 16 : index
        %swap3A_303 = tpu.vector_load %arg13[%swap3A_301, %swap3A_302] {strides = array<i32>} : memref<32x128xf32, #tpu.memory_space<vmem>>, vector<1x16xf32>,
        %swap3A_304 = vector.shape_cast %swap3A_303 : vector<1x16xf32> to vector<16xf32>
        %swap3A_305 = vector.shape_cast %max3A_298 : vector<16xf32> to vector<1x16xf32>
        tpu.vector_store %arg13[%swap3A_301, %swap3A_302], %swap3A_305 {strides = array<i32>} : memref<32x128xf32, #tpu.memory_space<vmem>>, vector<1x16xf32>,
        %get3A_306 = arith.index_cast %mul3A_76 : i32 to index
        %get3A_307 = arith.constant 32 : index
        %get3A_308 = tpu.vector_load %arg9[%get3A_306, %get3A_307] {strides = array<i32>} : memref<128x128xf32, #tpu.memory_space<vmem>>, vector<1x16xf32>,
        %get3A_309 = vector.shape_cast %get3A_308 : vector<1x16xf32> to vector<16xf32>
        %add3A_310 = arith.constant 1 : i32
        %add3A_311 = arith.addi %mul3A_76, %add3A_310 : i32
        %get3A_312 = arith.index_cast %add3A_311 : i32 to index
        %get3A_313 = arith.constant 32 : index
        %get3A_314 = tpu.vector_load %arg9[%get3A_312, %get3A_313] {strides = array<i32>} : memref<128x128xf32, #tpu.memory_space<vmem>>, vector<1x16xf32>,
        %get3A_315 = vector.shape_cast %get3A_314 : vector<1x16xf32> to vector<16xf32>
        %max3A_316 = arith.maximumf %get3A_309, %get3A_315 : vector<16xf32>
        %add3A_317 = arith.constant 2 : i32
        %add3A_318 = arith.addi %mul3A_76, %add3A_317 : i32
        %get3A_319 = arith.index_cast %add3A_318 : i32 to index
        %get3A_320 = arith.constant 32 : index
        %get3A_321 = tpu.vector_load %arg9[%get3A_319, %get3A_320] {strides = array<i32>} : memref<128x128xf32, #tpu.memory_space<vmem>>, vector<1x16xf32>,
        %get3A_322 = vector.shape_cast %get3A_321 : vector<1x16xf32> to vector<16xf32>
        %max3A_323 = arith.maximumf %max3A_316, %get3A_322 : vector<16xf32>
        %add3A_324 = arith.constant 3 : i32
        %add3A_325 = arith.addi %mul3A_76, %add3A_324 : i32
        %get3A_326 = arith.index_cast %add3A_325 : i32 to index
        %get3A_327 = arith.constant 32 : index
        %get3A_328 = tpu.vector_load %arg9[%get3A_326, %get3A_327] {strides = array<i32>} : memref<128x128xf32, #tpu.memory_space<vmem>>, vector<1x16xf32>,
        %get3A_329 = vector.shape_cast %get3A_328 : vector<1x16xf32> to vector<16xf32>
        %max3A_330 = arith.maximumf %max3A_323, %get3A_329 : vector<16xf32>
        %add3A_331 = arith.constant 4 : i32
        %add3A_332 = arith.addi %mul3A_76, %add3A_331 : i32
        %get3A_333 = arith.index_cast %add3A_332 : i32 to index
        %get3A_334 = arith.constant 32 : index
        %get3A_335 = tpu.vector_load %arg9[%get3A_333, %get3A_334] {strides = array<i32>} : memref<128x128xf32, #tpu.memory_space<vmem>>, vector<1x16xf32>,
        %get3A_336 = vector.shape_cast %get3A_335 : vector<1x16xf32> to vector<16xf32>
        %max3A_337 = arith.maximumf %max3A_330, %get3A_336 : vector<16xf32>
        %add3A_338 = arith.constant 5 : i32
        %add3A_339 = arith.addi %mul3A_76, %add3A_338 : i32
        %get3A_340 = arith.index_cast %add3A_339 : i32 to index
        %get3A_341 = arith.constant 32 : index
        %get3A_342 = tpu.vector_load %arg9[%get3A_340, %get3A_341] {strides = array<i32>} : memref<128x128xf32, #tpu.memory_space<vmem>>, vector<1x16xf32>,
        %get3A_343 = vector.shape_cast %get3A_342 : vector<1x16xf32> to vector<16xf32>
        %max3A_344 = arith.maximumf %max3A_337, %get3A_343 : vector<16xf32>
        %add3A_345 = arith.constant 6 : i32
        %add3A_346 = arith.addi %mul3A_76, %add3A_345 : i32
        %get3A_347 = arith.index_cast %add3A_346 : i32 to index
        %get3A_348 = arith.constant 32 : index
        %get3A_349 = tpu.vector_load %arg9[%get3A_347, %get3A_348] {strides = array<i32>} : memref<128x128xf32, #tpu.memory_space<vmem>>, vector<1x16xf32>,
        %get3A_350 = vector.shape_cast %get3A_349 : vector<1x16xf32> to vector<16xf32>
        %max3A_351 = arith.maximumf %max3A_344, %get3A_350 : vector<16xf32>
        %add3A_352 = arith.constant 7 : i32
        %add3A_353 = arith.addi %mul3A_76, %add3A_352 : i32
        %get3A_354 = arith.index_cast %add3A_353 : i32 to index
        %get3A_355 = arith.constant 32 : index
        %get3A_356 = tpu.vector_load %arg9[%get3A_354, %get3A_355] {strides = array<i32>} : memref<128x128xf32, #tpu.memory_space<vmem>>, vector<1x16xf32>,
        %get3A_357 = vector.shape_cast %get3A_356 : vector<1x16xf32> to vector<16xf32>
        %max3A_358 = arith.maximumf %max3A_351, %get3A_357 : vector<16xf32>
        %add3A_359 = arith.constant 8 : i32
        %add3A_360 = arith.addi %mul3A_76, %add3A_359 : i32
        %get3A_361 = arith.index_cast %add3A_360 : i32 to index
        %get3A_362 = arith.constant 32 : index
        %get3A_363 = tpu.vector_load %arg9[%get3A_361, %get3A_362] {strides = array<i32>} : memref<128x128xf32, #tpu.memory_space<vmem>>, vector<1x16xf32>,
        %get3A_364 = vector.shape_cast %get3A_363 : vector<1x16xf32> to vector<16xf32>
        %max3A_365 = arith.maximumf %max3A_358, %get3A_364 : vector<16xf32>
        %add3A_366 = arith.constant 9 : i32
        %add3A_367 = arith.addi %mul3A_76, %add3A_366 : i32
        %get3A_368 = arith.index_cast %add3A_367 : i32 to index
        %get3A_369 = arith.constant 32 : index
        %get3A_370 = tpu.vector_load %arg9[%get3A_368, %get3A_369] {strides = array<i32>} : memref<128x128xf32, #tpu.memory_space<vmem>>, vector<1x16xf32>,
        %get3A_371 = vector.shape_cast %get3A_370 : vector<1x16xf32> to vector<16xf32>
        %max3A_372 = arith.maximumf %max3A_365, %get3A_371 : vector<16xf32>
        %add3A_373 = arith.constant 10 : i32
        %add3A_374 = arith.addi %mul3A_76, %add3A_373 : i32
        %get3A_375 = arith.index_cast %add3A_374 : i32 to index
        %get3A_376 = arith.constant 32 : index
        %get3A_377 = tpu.vector_load %arg9[%get3A_375, %get3A_376] {strides = array<i32>} : memref<128x128xf32, #tpu.memory_space<vmem>>, vector<1x16xf32>,
        %get3A_378 = vector.shape_cast %get3A_377 : vector<1x16xf32> to vector<16xf32>
        %max3A_379 = arith.maximumf %max3A_372, %get3A_378 : vector<16xf32>
        %add3A_380 = arith.constant 11 : i32
        %add3A_381 = arith.addi %mul3A_76, %add3A_380 : i32
        %get3A_382 = arith.index_cast %add3A_381 : i32 to index
        %get3A_383 = arith.constant 32 : index
        %get3A_384 = tpu.vector_load %arg9[%get3A_382, %get3A_383] {strides = array<i32>} : memref<128x128xf32, #tpu.memory_space<vmem>>, vector<1x16xf32>,
        %get3A_385 = vector.shape_cast %get3A_384 : vector<1x16xf32> to vector<16xf32>
        %max3A_386 = arith.maximumf %max3A_379, %get3A_385 : vector<16xf32>
        %add3A_387 = arith.constant 12 : i32
        %add3A_388 = arith.addi %mul3A_76, %add3A_387 : i32
        %get3A_389 = arith.index_cast %add3A_388 : i32 to index
        %get3A_390 = arith.constant 32 : index
        %get3A_391 = tpu.vector_load %arg9[%get3A_389, %get3A_390] {strides = array<i32>} : memref<128x128xf32, #tpu.memory_space<vmem>>, vector<1x16xf32>,
        %get3A_392 = vector.shape_cast %get3A_391 : vector<1x16xf32> to vector<16xf32>
        %max3A_393 = arith.maximumf %max3A_386, %get3A_392 : vector<16xf32>
        %add3A_394 = arith.constant 13 : i32
        %add3A_395 = arith.addi %mul3A_76, %add3A_394 : i32
        %get3A_396 = arith.index_cast %add3A_395 : i32 to index
        %get3A_397 = arith.constant 32 : index
        %get3A_398 = tpu.vector_load %arg9[%get3A_396, %get3A_397] {strides = array<i32>} : memref<128x128xf32, #tpu.memory_space<vmem>>, vector<1x16xf32>,
        %get3A_399 = vector.shape_cast %get3A_398 : vector<1x16xf32> to vector<16xf32>
        %max3A_400 = arith.maximumf %max3A_393, %get3A_399 : vector<16xf32>
        %add3A_401 = arith.constant 14 : i32
        %add3A_402 = arith.addi %mul3A_76, %add3A_401 : i32
        %get3A_403 = arith.index_cast %add3A_402 : i32 to index
        %get3A_404 = arith.constant 32 : index
        %get3A_405 = tpu.vector_load %arg9[%get3A_403, %get3A_404] {strides = array<i32>} : memref<128x128xf32, #tpu.memory_space<vmem>>, vector<1x16xf32>,
        %get3A_406 = vector.shape_cast %get3A_405 : vector<1x16xf32> to vector<16xf32>
        %max3A_407 = arith.maximumf %max3A_400, %get3A_406 : vector<16xf32>
        %add3A_408 = arith.constant 15 : i32
        %add3A_409 = arith.addi %mul3A_76, %add3A_408 : i32
        %get3A_410 = arith.index_cast %add3A_409 : i32 to index
        %get3A_411 = arith.constant 32 : index
        %get3A_412 = tpu.vector_load %arg9[%get3A_410, %get3A_411] {strides = array<i32>} : memref<128x128xf32, #tpu.memory_space<vmem>>, vector<1x16xf32>,
        %get3A_413 = vector.shape_cast %get3A_412 : vector<1x16xf32> to vector<16xf32>
        %max3A_414 = arith.maximumf %max3A_407, %get3A_413 : vector<16xf32>
        %add3A_415 = arith.constant 0 : i32
        %add3A_416 = arith.addi %add3A_415, %scan3A_74 : i32
        %swap3A_417 = arith.index_cast %add3A_416 : i32 to index
        %swap3A_418 = arith.constant 32 : index
        %swap3A_419 = tpu.vector_load %arg13[%swap3A_417, %swap3A_418] {strides = array<i32>} : memref<32x128xf32, #tpu.memory_space<vmem>>, vector<1x16xf32>,
        %swap3A_420 = vector.shape_cast %swap3A_419 : vector<1x16xf32> to vector<16xf32>
        %swap3A_421 = vector.shape_cast %max3A_414 : vector<16xf32> to vector<1x16xf32>
        tpu.vector_store %arg13[%swap3A_417, %swap3A_418], %swap3A_421 {strides = array<i32>} : memref<32x128xf32, #tpu.memory_space<vmem>>, vector<1x16xf32>,
        %get3A_422 = arith.index_cast %mul3A_76 : i32 to index
        %get3A_423 = arith.constant 48 : index
        %get3A_424 = tpu.vector_load %arg9[%get3A_422, %get3A_423] {strides = array<i32>} : memref<128x128xf32, #tpu.memory_space<vmem>>, vector<1x16xf32>,
        %get3A_425 = vector.shape_cast %get3A_424 : vector<1x16xf32> to vector<16xf32>
        %add3A_426 = arith.constant 1 : i32
        %add3A_427 = arith.addi %mul3A_76, %add3A_426 : i32
        %get3A_428 = arith.index_cast %add3A_427 : i32 to index
        %get3A_429 = arith.constant 48 : index
        %get3A_430 = tpu.vector_load %arg9[%get3A_428, %get3A_429] {strides = array<i32>} : memref<128x128xf32, #tpu.memory_space<vmem>>, vector<1x16xf32>,
        %get3A_431 = vector.shape_cast %get3A_430 : vector<1x16xf32> to vector<16xf32>
        %max3A_432 = arith.maximumf %get3A_425, %get3A_431 : vector<16xf32>
        %add3A_433 = arith.constant 2 : i32
        %add3A_434 = arith.addi %mul3A_76, %add3A_433 : i32
        %get3A_435 = arith.index_cast %add3A_434 : i32 to index
        %get3A_436 = arith.constant 48 : index
        %get3A_437 = tpu.vector_load %arg9[%get3A_435, %get3A_436] {strides = array<i32>} : memref<128x128xf32, #tpu.memory_space<vmem>>, vector<1x16xf32>,
        %get3A_438 = vector.shape_cast %get3A_437 : vector<1x16xf32> to vector<16xf32>
        %max3A_439 = arith.maximumf %max3A_432, %get3A_438 : vector<16xf32>
        %add3A_440 = arith.constant 3 : i32
        %add3A_441 = arith.addi %mul3A_76, %add3A_440 : i32
        %get3A_442 = arith.index_cast %add3A_441 : i32 to index
        %get3A_443 = arith.constant 48 : index
        %get3A_444 = tpu.vector_load %arg9[%get3A_442, %get3A_443] {strides = array<i32>} : memref<128x128xf32, #tpu.memory_space<vmem>>, vector<1x16xf32>,
        %get3A_445 = vector.shape_cast %get3A_444 : vector<1x16xf32> to vector<16xf32>
        %max3A_446 = arith.maximumf %max3A_439, %get3A_445 : vector<16xf32>
        %add3A_447 = arith.constant 4 : i32
        %add3A_448 = arith.addi %mul3A_76, %add3A_447 : i32
        %get3A_449 = arith.index_cast %add3A_448 : i32 to index
        %get3A_450 = arith.constant 48 : index
        %get3A_451 = tpu.vector_load %arg9[%get3A_449, %get3A_450] {strides = array<i32>} : memref<128x128xf32, #tpu.memory_space<vmem>>, vector<1x16xf32>,
        %get3A_452 = vector.shape_cast %get3A_451 : vector<1x16xf32> to vector<16xf32>
        %max3A_453 = arith.maximumf %max3A_446, %get3A_452 : vector<16xf32>
        %add3A_454 = arith.constant 5 : i32
        %add3A_455 = arith.addi %mul3A_76, %add3A_454 : i32
        %get3A_456 = arith.index_cast %add3A_455 : i32 to index
        %get3A_457 = arith.constant 48 : index
        %get3A_458 = tpu.vector_load %arg9[%get3A_456, %get3A_457] {strides = array<i32>} : memref<128x128xf32, #tpu.memory_space<vmem>>, vector<1x16xf32>,
        %get3A_459 = vector.shape_cast %get3A_458 : vector<1x16xf32> to vector<16xf32>
        %max3A_460 = arith.maximumf %max3A_453, %get3A_459 : vector<16xf32>
        %add3A_461 = arith.constant 6 : i32
        %add3A_462 = arith.addi %mul3A_76, %add3A_461 : i32
        %get3A_463 = arith.index_cast %add3A_462 : i32 to index
        %get3A_464 = arith.constant 48 : index
        %get3A_465 = tpu.vector_load %arg9[%get3A_463, %get3A_464] {strides = array<i32>} : memref<128x128xf32, #tpu.memory_space<vmem>>, vector<1x16xf32>,
        %get3A_466 = vector.shape_cast %get3A_465 : vector<1x16xf32> to vector<16xf32>
        %max3A_467 = arith.maximumf %max3A_460, %get3A_466 : vector<16xf32>
        %add3A_468 = arith.constant 7 : i32
        %add3A_469 = arith.addi %mul3A_76, %add3A_468 : i32
        %get3A_470 = arith.index_cast %add3A_469 : i32 to index
        %get3A_471 = arith.constant 48 : index
        %get3A_472 = tpu.vector_load %arg9[%get3A_470, %get3A_471] {strides = array<i32>} : memref<128x128xf32, #tpu.memory_space<vmem>>, vector<1x16xf32>,
        %get3A_473 = vector.shape_cast %get3A_472 : vector<1x16xf32> to vector<16xf32>
        %max3A_474 = arith.maximumf %max3A_467, %get3A_473 : vector<16xf32>
        %add3A_475 = arith.constant 8 : i32
        %add3A_476 = arith.addi %mul3A_76, %add3A_475 : i32
        %get3A_477 = arith.index_cast %add3A_476 : i32 to index
        %get3A_478 = arith.constant 48 : index
        %get3A_479 = tpu.vector_load %arg9[%get3A_477, %get3A_478] {strides = array<i32>} : memref<128x128xf32, #tpu.memory_space<vmem>>, vector<1x16xf32>,
        %get3A_480 = vector.shape_cast %get3A_479 : vector<1x16xf32> to vector<16xf32>
        %max3A_481 = arith.maximumf %max3A_474, %get3A_480 : vector<16xf32>
        %add3A_482 = arith.constant 9 : i32
        %add3A_483 = arith.addi %mul3A_76, %add3A_482 : i32
        %get3A_484 = arith.index_cast %add3A_483 : i32 to index
        %get3A_485 = arith.constant 48 : index
        %get3A_486 = tpu.vector_load %arg9[%get3A_484, %get3A_485] {strides = array<i32>} : memref<128x128xf32, #tpu.memory_space<vmem>>, vector<1x16xf32>,
        %get3A_487 = vector.shape_cast %get3A_486 : vector<1x16xf32> to vector<16xf32>
        %max3A_488 = arith.maximumf %max3A_481, %get3A_487 : vector<16xf32>
        %add3A_489 = arith.constant 10 : i32
        %add3A_490 = arith.addi %mul3A_76, %add3A_489 : i32
        %get3A_491 = arith.index_cast %add3A_490 : i32 to index
        %get3A_492 = arith.constant 48 : index
        %get3A_493 = tpu.vector_load %arg9[%get3A_491, %get3A_492] {strides = array<i32>} : memref<128x128xf32, #tpu.memory_space<vmem>>, vector<1x16xf32>,
        %get3A_494 = vector.shape_cast %get3A_493 : vector<1x16xf32> to vector<16xf32>
        %max3A_495 = arith.maximumf %max3A_488, %get3A_494 : vector<16xf32>
        %add3A_496 = arith.constant 11 : i32
        %add3A_497 = arith.addi %mul3A_76, %add3A_496 : i32
        %get3A_498 = arith.index_cast %add3A_497 : i32 to index
        %get3A_499 = arith.constant 48 : index
        %get3A_500 = tpu.vector_load %arg9[%get3A_498, %get3A_499] {strides = array<i32>} : memref<128x128xf32, #tpu.memory_space<vmem>>, vector<1x16xf32>,
        %get3A_501 = vector.shape_cast %get3A_500 : vector<1x16xf32> to vector<16xf32>
        %max3A_502 = arith.maximumf %max3A_495, %get3A_501 : vector<16xf32>
        %add3A_503 = arith.constant 12 : i32
        %add3A_504 = arith.addi %mul3A_76, %add3A_503 : i32
        %get3A_505 = arith.index_cast %add3A_504 : i32 to index
        %get3A_506 = arith.constant 48 : index
        %get3A_507 = tpu.vector_load %arg9[%get3A_505, %get3A_506] {strides = array<i32>} : memref<128x128xf32, #tpu.memory_space<vmem>>, vector<1x16xf32>,
        %get3A_508 = vector.shape_cast %get3A_507 : vector<1x16xf32> to vector<16xf32>
        %max3A_509 = arith.maximumf %max3A_502, %get3A_508 : vector<16xf32>
        %add3A_510 = arith.constant 13 : i32
        %add3A_511 = arith.addi %mul3A_76, %add3A_510 : i32
        %get3A_512 = arith.index_cast %add3A_511 : i32 to index
        %get3A_513 = arith.constant 48 : index
        %get3A_514 = tpu.vector_load %arg9[%get3A_512, %get3A_513] {strides = array<i32>} : memref<128x128xf32, #tpu.memory_space<vmem>>, vector<1x16xf32>,
        %get3A_515 = vector.shape_cast %get3A_514 : vector<1x16xf32> to vector<16xf32>
        %max3A_516 = arith.maximumf %max3A_509, %get3A_515 : vector<16xf32>
        %add3A_517 = arith.constant 14 : i32
        %add3A_518 = arith.addi %mul3A_76, %add3A_517 : i32
        %get3A_519 = arith.index_cast %add3A_518 : i32 to index
        %get3A_520 = arith.constant 48 : index
        %get3A_521 = tpu.vector_load %arg9[%get3A_519, %get3A_520] {strides = array<i32>} : memref<128x128xf32, #tpu.memory_space<vmem>>, vector<1x16xf32>,
        %get3A_522 = vector.shape_cast %get3A_521 : vector<1x16xf32> to vector<16xf32>
        %max3A_523 = arith.maximumf %max3A_516, %get3A_522 : vector<16xf32>
        %add3A_524 = arith.constant 15 : i32
        %add3A_525 = arith.addi %mul3A_76, %add3A_524 : i32
        %get3A_526 = arith.index_cast %add3A_525 : i32 to index
        %get3A_527 = arith.constant 48 : index
        %get3A_528 = tpu.vector_load %arg9[%get3A_526, %get3A_527] {strides = array<i32>} : memref<128x128xf32, #tpu.memory_space<vmem>>, vector<1x16xf32>,
        %get3A_529 = vector.shape_cast %get3A_528 : vector<1x16xf32> to vector<16xf32>
        %max3A_530 = arith.maximumf %max3A_523, %get3A_529 : vector<16xf32>
        %add3A_531 = arith.constant 0 : i32
        %add3A_532 = arith.addi %add3A_531, %scan3A_74 : i32
        %swap3A_533 = arith.index_cast %add3A_532 : i32 to index
        %swap3A_534 = arith.constant 48 : index
        %swap3A_535 = tpu.vector_load %arg13[%swap3A_533, %swap3A_534] {strides = array<i32>} : memref<32x128xf32, #tpu.memory_space<vmem>>, vector<1x16xf32>,
        %swap3A_536 = vector.shape_cast %swap3A_535 : vector<1x16xf32> to vector<16xf32>
        %swap3A_537 = vector.shape_cast %max3A_530 : vector<16xf32> to vector<1x16xf32>
        tpu.vector_store %arg13[%swap3A_533, %swap3A_534], %swap3A_537 {strides = array<i32>} : memref<32x128xf32, #tpu.memory_space<vmem>>, vector<1x16xf32>,
        %get3A_538 = arith.index_cast %mul3A_76 : i32 to index
        %get3A_539 = arith.constant 64 : index
        %get3A_540 = tpu.vector_load %arg9[%get3A_538, %get3A_539] {strides = array<i32>} : memref<128x128xf32, #tpu.memory_space<vmem>>, vector<1x16xf32>,
        %get3A_541 = vector.shape_cast %get3A_540 : vector<1x16xf32> to vector<16xf32>
        %add3A_542 = arith.constant 1 : i32
        %add3A_543 = arith.addi %mul3A_76, %add3A_542 : i32
        %get3A_544 = arith.index_cast %add3A_543 : i32 to index
        %get3A_545 = arith.constant 64 : index
        %get3A_546 = tpu.vector_load %arg9[%get3A_544, %get3A_545] {strides = array<i32>} : memref<128x128xf32, #tpu.memory_space<vmem>>, vector<1x16xf32>,
        %get3A_547 = vector.shape_cast %get3A_546 : vector<1x16xf32> to vector<16xf32>
        %max3A_548 = arith.maximumf %get3A_541, %get3A_547 : vector<16xf32>
        %add3A_549 = arith.constant 2 : i32
        %add3A_550 = arith.addi %mul3A_76, %add3A_549 : i32
        %get3A_551 = arith.index_cast %add3A_550 : i32 to index
        %get3A_552 = arith.constant 64 : index
        %get3A_553 = tpu.vector_load %arg9[%get3A_551, %get3A_552] {strides = array<i32>} : memref<128x128xf32, #tpu.memory_space<vmem>>, vector<1x16xf32>,
        %get3A_554 = vector.shape_cast %get3A_553 : vector<1x16xf32> to vector<16xf32>
        %max3A_555 = arith.maximumf %max3A_548, %get3A_554 : vector<16xf32>
        %add3A_556 = arith.constant 3 : i32
        %add3A_557 = arith.addi %mul3A_76, %add3A_556 : i32
        %get3A_558 = arith.index_cast %add3A_557 : i32 to index
        %get3A_559 = arith.constant 64 : index
        %get3A_560 = tpu.vector_load %arg9[%get3A_558, %get3A_559] {strides = array<i32>} : memref<128x128xf32, #tpu.memory_space<vmem>>, vector<1x16xf32>,
        %get3A_561 = vector.shape_cast %get3A_560 : vector<1x16xf32> to vector<16xf32>
        %max3A_562 = arith.maximumf %max3A_555, %get3A_561 : vector<16xf32>
        %add3A_563 = arith.constant 4 : i32
        %add3A_564 = arith.addi %mul3A_76, %add3A_563 : i32
        %get3A_565 = arith.index_cast %add3A_564 : i32 to index
        %get3A_566 = arith.constant 64 : index
        %get3A_567 = tpu.vector_load %arg9[%get3A_565, %get3A_566] {strides = array<i32>} : memref<128x128xf32, #tpu.memory_space<vmem>>, vector<1x16xf32>,
        %get3A_568 = vector.shape_cast %get3A_567 : vector<1x16xf32> to vector<16xf32>
        %max3A_569 = arith.maximumf %max3A_562, %get3A_568 : vector<16xf32>
        %add3A_570 = arith.constant 5 : i32
        %add3A_571 = arith.addi %mul3A_76, %add3A_570 : i32
        %get3A_572 = arith.index_cast %add3A_571 : i32 to index
        %get3A_573 = arith.constant 64 : index
        %get3A_574 = tpu.vector_load %arg9[%get3A_572, %get3A_573] {strides = array<i32>} : memref<128x128xf32, #tpu.memory_space<vmem>>, vector<1x16xf32>,
        %get3A_575 = vector.shape_cast %get3A_574 : vector<1x16xf32> to vector<16xf32>
        %max3A_576 = arith.maximumf %max3A_569, %get3A_575 : vector<16xf32>
        %add3A_577 = arith.constant 6 : i32
        %add3A_578 = arith.addi %mul3A_76, %add3A_577 : i32
        %get3A_579 = arith.index_cast %add3A_578 : i32 to index
        %get3A_580 = arith.constant 64 : index
        %get3A_581 = tpu.vector_load %arg9[%get3A_579, %get3A_580] {strides = array<i32>} : memref<128x128xf32, #tpu.memory_space<vmem>>, vector<1x16xf32>,
        %get3A_582 = vector.shape_cast %get3A_581 : vector<1x16xf32> to vector<16xf32>
        %max3A_583 = arith.maximumf %max3A_576, %get3A_582 : vector<16xf32>
        %add3A_584 = arith.constant 7 : i32
        %add3A_585 = arith.addi %mul3A_76, %add3A_584 : i32
        %get3A_586 = arith.index_cast %add3A_585 : i32 to index
        %get3A_587 = arith.constant 64 : index
        %get3A_588 = tpu.vector_load %arg9[%get3A_586, %get3A_587] {strides = array<i32>} : memref<128x128xf32, #tpu.memory_space<vmem>>, vector<1x16xf32>,
        %get3A_589 = vector.shape_cast %get3A_588 : vector<1x16xf32> to vector<16xf32>
        %max3A_590 = arith.maximumf %max3A_583, %get3A_589 : vector<16xf32>
        %add3A_591 = arith.constant 8 : i32
        %add3A_592 = arith.addi %mul3A_76, %add3A_591 : i32
        %get3A_593 = arith.index_cast %add3A_592 : i32 to index
        %get3A_594 = arith.constant 64 : index
        %get3A_595 = tpu.vector_load %arg9[%get3A_593, %get3A_594] {strides = array<i32>} : memref<128x128xf32, #tpu.memory_space<vmem>>, vector<1x16xf32>,
        %get3A_596 = vector.shape_cast %get3A_595 : vector<1x16xf32> to vector<16xf32>
        %max3A_597 = arith.maximumf %max3A_590, %get3A_596 : vector<16xf32>
        %add3A_598 = arith.constant 9 : i32
        %add3A_599 = arith.addi %mul3A_76, %add3A_598 : i32
        %get3A_600 = arith.index_cast %add3A_599 : i32 to index
        %get3A_601 = arith.constant 64 : index
        %get3A_602 = tpu.vector_load %arg9[%get3A_600, %get3A_601] {strides = array<i32>} : memref<128x128xf32, #tpu.memory_space<vmem>>, vector<1x16xf32>,
        %get3A_603 = vector.shape_cast %get3A_602 : vector<1x16xf32> to vector<16xf32>
        %max3A_604 = arith.maximumf %max3A_597, %get3A_603 : vector<16xf32>
        %add3A_605 = arith.constant 10 : i32
        %add3A_606 = arith.addi %mul3A_76, %add3A_605 : i32
        %get3A_607 = arith.index_cast %add3A_606 : i32 to index
        %get3A_608 = arith.constant 64 : index
        %get3A_609 = tpu.vector_load %arg9[%get3A_607, %get3A_608] {strides = array<i32>} : memref<128x128xf32, #tpu.memory_space<vmem>>, vector<1x16xf32>,
        %get3A_610 = vector.shape_cast %get3A_609 : vector<1x16xf32> to vector<16xf32>
        %max3A_611 = arith.maximumf %max3A_604, %get3A_610 : vector<16xf32>
        %add3A_612 = arith.constant 11 : i32
        %add3A_613 = arith.addi %mul3A_76, %add3A_612 : i32
        %get3A_614 = arith.index_cast %add3A_613 : i32 to index
        %get3A_615 = arith.constant 64 : index
        %get3A_616 = tpu.vector_load %arg9[%get3A_614, %get3A_615] {strides = array<i32>} : memref<128x128xf32, #tpu.memory_space<vmem>>, vector<1x16xf32>,
        %get3A_617 = vector.shape_cast %get3A_616 : vector<1x16xf32> to vector<16xf32>
        %max3A_618 = arith.maximumf %max3A_611, %get3A_617 : vector<16xf32>
        %add3A_619 = arith.constant 12 : i32
        %add3A_620 = arith.addi %mul3A_76, %add3A_619 : i32
        %get3A_621 = arith.index_cast %add3A_620 : i32 to index
        %get3A_622 = arith.constant 64 : index
        %get3A_623 = tpu.vector_load %arg9[%get3A_621, %get3A_622] {strides = array<i32>} : memref<128x128xf32, #tpu.memory_space<vmem>>, vector<1x16xf32>,
        %get3A_624 = vector.shape_cast %get3A_623 : vector<1x16xf32> to vector<16xf32>
        %max3A_625 = arith.maximumf %max3A_618, %get3A_624 : vector<16xf32>
        %add3A_626 = arith.constant 13 : i32
        %add3A_627 = arith.addi %mul3A_76, %add3A_626 : i32
        %get3A_628 = arith.index_cast %add3A_627 : i32 to index
        %get3A_629 = arith.constant 64 : index
        %get3A_630 = tpu.vector_load %arg9[%get3A_628, %get3A_629] {strides = array<i32>} : memref<128x128xf32, #tpu.memory_space<vmem>>, vector<1x16xf32>,
        %get3A_631 = vector.shape_cast %get3A_630 : vector<1x16xf32> to vector<16xf32>
        %max3A_632 = arith.maximumf %max3A_625, %get3A_631 : vector<16xf32>
        %add3A_633 = arith.constant 14 : i32
        %add3A_634 = arith.addi %mul3A_76, %add3A_633 : i32
        %get3A_635 = arith.index_cast %add3A_634 : i32 to index
        %get3A_636 = arith.constant 64 : index
        %get3A_637 = tpu.vector_load %arg9[%get3A_635, %get3A_636] {strides = array<i32>} : memref<128x128xf32, #tpu.memory_space<vmem>>, vector<1x16xf32>,
        %get3A_638 = vector.shape_cast %get3A_637 : vector<1x16xf32> to vector<16xf32>
        %max3A_639 = arith.maximumf %max3A_632, %get3A_638 : vector<16xf32>
        %add3A_640 = arith.constant 15 : i32
        %add3A_641 = arith.addi %mul3A_76, %add3A_640 : i32
        %get3A_642 = arith.index_cast %add3A_641 : i32 to index
        %get3A_643 = arith.constant 64 : index
        %get3A_644 = tpu.vector_load %arg9[%get3A_642, %get3A_643] {strides = array<i32>} : memref<128x128xf32, #tpu.memory_space<vmem>>, vector<1x16xf32>,
        %get3A_645 = vector.shape_cast %get3A_644 : vector<1x16xf32> to vector<16xf32>
        %max3A_646 = arith.maximumf %max3A_639, %get3A_645 : vector<16xf32>
        %add3A_647 = arith.constant 0 : i32
        %add3A_648 = arith.addi %add3A_647, %scan3A_74 : i32
        %swap3A_649 = arith.index_cast %add3A_648 : i32 to index
        %swap3A_650 = arith.constant 64 : index
        %swap3A_651 = tpu.vector_load %arg13[%swap3A_649, %swap3A_650] {strides = array<i32>} : memref<32x128xf32, #tpu.memory_space<vmem>>, vector<1x16xf32>,
        %swap3A_652 = vector.shape_cast %swap3A_651 : vector<1x16xf32> to vector<16xf32>
        %swap3A_653 = vector.shape_cast %max3A_646 : vector<16xf32> to vector<1x16xf32>
        tpu.vector_store %arg13[%swap3A_649, %swap3A_650], %swap3A_653 {strides = array<i32>} : memref<32x128xf32, #tpu.memory_space<vmem>>, vector<1x16xf32>,
        %get3A_654 = arith.index_cast %mul3A_76 : i32 to index
        %get3A_655 = arith.constant 80 : index
        %get3A_656 = tpu.vector_load %arg9[%get3A_654, %get3A_655] {strides = array<i32>} : memref<128x128xf32, #tpu.memory_space<vmem>>, vector<1x16xf32>,
        %get3A_657 = vector.shape_cast %get3A_656 : vector<1x16xf32> to vector<16xf32>
        %add3A_658 = arith.constant 1 : i32
        %add3A_659 = arith.addi %mul3A_76, %add3A_658 : i32
        %get3A_660 = arith.index_cast %add3A_659 : i32 to index
        %get3A_661 = arith.constant 80 : index
        %get3A_662 = tpu.vector_load %arg9[%get3A_660, %get3A_661] {strides = array<i32>} : memref<128x128xf32, #tpu.memory_space<vmem>>, vector<1x16xf32>,
        %get3A_663 = vector.shape_cast %get3A_662 : vector<1x16xf32> to vector<16xf32>
        %max3A_664 = arith.maximumf %get3A_657, %get3A_663 : vector<16xf32>
        %add3A_665 = arith.constant 2 : i32
        %add3A_666 = arith.addi %mul3A_76, %add3A_665 : i32
        %get3A_667 = arith.index_cast %add3A_666 : i32 to index
        %get3A_668 = arith.constant 80 : index
        %get3A_669 = tpu.vector_load %arg9[%get3A_667, %get3A_668] {strides = array<i32>} : memref<128x128xf32, #tpu.memory_space<vmem>>, vector<1x16xf32>,
        %get3A_670 = vector.shape_cast %get3A_669 : vector<1x16xf32> to vector<16xf32>
        %max3A_671 = arith.maximumf %max3A_664, %get3A_670 : vector<16xf32>
        %add3A_672 = arith.constant 3 : i32
        %add3A_673 = arith.addi %mul3A_76, %add3A_672 : i32
        %get3A_674 = arith.index_cast %add3A_673 : i32 to index
        %get3A_675 = arith.constant 80 : index
        %get3A_676 = tpu.vector_load %arg9[%get3A_674, %get3A_675] {strides = array<i32>} : memref<128x128xf32, #tpu.memory_space<vmem>>, vector<1x16xf32>,
        %get3A_677 = vector.shape_cast %get3A_676 : vector<1x16xf32> to vector<16xf32>
        %max3A_678 = arith.maximumf %max3A_671, %get3A_677 : vector<16xf32>
        %add3A_679 = arith.constant 4 : i32
        %add3A_680 = arith.addi %mul3A_76, %add3A_679 : i32
        %get3A_681 = arith.index_cast %add3A_680 : i32 to index
        %get3A_682 = arith.constant 80 : index
        %get3A_683 = tpu.vector_load %arg9[%get3A_681, %get3A_682] {strides = array<i32>} : memref<128x128xf32, #tpu.memory_space<vmem>>, vector<1x16xf32>,
        %get3A_684 = vector.shape_cast %get3A_683 : vector<1x16xf32> to vector<16xf32>
        %max3A_685 = arith.maximumf %max3A_678, %get3A_684 : vector<16xf32>
        %add3A_686 = arith.constant 5 : i32
        %add3A_687 = arith.addi %mul3A_76, %add3A_686 : i32
        %get3A_688 = arith.index_cast %add3A_687 : i32 to index
        %get3A_689 = arith.constant 80 : index
        %get3A_690 = tpu.vector_load %arg9[%get3A_688, %get3A_689] {strides = array<i32>} : memref<128x128xf32, #tpu.memory_space<vmem>>, vector<1x16xf32>,
        %get3A_691 = vector.shape_cast %get3A_690 : vector<1x16xf32> to vector<16xf32>
        %max3A_692 = arith.maximumf %max3A_685, %get3A_691 : vector<16xf32>
        %add3A_693 = arith.constant 6 : i32
        %add3A_694 = arith.addi %mul3A_76, %add3A_693 : i32
        %get3A_695 = arith.index_cast %add3A_694 : i32 to index
        %get3A_696 = arith.constant 80 : index
        %get3A_697 = tpu.vector_load %arg9[%get3A_695, %get3A_696] {strides = array<i32>} : memref<128x128xf32, #tpu.memory_space<vmem>>, vector<1x16xf32>,
        %get3A_698 = vector.shape_cast %get3A_697 : vector<1x16xf32> to vector<16xf32>
        %max3A_699 = arith.maximumf %max3A_692, %get3A_698 : vector<16xf32>
        %add3A_700 = arith.constant 7 : i32
        %add3A_701 = arith.addi %mul3A_76, %add3A_700 : i32
        %get3A_702 = arith.index_cast %add3A_701 : i32 to index
        %get3A_703 = arith.constant 80 : index
        %get3A_704 = tpu.vector_load %arg9[%get3A_702, %get3A_703] {strides = array<i32>} : memref<128x128xf32, #tpu.memory_space<vmem>>, vector<1x16xf32>,
        %get3A_705 = vector.shape_cast %get3A_704 : vector<1x16xf32> to vector<16xf32>
        %max3A_706 = arith.maximumf %max3A_699, %get3A_705 : vector<16xf32>
        %add3A_707 = arith.constant 8 : i32
        %add3A_708 = arith.addi %mul3A_76, %add3A_707 : i32
        %get3A_709 = arith.index_cast %add3A_708 : i32 to index
        %get3A_710 = arith.constant 80 : index
        %get3A_711 = tpu.vector_load %arg9[%get3A_709, %get3A_710] {strides = array<i32>} : memref<128x128xf32, #tpu.memory_space<vmem>>, vector<1x16xf32>,
        %get3A_712 = vector.shape_cast %get3A_711 : vector<1x16xf32> to vector<16xf32>
        %max3A_713 = arith.maximumf %max3A_706, %get3A_712 : vector<16xf32>
        %add3A_714 = arith.constant 9 : i32
        %add3A_715 = arith.addi %mul3A_76, %add3A_714 : i32
        %get3A_716 = arith.index_cast %add3A_715 : i32 to index
        %get3A_717 = arith.constant 80 : index
        %get3A_718 = tpu.vector_load %arg9[%get3A_716, %get3A_717] {strides = array<i32>} : memref<128x128xf32, #tpu.memory_space<vmem>>, vector<1x16xf32>,
        %get3A_719 = vector.shape_cast %get3A_718 : vector<1x16xf32> to vector<16xf32>
        %max3A_720 = arith.maximumf %max3A_713, %get3A_719 : vector<16xf32>
        %add3A_721 = arith.constant 10 : i32
        %add3A_722 = arith.addi %mul3A_76, %add3A_721 : i32
        %get3A_723 = arith.index_cast %add3A_722 : i32 to index
        %get3A_724 = arith.constant 80 : index
        %get3A_725 = tpu.vector_load %arg9[%get3A_723, %get3A_724] {strides = array<i32>} : memref<128x128xf32, #tpu.memory_space<vmem>>, vector<1x16xf32>,
        %get3A_726 = vector.shape_cast %get3A_725 : vector<1x16xf32> to vector<16xf32>
        %max3A_727 = arith.maximumf %max3A_720, %get3A_726 : vector<16xf32>
        %add3A_728 = arith.constant 11 : i32
        %add3A_729 = arith.addi %mul3A_76, %add3A_728 : i32
        %get3A_730 = arith.index_cast %add3A_729 : i32 to index
        %get3A_731 = arith.constant 80 : index
        %get3A_732 = tpu.vector_load %arg9[%get3A_730, %get3A_731] {strides = array<i32>} : memref<128x128xf32, #tpu.memory_space<vmem>>, vector<1x16xf32>,
        %get3A_733 = vector.shape_cast %get3A_732 : vector<1x16xf32> to vector<16xf32>
        %max3A_734 = arith.maximumf %max3A_727, %get3A_733 : vector<16xf32>
        %add3A_735 = arith.constant 12 : i32
        %add3A_736 = arith.addi %mul3A_76, %add3A_735 : i32
        %get3A_737 = arith.index_cast %add3A_736 : i32 to index
        %get3A_738 = arith.constant 80 : index
        %get3A_739 = tpu.vector_load %arg9[%get3A_737, %get3A_738] {strides = array<i32>} : memref<128x128xf32, #tpu.memory_space<vmem>>, vector<1x16xf32>,
        %get3A_740 = vector.shape_cast %get3A_739 : vector<1x16xf32> to vector<16xf32>
        %max3A_741 = arith.maximumf %max3A_734, %get3A_740 : vector<16xf32>
        %add3A_742 = arith.constant 13 : i32
        %add3A_743 = arith.addi %mul3A_76, %add3A_742 : i32
        %get3A_744 = arith.index_cast %add3A_743 : i32 to index
        %get3A_745 = arith.constant 80 : index
        %get3A_746 = tpu.vector_load %arg9[%get3A_744, %get3A_745] {strides = array<i32>} : memref<128x128xf32, #tpu.memory_space<vmem>>, vector<1x16xf32>,
        %get3A_747 = vector.shape_cast %get3A_746 : vector<1x16xf32> to vector<16xf32>
        %max3A_748 = arith.maximumf %max3A_741, %get3A_747 : vector<16xf32>
        %add3A_749 = arith.constant 14 : i32
        %add3A_750 = arith.addi %mul3A_76, %add3A_749 : i32
        %get3A_751 = arith.index_cast %add3A_750 : i32 to index
        %get3A_752 = arith.constant 80 : index
        %get3A_753 = tpu.vector_load %arg9[%get3A_751, %get3A_752] {strides = array<i32>} : memref<128x128xf32, #tpu.memory_space<vmem>>, vector<1x16xf32>,
        %get3A_754 = vector.shape_cast %get3A_753 : vector<1x16xf32> to vector<16xf32>
        %max3A_755 = arith.maximumf %max3A_748, %get3A_754 : vector<16xf32>
        %add3A_756 = arith.constant 15 : i32
        %add3A_757 = arith.addi %mul3A_76, %add3A_756 : i32
        %get3A_758 = arith.index_cast %add3A_757 : i32 to index
        %get3A_759 = arith.constant 80 : index
        %get3A_760 = tpu.vector_load %arg9[%get3A_758, %get3A_759] {strides = array<i32>} : memref<128x128xf32, #tpu.memory_space<vmem>>, vector<1x16xf32>,
        %get3A_761 = vector.shape_cast %get3A_760 : vector<1x16xf32> to vector<16xf32>
        %max3A_762 = arith.maximumf %max3A_755, %get3A_761 : vector<16xf32>
        %add3A_763 = arith.constant 0 : i32
        %add3A_764 = arith.addi %add3A_763, %scan3A_74 : i32
        %swap3A_765 = arith.index_cast %add3A_764 : i32 to index
        %swap3A_766 = arith.constant 80 : index
        %swap3A_767 = tpu.vector_load %arg13[%swap3A_765, %swap3A_766] {strides = array<i32>} : memref<32x128xf32, #tpu.memory_space<vmem>>, vector<1x16xf32>,
        %swap3A_768 = vector.shape_cast %swap3A_767 : vector<1x16xf32> to vector<16xf32>
        %swap3A_769 = vector.shape_cast %max3A_762 : vector<16xf32> to vector<1x16xf32>
        tpu.vector_store %arg13[%swap3A_765, %swap3A_766], %swap3A_769 {strides = array<i32>} : memref<32x128xf32, #tpu.memory_space<vmem>>, vector<1x16xf32>,
        %get3A_770 = arith.index_cast %mul3A_76 : i32 to index
        %get3A_771 = arith.constant 96 : index
        %get3A_772 = tpu.vector_load %arg9[%get3A_770, %get3A_771] {strides = array<i32>} : memref<128x128xf32, #tpu.memory_space<vmem>>, vector<1x16xf32>,
        %get3A_773 = vector.shape_cast %get3A_772 : vector<1x16xf32> to vector<16xf32>
        %add3A_774 = arith.constant 1 : i32
        %add3A_775 = arith.addi %mul3A_76, %add3A_774 : i32
        %get3A_776 = arith.index_cast %add3A_775 : i32 to index
        %get3A_777 = arith.constant 96 : index
        %get3A_778 = tpu.vector_load %arg9[%get3A_776, %get3A_777] {strides = array<i32>} : memref<128x128xf32, #tpu.memory_space<vmem>>, vector<1x16xf32>,
        %get3A_779 = vector.shape_cast %get3A_778 : vector<1x16xf32> to vector<16xf32>
        %max3A_780 = arith.maximumf %get3A_773, %get3A_779 : vector<16xf32>
        %add3A_781 = arith.constant 2 : i32
        %add3A_782 = arith.addi %mul3A_76, %add3A_781 : i32
        %get3A_783 = arith.index_cast %add3A_782 : i32 to index
        %get3A_784 = arith.constant 96 : index
        %get3A_785 = tpu.vector_load %arg9[%get3A_783, %get3A_784] {strides = array<i32>} : memref<128x128xf32, #tpu.memory_space<vmem>>, vector<1x16xf32>,
        %get3A_786 = vector.shape_cast %get3A_785 : vector<1x16xf32> to vector<16xf32>
        %max3A_787 = arith.maximumf %max3A_780, %get3A_786 : vector<16xf32>
        %add3A_788 = arith.constant 3 : i32
        %add3A_789 = arith.addi %mul3A_76, %add3A_788 : i32
        %get3A_790 = arith.index_cast %add3A_789 : i32 to index
        %get3A_791 = arith.constant 96 : index
        %get3A_792 = tpu.vector_load %arg9[%get3A_790, %get3A_791] {strides = array<i32>} : memref<128x128xf32, #tpu.memory_space<vmem>>, vector<1x16xf32>,
        %get3A_793 = vector.shape_cast %get3A_792 : vector<1x16xf32> to vector<16xf32>
        %max3A_794 = arith.maximumf %max3A_787, %get3A_793 : vector<16xf32>
        %add3A_795 = arith.constant 4 : i32
        %add3A_796 = arith.addi %mul3A_76, %add3A_795 : i32
        %get3A_797 = arith.index_cast %add3A_796 : i32 to index
        %get3A_798 = arith.constant 96 : index
        %get3A_799 = tpu.vector_load %arg9[%get3A_797, %get3A_798] {strides = array<i32>} : memref<128x128xf32, #tpu.memory_space<vmem>>, vector<1x16xf32>,
        %get3A_800 = vector.shape_cast %get3A_799 : vector<1x16xf32> to vector<16xf32>
        %max3A_801 = arith.maximumf %max3A_794, %get3A_800 : vector<16xf32>
        %add3A_802 = arith.constant 5 : i32
        %add3A_803 = arith.addi %mul3A_76, %add3A_802 : i32
        %get3A_804 = arith.index_cast %add3A_803 : i32 to index
        %get3A_805 = arith.constant 96 : index
        %get3A_806 = tpu.vector_load %arg9[%get3A_804, %get3A_805] {strides = array<i32>} : memref<128x128xf32, #tpu.memory_space<vmem>>, vector<1x16xf32>,
        %get3A_807 = vector.shape_cast %get3A_806 : vector<1x16xf32> to vector<16xf32>
        %max3A_808 = arith.maximumf %max3A_801, %get3A_807 : vector<16xf32>
        %add3A_809 = arith.constant 6 : i32
        %add3A_810 = arith.addi %mul3A_76, %add3A_809 : i32
        %get3A_811 = arith.index_cast %add3A_810 : i32 to index
        %get3A_812 = arith.constant 96 : index
        %get3A_813 = tpu.vector_load %arg9[%get3A_811, %get3A_812] {strides = array<i32>} : memref<128x128xf32, #tpu.memory_space<vmem>>, vector<1x16xf32>,
        %get3A_814 = vector.shape_cast %get3A_813 : vector<1x16xf32> to vector<16xf32>
        %max3A_815 = arith.maximumf %max3A_808, %get3A_814 : vector<16xf32>
        %add3A_816 = arith.constant 7 : i32
        %add3A_817 = arith.addi %mul3A_76, %add3A_816 : i32
        %get3A_818 = arith.index_cast %add3A_817 : i32 to index
        %get3A_819 = arith.constant 96 : index
        %get3A_820 = tpu.vector_load %arg9[%get3A_818, %get3A_819] {strides = array<i32>} : memref<128x128xf32, #tpu.memory_space<vmem>>, vector<1x16xf32>,
        %get3A_821 = vector.shape_cast %get3A_820 : vector<1x16xf32> to vector<16xf32>
        %max3A_822 = arith.maximumf %max3A_815, %get3A_821 : vector<16xf32>
        %add3A_823 = arith.constant 8 : i32
        %add3A_824 = arith.addi %mul3A_76, %add3A_823 : i32
        %get3A_825 = arith.index_cast %add3A_824 : i32 to index
        %get3A_826 = arith.constant 96 : index
        %get3A_827 = tpu.vector_load %arg9[%get3A_825, %get3A_826] {strides = array<i32>} : memref<128x128xf32, #tpu.memory_space<vmem>>, vector<1x16xf32>,
        %get3A_828 = vector.shape_cast %get3A_827 : vector<1x16xf32> to vector<16xf32>
        %max3A_829 = arith.maximumf %max3A_822, %get3A_828 : vector<16xf32>
        %add3A_830 = arith.constant 9 : i32
        %add3A_831 = arith.addi %mul3A_76, %add3A_830 : i32
        %get3A_832 = arith.index_cast %add3A_831 : i32 to index
        %get3A_833 = arith.constant 96 : index
        %get3A_834 = tpu.vector_load %arg9[%get3A_832, %get3A_833] {strides = array<i32>} : memref<128x128xf32, #tpu.memory_space<vmem>>, vector<1x16xf32>,
        %get3A_835 = vector.shape_cast %get3A_834 : vector<1x16xf32> to vector<16xf32>
        %max3A_836 = arith.maximumf %max3A_829, %get3A_835 : vector<16xf32>
        %add3A_837 = arith.constant 10 : i32
        %add3A_838 = arith.addi %mul3A_76, %add3A_837 : i32
        %get3A_839 = arith.index_cast %add3A_838 : i32 to index
        %get3A_840 = arith.constant 96 : index
        %get3A_841 = tpu.vector_load %arg9[%get3A_839, %get3A_840] {strides = array<i32>} : memref<128x128xf32, #tpu.memory_space<vmem>>, vector<1x16xf32>,
        %get3A_842 = vector.shape_cast %get3A_841 : vector<1x16xf32> to vector<16xf32>
        %max3A_843 = arith.maximumf %max3A_836, %get3A_842 : vector<16xf32>
        %add3A_844 = arith.constant 11 : i32
        %add3A_845 = arith.addi %mul3A_76, %add3A_844 : i32
        %get3A_846 = arith.index_cast %add3A_845 : i32 to index
        %get3A_847 = arith.constant 96 : index
        %get3A_848 = tpu.vector_load %arg9[%get3A_846, %get3A_847] {strides = array<i32>} : memref<128x128xf32, #tpu.memory_space<vmem>>, vector<1x16xf32>,
        %get3A_849 = vector.shape_cast %get3A_848 : vector<1x16xf32> to vector<16xf32>
        %max3A_850 = arith.maximumf %max3A_843, %get3A_849 : vector<16xf32>
        %add3A_851 = arith.constant 12 : i32
        %add3A_852 = arith.addi %mul3A_76, %add3A_851 : i32
        %get3A_853 = arith.index_cast %add3A_852 : i32 to index
        %get3A_854 = arith.constant 96 : index
        %get3A_855 = tpu.vector_load %arg9[%get3A_853, %get3A_854] {strides = array<i32>} : memref<128x128xf32, #tpu.memory_space<vmem>>, vector<1x16xf32>,
        %get3A_856 = vector.shape_cast %get3A_855 : vector<1x16xf32> to vector<16xf32>
        %max3A_857 = arith.maximumf %max3A_850, %get3A_856 : vector<16xf32>
        %add3A_858 = arith.constant 13 : i32
        %add3A_859 = arith.addi %mul3A_76, %add3A_858 : i32
        %get3A_860 = arith.index_cast %add3A_859 : i32 to index
        %get3A_861 = arith.constant 96 : index
        %get3A_862 = tpu.vector_load %arg9[%get3A_860, %get3A_861] {strides = array<i32>} : memref<128x128xf32, #tpu.memory_space<vmem>>, vector<1x16xf32>,
        %get3A_863 = vector.shape_cast %get3A_862 : vector<1x16xf32> to vector<16xf32>
        %max3A_864 = arith.maximumf %max3A_857, %get3A_863 : vector<16xf32>
        %add3A_865 = arith.constant 14 : i32
        %add3A_866 = arith.addi %mul3A_76, %add3A_865 : i32
        %get3A_867 = arith.index_cast %add3A_866 : i32 to index
        %get3A_868 = arith.constant 96 : index
        %get3A_869 = tpu.vector_load %arg9[%get3A_867, %get3A_868] {strides = array<i32>} : memref<128x128xf32, #tpu.memory_space<vmem>>, vector<1x16xf32>,
        %get3A_870 = vector.shape_cast %get3A_869 : vector<1x16xf32> to vector<16xf32>
        %max3A_871 = arith.maximumf %max3A_864, %get3A_870 : vector<16xf32>
        %add3A_872 = arith.constant 15 : i32
        %add3A_873 = arith.addi %mul3A_76, %add3A_872 : i32
        %get3A_874 = arith.index_cast %add3A_873 : i32 to index
        %get3A_875 = arith.constant 96 : index
        %get3A_876 = tpu.vector_load %arg9[%get3A_874, %get3A_875] {strides = array<i32>} : memref<128x128xf32, #tpu.memory_space<vmem>>, vector<1x16xf32>,
        %get3A_877 = vector.shape_cast %get3A_876 : vector<1x16xf32> to vector<16xf32>
        %max3A_878 = arith.maximumf %max3A_871, %get3A_877 : vector<16xf32>
        %add3A_879 = arith.constant 0 : i32
        %add3A_880 = arith.addi %add3A_879, %scan3A_74 : i32
        %swap3A_881 = arith.index_cast %add3A_880 : i32 to index
        %swap3A_882 = arith.constant 96 : index
        %swap3A_883 = tpu.vector_load %arg13[%swap3A_881, %swap3A_882] {strides = array<i32>} : memref<32x128xf32, #tpu.memory_space<vmem>>, vector<1x16xf32>,
        %swap3A_884 = vector.shape_cast %swap3A_883 : vector<1x16xf32> to vector<16xf32>
        %swap3A_885 = vector.shape_cast %max3A_878 : vector<16xf32> to vector<1x16xf32>
        tpu.vector_store %arg13[%swap3A_881, %swap3A_882], %swap3A_885 {strides = array<i32>} : memref<32x128xf32, #tpu.memory_space<vmem>>, vector<1x16xf32>,
        %get3A_886 = arith.index_cast %mul3A_76 : i32 to index
        %get3A_887 = arith.constant 112 : index
        %get3A_888 = tpu.vector_load %arg9[%get3A_886, %get3A_887] {strides = array<i32>} : memref<128x128xf32, #tpu.memory_space<vmem>>, vector<1x16xf32>,
        %get3A_889 = vector.shape_cast %get3A_888 : vector<1x16xf32> to vector<16xf32>
        %add3A_890 = arith.constant 1 : i32
        %add3A_891 = arith.addi %mul3A_76, %add3A_890 : i32
        %get3A_892 = arith.index_cast %add3A_891 : i32 to index
        %get3A_893 = arith.constant 112 : index
        %get3A_894 = tpu.vector_load %arg9[%get3A_892, %get3A_893] {strides = array<i32>} : memref<128x128xf32, #tpu.memory_space<vmem>>, vector<1x16xf32>,
        %get3A_895 = vector.shape_cast %get3A_894 : vector<1x16xf32> to vector<16xf32>
        %max3A_896 = arith.maximumf %get3A_889, %get3A_895 : vector<16xf32>
        %add3A_897 = arith.constant 2 : i32
        %add3A_898 = arith.addi %mul3A_76, %add3A_897 : i32
        %get3A_899 = arith.index_cast %add3A_898 : i32 to index
        %get3A_900 = arith.constant 112 : index
        %get3A_901 = tpu.vector_load %arg9[%get3A_899, %get3A_900] {strides = array<i32>} : memref<128x128xf32, #tpu.memory_space<vmem>>, vector<1x16xf32>,
        %get3A_902 = vector.shape_cast %get3A_901 : vector<1x16xf32> to vector<16xf32>
        %max3A_903 = arith.maximumf %max3A_896, %get3A_902 : vector<16xf32>
        %add3A_904 = arith.constant 3 : i32
        %add3A_905 = arith.addi %mul3A_76, %add3A_904 : i32
        %get3A_906 = arith.index_cast %add3A_905 : i32 to index
        %get3A_907 = arith.constant 112 : index
        %get3A_908 = tpu.vector_load %arg9[%get3A_906, %get3A_907] {strides = array<i32>} : memref<128x128xf32, #tpu.memory_space<vmem>>, vector<1x16xf32>,
        %get3A_909 = vector.shape_cast %get3A_908 : vector<1x16xf32> to vector<16xf32>
        %max3A_910 = arith.maximumf %max3A_903, %get3A_909 : vector<16xf32>
        %add3A_911 = arith.constant 4 : i32
        %add3A_912 = arith.addi %mul3A_76, %add3A_911 : i32
        %get3A_913 = arith.index_cast %add3A_912 : i32 to index
        %get3A_914 = arith.constant 112 : index
        %get3A_915 = tpu.vector_load %arg9[%get3A_913, %get3A_914] {strides = array<i32>} : memref<128x128xf32, #tpu.memory_space<vmem>>, vector<1x16xf32>,
        %get3A_916 = vector.shape_cast %get3A_915 : vector<1x16xf32> to vector<16xf32>
        %max3A_917 = arith.maximumf %max3A_910, %get3A_916 : vector<16xf32>
        %add3A_918 = arith.constant 5 : i32
        %add3A_919 = arith.addi %mul3A_76, %add3A_918 : i32
        %get3A_920 = arith.index_cast %add3A_919 : i32 to index
        %get3A_921 = arith.constant 112 : index
        %get3A_922 = tpu.vector_load %arg9[%get3A_920, %get3A_921] {strides = array<i32>} : memref<128x128xf32, #tpu.memory_space<vmem>>, vector<1x16xf32>,
        %get3A_923 = vector.shape_cast %get3A_922 : vector<1x16xf32> to vector<16xf32>
        %max3A_924 = arith.maximumf %max3A_917, %get3A_923 : vector<16xf32>
        %add3A_925 = arith.constant 6 : i32
        %add3A_926 = arith.addi %mul3A_76, %add3A_925 : i32
        %get3A_927 = arith.index_cast %add3A_926 : i32 to index
        %get3A_928 = arith.constant 112 : index
        %get3A_929 = tpu.vector_load %arg9[%get3A_927, %get3A_928] {strides = array<i32>} : memref<128x128xf32, #tpu.memory_space<vmem>>, vector<1x16xf32>,
        %get3A_930 = vector.shape_cast %get3A_929 : vector<1x16xf32> to vector<16xf32>
        %max3A_931 = arith.maximumf %max3A_924, %get3A_930 : vector<16xf32>
        %add3A_932 = arith.constant 7 : i32
        %add3A_933 = arith.addi %mul3A_76, %add3A_932 : i32
        %get3A_934 = arith.index_cast %add3A_933 : i32 to index
        %get3A_935 = arith.constant 112 : index
        %get3A_936 = tpu.vector_load %arg9[%get3A_934, %get3A_935] {strides = array<i32>} : memref<128x128xf32, #tpu.memory_space<vmem>>, vector<1x16xf32>,
        %get3A_937 = vector.shape_cast %get3A_936 : vector<1x16xf32> to vector<16xf32>
        %max3A_938 = arith.maximumf %max3A_931, %get3A_937 : vector<16xf32>
        %add3A_939 = arith.constant 8 : i32
        %add3A_940 = arith.addi %mul3A_76, %add3A_939 : i32
        %get3A_941 = arith.index_cast %add3A_940 : i32 to index
        %get3A_942 = arith.constant 112 : index
        %get3A_943 = tpu.vector_load %arg9[%get3A_941, %get3A_942] {strides = array<i32>} : memref<128x128xf32, #tpu.memory_space<vmem>>, vector<1x16xf32>,
        %get3A_944 = vector.shape_cast %get3A_943 : vector<1x16xf32> to vector<16xf32>
        %max3A_945 = arith.maximumf %max3A_938, %get3A_944 : vector<16xf32>
        %add3A_946 = arith.constant 9 : i32
        %add3A_947 = arith.addi %mul3A_76, %add3A_946 : i32
        %get3A_948 = arith.index_cast %add3A_947 : i32 to index
        %get3A_949 = arith.constant 112 : index
        %get3A_950 = tpu.vector_load %arg9[%get3A_948, %get3A_949] {strides = array<i32>} : memref<128x128xf32, #tpu.memory_space<vmem>>, vector<1x16xf32>,
        %get3A_951 = vector.shape_cast %get3A_950 : vector<1x16xf32> to vector<16xf32>
        %max3A_952 = arith.maximumf %max3A_945, %get3A_951 : vector<16xf32>
        %add3A_953 = arith.constant 10 : i32
        %add3A_954 = arith.addi %mul3A_76, %add3A_953 : i32
        %get3A_955 = arith.index_cast %add3A_954 : i32 to index
        %get3A_956 = arith.constant 112 : index
        %get3A_957 = tpu.vector_load %arg9[%get3A_955, %get3A_956] {strides = array<i32>} : memref<128x128xf32, #tpu.memory_space<vmem>>, vector<1x16xf32>,
        %get3A_958 = vector.shape_cast %get3A_957 : vector<1x16xf32> to vector<16xf32>
        %max3A_959 = arith.maximumf %max3A_952, %get3A_958 : vector<16xf32>
        %add3A_960 = arith.constant 11 : i32
        %add3A_961 = arith.addi %mul3A_76, %add3A_960 : i32
        %get3A_962 = arith.index_cast %add3A_961 : i32 to index
        %get3A_963 = arith.constant 112 : index
        %get3A_964 = tpu.vector_load %arg9[%get3A_962, %get3A_963] {strides = array<i32>} : memref<128x128xf32, #tpu.memory_space<vmem>>, vector<1x16xf32>,
        %get3A_965 = vector.shape_cast %get3A_964 : vector<1x16xf32> to vector<16xf32>
        %max3A_966 = arith.maximumf %max3A_959, %get3A_965 : vector<16xf32>
        %add3A_967 = arith.constant 12 : i32
        %add3A_968 = arith.addi %mul3A_76, %add3A_967 : i32
        %get3A_969 = arith.index_cast %add3A_968 : i32 to index
        %get3A_970 = arith.constant 112 : index
        %get3A_971 = tpu.vector_load %arg9[%get3A_969, %get3A_970] {strides = array<i32>} : memref<128x128xf32, #tpu.memory_space<vmem>>, vector<1x16xf32>,
        %get3A_972 = vector.shape_cast %get3A_971 : vector<1x16xf32> to vector<16xf32>
        %max3A_973 = arith.maximumf %max3A_966, %get3A_972 : vector<16xf32>
        %add3A_974 = arith.constant 13 : i32
        %add3A_975 = arith.addi %mul3A_76, %add3A_974 : i32
        %get3A_976 = arith.index_cast %add3A_975 : i32 to index
        %get3A_977 = arith.constant 112 : index
        %get3A_978 = tpu.vector_load %arg9[%get3A_976, %get3A_977] {strides = array<i32>} : memref<128x128xf32, #tpu.memory_space<vmem>>, vector<1x16xf32>,
        %get3A_979 = vector.shape_cast %get3A_978 : vector<1x16xf32> to vector<16xf32>
        %max3A_980 = arith.maximumf %max3A_973, %get3A_979 : vector<16xf32>
        %add3A_981 = arith.constant 14 : i32
        %add3A_982 = arith.addi %mul3A_76, %add3A_981 : i32
        %get3A_983 = arith.index_cast %add3A_982 : i32 to index
        %get3A_984 = arith.constant 112 : index
        %get3A_985 = tpu.vector_load %arg9[%get3A_983, %get3A_984] {strides = array<i32>} : memref<128x128xf32, #tpu.memory_space<vmem>>, vector<1x16xf32>,
        %get3A_986 = vector.shape_cast %get3A_985 : vector<1x16xf32> to vector<16xf32>
        %max3A_987 = arith.maximumf %max3A_980, %get3A_986 : vector<16xf32>
        %add3A_988 = arith.constant 15 : i32
        %add3A_989 = arith.addi %mul3A_76, %add3A_988 : i32
        %get3A_990 = arith.index_cast %add3A_989 : i32 to index
        %get3A_991 = arith.constant 112 : index
        %get3A_992 = tpu.vector_load %arg9[%get3A_990, %get3A_991] {strides = array<i32>} : memref<128x128xf32, #tpu.memory_space<vmem>>, vector<1x16xf32>,
        %get3A_993 = vector.shape_cast %get3A_992 : vector<1x16xf32> to vector<16xf32>
        %max3A_994 = arith.maximumf %max3A_987, %get3A_993 : vector<16xf32>
        %add3A_995 = arith.constant 0 : i32
        %add3A_996 = arith.addi %add3A_995, %scan3A_74 : i32
        %swap3A_997 = arith.index_cast %add3A_996 : i32 to index
        %swap3A_998 = arith.constant 112 : index
        %swap3A_999 = tpu.vector_load %arg13[%swap3A_997, %swap3A_998] {strides = array<i32>} : memref<32x128xf32, #tpu.memory_space<vmem>>, vector<1x16xf32>,
        %swap3A_1000 = vector.shape_cast %swap3A_999 : vector<1x16xf32> to vector<16xf32>
        %swap3A_1001 = vector.shape_cast %max3A_994 : vector<16xf32> to vector<1x16xf32>
        tpu.vector_store %arg13[%swap3A_997, %swap3A_998], %swap3A_1001 {strides = array<i32>} : memref<32x128xf32, #tpu.memory_space<vmem>>, vector<1x16xf32>,
      }
      %scan3A_55 = arith.constant 8 : i32
      %scan3A_56 = arith.constant 0 : i32
      %scan3A_57 = arith.constant 0 : i32
      %scan3A_58 = arith.constant 8 : i32
      %scan3A_59 = arith.addi %scan3A_57, %scan3A_58 : i32
      %scan3A_60 = arith.constant 1 : i32
      scf.for %scan3A_74 = %scan3A_57 to %scan3A_59 step %scan3A_60  : i32 {
        %mul3A_75 = arith.constant 16 : i32
        %mul3A_76 = arith.muli %scan3A_74, %mul3A_75 : i32
        %get3A = arith.index_cast %mul3A_76 : i32 to index
        %get3A_77 = arith.constant 0 : index
        %get3A_78 = tpu.vector_load %arg10[%get3A, %get3A_77] {strides = array<i32>} : memref<128x128xf32, #tpu.memory_space<vmem>>, vector<1x16xf32>,
        %get3A_79 = vector.shape_cast %get3A_78 : vector<1x16xf32> to vector<16xf32>
        %add3A_80 = arith.constant 1 : i32
        %add3A_81 = arith.addi %mul3A_76, %add3A_80 : i32
        %get3A_82 = arith.index_cast %add3A_81 : i32 to index
        %get3A_83 = arith.constant 0 : index
        %get3A_84 = tpu.vector_load %arg10[%get3A_82, %get3A_83] {strides = array<i32>} : memref<128x128xf32, #tpu.memory_space<vmem>>, vector<1x16xf32>,
        %get3A_85 = vector.shape_cast %get3A_84 : vector<1x16xf32> to vector<16xf32>
        %max3A = arith.maximumf %get3A_79, %get3A_85 : vector<16xf32>
        %add3A_86 = arith.constant 2 : i32
        %add3A_87 = arith.addi %mul3A_76, %add3A_86 : i32
        %get3A_88 = arith.index_cast %add3A_87 : i32 to index
        %get3A_89 = arith.constant 0 : index
        %get3A_90 = tpu.vector_load %arg10[%get3A_88, %get3A_89] {strides = array<i32>} : memref<128x128xf32, #tpu.memory_space<vmem>>, vector<1x16xf32>,
        %get3A_91 = vector.shape_cast %get3A_90 : vector<1x16xf32> to vector<16xf32>
        %max3A_92 = arith.maximumf %max3A, %get3A_91 : vector<16xf32>
        %add3A_93 = arith.constant 3 : i32
        %add3A_94 = arith.addi %mul3A_76, %add3A_93 : i32
        %get3A_95 = arith.index_cast %add3A_94 : i32 to index
        %get3A_96 = arith.constant 0 : index
        %get3A_97 = tpu.vector_load %arg10[%get3A_95, %get3A_96] {strides = array<i32>} : memref<128x128xf32, #tpu.memory_space<vmem>>, vector<1x16xf32>,
        %get3A_98 = vector.shape_cast %get3A_97 : vector<1x16xf32> to vector<16xf32>
        %max3A_99 = arith.maximumf %max3A_92, %get3A_98 : vector<16xf32>
        %add3A_100 = arith.constant 4 : i32
        %add3A_101 = arith.addi %mul3A_76, %add3A_100 : i32
        %get3A_102 = arith.index_cast %add3A_101 : i32 to index
        %get3A_103 = arith.constant 0 : index
        %get3A_104 = tpu.vector_load %arg10[%get3A_102, %get3A_103] {strides = array<i32>} : memref<128x128xf32, #tpu.memory_space<vmem>>, vector<1x16xf32>,
        %get3A_105 = vector.shape_cast %get3A_104 : vector<1x16xf32> to vector<16xf32>
        %max3A_106 = arith.maximumf %max3A_99, %get3A_105 : vector<16xf32>
        %add3A_107 = arith.constant 5 : i32
        %add3A_108 = arith.addi %mul3A_76, %add3A_107 : i32
        %get3A_109 = arith.index_cast %add3A_108 : i32 to index
        %get3A_110 = arith.constant 0 : index
        %get3A_111 = tpu.vector_load %arg10[%get3A_109, %get3A_110] {strides = array<i32>} : memref<128x128xf32, #tpu.memory_space<vmem>>, vector<1x16xf32>,
        %get3A_112 = vector.shape_cast %get3A_111 : vector<1x16xf32> to vector<16xf32>
        %max3A_113 = arith.maximumf %max3A_106, %get3A_112 : vector<16xf32>
        %add3A_114 = arith.constant 6 : i32
        %add3A_115 = arith.addi %mul3A_76, %add3A_114 : i32
        %get3A_116 = arith.index_cast %add3A_115 : i32 to index
        %get3A_117 = arith.constant 0 : index
        %get3A_118 = tpu.vector_load %arg10[%get3A_116, %get3A_117] {strides = array<i32>} : memref<128x128xf32, #tpu.memory_space<vmem>>, vector<1x16xf32>,
        %get3A_119 = vector.shape_cast %get3A_118 : vector<1x16xf32> to vector<16xf32>
        %max3A_120 = arith.maximumf %max3A_113, %get3A_119 : vector<16xf32>
        %add3A_121 = arith.constant 7 : i32
        %add3A_122 = arith.addi %mul3A_76, %add3A_121 : i32
        %get3A_123 = arith.index_cast %add3A_122 : i32 to index
        %get3A_124 = arith.constant 0 : index
        %get3A_125 = tpu.vector_load %arg10[%get3A_123, %get3A_124] {strides = array<i32>} : memref<128x128xf32, #tpu.memory_space<vmem>>, vector<1x16xf32>,
        %get3A_126 = vector.shape_cast %get3A_125 : vector<1x16xf32> to vector<16xf32>
        %max3A_127 = arith.maximumf %max3A_120, %get3A_126 : vector<16xf32>
        %add3A_128 = arith.constant 8 : i32
        %add3A_129 = arith.addi %mul3A_76, %add3A_128 : i32
        %get3A_130 = arith.index_cast %add3A_129 : i32 to index
        %get3A_131 = arith.constant 0 : index
        %get3A_132 = tpu.vector_load %arg10[%get3A_130, %get3A_131] {strides = array<i32>} : memref<128x128xf32, #tpu.memory_space<vmem>>, vector<1x16xf32>,
        %get3A_133 = vector.shape_cast %get3A_132 : vector<1x16xf32> to vector<16xf32>
        %max3A_134 = arith.maximumf %max3A_127, %get3A_133 : vector<16xf32>
        %add3A_135 = arith.constant 9 : i32
        %add3A_136 = arith.addi %mul3A_76, %add3A_135 : i32
        %get3A_137 = arith.index_cast %add3A_136 : i32 to index
        %get3A_138 = arith.constant 0 : index
        %get3A_139 = tpu.vector_load %arg10[%get3A_137, %get3A_138] {strides = array<i32>} : memref<128x128xf32, #tpu.memory_space<vmem>>, vector<1x16xf32>,
        %get3A_140 = vector.shape_cast %get3A_139 : vector<1x16xf32> to vector<16xf32>
        %max3A_141 = arith.maximumf %max3A_134, %get3A_140 : vector<16xf32>
        %add3A_142 = arith.constant 10 : i32
        %add3A_143 = arith.addi %mul3A_76, %add3A_142 : i32
        %get3A_144 = arith.index_cast %add3A_143 : i32 to index
        %get3A_145 = arith.constant 0 : index
        %get3A_146 = tpu.vector_load %arg10[%get3A_144, %get3A_145] {strides = array<i32>} : memref<128x128xf32, #tpu.memory_space<vmem>>, vector<1x16xf32>,
        %get3A_147 = vector.shape_cast %get3A_146 : vector<1x16xf32> to vector<16xf32>
        %max3A_148 = arith.maximumf %max3A_141, %get3A_147 : vector<16xf32>
        %add3A_149 = arith.constant 11 : i32
        %add3A_150 = arith.addi %mul3A_76, %add3A_149 : i32
        %get3A_151 = arith.index_cast %add3A_150 : i32 to index
        %get3A_152 = arith.constant 0 : index
        %get3A_153 = tpu.vector_load %arg10[%get3A_151, %get3A_152] {strides = array<i32>} : memref<128x128xf32, #tpu.memory_space<vmem>>, vector<1x16xf32>,
        %get3A_154 = vector.shape_cast %get3A_153 : vector<1x16xf32> to vector<16xf32>
        %max3A_155 = arith.maximumf %max3A_148, %get3A_154 : vector<16xf32>
        %add3A_156 = arith.constant 12 : i32
        %add3A_157 = arith.addi %mul3A_76, %add3A_156 : i32
        %get3A_158 = arith.index_cast %add3A_157 : i32 to index
        %get3A_159 = arith.constant 0 : index
        %get3A_160 = tpu.vector_load %arg10[%get3A_158, %get3A_159] {strides = array<i32>} : memref<128x128xf32, #tpu.memory_space<vmem>>, vector<1x16xf32>,
        %get3A_161 = vector.shape_cast %get3A_160 : vector<1x16xf32> to vector<16xf32>
        %max3A_162 = arith.maximumf %max3A_155, %get3A_161 : vector<16xf32>
        %add3A_163 = arith.constant 13 : i32
        %add3A_164 = arith.addi %mul3A_76, %add3A_163 : i32
        %get3A_165 = arith.index_cast %add3A_164 : i32 to index
        %get3A_166 = arith.constant 0 : index
        %get3A_167 = tpu.vector_load %arg10[%get3A_165, %get3A_166] {strides = array<i32>} : memref<128x128xf32, #tpu.memory_space<vmem>>, vector<1x16xf32>,
        %get3A_168 = vector.shape_cast %get3A_167 : vector<1x16xf32> to vector<16xf32>
        %max3A_169 = arith.maximumf %max3A_162, %get3A_168 : vector<16xf32>
        %add3A_170 = arith.constant 14 : i32
        %add3A_171 = arith.addi %mul3A_76, %add3A_170 : i32
        %get3A_172 = arith.index_cast %add3A_171 : i32 to index
        %get3A_173 = arith.constant 0 : index
        %get3A_174 = tpu.vector_load %arg10[%get3A_172, %get3A_173] {strides = array<i32>} : memref<128x128xf32, #tpu.memory_space<vmem>>, vector<1x16xf32>,
        %get3A_175 = vector.shape_cast %get3A_174 : vector<1x16xf32> to vector<16xf32>
        %max3A_176 = arith.maximumf %max3A_169, %get3A_175 : vector<16xf32>
        %add3A_177 = arith.constant 15 : i32
        %add3A_178 = arith.addi %mul3A_76, %add3A_177 : i32
        %get3A_179 = arith.index_cast %add3A_178 : i32 to index
        %get3A_180 = arith.constant 0 : index
        %get3A_181 = tpu.vector_load %arg10[%get3A_179, %get3A_180] {strides = array<i32>} : memref<128x128xf32, #tpu.memory_space<vmem>>, vector<1x16xf32>,
        %get3A_182 = vector.shape_cast %get3A_181 : vector<1x16xf32> to vector<16xf32>
        %max3A_183 = arith.maximumf %max3A_176, %get3A_182 : vector<16xf32>
        %add3A_184 = arith.constant 8 : i32
        %add3A_185 = arith.addi %add3A_184, %scan3A_74 : i32
        %swap3A = arith.index_cast %add3A_185 : i32 to index
        %swap3A_186 = arith.constant 0 : index
        %swap3A_187 = tpu.vector_load %arg13[%swap3A, %swap3A_186] {strides = array<i32>} : memref<32x128xf32, #tpu.memory_space<vmem>>, vector<1x16xf32>,
        %swap3A_188 = vector.shape_cast %swap3A_187 : vector<1x16xf32> to vector<16xf32>
        %swap3A_189 = vector.shape_cast %max3A_183 : vector<16xf32> to vector<1x16xf32>
        tpu.vector_store %arg13[%swap3A, %swap3A_186], %swap3A_189 {strides = array<i32>} : memref<32x128xf32, #tpu.memory_space<vmem>>, vector<1x16xf32>,
        %get3A_190 = arith.index_cast %mul3A_76 : i32 to index
        %get3A_191 = arith.constant 16 : index
        %get3A_192 = tpu.vector_load %arg10[%get3A_190, %get3A_191] {strides = array<i32>} : memref<128x128xf32, #tpu.memory_space<vmem>>, vector<1x16xf32>,
        %get3A_193 = vector.shape_cast %get3A_192 : vector<1x16xf32> to vector<16xf32>
        %add3A_194 = arith.constant 1 : i32
        %add3A_195 = arith.addi %mul3A_76, %add3A_194 : i32
        %get3A_196 = arith.index_cast %add3A_195 : i32 to index
        %get3A_197 = arith.constant 16 : index
        %get3A_198 = tpu.vector_load %arg10[%get3A_196, %get3A_197] {strides = array<i32>} : memref<128x128xf32, #tpu.memory_space<vmem>>, vector<1x16xf32>,
        %get3A_199 = vector.shape_cast %get3A_198 : vector<1x16xf32> to vector<16xf32>
        %max3A_200 = arith.maximumf %get3A_193, %get3A_199 : vector<16xf32>
        %add3A_201 = arith.constant 2 : i32
        %add3A_202 = arith.addi %mul3A_76, %add3A_201 : i32
        %get3A_203 = arith.index_cast %add3A_202 : i32 to index
        %get3A_204 = arith.constant 16 : index
        %get3A_205 = tpu.vector_load %arg10[%get3A_203, %get3A_204] {strides = array<i32>} : memref<128x128xf32, #tpu.memory_space<vmem>>, vector<1x16xf32>,
        %get3A_206 = vector.shape_cast %get3A_205 : vector<1x16xf32> to vector<16xf32>
        %max3A_207 = arith.maximumf %max3A_200, %get3A_206 : vector<16xf32>
        %add3A_208 = arith.constant 3 : i32
        %add3A_209 = arith.addi %mul3A_76, %add3A_208 : i32
        %get3A_210 = arith.index_cast %add3A_209 : i32 to index
        %get3A_211 = arith.constant 16 : index
        %get3A_212 = tpu.vector_load %arg10[%get3A_210, %get3A_211] {strides = array<i32>} : memref<128x128xf32, #tpu.memory_space<vmem>>, vector<1x16xf32>,
        %get3A_213 = vector.shape_cast %get3A_212 : vector<1x16xf32> to vector<16xf32>
        %max3A_214 = arith.maximumf %max3A_207, %get3A_213 : vector<16xf32>
        %add3A_215 = arith.constant 4 : i32
        %add3A_216 = arith.addi %mul3A_76, %add3A_215 : i32
        %get3A_217 = arith.index_cast %add3A_216 : i32 to index
        %get3A_218 = arith.constant 16 : index
        %get3A_219 = tpu.vector_load %arg10[%get3A_217, %get3A_218] {strides = array<i32>} : memref<128x128xf32, #tpu.memory_space<vmem>>, vector<1x16xf32>,
        %get3A_220 = vector.shape_cast %get3A_219 : vector<1x16xf32> to vector<16xf32>
        %max3A_221 = arith.maximumf %max3A_214, %get3A_220 : vector<16xf32>
        %add3A_222 = arith.constant 5 : i32
        %add3A_223 = arith.addi %mul3A_76, %add3A_222 : i32
        %get3A_224 = arith.index_cast %add3A_223 : i32 to index
        %get3A_225 = arith.constant 16 : index
        %get3A_226 = tpu.vector_load %arg10[%get3A_224, %get3A_225] {strides = array<i32>} : memref<128x128xf32, #tpu.memory_space<vmem>>, vector<1x16xf32>,
        %get3A_227 = vector.shape_cast %get3A_226 : vector<1x16xf32> to vector<16xf32>
        %max3A_228 = arith.maximumf %max3A_221, %get3A_227 : vector<16xf32>
        %add3A_229 = arith.constant 6 : i32
        %add3A_230 = arith.addi %mul3A_76, %add3A_229 : i32
        %get3A_231 = arith.index_cast %add3A_230 : i32 to index
        %get3A_232 = arith.constant 16 : index
        %get3A_233 = tpu.vector_load %arg10[%get3A_231, %get3A_232] {strides = array<i32>} : memref<128x128xf32, #tpu.memory_space<vmem>>, vector<1x16xf32>,
        %get3A_234 = vector.shape_cast %get3A_233 : vector<1x16xf32> to vector<16xf32>
        %max3A_235 = arith.maximumf %max3A_228, %get3A_234 : vector<16xf32>
        %add3A_236 = arith.constant 7 : i32
        %add3A_237 = arith.addi %mul3A_76, %add3A_236 : i32
        %get3A_238 = arith.index_cast %add3A_237 : i32 to index
        %get3A_239 = arith.constant 16 : index
        %get3A_240 = tpu.vector_load %arg10[%get3A_238, %get3A_239] {strides = array<i32>} : memref<128x128xf32, #tpu.memory_space<vmem>>, vector<1x16xf32>,
        %get3A_241 = vector.shape_cast %get3A_240 : vector<1x16xf32> to vector<16xf32>
        %max3A_242 = arith.maximumf %max3A_235, %get3A_241 : vector<16xf32>
        %add3A_243 = arith.constant 8 : i32
        %add3A_244 = arith.addi %mul3A_76, %add3A_243 : i32
        %get3A_245 = arith.index_cast %add3A_244 : i32 to index
        %get3A_246 = arith.constant 16 : index
        %get3A_247 = tpu.vector_load %arg10[%get3A_245, %get3A_246] {strides = array<i32>} : memref<128x128xf32, #tpu.memory_space<vmem>>, vector<1x16xf32>,
        %get3A_248 = vector.shape_cast %get3A_247 : vector<1x16xf32> to vector<16xf32>
        %max3A_249 = arith.maximumf %max3A_242, %get3A_248 : vector<16xf32>
        %add3A_250 = arith.constant 9 : i32
        %add3A_251 = arith.addi %mul3A_76, %add3A_250 : i32
        %get3A_252 = arith.index_cast %add3A_251 : i32 to index
        %get3A_253 = arith.constant 16 : index
        %get3A_254 = tpu.vector_load %arg10[%get3A_252, %get3A_253] {strides = array<i32>} : memref<128x128xf32, #tpu.memory_space<vmem>>, vector<1x16xf32>,
        %get3A_255 = vector.shape_cast %get3A_254 : vector<1x16xf32> to vector<16xf32>
        %max3A_256 = arith.maximumf %max3A_249, %get3A_255 : vector<16xf32>
        %add3A_257 = arith.constant 10 : i32
        %add3A_258 = arith.addi %mul3A_76, %add3A_257 : i32
        %get3A_259 = arith.index_cast %add3A_258 : i32 to index
        %get3A_260 = arith.constant 16 : index
        %get3A_261 = tpu.vector_load %arg10[%get3A_259, %get3A_260] {strides = array<i32>} : memref<128x128xf32, #tpu.memory_space<vmem>>, vector<1x16xf32>,
        %get3A_262 = vector.shape_cast %get3A_261 : vector<1x16xf32> to vector<16xf32>
        %max3A_263 = arith.maximumf %max3A_256, %get3A_262 : vector<16xf32>
        %add3A_264 = arith.constant 11 : i32
        %add3A_265 = arith.addi %mul3A_76, %add3A_264 : i32
        %get3A_266 = arith.index_cast %add3A_265 : i32 to index
        %get3A_267 = arith.constant 16 : index
        %get3A_268 = tpu.vector_load %arg10[%get3A_266, %get3A_267] {strides = array<i32>} : memref<128x128xf32, #tpu.memory_space<vmem>>, vector<1x16xf32>,
        %get3A_269 = vector.shape_cast %get3A_268 : vector<1x16xf32> to vector<16xf32>
        %max3A_270 = arith.maximumf %max3A_263, %get3A_269 : vector<16xf32>
        %add3A_271 = arith.constant 12 : i32
        %add3A_272 = arith.addi %mul3A_76, %add3A_271 : i32
        %get3A_273 = arith.index_cast %add3A_272 : i32 to index
        %get3A_274 = arith.constant 16 : index
        %get3A_275 = tpu.vector_load %arg10[%get3A_273, %get3A_274] {strides = array<i32>} : memref<128x128xf32, #tpu.memory_space<vmem>>, vector<1x16xf32>,
        %get3A_276 = vector.shape_cast %get3A_275 : vector<1x16xf32> to vector<16xf32>
        %max3A_277 = arith.maximumf %max3A_270, %get3A_276 : vector<16xf32>
        %add3A_278 = arith.constant 13 : i32
        %add3A_279 = arith.addi %mul3A_76, %add3A_278 : i32
        %get3A_280 = arith.index_cast %add3A_279 : i32 to index
        %get3A_281 = arith.constant 16 : index
        %get3A_282 = tpu.vector_load %arg10[%get3A_280, %get3A_281] {strides = array<i32>} : memref<128x128xf32, #tpu.memory_space<vmem>>, vector<1x16xf32>,
        %get3A_283 = vector.shape_cast %get3A_282 : vector<1x16xf32> to vector<16xf32>
        %max3A_284 = arith.maximumf %max3A_277, %get3A_283 : vector<16xf32>
        %add3A_285 = arith.constant 14 : i32
        %add3A_286 = arith.addi %mul3A_76, %add3A_285 : i32
        %get3A_287 = arith.index_cast %add3A_286 : i32 to index
        %get3A_288 = arith.constant 16 : index
        %get3A_289 = tpu.vector_load %arg10[%get3A_287, %get3A_288] {strides = array<i32>} : memref<128x128xf32, #tpu.memory_space<vmem>>, vector<1x16xf32>,
        %get3A_290 = vector.shape_cast %get3A_289 : vector<1x16xf32> to vector<16xf32>
        %max3A_291 = arith.maximumf %max3A_284, %get3A_290 : vector<16xf32>
        %add3A_292 = arith.constant 15 : i32
        %add3A_293 = arith.addi %mul3A_76, %add3A_292 : i32
        %get3A_294 = arith.index_cast %add3A_293 : i32 to index
        %get3A_295 = arith.constant 16 : index
        %get3A_296 = tpu.vector_load %arg10[%get3A_294, %get3A_295] {strides = array<i32>} : memref<128x128xf32, #tpu.memory_space<vmem>>, vector<1x16xf32>,
        %get3A_297 = vector.shape_cast %get3A_296 : vector<1x16xf32> to vector<16xf32>
        %max3A_298 = arith.maximumf %max3A_291, %get3A_297 : vector<16xf32>
        %add3A_299 = arith.constant 8 : i32
        %add3A_300 = arith.addi %add3A_299, %scan3A_74 : i32
        %swap3A_301 = arith.index_cast %add3A_300 : i32 to index
        %swap3A_302 = arith.constant 16 : index
        %swap3A_303 = tpu.vector_load %arg13[%swap3A_301, %swap3A_302] {strides = array<i32>} : memref<32x128xf32, #tpu.memory_space<vmem>>, vector<1x16xf32>,
        %swap3A_304 = vector.shape_cast %swap3A_303 : vector<1x16xf32> to vector<16xf32>
        %swap3A_305 = vector.shape_cast %max3A_298 : vector<16xf32> to vector<1x16xf32>
        tpu.vector_store %arg13[%swap3A_301, %swap3A_302], %swap3A_305 {strides = array<i32>} : memref<32x128xf32, #tpu.memory_space<vmem>>, vector<1x16xf32>,
        %get3A_306 = arith.index_cast %mul3A_76 : i32 to index
        %get3A_307 = arith.constant 32 : index
        %get3A_308 = tpu.vector_load %arg10[%get3A_306, %get3A_307] {strides = array<i32>} : memref<128x128xf32, #tpu.memory_space<vmem>>, vector<1x16xf32>,
        %get3A_309 = vector.shape_cast %get3A_308 : vector<1x16xf32> to vector<16xf32>
        %add3A_310 = arith.constant 1 : i32
        %add3A_311 = arith.addi %mul3A_76, %add3A_310 : i32
        %get3A_312 = arith.index_cast %add3A_311 : i32 to index
        %get3A_313 = arith.constant 32 : index
        %get3A_314 = tpu.vector_load %arg10[%get3A_312, %get3A_313] {strides = array<i32>} : memref<128x128xf32, #tpu.memory_space<vmem>>, vector<1x16xf32>,
        %get3A_315 = vector.shape_cast %get3A_314 : vector<1x16xf32> to vector<16xf32>
        %max3A_316 = arith.maximumf %get3A_309, %get3A_315 : vector<16xf32>
        %add3A_317 = arith.constant 2 : i32
        %add3A_318 = arith.addi %mul3A_76, %add3A_317 : i32
        %get3A_319 = arith.index_cast %add3A_318 : i32 to index
        %get3A_320 = arith.constant 32 : index
        %get3A_321 = tpu.vector_load %arg10[%get3A_319, %get3A_320] {strides = array<i32>} : memref<128x128xf32, #tpu.memory_space<vmem>>, vector<1x16xf32>,
        %get3A_322 = vector.shape_cast %get3A_321 : vector<1x16xf32> to vector<16xf32>
        %max3A_323 = arith.maximumf %max3A_316, %get3A_322 : vector<16xf32>
        %add3A_324 = arith.constant 3 : i32
        %add3A_325 = arith.addi %mul3A_76, %add3A_324 : i32
        %get3A_326 = arith.index_cast %add3A_325 : i32 to index
        %get3A_327 = arith.constant 32 : index
        %get3A_328 = tpu.vector_load %arg10[%get3A_326, %get3A_327] {strides = array<i32>} : memref<128x128xf32, #tpu.memory_space<vmem>>, vector<1x16xf32>,
        %get3A_329 = vector.shape_cast %get3A_328 : vector<1x16xf32> to vector<16xf32>
        %max3A_330 = arith.maximumf %max3A_323, %get3A_329 : vector<16xf32>
        %add3A_331 = arith.constant 4 : i32
        %add3A_332 = arith.addi %mul3A_76, %add3A_331 : i32
        %get3A_333 = arith.index_cast %add3A_332 : i32 to index
        %get3A_334 = arith.constant 32 : index
        %get3A_335 = tpu.vector_load %arg10[%get3A_333, %get3A_334] {strides = array<i32>} : memref<128x128xf32, #tpu.memory_space<vmem>>, vector<1x16xf32>,
        %get3A_336 = vector.shape_cast %get3A_335 : vector<1x16xf32> to vector<16xf32>
        %max3A_337 = arith.maximumf %max3A_330, %get3A_336 : vector<16xf32>
        %add3A_338 = arith.constant 5 : i32
        %add3A_339 = arith.addi %mul3A_76, %add3A_338 : i32
        %get3A_340 = arith.index_cast %add3A_339 : i32 to index
        %get3A_341 = arith.constant 32 : index
        %get3A_342 = tpu.vector_load %arg10[%get3A_340, %get3A_341] {strides = array<i32>} : memref<128x128xf32, #tpu.memory_space<vmem>>, vector<1x16xf32>,
        %get3A_343 = vector.shape_cast %get3A_342 : vector<1x16xf32> to vector<16xf32>
        %max3A_344 = arith.maximumf %max3A_337, %get3A_343 : vector<16xf32>
        %add3A_345 = arith.constant 6 : i32
        %add3A_346 = arith.addi %mul3A_76, %add3A_345 : i32
        %get3A_347 = arith.index_cast %add3A_346 : i32 to index
        %get3A_348 = arith.constant 32 : index
        %get3A_349 = tpu.vector_load %arg10[%get3A_347, %get3A_348] {strides = array<i32>} : memref<128x128xf32, #tpu.memory_space<vmem>>, vector<1x16xf32>,
        %get3A_350 = vector.shape_cast %get3A_349 : vector<1x16xf32> to vector<16xf32>
        %max3A_351 = arith.maximumf %max3A_344, %get3A_350 : vector<16xf32>
        %add3A_352 = arith.constant 7 : i32
        %add3A_353 = arith.addi %mul3A_76, %add3A_352 : i32
        %get3A_354 = arith.index_cast %add3A_353 : i32 to index
        %get3A_355 = arith.constant 32 : index
        %get3A_356 = tpu.vector_load %arg10[%get3A_354, %get3A_355] {strides = array<i32>} : memref<128x128xf32, #tpu.memory_space<vmem>>, vector<1x16xf32>,
        %get3A_357 = vector.shape_cast %get3A_356 : vector<1x16xf32> to vector<16xf32>
        %max3A_358 = arith.maximumf %max3A_351, %get3A_357 : vector<16xf32>
        %add3A_359 = arith.constant 8 : i32
        %add3A_360 = arith.addi %mul3A_76, %add3A_359 : i32
        %get3A_361 = arith.index_cast %add3A_360 : i32 to index
        %get3A_362 = arith.constant 32 : index
        %get3A_363 = tpu.vector_load %arg10[%get3A_361, %get3A_362] {strides = array<i32>} : memref<128x128xf32, #tpu.memory_space<vmem>>, vector<1x16xf32>,
        %get3A_364 = vector.shape_cast %get3A_363 : vector<1x16xf32> to vector<16xf32>
        %max3A_365 = arith.maximumf %max3A_358, %get3A_364 : vector<16xf32>
        %add3A_366 = arith.constant 9 : i32
        %add3A_367 = arith.addi %mul3A_76, %add3A_366 : i32
        %get3A_368 = arith.index_cast %add3A_367 : i32 to index
        %get3A_369 = arith.constant 32 : index
        %get3A_370 = tpu.vector_load %arg10[%get3A_368, %get3A_369] {strides = array<i32>} : memref<128x128xf32, #tpu.memory_space<vmem>>, vector<1x16xf32>,
        %get3A_371 = vector.shape_cast %get3A_370 : vector<1x16xf32> to vector<16xf32>
        %max3A_372 = arith.maximumf %max3A_365, %get3A_371 : vector<16xf32>
        %add3A_373 = arith.constant 10 : i32
        %add3A_374 = arith.addi %mul3A_76, %add3A_373 : i32
        %get3A_375 = arith.index_cast %add3A_374 : i32 to index
        %get3A_376 = arith.constant 32 : index
        %get3A_377 = tpu.vector_load %arg10[%get3A_375, %get3A_376] {strides = array<i32>} : memref<128x128xf32, #tpu.memory_space<vmem>>, vector<1x16xf32>,
        %get3A_378 = vector.shape_cast %get3A_377 : vector<1x16xf32> to vector<16xf32>
        %max3A_379 = arith.maximumf %max3A_372, %get3A_378 : vector<16xf32>
        %add3A_380 = arith.constant 11 : i32
        %add3A_381 = arith.addi %mul3A_76, %add3A_380 : i32
        %get3A_382 = arith.index_cast %add3A_381 : i32 to index
        %get3A_383 = arith.constant 32 : index
        %get3A_384 = tpu.vector_load %arg10[%get3A_382, %get3A_383] {strides = array<i32>} : memref<128x128xf32, #tpu.memory_space<vmem>>, vector<1x16xf32>,
        %get3A_385 = vector.shape_cast %get3A_384 : vector<1x16xf32> to vector<16xf32>
        %max3A_386 = arith.maximumf %max3A_379, %get3A_385 : vector<16xf32>
        %add3A_387 = arith.constant 12 : i32
        %add3A_388 = arith.addi %mul3A_76, %add3A_387 : i32
        %get3A_389 = arith.index_cast %add3A_388 : i32 to index
        %get3A_390 = arith.constant 32 : index
        %get3A_391 = tpu.vector_load %arg10[%get3A_389, %get3A_390] {strides = array<i32>} : memref<128x128xf32, #tpu.memory_space<vmem>>, vector<1x16xf32>,
        %get3A_392 = vector.shape_cast %get3A_391 : vector<1x16xf32> to vector<16xf32>
        %max3A_393 = arith.maximumf %max3A_386, %get3A_392 : vector<16xf32>
        %add3A_394 = arith.constant 13 : i32
        %add3A_395 = arith.addi %mul3A_76, %add3A_394 : i32
        %get3A_396 = arith.index_cast %add3A_395 : i32 to index
        %get3A_397 = arith.constant 32 : index
        %get3A_398 = tpu.vector_load %arg10[%get3A_396, %get3A_397] {strides = array<i32>} : memref<128x128xf32, #tpu.memory_space<vmem>>, vector<1x16xf32>,
        %get3A_399 = vector.shape_cast %get3A_398 : vector<1x16xf32> to vector<16xf32>
        %max3A_400 = arith.maximumf %max3A_393, %get3A_399 : vector<16xf32>
        %add3A_401 = arith.constant 14 : i32
        %add3A_402 = arith.addi %mul3A_76, %add3A_401 : i32
        %get3A_403 = arith.index_cast %add3A_402 : i32 to index
        %get3A_404 = arith.constant 32 : index
        %get3A_405 = tpu.vector_load %arg10[%get3A_403, %get3A_404] {strides = array<i32>} : memref<128x128xf32, #tpu.memory_space<vmem>>, vector<1x16xf32>,
        %get3A_406 = vector.shape_cast %get3A_405 : vector<1x16xf32> to vector<16xf32>
        %max3A_407 = arith.maximumf %max3A_400, %get3A_406 : vector<16xf32>
        %add3A_408 = arith.constant 15 : i32
        %add3A_409 = arith.addi %mul3A_76, %add3A_408 : i32
        %get3A_410 = arith.index_cast %add3A_409 : i32 to index
        %get3A_411 = arith.constant 32 : index
        %get3A_412 = tpu.vector_load %arg10[%get3A_410, %get3A_411] {strides = array<i32>} : memref<128x128xf32, #tpu.memory_space<vmem>>, vector<1x16xf32>,
        %get3A_413 = vector.shape_cast %get3A_412 : vector<1x16xf32> to vector<16xf32>
        %max3A_414 = arith.maximumf %max3A_407, %get3A_413 : vector<16xf32>
        %add3A_415 = arith.constant 8 : i32
        %add3A_416 = arith.addi %add3A_415, %scan3A_74 : i32
        %swap3A_417 = arith.index_cast %add3A_416 : i32 to index
        %swap3A_418 = arith.constant 32 : index
        %swap3A_419 = tpu.vector_load %arg13[%swap3A_417, %swap3A_418] {strides = array<i32>} : memref<32x128xf32, #tpu.memory_space<vmem>>, vector<1x16xf32>,
        %swap3A_420 = vector.shape_cast %swap3A_419 : vector<1x16xf32> to vector<16xf32>
        %swap3A_421 = vector.shape_cast %max3A_414 : vector<16xf32> to vector<1x16xf32>
        tpu.vector_store %arg13[%swap3A_417, %swap3A_418], %swap3A_421 {strides = array<i32>} : memref<32x128xf32, #tpu.memory_space<vmem>>, vector<1x16xf32>,
        %get3A_422 = arith.index_cast %mul3A_76 : i32 to index
        %get3A_423 = arith.constant 48 : index
        %get3A_424 = tpu.vector_load %arg10[%get3A_422, %get3A_423] {strides = array<i32>} : memref<128x128xf32, #tpu.memory_space<vmem>>, vector<1x16xf32>,
        %get3A_425 = vector.shape_cast %get3A_424 : vector<1x16xf32> to vector<16xf32>
        %add3A_426 = arith.constant 1 : i32
        %add3A_427 = arith.addi %mul3A_76, %add3A_426 : i32
        %get3A_428 = arith.index_cast %add3A_427 : i32 to index
        %get3A_429 = arith.constant 48 : index
        %get3A_430 = tpu.vector_load %arg10[%get3A_428, %get3A_429] {strides = array<i32>} : memref<128x128xf32, #tpu.memory_space<vmem>>, vector<1x16xf32>,
        %get3A_431 = vector.shape_cast %get3A_430 : vector<1x16xf32> to vector<16xf32>
        %max3A_432 = arith.maximumf %get3A_425, %get3A_431 : vector<16xf32>
        %add3A_433 = arith.constant 2 : i32
        %add3A_434 = arith.addi %mul3A_76, %add3A_433 : i32
        %get3A_435 = arith.index_cast %add3A_434 : i32 to index
        %get3A_436 = arith.constant 48 : index
        %get3A_437 = tpu.vector_load %arg10[%get3A_435, %get3A_436] {strides = array<i32>} : memref<128x128xf32, #tpu.memory_space<vmem>>, vector<1x16xf32>,
        %get3A_438 = vector.shape_cast %get3A_437 : vector<1x16xf32> to vector<16xf32>
        %max3A_439 = arith.maximumf %max3A_432, %get3A_438 : vector<16xf32>
        %add3A_440 = arith.constant 3 : i32
        %add3A_441 = arith.addi %mul3A_76, %add3A_440 : i32
        %get3A_442 = arith.index_cast %add3A_441 : i32 to index
        %get3A_443 = arith.constant 48 : index
        %get3A_444 = tpu.vector_load %arg10[%get3A_442, %get3A_443] {strides = array<i32>} : memref<128x128xf32, #tpu.memory_space<vmem>>, vector<1x16xf32>,
        %get3A_445 = vector.shape_cast %get3A_444 : vector<1x16xf32> to vector<16xf32>
        %max3A_446 = arith.maximumf %max3A_439, %get3A_445 : vector<16xf32>
        %add3A_447 = arith.constant 4 : i32
        %add3A_448 = arith.addi %mul3A_76, %add3A_447 : i32
        %get3A_449 = arith.index_cast %add3A_448 : i32 to index
        %get3A_450 = arith.constant 48 : index
        %get3A_451 = tpu.vector_load %arg10[%get3A_449, %get3A_450] {strides = array<i32>} : memref<128x128xf32, #tpu.memory_space<vmem>>, vector<1x16xf32>,
        %get3A_452 = vector.shape_cast %get3A_451 : vector<1x16xf32> to vector<16xf32>
        %max3A_453 = arith.maximumf %max3A_446, %get3A_452 : vector<16xf32>
        %add3A_454 = arith.constant 5 : i32
        %add3A_455 = arith.addi %mul3A_76, %add3A_454 : i32
        %get3A_456 = arith.index_cast %add3A_455 : i32 to index
        %get3A_457 = arith.constant 48 : index
        %get3A_458 = tpu.vector_load %arg10[%get3A_456, %get3A_457] {strides = array<i32>} : memref<128x128xf32, #tpu.memory_space<vmem>>, vector<1x16xf32>,
        %get3A_459 = vector.shape_cast %get3A_458 : vector<1x16xf32> to vector<16xf32>
        %max3A_460 = arith.maximumf %max3A_453, %get3A_459 : vector<16xf32>
        %add3A_461 = arith.constant 6 : i32
        %add3A_462 = arith.addi %mul3A_76, %add3A_461 : i32
        %get3A_463 = arith.index_cast %add3A_462 : i32 to index
        %get3A_464 = arith.constant 48 : index
        %get3A_465 = tpu.vector_load %arg10[%get3A_463, %get3A_464] {strides = array<i32>} : memref<128x128xf32, #tpu.memory_space<vmem>>, vector<1x16xf32>,
        %get3A_466 = vector.shape_cast %get3A_465 : vector<1x16xf32> to vector<16xf32>
        %max3A_467 = arith.maximumf %max3A_460, %get3A_466 : vector<16xf32>
        %add3A_468 = arith.constant 7 : i32
        %add3A_469 = arith.addi %mul3A_76, %add3A_468 : i32
        %get3A_470 = arith.index_cast %add3A_469 : i32 to index
        %get3A_471 = arith.constant 48 : index
        %get3A_472 = tpu.vector_load %arg10[%get3A_470, %get3A_471] {strides = array<i32>} : memref<128x128xf32, #tpu.memory_space<vmem>>, vector<1x16xf32>,
        %get3A_473 = vector.shape_cast %get3A_472 : vector<1x16xf32> to vector<16xf32>
        %max3A_474 = arith.maximumf %max3A_467, %get3A_473 : vector<16xf32>
        %add3A_475 = arith.constant 8 : i32
        %add3A_476 = arith.addi %mul3A_76, %add3A_475 : i32
        %get3A_477 = arith.index_cast %add3A_476 : i32 to index
        %get3A_478 = arith.constant 48 : index
        %get3A_479 = tpu.vector_load %arg10[%get3A_477, %get3A_478] {strides = array<i32>} : memref<128x128xf32, #tpu.memory_space<vmem>>, vector<1x16xf32>,
        %get3A_480 = vector.shape_cast %get3A_479 : vector<1x16xf32> to vector<16xf32>
        %max3A_481 = arith.maximumf %max3A_474, %get3A_480 : vector<16xf32>
        %add3A_482 = arith.constant 9 : i32
        %add3A_483 = arith.addi %mul3A_76, %add3A_482 : i32
        %get3A_484 = arith.index_cast %add3A_483 : i32 to index
        %get3A_485 = arith.constant 48 : index
        %get3A_486 = tpu.vector_load %arg10[%get3A_484, %get3A_485] {strides = array<i32>} : memref<128x128xf32, #tpu.memory_space<vmem>>, vector<1x16xf32>,
        %get3A_487 = vector.shape_cast %get3A_486 : vector<1x16xf32> to vector<16xf32>
        %max3A_488 = arith.maximumf %max3A_481, %get3A_487 : vector<16xf32>
        %add3A_489 = arith.constant 10 : i32
        %add3A_490 = arith.addi %mul3A_76, %add3A_489 : i32
        %get3A_491 = arith.index_cast %add3A_490 : i32 to index
        %get3A_492 = arith.constant 48 : index
        %get3A_493 = tpu.vector_load %arg10[%get3A_491, %get3A_492] {strides = array<i32>} : memref<128x128xf32, #tpu.memory_space<vmem>>, vector<1x16xf32>,
        %get3A_494 = vector.shape_cast %get3A_493 : vector<1x16xf32> to vector<16xf32>
        %max3A_495 = arith.maximumf %max3A_488, %get3A_494 : vector<16xf32>
        %add3A_496 = arith.constant 11 : i32
        %add3A_497 = arith.addi %mul3A_76, %add3A_496 : i32
        %get3A_498 = arith.index_cast %add3A_497 : i32 to index
        %get3A_499 = arith.constant 48 : index
        %get3A_500 = tpu.vector_load %arg10[%get3A_498, %get3A_499] {strides = array<i32>} : memref<128x128xf32, #tpu.memory_space<vmem>>, vector<1x16xf32>,
        %get3A_501 = vector.shape_cast %get3A_500 : vector<1x16xf32> to vector<16xf32>
        %max3A_502 = arith.maximumf %max3A_495, %get3A_501 : vector<16xf32>
        %add3A_503 = arith.constant 12 : i32
        %add3A_504 = arith.addi %mul3A_76, %add3A_503 : i32
        %get3A_505 = arith.index_cast %add3A_504 : i32 to index
        %get3A_506 = arith.constant 48 : index
        %get3A_507 = tpu.vector_load %arg10[%get3A_505, %get3A_506] {strides = array<i32>} : memref<128x128xf32, #tpu.memory_space<vmem>>, vector<1x16xf32>,
        %get3A_508 = vector.shape_cast %get3A_507 : vector<1x16xf32> to vector<16xf32>
        %max3A_509 = arith.maximumf %max3A_502, %get3A_508 : vector<16xf32>
        %add3A_510 = arith.constant 13 : i32
        %add3A_511 = arith.addi %mul3A_76, %add3A_510 : i32
        %get3A_512 = arith.index_cast %add3A_511 : i32 to index
        %get3A_513 = arith.constant 48 : index
        %get3A_514 = tpu.vector_load %arg10[%get3A_512, %get3A_513] {strides = array<i32>} : memref<128x128xf32, #tpu.memory_space<vmem>>, vector<1x16xf32>,
        %get3A_515 = vector.shape_cast %get3A_514 : vector<1x16xf32> to vector<16xf32>
        %max3A_516 = arith.maximumf %max3A_509, %get3A_515 : vector<16xf32>
        %add3A_517 = arith.constant 14 : i32
        %add3A_518 = arith.addi %mul3A_76, %add3A_517 : i32
        %get3A_519 = arith.index_cast %add3A_518 : i32 to index
        %get3A_520 = arith.constant 48 : index
        %get3A_521 = tpu.vector_load %arg10[%get3A_519, %get3A_520] {strides = array<i32>} : memref<128x128xf32, #tpu.memory_space<vmem>>, vector<1x16xf32>,
        %get3A_522 = vector.shape_cast %get3A_521 : vector<1x16xf32> to vector<16xf32>
        %max3A_523 = arith.maximumf %max3A_516, %get3A_522 : vector<16xf32>
        %add3A_524 = arith.constant 15 : i32
        %add3A_525 = arith.addi %mul3A_76, %add3A_524 : i32
        %get3A_526 = arith.index_cast %add3A_525 : i32 to index
        %get3A_527 = arith.constant 48 : index
        %get3A_528 = tpu.vector_load %arg10[%get3A_526, %get3A_527] {strides = array<i32>} : memref<128x128xf32, #tpu.memory_space<vmem>>, vector<1x16xf32>,
        %get3A_529 = vector.shape_cast %get3A_528 : vector<1x16xf32> to vector<16xf32>
        %max3A_530 = arith.maximumf %max3A_523, %get3A_529 : vector<16xf32>
        %add3A_531 = arith.constant 8 : i32
        %add3A_532 = arith.addi %add3A_531, %scan3A_74 : i32
        %swap3A_533 = arith.index_cast %add3A_532 : i32 to index
        %swap3A_534 = arith.constant 48 : index
        %swap3A_535 = tpu.vector_load %arg13[%swap3A_533, %swap3A_534] {strides = array<i32>} : memref<32x128xf32, #tpu.memory_space<vmem>>, vector<1x16xf32>,
        %swap3A_536 = vector.shape_cast %swap3A_535 : vector<1x16xf32> to vector<16xf32>
        %swap3A_537 = vector.shape_cast %max3A_530 : vector<16xf32> to vector<1x16xf32>
        tpu.vector_store %arg13[%swap3A_533, %swap3A_534], %swap3A_537 {strides = array<i32>} : memref<32x128xf32, #tpu.memory_space<vmem>>, vector<1x16xf32>,
        %get3A_538 = arith.index_cast %mul3A_76 : i32 to index
        %get3A_539 = arith.constant 64 : index
        %get3A_540 = tpu.vector_load %arg10[%get3A_538, %get3A_539] {strides = array<i32>} : memref<128x128xf32, #tpu.memory_space<vmem>>, vector<1x16xf32>,
        %get3A_541 = vector.shape_cast %get3A_540 : vector<1x16xf32> to vector<16xf32>
        %add3A_542 = arith.constant 1 : i32
        %add3A_543 = arith.addi %mul3A_76, %add3A_542 : i32
        %get3A_544 = arith.index_cast %add3A_543 : i32 to index
        %get3A_545 = arith.constant 64 : index
        %get3A_546 = tpu.vector_load %arg10[%get3A_544, %get3A_545] {strides = array<i32>} : memref<128x128xf32, #tpu.memory_space<vmem>>, vector<1x16xf32>,
        %get3A_547 = vector.shape_cast %get3A_546 : vector<1x16xf32> to vector<16xf32>
        %max3A_548 = arith.maximumf %get3A_541, %get3A_547 : vector<16xf32>
        %add3A_549 = arith.constant 2 : i32
        %add3A_550 = arith.addi %mul3A_76, %add3A_549 : i32
        %get3A_551 = arith.index_cast %add3A_550 : i32 to index
        %get3A_552 = arith.constant 64 : index
        %get3A_553 = tpu.vector_load %arg10[%get3A_551, %get3A_552] {strides = array<i32>} : memref<128x128xf32, #tpu.memory_space<vmem>>, vector<1x16xf32>,
        %get3A_554 = vector.shape_cast %get3A_553 : vector<1x16xf32> to vector<16xf32>
        %max3A_555 = arith.maximumf %max3A_548, %get3A_554 : vector<16xf32>
        %add3A_556 = arith.constant 3 : i32
        %add3A_557 = arith.addi %mul3A_76, %add3A_556 : i32
        %get3A_558 = arith.index_cast %add3A_557 : i32 to index
        %get3A_559 = arith.constant 64 : index
        %get3A_560 = tpu.vector_load %arg10[%get3A_558, %get3A_559] {strides = array<i32>} : memref<128x128xf32, #tpu.memory_space<vmem>>, vector<1x16xf32>,
        %get3A_561 = vector.shape_cast %get3A_560 : vector<1x16xf32> to vector<16xf32>
        %max3A_562 = arith.maximumf %max3A_555, %get3A_561 : vector<16xf32>
        %add3A_563 = arith.constant 4 : i32
        %add3A_564 = arith.addi %mul3A_76, %add3A_563 : i32
        %get3A_565 = arith.index_cast %add3A_564 : i32 to index
        %get3A_566 = arith.constant 64 : index
        %get3A_567 = tpu.vector_load %arg10[%get3A_565, %get3A_566] {strides = array<i32>} : memref<128x128xf32, #tpu.memory_space<vmem>>, vector<1x16xf32>,
        %get3A_568 = vector.shape_cast %get3A_567 : vector<1x16xf32> to vector<16xf32>
        %max3A_569 = arith.maximumf %max3A_562, %get3A_568 : vector<16xf32>
        %add3A_570 = arith.constant 5 : i32
        %add3A_571 = arith.addi %mul3A_76, %add3A_570 : i32
        %get3A_572 = arith.index_cast %add3A_571 : i32 to index
        %get3A_573 = arith.constant 64 : index
        %get3A_574 = tpu.vector_load %arg10[%get3A_572, %get3A_573] {strides = array<i32>} : memref<128x128xf32, #tpu.memory_space<vmem>>, vector<1x16xf32>,
        %get3A_575 = vector.shape_cast %get3A_574 : vector<1x16xf32> to vector<16xf32>
        %max3A_576 = arith.maximumf %max3A_569, %get3A_575 : vector<16xf32>
        %add3A_577 = arith.constant 6 : i32
        %add3A_578 = arith.addi %mul3A_76, %add3A_577 : i32
        %get3A_579 = arith.index_cast %add3A_578 : i32 to index
        %get3A_580 = arith.constant 64 : index
        %get3A_581 = tpu.vector_load %arg10[%get3A_579, %get3A_580] {strides = array<i32>} : memref<128x128xf32, #tpu.memory_space<vmem>>, vector<1x16xf32>,
        %get3A_582 = vector.shape_cast %get3A_581 : vector<1x16xf32> to vector<16xf32>
        %max3A_583 = arith.maximumf %max3A_576, %get3A_582 : vector<16xf32>
        %add3A_584 = arith.constant 7 : i32
        %add3A_585 = arith.addi %mul3A_76, %add3A_584 : i32
        %get3A_586 = arith.index_cast %add3A_585 : i32 to index
        %get3A_587 = arith.constant 64 : index
        %get3A_588 = tpu.vector_load %arg10[%get3A_586, %get3A_587] {strides = array<i32>} : memref<128x128xf32, #tpu.memory_space<vmem>>, vector<1x16xf32>,
        %get3A_589 = vector.shape_cast %get3A_588 : vector<1x16xf32> to vector<16xf32>
        %max3A_590 = arith.maximumf %max3A_583, %get3A_589 : vector<16xf32>
        %add3A_591 = arith.constant 8 : i32
        %add3A_592 = arith.addi %mul3A_76, %add3A_591 : i32
        %get3A_593 = arith.index_cast %add3A_592 : i32 to index
        %get3A_594 = arith.constant 64 : index
        %get3A_595 = tpu.vector_load %arg10[%get3A_593, %get3A_594] {strides = array<i32>} : memref<128x128xf32, #tpu.memory_space<vmem>>, vector<1x16xf32>,
        %get3A_596 = vector.shape_cast %get3A_595 : vector<1x16xf32> to vector<16xf32>
        %max3A_597 = arith.maximumf %max3A_590, %get3A_596 : vector<16xf32>
        %add3A_598 = arith.constant 9 : i32
        %add3A_599 = arith.addi %mul3A_76, %add3A_598 : i32
        %get3A_600 = arith.index_cast %add3A_599 : i32 to index
        %get3A_601 = arith.constant 64 : index
        %get3A_602 = tpu.vector_load %arg10[%get3A_600, %get3A_601] {strides = array<i32>} : memref<128x128xf32, #tpu.memory_space<vmem>>, vector<1x16xf32>,
        %get3A_603 = vector.shape_cast %get3A_602 : vector<1x16xf32> to vector<16xf32>
        %max3A_604 = arith.maximumf %max3A_597, %get3A_603 : vector<16xf32>
        %add3A_605 = arith.constant 10 : i32
        %add3A_606 = arith.addi %mul3A_76, %add3A_605 : i32
        %get3A_607 = arith.index_cast %add3A_606 : i32 to index
        %get3A_608 = arith.constant 64 : index
        %get3A_609 = tpu.vector_load %arg10[%get3A_607, %get3A_608] {strides = array<i32>} : memref<128x128xf32, #tpu.memory_space<vmem>>, vector<1x16xf32>,
        %get3A_610 = vector.shape_cast %get3A_609 : vector<1x16xf32> to vector<16xf32>
        %max3A_611 = arith.maximumf %max3A_604, %get3A_610 : vector<16xf32>
        %add3A_612 = arith.constant 11 : i32
        %add3A_613 = arith.addi %mul3A_76, %add3A_612 : i32
        %get3A_614 = arith.index_cast %add3A_613 : i32 to index
        %get3A_615 = arith.constant 64 : index
        %get3A_616 = tpu.vector_load %arg10[%get3A_614, %get3A_615] {strides = array<i32>} : memref<128x128xf32, #tpu.memory_space<vmem>>, vector<1x16xf32>,
        %get3A_617 = vector.shape_cast %get3A_616 : vector<1x16xf32> to vector<16xf32>
        %max3A_618 = arith.maximumf %max3A_611, %get3A_617 : vector<16xf32>
        %add3A_619 = arith.constant 12 : i32
        %add3A_620 = arith.addi %mul3A_76, %add3A_619 : i32
        %get3A_621 = arith.index_cast %add3A_620 : i32 to index
        %get3A_622 = arith.constant 64 : index
        %get3A_623 = tpu.vector_load %arg10[%get3A_621, %get3A_622] {strides = array<i32>} : memref<128x128xf32, #tpu.memory_space<vmem>>, vector<1x16xf32>,
        %get3A_624 = vector.shape_cast %get3A_623 : vector<1x16xf32> to vector<16xf32>
        %max3A_625 = arith.maximumf %max3A_618, %get3A_624 : vector<16xf32>
        %add3A_626 = arith.constant 13 : i32
        %add3A_627 = arith.addi %mul3A_76, %add3A_626 : i32
        %get3A_628 = arith.index_cast %add3A_627 : i32 to index
        %get3A_629 = arith.constant 64 : index
        %get3A_630 = tpu.vector_load %arg10[%get3A_628, %get3A_629] {strides = array<i32>} : memref<128x128xf32, #tpu.memory_space<vmem>>, vector<1x16xf32>,
        %get3A_631 = vector.shape_cast %get3A_630 : vector<1x16xf32> to vector<16xf32>
        %max3A_632 = arith.maximumf %max3A_625, %get3A_631 : vector<16xf32>
        %add3A_633 = arith.constant 14 : i32
        %add3A_634 = arith.addi %mul3A_76, %add3A_633 : i32
        %get3A_635 = arith.index_cast %add3A_634 : i32 to index
        %get3A_636 = arith.constant 64 : index
        %get3A_637 = tpu.vector_load %arg10[%get3A_635, %get3A_636] {strides = array<i32>} : memref<128x128xf32, #tpu.memory_space<vmem>>, vector<1x16xf32>,
        %get3A_638 = vector.shape_cast %get3A_637 : vector<1x16xf32> to vector<16xf32>
        %max3A_639 = arith.maximumf %max3A_632, %get3A_638 : vector<16xf32>
        %add3A_640 = arith.constant 15 : i32
        %add3A_641 = arith.addi %mul3A_76, %add3A_640 : i32
        %get3A_642 = arith.index_cast %add3A_641 : i32 to index
        %get3A_643 = arith.constant 64 : index
        %get3A_644 = tpu.vector_load %arg10[%get3A_642, %get3A_643] {strides = array<i32>} : memref<128x128xf32, #tpu.memory_space<vmem>>, vector<1x16xf32>,
        %get3A_645 = vector.shape_cast %get3A_644 : vector<1x16xf32> to vector<16xf32>
        %max3A_646 = arith.maximumf %max3A_639, %get3A_645 : vector<16xf32>
        %add3A_647 = arith.constant 8 : i32
        %add3A_648 = arith.addi %add3A_647, %scan3A_74 : i32
        %swap3A_649 = arith.index_cast %add3A_648 : i32 to index
        %swap3A_650 = arith.constant 64 : index
        %swap3A_651 = tpu.vector_load %arg13[%swap3A_649, %swap3A_650] {strides = array<i32>} : memref<32x128xf32, #tpu.memory_space<vmem>>, vector<1x16xf32>,
        %swap3A_652 = vector.shape_cast %swap3A_651 : vector<1x16xf32> to vector<16xf32>
        %swap3A_653 = vector.shape_cast %max3A_646 : vector<16xf32> to vector<1x16xf32>
        tpu.vector_store %arg13[%swap3A_649, %swap3A_650], %swap3A_653 {strides = array<i32>} : memref<32x128xf32, #tpu.memory_space<vmem>>, vector<1x16xf32>,
        %get3A_654 = arith.index_cast %mul3A_76 : i32 to index
        %get3A_655 = arith.constant 80 : index
        %get3A_656 = tpu.vector_load %arg10[%get3A_654, %get3A_655] {strides = array<i32>} : memref<128x128xf32, #tpu.memory_space<vmem>>, vector<1x16xf32>,
        %get3A_657 = vector.shape_cast %get3A_656 : vector<1x16xf32> to vector<16xf32>
        %add3A_658 = arith.constant 1 : i32
        %add3A_659 = arith.addi %mul3A_76, %add3A_658 : i32
        %get3A_660 = arith.index_cast %add3A_659 : i32 to index
        %get3A_661 = arith.constant 80 : index
        %get3A_662 = tpu.vector_load %arg10[%get3A_660, %get3A_661] {strides = array<i32>} : memref<128x128xf32, #tpu.memory_space<vmem>>, vector<1x16xf32>,
        %get3A_663 = vector.shape_cast %get3A_662 : vector<1x16xf32> to vector<16xf32>
        %max3A_664 = arith.maximumf %get3A_657, %get3A_663 : vector<16xf32>
        %add3A_665 = arith.constant 2 : i32
        %add3A_666 = arith.addi %mul3A_76, %add3A_665 : i32
        %get3A_667 = arith.index_cast %add3A_666 : i32 to index
        %get3A_668 = arith.constant 80 : index
        %get3A_669 = tpu.vector_load %arg10[%get3A_667, %get3A_668] {strides = array<i32>} : memref<128x128xf32, #tpu.memory_space<vmem>>, vector<1x16xf32>,
        %get3A_670 = vector.shape_cast %get3A_669 : vector<1x16xf32> to vector<16xf32>
        %max3A_671 = arith.maximumf %max3A_664, %get3A_670 : vector<16xf32>
        %add3A_672 = arith.constant 3 : i32
        %add3A_673 = arith.addi %mul3A_76, %add3A_672 : i32
        %get3A_674 = arith.index_cast %add3A_673 : i32 to index
        %get3A_675 = arith.constant 80 : index
        %get3A_676 = tpu.vector_load %arg10[%get3A_674, %get3A_675] {strides = array<i32>} : memref<128x128xf32, #tpu.memory_space<vmem>>, vector<1x16xf32>,
        %get3A_677 = vector.shape_cast %get3A_676 : vector<1x16xf32> to vector<16xf32>
        %max3A_678 = arith.maximumf %max3A_671, %get3A_677 : vector<16xf32>
        %add3A_679 = arith.constant 4 : i32
        %add3A_680 = arith.addi %mul3A_76, %add3A_679 : i32
        %get3A_681 = arith.index_cast %add3A_680 : i32 to index
        %get3A_682 = arith.constant 80 : index
        %get3A_683 = tpu.vector_load %arg10[%get3A_681, %get3A_682] {strides = array<i32>} : memref<128x128xf32, #tpu.memory_space<vmem>>, vector<1x16xf32>,
        %get3A_684 = vector.shape_cast %get3A_683 : vector<1x16xf32> to vector<16xf32>
        %max3A_685 = arith.maximumf %max3A_678, %get3A_684 : vector<16xf32>
        %add3A_686 = arith.constant 5 : i32
        %add3A_687 = arith.addi %mul3A_76, %add3A_686 : i32
        %get3A_688 = arith.index_cast %add3A_687 : i32 to index
        %get3A_689 = arith.constant 80 : index
        %get3A_690 = tpu.vector_load %arg10[%get3A_688, %get3A_689] {strides = array<i32>} : memref<128x128xf32, #tpu.memory_space<vmem>>, vector<1x16xf32>,
        %get3A_691 = vector.shape_cast %get3A_690 : vector<1x16xf32> to vector<16xf32>
        %max3A_692 = arith.maximumf %max3A_685, %get3A_691 : vector<16xf32>
        %add3A_693 = arith.constant 6 : i32
        %add3A_694 = arith.addi %mul3A_76, %add3A_693 : i32
        %get3A_695 = arith.index_cast %add3A_694 : i32 to index
        %get3A_696 = arith.constant 80 : index
        %get3A_697 = tpu.vector_load %arg10[%get3A_695, %get3A_696] {strides = array<i32>} : memref<128x128xf32, #tpu.memory_space<vmem>>, vector<1x16xf32>,
        %get3A_698 = vector.shape_cast %get3A_697 : vector<1x16xf32> to vector<16xf32>
        %max3A_699 = arith.maximumf %max3A_692, %get3A_698 : vector<16xf32>
        %add3A_700 = arith.constant 7 : i32
        %add3A_701 = arith.addi %mul3A_76, %add3A_700 : i32
        %get3A_702 = arith.index_cast %add3A_701 : i32 to index
        %get3A_703 = arith.constant 80 : index
        %get3A_704 = tpu.vector_load %arg10[%get3A_702, %get3A_703] {strides = array<i32>} : memref<128x128xf32, #tpu.memory_space<vmem>>, vector<1x16xf32>,
        %get3A_705 = vector.shape_cast %get3A_704 : vector<1x16xf32> to vector<16xf32>
        %max3A_706 = arith.maximumf %max3A_699, %get3A_705 : vector<16xf32>
        %add3A_707 = arith.constant 8 : i32
        %add3A_708 = arith.addi %mul3A_76, %add3A_707 : i32
        %get3A_709 = arith.index_cast %add3A_708 : i32 to index
        %get3A_710 = arith.constant 80 : index
        %get3A_711 = tpu.vector_load %arg10[%get3A_709, %get3A_710] {strides = array<i32>} : memref<128x128xf32, #tpu.memory_space<vmem>>, vector<1x16xf32>,
        %get3A_712 = vector.shape_cast %get3A_711 : vector<1x16xf32> to vector<16xf32>
        %max3A_713 = arith.maximumf %max3A_706, %get3A_712 : vector<16xf32>
        %add3A_714 = arith.constant 9 : i32
        %add3A_715 = arith.addi %mul3A_76, %add3A_714 : i32
        %get3A_716 = arith.index_cast %add3A_715 : i32 to index
        %get3A_717 = arith.constant 80 : index
        %get3A_718 = tpu.vector_load %arg10[%get3A_716, %get3A_717] {strides = array<i32>} : memref<128x128xf32, #tpu.memory_space<vmem>>, vector<1x16xf32>,
        %get3A_719 = vector.shape_cast %get3A_718 : vector<1x16xf32> to vector<16xf32>
        %max3A_720 = arith.maximumf %max3A_713, %get3A_719 : vector<16xf32>
        %add3A_721 = arith.constant 10 : i32
        %add3A_722 = arith.addi %mul3A_76, %add3A_721 : i32
        %get3A_723 = arith.index_cast %add3A_722 : i32 to index
        %get3A_724 = arith.constant 80 : index
        %get3A_725 = tpu.vector_load %arg10[%get3A_723, %get3A_724] {strides = array<i32>} : memref<128x128xf32, #tpu.memory_space<vmem>>, vector<1x16xf32>,
        %get3A_726 = vector.shape_cast %get3A_725 : vector<1x16xf32> to vector<16xf32>
        %max3A_727 = arith.maximumf %max3A_720, %get3A_726 : vector<16xf32>
        %add3A_728 = arith.constant 11 : i32
        %add3A_729 = arith.addi %mul3A_76, %add3A_728 : i32
        %get3A_730 = arith.index_cast %add3A_729 : i32 to index
        %get3A_731 = arith.constant 80 : index
        %get3A_732 = tpu.vector_load %arg10[%get3A_730, %get3A_731] {strides = array<i32>} : memref<128x128xf32, #tpu.memory_space<vmem>>, vector<1x16xf32>,
        %get3A_733 = vector.shape_cast %get3A_732 : vector<1x16xf32> to vector<16xf32>
        %max3A_734 = arith.maximumf %max3A_727, %get3A_733 : vector<16xf32>
        %add3A_735 = arith.constant 12 : i32
        %add3A_736 = arith.addi %mul3A_76, %add3A_735 : i32
        %get3A_737 = arith.index_cast %add3A_736 : i32 to index
        %get3A_738 = arith.constant 80 : index
        %get3A_739 = tpu.vector_load %arg10[%get3A_737, %get3A_738] {strides = array<i32>} : memref<128x128xf32, #tpu.memory_space<vmem>>, vector<1x16xf32>,
        %get3A_740 = vector.shape_cast %get3A_739 : vector<1x16xf32> to vector<16xf32>
        %max3A_741 = arith.maximumf %max3A_734, %get3A_740 : vector<16xf32>
        %add3A_742 = arith.constant 13 : i32
        %add3A_743 = arith.addi %mul3A_76, %add3A_742 : i32
        %get3A_744 = arith.index_cast %add3A_743 : i32 to index
        %get3A_745 = arith.constant 80 : index
        %get3A_746 = tpu.vector_load %arg10[%get3A_744, %get3A_745] {strides = array<i32>} : memref<128x128xf32, #tpu.memory_space<vmem>>, vector<1x16xf32>,
        %get3A_747 = vector.shape_cast %get3A_746 : vector<1x16xf32> to vector<16xf32>
        %max3A_748 = arith.maximumf %max3A_741, %get3A_747 : vector<16xf32>
        %add3A_749 = arith.constant 14 : i32
        %add3A_750 = arith.addi %mul3A_76, %add3A_749 : i32
        %get3A_751 = arith.index_cast %add3A_750 : i32 to index
        %get3A_752 = arith.constant 80 : index
        %get3A_753 = tpu.vector_load %arg10[%get3A_751, %get3A_752] {strides = array<i32>} : memref<128x128xf32, #tpu.memory_space<vmem>>, vector<1x16xf32>,
        %get3A_754 = vector.shape_cast %get3A_753 : vector<1x16xf32> to vector<16xf32>
        %max3A_755 = arith.maximumf %max3A_748, %get3A_754 : vector<16xf32>
        %add3A_756 = arith.constant 15 : i32
        %add3A_757 = arith.addi %mul3A_76, %add3A_756 : i32
        %get3A_758 = arith.index_cast %add3A_757 : i32 to index
        %get3A_759 = arith.constant 80 : index
        %get3A_760 = tpu.vector_load %arg10[%get3A_758, %get3A_759] {strides = array<i32>} : memref<128x128xf32, #tpu.memory_space<vmem>>, vector<1x16xf32>,
        %get3A_761 = vector.shape_cast %get3A_760 : vector<1x16xf32> to vector<16xf32>
        %max3A_762 = arith.maximumf %max3A_755, %get3A_761 : vector<16xf32>
        %add3A_763 = arith.constant 8 : i32
        %add3A_764 = arith.addi %add3A_763, %scan3A_74 : i32
        %swap3A_765 = arith.index_cast %add3A_764 : i32 to index
        %swap3A_766 = arith.constant 80 : index
        %swap3A_767 = tpu.vector_load %arg13[%swap3A_765, %swap3A_766] {strides = array<i32>} : memref<32x128xf32, #tpu.memory_space<vmem>>, vector<1x16xf32>,
        %swap3A_768 = vector.shape_cast %swap3A_767 : vector<1x16xf32> to vector<16xf32>
        %swap3A_769 = vector.shape_cast %max3A_762 : vector<16xf32> to vector<1x16xf32>
        tpu.vector_store %arg13[%swap3A_765, %swap3A_766], %swap3A_769 {strides = array<i32>} : memref<32x128xf32, #tpu.memory_space<vmem>>, vector<1x16xf32>,
        %get3A_770 = arith.index_cast %mul3A_76 : i32 to index
        %get3A_771 = arith.constant 96 : index
        %get3A_772 = tpu.vector_load %arg10[%get3A_770, %get3A_771] {strides = array<i32>} : memref<128x128xf32, #tpu.memory_space<vmem>>, vector<1x16xf32>,
        %get3A_773 = vector.shape_cast %get3A_772 : vector<1x16xf32> to vector<16xf32>
        %add3A_774 = arith.constant 1 : i32
        %add3A_775 = arith.addi %mul3A_76, %add3A_774 : i32
        %get3A_776 = arith.index_cast %add3A_775 : i32 to index
        %get3A_777 = arith.constant 96 : index
        %get3A_778 = tpu.vector_load %arg10[%get3A_776, %get3A_777] {strides = array<i32>} : memref<128x128xf32, #tpu.memory_space<vmem>>, vector<1x16xf32>,
        %get3A_779 = vector.shape_cast %get3A_778 : vector<1x16xf32> to vector<16xf32>
        %max3A_780 = arith.maximumf %get3A_773, %get3A_779 : vector<16xf32>
        %add3A_781 = arith.constant 2 : i32
        %add3A_782 = arith.addi %mul3A_76, %add3A_781 : i32
        %get3A_783 = arith.index_cast %add3A_782 : i32 to index
        %get3A_784 = arith.constant 96 : index
        %get3A_785 = tpu.vector_load %arg10[%get3A_783, %get3A_784] {strides = array<i32>} : memref<128x128xf32, #tpu.memory_space<vmem>>, vector<1x16xf32>,
        %get3A_786 = vector.shape_cast %get3A_785 : vector<1x16xf32> to vector<16xf32>
        %max3A_787 = arith.maximumf %max3A_780, %get3A_786 : vector<16xf32>
        %add3A_788 = arith.constant 3 : i32
        %add3A_789 = arith.addi %mul3A_76, %add3A_788 : i32
        %get3A_790 = arith.index_cast %add3A_789 : i32 to index
        %get3A_791 = arith.constant 96 : index
        %get3A_792 = tpu.vector_load %arg10[%get3A_790, %get3A_791] {strides = array<i32>} : memref<128x128xf32, #tpu.memory_space<vmem>>, vector<1x16xf32>,
        %get3A_793 = vector.shape_cast %get3A_792 : vector<1x16xf32> to vector<16xf32>
        %max3A_794 = arith.maximumf %max3A_787, %get3A_793 : vector<16xf32>
        %add3A_795 = arith.constant 4 : i32
        %add3A_796 = arith.addi %mul3A_76, %add3A_795 : i32
        %get3A_797 = arith.index_cast %add3A_796 : i32 to index
        %get3A_798 = arith.constant 96 : index
        %get3A_799 = tpu.vector_load %arg10[%get3A_797, %get3A_798] {strides = array<i32>} : memref<128x128xf32, #tpu.memory_space<vmem>>, vector<1x16xf32>,
        %get3A_800 = vector.shape_cast %get3A_799 : vector<1x16xf32> to vector<16xf32>
        %max3A_801 = arith.maximumf %max3A_794, %get3A_800 : vector<16xf32>
        %add3A_802 = arith.constant 5 : i32
        %add3A_803 = arith.addi %mul3A_76, %add3A_802 : i32
        %get3A_804 = arith.index_cast %add3A_803 : i32 to index
        %get3A_805 = arith.constant 96 : index
        %get3A_806 = tpu.vector_load %arg10[%get3A_804, %get3A_805] {strides = array<i32>} : memref<128x128xf32, #tpu.memory_space<vmem>>, vector<1x16xf32>,
        %get3A_807 = vector.shape_cast %get3A_806 : vector<1x16xf32> to vector<16xf32>
        %max3A_808 = arith.maximumf %max3A_801, %get3A_807 : vector<16xf32>
        %add3A_809 = arith.constant 6 : i32
        %add3A_810 = arith.addi %mul3A_76, %add3A_809 : i32
        %get3A_811 = arith.index_cast %add3A_810 : i32 to index
        %get3A_812 = arith.constant 96 : index
        %get3A_813 = tpu.vector_load %arg10[%get3A_811, %get3A_812] {strides = array<i32>} : memref<128x128xf32, #tpu.memory_space<vmem>>, vector<1x16xf32>,
        %get3A_814 = vector.shape_cast %get3A_813 : vector<1x16xf32> to vector<16xf32>
        %max3A_815 = arith.maximumf %max3A_808, %get3A_814 : vector<16xf32>
        %add3A_816 = arith.constant 7 : i32
        %add3A_817 = arith.addi %mul3A_76, %add3A_816 : i32
        %get3A_818 = arith.index_cast %add3A_817 : i32 to index
        %get3A_819 = arith.constant 96 : index
        %get3A_820 = tpu.vector_load %arg10[%get3A_818, %get3A_819] {strides = array<i32>} : memref<128x128xf32, #tpu.memory_space<vmem>>, vector<1x16xf32>,
        %get3A_821 = vector.shape_cast %get3A_820 : vector<1x16xf32> to vector<16xf32>
        %max3A_822 = arith.maximumf %max3A_815, %get3A_821 : vector<16xf32>
        %add3A_823 = arith.constant 8 : i32
        %add3A_824 = arith.addi %mul3A_76, %add3A_823 : i32
        %get3A_825 = arith.index_cast %add3A_824 : i32 to index
        %get3A_826 = arith.constant 96 : index
        %get3A_827 = tpu.vector_load %arg10[%get3A_825, %get3A_826] {strides = array<i32>} : memref<128x128xf32, #tpu.memory_space<vmem>>, vector<1x16xf32>,
        %get3A_828 = vector.shape_cast %get3A_827 : vector<1x16xf32> to vector<16xf32>
        %max3A_829 = arith.maximumf %max3A_822, %get3A_828 : vector<16xf32>
        %add3A_830 = arith.constant 9 : i32
        %add3A_831 = arith.addi %mul3A_76, %add3A_830 : i32
        %get3A_832 = arith.index_cast %add3A_831 : i32 to index
        %get3A_833 = arith.constant 96 : index
        %get3A_834 = tpu.vector_load %arg10[%get3A_832, %get3A_833] {strides = array<i32>} : memref<128x128xf32, #tpu.memory_space<vmem>>, vector<1x16xf32>,
        %get3A_835 = vector.shape_cast %get3A_834 : vector<1x16xf32> to vector<16xf32>
        %max3A_836 = arith.maximumf %max3A_829, %get3A_835 : vector<16xf32>
        %add3A_837 = arith.constant 10 : i32
        %add3A_838 = arith.addi %mul3A_76, %add3A_837 : i32
        %get3A_839 = arith.index_cast %add3A_838 : i32 to index
        %get3A_840 = arith.constant 96 : index
        %get3A_841 = tpu.vector_load %arg10[%get3A_839, %get3A_840] {strides = array<i32>} : memref<128x128xf32, #tpu.memory_space<vmem>>, vector<1x16xf32>,
        %get3A_842 = vector.shape_cast %get3A_841 : vector<1x16xf32> to vector<16xf32>
        %max3A_843 = arith.maximumf %max3A_836, %get3A_842 : vector<16xf32>
        %add3A_844 = arith.constant 11 : i32
        %add3A_845 = arith.addi %mul3A_76, %add3A_844 : i32
        %get3A_846 = arith.index_cast %add3A_845 : i32 to index
        %get3A_847 = arith.constant 96 : index
        %get3A_848 = tpu.vector_load %arg10[%get3A_846, %get3A_847] {strides = array<i32>} : memref<128x128xf32, #tpu.memory_space<vmem>>, vector<1x16xf32>,
        %get3A_849 = vector.shape_cast %get3A_848 : vector<1x16xf32> to vector<16xf32>
        %max3A_850 = arith.maximumf %max3A_843, %get3A_849 : vector<16xf32>
        %add3A_851 = arith.constant 12 : i32
        %add3A_852 = arith.addi %mul3A_76, %add3A_851 : i32
        %get3A_853 = arith.index_cast %add3A_852 : i32 to index
        %get3A_854 = arith.constant 96 : index
        %get3A_855 = tpu.vector_load %arg10[%get3A_853, %get3A_854] {strides = array<i32>} : memref<128x128xf32, #tpu.memory_space<vmem>>, vector<1x16xf32>,
        %get3A_856 = vector.shape_cast %get3A_855 : vector<1x16xf32> to vector<16xf32>
        %max3A_857 = arith.maximumf %max3A_850, %get3A_856 : vector<16xf32>
        %add3A_858 = arith.constant 13 : i32
        %add3A_859 = arith.addi %mul3A_76, %add3A_858 : i32
        %get3A_860 = arith.index_cast %add3A_859 : i32 to index
        %get3A_861 = arith.constant 96 : index
        %get3A_862 = tpu.vector_load %arg10[%get3A_860, %get3A_861] {strides = array<i32>} : memref<128x128xf32, #tpu.memory_space<vmem>>, vector<1x16xf32>,
        %get3A_863 = vector.shape_cast %get3A_862 : vector<1x16xf32> to vector<16xf32>
        %max3A_864 = arith.maximumf %max3A_857, %get3A_863 : vector<16xf32>
        %add3A_865 = arith.constant 14 : i32
        %add3A_866 = arith.addi %mul3A_76, %add3A_865 : i32
        %get3A_867 = arith.index_cast %add3A_866 : i32 to index
        %get3A_868 = arith.constant 96 : index
        %get3A_869 = tpu.vector_load %arg10[%get3A_867, %get3A_868] {strides = array<i32>} : memref<128x128xf32, #tpu.memory_space<vmem>>, vector<1x16xf32>,
        %get3A_870 = vector.shape_cast %get3A_869 : vector<1x16xf32> to vector<16xf32>
        %max3A_871 = arith.maximumf %max3A_864, %get3A_870 : vector<16xf32>
        %add3A_872 = arith.constant 15 : i32
        %add3A_873 = arith.addi %mul3A_76, %add3A_872 : i32
        %get3A_874 = arith.index_cast %add3A_873 : i32 to index
        %get3A_875 = arith.constant 96 : index
        %get3A_876 = tpu.vector_load %arg10[%get3A_874, %get3A_875] {strides = array<i32>} : memref<128x128xf32, #tpu.memory_space<vmem>>, vector<1x16xf32>,
        %get3A_877 = vector.shape_cast %get3A_876 : vector<1x16xf32> to vector<16xf32>
        %max3A_878 = arith.maximumf %max3A_871, %get3A_877 : vector<16xf32>
        %add3A_879 = arith.constant 8 : i32
        %add3A_880 = arith.addi %add3A_879, %scan3A_74 : i32
        %swap3A_881 = arith.index_cast %add3A_880 : i32 to index
        %swap3A_882 = arith.constant 96 : index
        %swap3A_883 = tpu.vector_load %arg13[%swap3A_881, %swap3A_882] {strides = array<i32>} : memref<32x128xf32, #tpu.memory_space<vmem>>, vector<1x16xf32>,
        %swap3A_884 = vector.shape_cast %swap3A_883 : vector<1x16xf32> to vector<16xf32>
        %swap3A_885 = vector.shape_cast %max3A_878 : vector<16xf32> to vector<1x16xf32>
        tpu.vector_store %arg13[%swap3A_881, %swap3A_882], %swap3A_885 {strides = array<i32>} : memref<32x128xf32, #tpu.memory_space<vmem>>, vector<1x16xf32>,
        %get3A_886 = arith.index_cast %mul3A_76 : i32 to index
        %get3A_887 = arith.constant 112 : index
        %get3A_888 = tpu.vector_load %arg10[%get3A_886, %get3A_887] {strides = array<i32>} : memref<128x128xf32, #tpu.memory_space<vmem>>, vector<1x16xf32>,
        %get3A_889 = vector.shape_cast %get3A_888 : vector<1x16xf32> to vector<16xf32>
        %add3A_890 = arith.constant 1 : i32
        %add3A_891 = arith.addi %mul3A_76, %add3A_890 : i32
        %get3A_892 = arith.index_cast %add3A_891 : i32 to index
        %get3A_893 = arith.constant 112 : index
        %get3A_894 = tpu.vector_load %arg10[%get3A_892, %get3A_893] {strides = array<i32>} : memref<128x128xf32, #tpu.memory_space<vmem>>, vector<1x16xf32>,
        %get3A_895 = vector.shape_cast %get3A_894 : vector<1x16xf32> to vector<16xf32>
        %max3A_896 = arith.maximumf %get3A_889, %get3A_895 : vector<16xf32>
        %add3A_897 = arith.constant 2 : i32
        %add3A_898 = arith.addi %mul3A_76, %add3A_897 : i32
        %get3A_899 = arith.index_cast %add3A_898 : i32 to index
        %get3A_900 = arith.constant 112 : index
        %get3A_901 = tpu.vector_load %arg10[%get3A_899, %get3A_900] {strides = array<i32>} : memref<128x128xf32, #tpu.memory_space<vmem>>, vector<1x16xf32>,
        %get3A_902 = vector.shape_cast %get3A_901 : vector<1x16xf32> to vector<16xf32>
        %max3A_903 = arith.maximumf %max3A_896, %get3A_902 : vector<16xf32>
        %add3A_904 = arith.constant 3 : i32
        %add3A_905 = arith.addi %mul3A_76, %add3A_904 : i32
        %get3A_906 = arith.index_cast %add3A_905 : i32 to index
        %get3A_907 = arith.constant 112 : index
        %get3A_908 = tpu.vector_load %arg10[%get3A_906, %get3A_907] {strides = array<i32>} : memref<128x128xf32, #tpu.memory_space<vmem>>, vector<1x16xf32>,
        %get3A_909 = vector.shape_cast %get3A_908 : vector<1x16xf32> to vector<16xf32>
        %max3A_910 = arith.maximumf %max3A_903, %get3A_909 : vector<16xf32>
        %add3A_911 = arith.constant 4 : i32
        %add3A_912 = arith.addi %mul3A_76, %add3A_911 : i32
        %get3A_913 = arith.index_cast %add3A_912 : i32 to index
        %get3A_914 = arith.constant 112 : index
        %get3A_915 = tpu.vector_load %arg10[%get3A_913, %get3A_914] {strides = array<i32>} : memref<128x128xf32, #tpu.memory_space<vmem>>, vector<1x16xf32>,
        %get3A_916 = vector.shape_cast %get3A_915 : vector<1x16xf32> to vector<16xf32>
        %max3A_917 = arith.maximumf %max3A_910, %get3A_916 : vector<16xf32>
        %add3A_918 = arith.constant 5 : i32
        %add3A_919 = arith.addi %mul3A_76, %add3A_918 : i32
        %get3A_920 = arith.index_cast %add3A_919 : i32 to index
        %get3A_921 = arith.constant 112 : index
        %get3A_922 = tpu.vector_load %arg10[%get3A_920, %get3A_921] {strides = array<i32>} : memref<128x128xf32, #tpu.memory_space<vmem>>, vector<1x16xf32>,
        %get3A_923 = vector.shape_cast %get3A_922 : vector<1x16xf32> to vector<16xf32>
        %max3A_924 = arith.maximumf %max3A_917, %get3A_923 : vector<16xf32>
        %add3A_925 = arith.constant 6 : i32
        %add3A_926 = arith.addi %mul3A_76, %add3A_925 : i32
        %get3A_927 = arith.index_cast %add3A_926 : i32 to index
        %get3A_928 = arith.constant 112 : index
        %get3A_929 = tpu.vector_load %arg10[%get3A_927, %get3A_928] {strides = array<i32>} : memref<128x128xf32, #tpu.memory_space<vmem>>, vector<1x16xf32>,
        %get3A_930 = vector.shape_cast %get3A_929 : vector<1x16xf32> to vector<16xf32>
        %max3A_931 = arith.maximumf %max3A_924, %get3A_930 : vector<16xf32>
        %add3A_932 = arith.constant 7 : i32
        %add3A_933 = arith.addi %mul3A_76, %add3A_932 : i32
        %get3A_934 = arith.index_cast %add3A_933 : i32 to index
        %get3A_935 = arith.constant 112 : index
        %get3A_936 = tpu.vector_load %arg10[%get3A_934, %get3A_935] {strides = array<i32>} : memref<128x128xf32, #tpu.memory_space<vmem>>, vector<1x16xf32>,
        %get3A_937 = vector.shape_cast %get3A_936 : vector<1x16xf32> to vector<16xf32>
        %max3A_938 = arith.maximumf %max3A_931, %get3A_937 : vector<16xf32>
        %add3A_939 = arith.constant 8 : i32
        %add3A_940 = arith.addi %mul3A_76, %add3A_939 : i32
        %get3A_941 = arith.index_cast %add3A_940 : i32 to index
        %get3A_942 = arith.constant 112 : index
        %get3A_943 = tpu.vector_load %arg10[%get3A_941, %get3A_942] {strides = array<i32>} : memref<128x128xf32, #tpu.memory_space<vmem>>, vector<1x16xf32>,
        %get3A_944 = vector.shape_cast %get3A_943 : vector<1x16xf32> to vector<16xf32>
        %max3A_945 = arith.maximumf %max3A_938, %get3A_944 : vector<16xf32>
        %add3A_946 = arith.constant 9 : i32
        %add3A_947 = arith.addi %mul3A_76, %add3A_946 : i32
        %get3A_948 = arith.index_cast %add3A_947 : i32 to index
        %get3A_949 = arith.constant 112 : index
        %get3A_950 = tpu.vector_load %arg10[%get3A_948, %get3A_949] {strides = array<i32>} : memref<128x128xf32, #tpu.memory_space<vmem>>, vector<1x16xf32>,
        %get3A_951 = vector.shape_cast %get3A_950 : vector<1x16xf32> to vector<16xf32>
        %max3A_952 = arith.maximumf %max3A_945, %get3A_951 : vector<16xf32>
        %add3A_953 = arith.constant 10 : i32
        %add3A_954 = arith.addi %mul3A_76, %add3A_953 : i32
        %get3A_955 = arith.index_cast %add3A_954 : i32 to index
        %get3A_956 = arith.constant 112 : index
        %get3A_957 = tpu.vector_load %arg10[%get3A_955, %get3A_956] {strides = array<i32>} : memref<128x128xf32, #tpu.memory_space<vmem>>, vector<1x16xf32>,
        %get3A_958 = vector.shape_cast %get3A_957 : vector<1x16xf32> to vector<16xf32>
        %max3A_959 = arith.maximumf %max3A_952, %get3A_958 : vector<16xf32>
        %add3A_960 = arith.constant 11 : i32
        %add3A_961 = arith.addi %mul3A_76, %add3A_960 : i32
        %get3A_962 = arith.index_cast %add3A_961 : i32 to index
        %get3A_963 = arith.constant 112 : index
        %get3A_964 = tpu.vector_load %arg10[%get3A_962, %get3A_963] {strides = array<i32>} : memref<128x128xf32, #tpu.memory_space<vmem>>, vector<1x16xf32>,
        %get3A_965 = vector.shape_cast %get3A_964 : vector<1x16xf32> to vector<16xf32>
        %max3A_966 = arith.maximumf %max3A_959, %get3A_965 : vector<16xf32>
        %add3A_967 = arith.constant 12 : i32
        %add3A_968 = arith.addi %mul3A_76, %add3A_967 : i32
        %get3A_969 = arith.index_cast %add3A_968 : i32 to index
        %get3A_970 = arith.constant 112 : index
        %get3A_971 = tpu.vector_load %arg10[%get3A_969, %get3A_970] {strides = array<i32>} : memref<128x128xf32, #tpu.memory_space<vmem>>, vector<1x16xf32>,
        %get3A_972 = vector.shape_cast %get3A_971 : vector<1x16xf32> to vector<16xf32>
        %max3A_973 = arith.maximumf %max3A_966, %get3A_972 : vector<16xf32>
        %add3A_974 = arith.constant 13 : i32
        %add3A_975 = arith.addi %mul3A_76, %add3A_974 : i32
        %get3A_976 = arith.index_cast %add3A_975 : i32 to index
        %get3A_977 = arith.constant 112 : index
        %get3A_978 = tpu.vector_load %arg10[%get3A_976, %get3A_977] {strides = array<i32>} : memref<128x128xf32, #tpu.memory_space<vmem>>, vector<1x16xf32>,
        %get3A_979 = vector.shape_cast %get3A_978 : vector<1x16xf32> to vector<16xf32>
        %max3A_980 = arith.maximumf %max3A_973, %get3A_979 : vector<16xf32>
        %add3A_981 = arith.constant 14 : i32
        %add3A_982 = arith.addi %mul3A_76, %add3A_981 : i32
        %get3A_983 = arith.index_cast %add3A_982 : i32 to index
        %get3A_984 = arith.constant 112 : index
        %get3A_985 = tpu.vector_load %arg10[%get3A_983, %get3A_984] {strides = array<i32>} : memref<128x128xf32, #tpu.memory_space<vmem>>, vector<1x16xf32>,
        %get3A_986 = vector.shape_cast %get3A_985 : vector<1x16xf32> to vector<16xf32>
        %max3A_987 = arith.maximumf %max3A_980, %get3A_986 : vector<16xf32>
        %add3A_988 = arith.constant 15 : i32
        %add3A_989 = arith.addi %mul3A_76, %add3A_988 : i32
        %get3A_990 = arith.index_cast %add3A_989 : i32 to index
        %get3A_991 = arith.constant 112 : index
        %get3A_992 = tpu.vector_load %arg10[%get3A_990, %get3A_991] {strides = array<i32>} : memref<128x128xf32, #tpu.memory_space<vmem>>, vector<1x16xf32>,
        %get3A_993 = vector.shape_cast %get3A_992 : vector<1x16xf32> to vector<16xf32>
        %max3A_994 = arith.maximumf %max3A_987, %get3A_993 : vector<16xf32>
        %add3A_995 = arith.constant 8 : i32
        %add3A_996 = arith.addi %add3A_995, %scan3A_74 : i32
        %swap3A_997 = arith.index_cast %add3A_996 : i32 to index
        %swap3A_998 = arith.constant 112 : index
        %swap3A_999 = tpu.vector_load %arg13[%swap3A_997, %swap3A_998] {strides = array<i32>} : memref<32x128xf32, #tpu.memory_space<vmem>>, vector<1x16xf32>,
        %swap3A_1000 = vector.shape_cast %swap3A_999 : vector<1x16xf32> to vector<16xf32>
        %swap3A_1001 = vector.shape_cast %max3A_994 : vector<16xf32> to vector<1x16xf32>
        tpu.vector_store %arg13[%swap3A_997, %swap3A_998], %swap3A_1001 {strides = array<i32>} : memref<32x128xf32, #tpu.memory_space<vmem>>, vector<1x16xf32>,
      }
      %scan3A_61 = arith.constant 8 : i32
      %scan3A_62 = arith.constant 0 : i32
      %scan3A_63 = arith.constant 0 : i32
      %scan3A_64 = arith.constant 8 : i32
      %scan3A_65 = arith.addi %scan3A_63, %scan3A_64 : i32
      %scan3A_66 = arith.constant 1 : i32
      scf.for %scan3A_74 = %scan3A_63 to %scan3A_65 step %scan3A_66  : i32 {
        %mul3A_75 = arith.constant 16 : i32
        %mul3A_76 = arith.muli %scan3A_74, %mul3A_75 : i32
        %get3A = arith.index_cast %mul3A_76 : i32 to index
        %get3A_77 = arith.constant 0 : index
        %get3A_78 = tpu.vector_load %arg11[%get3A, %get3A_77] {strides = array<i32>} : memref<128x128xf32, #tpu.memory_space<vmem>>, vector<1x16xf32>,
        %get3A_79 = vector.shape_cast %get3A_78 : vector<1x16xf32> to vector<16xf32>
        %add3A_80 = arith.constant 1 : i32
        %add3A_81 = arith.addi %mul3A_76, %add3A_80 : i32
        %get3A_82 = arith.index_cast %add3A_81 : i32 to index
        %get3A_83 = arith.constant 0 : index
        %get3A_84 = tpu.vector_load %arg11[%get3A_82, %get3A_83] {strides = array<i32>} : memref<128x128xf32, #tpu.memory_space<vmem>>, vector<1x16xf32>,
        %get3A_85 = vector.shape_cast %get3A_84 : vector<1x16xf32> to vector<16xf32>
        %max3A = arith.maximumf %get3A_79, %get3A_85 : vector<16xf32>
        %add3A_86 = arith.constant 2 : i32
        %add3A_87 = arith.addi %mul3A_76, %add3A_86 : i32
        %get3A_88 = arith.index_cast %add3A_87 : i32 to index
        %get3A_89 = arith.constant 0 : index
        %get3A_90 = tpu.vector_load %arg11[%get3A_88, %get3A_89] {strides = array<i32>} : memref<128x128xf32, #tpu.memory_space<vmem>>, vector<1x16xf32>,
        %get3A_91 = vector.shape_cast %get3A_90 : vector<1x16xf32> to vector<16xf32>
        %max3A_92 = arith.maximumf %max3A, %get3A_91 : vector<16xf32>
        %add3A_93 = arith.constant 3 : i32
        %add3A_94 = arith.addi %mul3A_76, %add3A_93 : i32
        %get3A_95 = arith.index_cast %add3A_94 : i32 to index
        %get3A_96 = arith.constant 0 : index
        %get3A_97 = tpu.vector_load %arg11[%get3A_95, %get3A_96] {strides = array<i32>} : memref<128x128xf32, #tpu.memory_space<vmem>>, vector<1x16xf32>,
        %get3A_98 = vector.shape_cast %get3A_97 : vector<1x16xf32> to vector<16xf32>
        %max3A_99 = arith.maximumf %max3A_92, %get3A_98 : vector<16xf32>
        %add3A_100 = arith.constant 4 : i32
        %add3A_101 = arith.addi %mul3A_76, %add3A_100 : i32
        %get3A_102 = arith.index_cast %add3A_101 : i32 to index
        %get3A_103 = arith.constant 0 : index
        %get3A_104 = tpu.vector_load %arg11[%get3A_102, %get3A_103] {strides = array<i32>} : memref<128x128xf32, #tpu.memory_space<vmem>>, vector<1x16xf32>,
        %get3A_105 = vector.shape_cast %get3A_104 : vector<1x16xf32> to vector<16xf32>
        %max3A_106 = arith.maximumf %max3A_99, %get3A_105 : vector<16xf32>
        %add3A_107 = arith.constant 5 : i32
        %add3A_108 = arith.addi %mul3A_76, %add3A_107 : i32
        %get3A_109 = arith.index_cast %add3A_108 : i32 to index
        %get3A_110 = arith.constant 0 : index
        %get3A_111 = tpu.vector_load %arg11[%get3A_109, %get3A_110] {strides = array<i32>} : memref<128x128xf32, #tpu.memory_space<vmem>>, vector<1x16xf32>,
        %get3A_112 = vector.shape_cast %get3A_111 : vector<1x16xf32> to vector<16xf32>
        %max3A_113 = arith.maximumf %max3A_106, %get3A_112 : vector<16xf32>
        %add3A_114 = arith.constant 6 : i32
        %add3A_115 = arith.addi %mul3A_76, %add3A_114 : i32
        %get3A_116 = arith.index_cast %add3A_115 : i32 to index
        %get3A_117 = arith.constant 0 : index
        %get3A_118 = tpu.vector_load %arg11[%get3A_116, %get3A_117] {strides = array<i32>} : memref<128x128xf32, #tpu.memory_space<vmem>>, vector<1x16xf32>,
        %get3A_119 = vector.shape_cast %get3A_118 : vector<1x16xf32> to vector<16xf32>
        %max3A_120 = arith.maximumf %max3A_113, %get3A_119 : vector<16xf32>
        %add3A_121 = arith.constant 7 : i32
        %add3A_122 = arith.addi %mul3A_76, %add3A_121 : i32
        %get3A_123 = arith.index_cast %add3A_122 : i32 to index
        %get3A_124 = arith.constant 0 : index
        %get3A_125 = tpu.vector_load %arg11[%get3A_123, %get3A_124] {strides = array<i32>} : memref<128x128xf32, #tpu.memory_space<vmem>>, vector<1x16xf32>,
        %get3A_126 = vector.shape_cast %get3A_125 : vector<1x16xf32> to vector<16xf32>
        %max3A_127 = arith.maximumf %max3A_120, %get3A_126 : vector<16xf32>
        %add3A_128 = arith.constant 8 : i32
        %add3A_129 = arith.addi %mul3A_76, %add3A_128 : i32
        %get3A_130 = arith.index_cast %add3A_129 : i32 to index
        %get3A_131 = arith.constant 0 : index
        %get3A_132 = tpu.vector_load %arg11[%get3A_130, %get3A_131] {strides = array<i32>} : memref<128x128xf32, #tpu.memory_space<vmem>>, vector<1x16xf32>,
        %get3A_133 = vector.shape_cast %get3A_132 : vector<1x16xf32> to vector<16xf32>
        %max3A_134 = arith.maximumf %max3A_127, %get3A_133 : vector<16xf32>
        %add3A_135 = arith.constant 9 : i32
        %add3A_136 = arith.addi %mul3A_76, %add3A_135 : i32
        %get3A_137 = arith.index_cast %add3A_136 : i32 to index
        %get3A_138 = arith.constant 0 : index
        %get3A_139 = tpu.vector_load %arg11[%get3A_137, %get3A_138] {strides = array<i32>} : memref<128x128xf32, #tpu.memory_space<vmem>>, vector<1x16xf32>,
        %get3A_140 = vector.shape_cast %get3A_139 : vector<1x16xf32> to vector<16xf32>
        %max3A_141 = arith.maximumf %max3A_134, %get3A_140 : vector<16xf32>
        %add3A_142 = arith.constant 10 : i32
        %add3A_143 = arith.addi %mul3A_76, %add3A_142 : i32
        %get3A_144 = arith.index_cast %add3A_143 : i32 to index
        %get3A_145 = arith.constant 0 : index
        %get3A_146 = tpu.vector_load %arg11[%get3A_144, %get3A_145] {strides = array<i32>} : memref<128x128xf32, #tpu.memory_space<vmem>>, vector<1x16xf32>,
        %get3A_147 = vector.shape_cast %get3A_146 : vector<1x16xf32> to vector<16xf32>
        %max3A_148 = arith.maximumf %max3A_141, %get3A_147 : vector<16xf32>
        %add3A_149 = arith.constant 11 : i32
        %add3A_150 = arith.addi %mul3A_76, %add3A_149 : i32
        %get3A_151 = arith.index_cast %add3A_150 : i32 to index
        %get3A_152 = arith.constant 0 : index
        %get3A_153 = tpu.vector_load %arg11[%get3A_151, %get3A_152] {strides = array<i32>} : memref<128x128xf32, #tpu.memory_space<vmem>>, vector<1x16xf32>,
        %get3A_154 = vector.shape_cast %get3A_153 : vector<1x16xf32> to vector<16xf32>
        %max3A_155 = arith.maximumf %max3A_148, %get3A_154 : vector<16xf32>
        %add3A_156 = arith.constant 12 : i32
        %add3A_157 = arith.addi %mul3A_76, %add3A_156 : i32
        %get3A_158 = arith.index_cast %add3A_157 : i32 to index
        %get3A_159 = arith.constant 0 : index
        %get3A_160 = tpu.vector_load %arg11[%get3A_158, %get3A_159] {strides = array<i32>} : memref<128x128xf32, #tpu.memory_space<vmem>>, vector<1x16xf32>,
        %get3A_161 = vector.shape_cast %get3A_160 : vector<1x16xf32> to vector<16xf32>
        %max3A_162 = arith.maximumf %max3A_155, %get3A_161 : vector<16xf32>
        %add3A_163 = arith.constant 13 : i32
        %add3A_164 = arith.addi %mul3A_76, %add3A_163 : i32
        %get3A_165 = arith.index_cast %add3A_164 : i32 to index
        %get3A_166 = arith.constant 0 : index
        %get3A_167 = tpu.vector_load %arg11[%get3A_165, %get3A_166] {strides = array<i32>} : memref<128x128xf32, #tpu.memory_space<vmem>>, vector<1x16xf32>,
        %get3A_168 = vector.shape_cast %get3A_167 : vector<1x16xf32> to vector<16xf32>
        %max3A_169 = arith.maximumf %max3A_162, %get3A_168 : vector<16xf32>
        %add3A_170 = arith.constant 14 : i32
        %add3A_171 = arith.addi %mul3A_76, %add3A_170 : i32
        %get3A_172 = arith.index_cast %add3A_171 : i32 to index
        %get3A_173 = arith.constant 0 : index
        %get3A_174 = tpu.vector_load %arg11[%get3A_172, %get3A_173] {strides = array<i32>} : memref<128x128xf32, #tpu.memory_space<vmem>>, vector<1x16xf32>,
        %get3A_175 = vector.shape_cast %get3A_174 : vector<1x16xf32> to vector<16xf32>
        %max3A_176 = arith.maximumf %max3A_169, %get3A_175 : vector<16xf32>
        %add3A_177 = arith.constant 15 : i32
        %add3A_178 = arith.addi %mul3A_76, %add3A_177 : i32
        %get3A_179 = arith.index_cast %add3A_178 : i32 to index
        %get3A_180 = arith.constant 0 : index
        %get3A_181 = tpu.vector_load %arg11[%get3A_179, %get3A_180] {strides = array<i32>} : memref<128x128xf32, #tpu.memory_space<vmem>>, vector<1x16xf32>,
        %get3A_182 = vector.shape_cast %get3A_181 : vector<1x16xf32> to vector<16xf32>
        %max3A_183 = arith.maximumf %max3A_176, %get3A_182 : vector<16xf32>
        %add3A_184 = arith.constant 16 : i32
        %add3A_185 = arith.addi %add3A_184, %scan3A_74 : i32
        %swap3A = arith.index_cast %add3A_185 : i32 to index
        %swap3A_186 = arith.constant 0 : index
        %swap3A_187 = tpu.vector_load %arg13[%swap3A, %swap3A_186] {strides = array<i32>} : memref<32x128xf32, #tpu.memory_space<vmem>>, vector<1x16xf32>,
        %swap3A_188 = vector.shape_cast %swap3A_187 : vector<1x16xf32> to vector<16xf32>
        %swap3A_189 = vector.shape_cast %max3A_183 : vector<16xf32> to vector<1x16xf32>
        tpu.vector_store %arg13[%swap3A, %swap3A_186], %swap3A_189 {strides = array<i32>} : memref<32x128xf32, #tpu.memory_space<vmem>>, vector<1x16xf32>,
        %get3A_190 = arith.index_cast %mul3A_76 : i32 to index
        %get3A_191 = arith.constant 16 : index
        %get3A_192 = tpu.vector_load %arg11[%get3A_190, %get3A_191] {strides = array<i32>} : memref<128x128xf32, #tpu.memory_space<vmem>>, vector<1x16xf32>,
        %get3A_193 = vector.shape_cast %get3A_192 : vector<1x16xf32> to vector<16xf32>
        %add3A_194 = arith.constant 1 : i32
        %add3A_195 = arith.addi %mul3A_76, %add3A_194 : i32
        %get3A_196 = arith.index_cast %add3A_195 : i32 to index
        %get3A_197 = arith.constant 16 : index
        %get3A_198 = tpu.vector_load %arg11[%get3A_196, %get3A_197] {strides = array<i32>} : memref<128x128xf32, #tpu.memory_space<vmem>>, vector<1x16xf32>,
        %get3A_199 = vector.shape_cast %get3A_198 : vector<1x16xf32> to vector<16xf32>
        %max3A_200 = arith.maximumf %get3A_193, %get3A_199 : vector<16xf32>
        %add3A_201 = arith.constant 2 : i32
        %add3A_202 = arith.addi %mul3A_76, %add3A_201 : i32
        %get3A_203 = arith.index_cast %add3A_202 : i32 to index
        %get3A_204 = arith.constant 16 : index
        %get3A_205 = tpu.vector_load %arg11[%get3A_203, %get3A_204] {strides = array<i32>} : memref<128x128xf32, #tpu.memory_space<vmem>>, vector<1x16xf32>,
        %get3A_206 = vector.shape_cast %get3A_205 : vector<1x16xf32> to vector<16xf32>
        %max3A_207 = arith.maximumf %max3A_200, %get3A_206 : vector<16xf32>
        %add3A_208 = arith.constant 3 : i32
        %add3A_209 = arith.addi %mul3A_76, %add3A_208 : i32
        %get3A_210 = arith.index_cast %add3A_209 : i32 to index
        %get3A_211 = arith.constant 16 : index
        %get3A_212 = tpu.vector_load %arg11[%get3A_210, %get3A_211] {strides = array<i32>} : memref<128x128xf32, #tpu.memory_space<vmem>>, vector<1x16xf32>,
        %get3A_213 = vector.shape_cast %get3A_212 : vector<1x16xf32> to vector<16xf32>
        %max3A_214 = arith.maximumf %max3A_207, %get3A_213 : vector<16xf32>
        %add3A_215 = arith.constant 4 : i32
        %add3A_216 = arith.addi %mul3A_76, %add3A_215 : i32
        %get3A_217 = arith.index_cast %add3A_216 : i32 to index
        %get3A_218 = arith.constant 16 : index
        %get3A_219 = tpu.vector_load %arg11[%get3A_217, %get3A_218] {strides = array<i32>} : memref<128x128xf32, #tpu.memory_space<vmem>>, vector<1x16xf32>,
        %get3A_220 = vector.shape_cast %get3A_219 : vector<1x16xf32> to vector<16xf32>
        %max3A_221 = arith.maximumf %max3A_214, %get3A_220 : vector<16xf32>
        %add3A_222 = arith.constant 5 : i32
        %add3A_223 = arith.addi %mul3A_76, %add3A_222 : i32
        %get3A_224 = arith.index_cast %add3A_223 : i32 to index
        %get3A_225 = arith.constant 16 : index
        %get3A_226 = tpu.vector_load %arg11[%get3A_224, %get3A_225] {strides = array<i32>} : memref<128x128xf32, #tpu.memory_space<vmem>>, vector<1x16xf32>,
        %get3A_227 = vector.shape_cast %get3A_226 : vector<1x16xf32> to vector<16xf32>
        %max3A_228 = arith.maximumf %max3A_221, %get3A_227 : vector<16xf32>
        %add3A_229 = arith.constant 6 : i32
        %add3A_230 = arith.addi %mul3A_76, %add3A_229 : i32
        %get3A_231 = arith.index_cast %add3A_230 : i32 to index
        %get3A_232 = arith.constant 16 : index
        %get3A_233 = tpu.vector_load %arg11[%get3A_231, %get3A_232] {strides = array<i32>} : memref<128x128xf32, #tpu.memory_space<vmem>>, vector<1x16xf32>,
        %get3A_234 = vector.shape_cast %get3A_233 : vector<1x16xf32> to vector<16xf32>
        %max3A_235 = arith.maximumf %max3A_228, %get3A_234 : vector<16xf32>
        %add3A_236 = arith.constant 7 : i32
        %add3A_237 = arith.addi %mul3A_76, %add3A_236 : i32
        %get3A_238 = arith.index_cast %add3A_237 : i32 to index
        %get3A_239 = arith.constant 16 : index
        %get3A_240 = tpu.vector_load %arg11[%get3A_238, %get3A_239] {strides = array<i32>} : memref<128x128xf32, #tpu.memory_space<vmem>>, vector<1x16xf32>,
        %get3A_241 = vector.shape_cast %get3A_240 : vector<1x16xf32> to vector<16xf32>
        %max3A_242 = arith.maximumf %max3A_235, %get3A_241 : vector<16xf32>
        %add3A_243 = arith.constant 8 : i32
        %add3A_244 = arith.addi %mul3A_76, %add3A_243 : i32
        %get3A_245 = arith.index_cast %add3A_244 : i32 to index
        %get3A_246 = arith.constant 16 : index
        %get3A_247 = tpu.vector_load %arg11[%get3A_245, %get3A_246] {strides = array<i32>} : memref<128x128xf32, #tpu.memory_space<vmem>>, vector<1x16xf32>,
        %get3A_248 = vector.shape_cast %get3A_247 : vector<1x16xf32> to vector<16xf32>
        %max3A_249 = arith.maximumf %max3A_242, %get3A_248 : vector<16xf32>
        %add3A_250 = arith.constant 9 : i32
        %add3A_251 = arith.addi %mul3A_76, %add3A_250 : i32
        %get3A_252 = arith.index_cast %add3A_251 : i32 to index
        %get3A_253 = arith.constant 16 : index
        %get3A_254 = tpu.vector_load %arg11[%get3A_252, %get3A_253] {strides = array<i32>} : memref<128x128xf32, #tpu.memory_space<vmem>>, vector<1x16xf32>,
        %get3A_255 = vector.shape_cast %get3A_254 : vector<1x16xf32> to vector<16xf32>
        %max3A_256 = arith.maximumf %max3A_249, %get3A_255 : vector<16xf32>
        %add3A_257 = arith.constant 10 : i32
        %add3A_258 = arith.addi %mul3A_76, %add3A_257 : i32
        %get3A_259 = arith.index_cast %add3A_258 : i32 to index
        %get3A_260 = arith.constant 16 : index
        %get3A_261 = tpu.vector_load %arg11[%get3A_259, %get3A_260] {strides = array<i32>} : memref<128x128xf32, #tpu.memory_space<vmem>>, vector<1x16xf32>,
        %get3A_262 = vector.shape_cast %get3A_261 : vector<1x16xf32> to vector<16xf32>
        %max3A_263 = arith.maximumf %max3A_256, %get3A_262 : vector<16xf32>
        %add3A_264 = arith.constant 11 : i32
        %add3A_265 = arith.addi %mul3A_76, %add3A_264 : i32
        %get3A_266 = arith.index_cast %add3A_265 : i32 to index
        %get3A_267 = arith.constant 16 : index
        %get3A_268 = tpu.vector_load %arg11[%get3A_266, %get3A_267] {strides = array<i32>} : memref<128x128xf32, #tpu.memory_space<vmem>>, vector<1x16xf32>,
        %get3A_269 = vector.shape_cast %get3A_268 : vector<1x16xf32> to vector<16xf32>
        %max3A_270 = arith.maximumf %max3A_263, %get3A_269 : vector<16xf32>
        %add3A_271 = arith.constant 12 : i32
        %add3A_272 = arith.addi %mul3A_76, %add3A_271 : i32
        %get3A_273 = arith.index_cast %add3A_272 : i32 to index
        %get3A_274 = arith.constant 16 : index
        %get3A_275 = tpu.vector_load %arg11[%get3A_273, %get3A_274] {strides = array<i32>} : memref<128x128xf32, #tpu.memory_space<vmem>>, vector<1x16xf32>,
        %get3A_276 = vector.shape_cast %get3A_275 : vector<1x16xf32> to vector<16xf32>
        %max3A_277 = arith.maximumf %max3A_270, %get3A_276 : vector<16xf32>
        %add3A_278 = arith.constant 13 : i32
        %add3A_279 = arith.addi %mul3A_76, %add3A_278 : i32
        %get3A_280 = arith.index_cast %add3A_279 : i32 to index
        %get3A_281 = arith.constant 16 : index
        %get3A_282 = tpu.vector_load %arg11[%get3A_280, %get3A_281] {strides = array<i32>} : memref<128x128xf32, #tpu.memory_space<vmem>>, vector<1x16xf32>,
        %get3A_283 = vector.shape_cast %get3A_282 : vector<1x16xf32> to vector<16xf32>
        %max3A_284 = arith.maximumf %max3A_277, %get3A_283 : vector<16xf32>
        %add3A_285 = arith.constant 14 : i32
        %add3A_286 = arith.addi %mul3A_76, %add3A_285 : i32
        %get3A_287 = arith.index_cast %add3A_286 : i32 to index
        %get3A_288 = arith.constant 16 : index
        %get3A_289 = tpu.vector_load %arg11[%get3A_287, %get3A_288] {strides = array<i32>} : memref<128x128xf32, #tpu.memory_space<vmem>>, vector<1x16xf32>,
        %get3A_290 = vector.shape_cast %get3A_289 : vector<1x16xf32> to vector<16xf32>
        %max3A_291 = arith.maximumf %max3A_284, %get3A_290 : vector<16xf32>
        %add3A_292 = arith.constant 15 : i32
        %add3A_293 = arith.addi %mul3A_76, %add3A_292 : i32
        %get3A_294 = arith.index_cast %add3A_293 : i32 to index
        %get3A_295 = arith.constant 16 : index
        %get3A_296 = tpu.vector_load %arg11[%get3A_294, %get3A_295] {strides = array<i32>} : memref<128x128xf32, #tpu.memory_space<vmem>>, vector<1x16xf32>,
        %get3A_297 = vector.shape_cast %get3A_296 : vector<1x16xf32> to vector<16xf32>
        %max3A_298 = arith.maximumf %max3A_291, %get3A_297 : vector<16xf32>
        %add3A_299 = arith.constant 16 : i32
        %add3A_300 = arith.addi %add3A_299, %scan3A_74 : i32
        %swap3A_301 = arith.index_cast %add3A_300 : i32 to index
        %swap3A_302 = arith.constant 16 : index
        %swap3A_303 = tpu.vector_load %arg13[%swap3A_301, %swap3A_302] {strides = array<i32>} : memref<32x128xf32, #tpu.memory_space<vmem>>, vector<1x16xf32>,
        %swap3A_304 = vector.shape_cast %swap3A_303 : vector<1x16xf32> to vector<16xf32>
        %swap3A_305 = vector.shape_cast %max3A_298 : vector<16xf32> to vector<1x16xf32>
        tpu.vector_store %arg13[%swap3A_301, %swap3A_302], %swap3A_305 {strides = array<i32>} : memref<32x128xf32, #tpu.memory_space<vmem>>, vector<1x16xf32>,
        %get3A_306 = arith.index_cast %mul3A_76 : i32 to index
        %get3A_307 = arith.constant 32 : index
        %get3A_308 = tpu.vector_load %arg11[%get3A_306, %get3A_307] {strides = array<i32>} : memref<128x128xf32, #tpu.memory_space<vmem>>, vector<1x16xf32>,
        %get3A_309 = vector.shape_cast %get3A_308 : vector<1x16xf32> to vector<16xf32>
        %add3A_310 = arith.constant 1 : i32
        %add3A_311 = arith.addi %mul3A_76, %add3A_310 : i32
        %get3A_312 = arith.index_cast %add3A_311 : i32 to index
        %get3A_313 = arith.constant 32 : index
        %get3A_314 = tpu.vector_load %arg11[%get3A_312, %get3A_313] {strides = array<i32>} : memref<128x128xf32, #tpu.memory_space<vmem>>, vector<1x16xf32>,
        %get3A_315 = vector.shape_cast %get3A_314 : vector<1x16xf32> to vector<16xf32>
        %max3A_316 = arith.maximumf %get3A_309, %get3A_315 : vector<16xf32>
        %add3A_317 = arith.constant 2 : i32
        %add3A_318 = arith.addi %mul3A_76, %add3A_317 : i32
        %get3A_319 = arith.index_cast %add3A_318 : i32 to index
        %get3A_320 = arith.constant 32 : index
        %get3A_321 = tpu.vector_load %arg11[%get3A_319, %get3A_320] {strides = array<i32>} : memref<128x128xf32, #tpu.memory_space<vmem>>, vector<1x16xf32>,
        %get3A_322 = vector.shape_cast %get3A_321 : vector<1x16xf32> to vector<16xf32>
        %max3A_323 = arith.maximumf %max3A_316, %get3A_322 : vector<16xf32>
        %add3A_324 = arith.constant 3 : i32
        %add3A_325 = arith.addi %mul3A_76, %add3A_324 : i32
        %get3A_326 = arith.index_cast %add3A_325 : i32 to index
        %get3A_327 = arith.constant 32 : index
        %get3A_328 = tpu.vector_load %arg11[%get3A_326, %get3A_327] {strides = array<i32>} : memref<128x128xf32, #tpu.memory_space<vmem>>, vector<1x16xf32>,
        %get3A_329 = vector.shape_cast %get3A_328 : vector<1x16xf32> to vector<16xf32>
        %max3A_330 = arith.maximumf %max3A_323, %get3A_329 : vector<16xf32>
        %add3A_331 = arith.constant 4 : i32
        %add3A_332 = arith.addi %mul3A_76, %add3A_331 : i32
        %get3A_333 = arith.index_cast %add3A_332 : i32 to index
        %get3A_334 = arith.constant 32 : index
        %get3A_335 = tpu.vector_load %arg11[%get3A_333, %get3A_334] {strides = array<i32>} : memref<128x128xf32, #tpu.memory_space<vmem>>, vector<1x16xf32>,
        %get3A_336 = vector.shape_cast %get3A_335 : vector<1x16xf32> to vector<16xf32>
        %max3A_337 = arith.maximumf %max3A_330, %get3A_336 : vector<16xf32>
        %add3A_338 = arith.constant 5 : i32
        %add3A_339 = arith.addi %mul3A_76, %add3A_338 : i32
        %get3A_340 = arith.index_cast %add3A_339 : i32 to index
        %get3A_341 = arith.constant 32 : index
        %get3A_342 = tpu.vector_load %arg11[%get3A_340, %get3A_341] {strides = array<i32>} : memref<128x128xf32, #tpu.memory_space<vmem>>, vector<1x16xf32>,
        %get3A_343 = vector.shape_cast %get3A_342 : vector<1x16xf32> to vector<16xf32>
        %max3A_344 = arith.maximumf %max3A_337, %get3A_343 : vector<16xf32>
        %add3A_345 = arith.constant 6 : i32
        %add3A_346 = arith.addi %mul3A_76, %add3A_345 : i32
        %get3A_347 = arith.index_cast %add3A_346 : i32 to index
        %get3A_348 = arith.constant 32 : index
        %get3A_349 = tpu.vector_load %arg11[%get3A_347, %get3A_348] {strides = array<i32>} : memref<128x128xf32, #tpu.memory_space<vmem>>, vector<1x16xf32>,
        %get3A_350 = vector.shape_cast %get3A_349 : vector<1x16xf32> to vector<16xf32>
        %max3A_351 = arith.maximumf %max3A_344, %get3A_350 : vector<16xf32>
        %add3A_352 = arith.constant 7 : i32
        %add3A_353 = arith.addi %mul3A_76, %add3A_352 : i32
        %get3A_354 = arith.index_cast %add3A_353 : i32 to index
        %get3A_355 = arith.constant 32 : index
        %get3A_356 = tpu.vector_load %arg11[%get3A_354, %get3A_355] {strides = array<i32>} : memref<128x128xf32, #tpu.memory_space<vmem>>, vector<1x16xf32>,
        %get3A_357 = vector.shape_cast %get3A_356 : vector<1x16xf32> to vector<16xf32>
        %max3A_358 = arith.maximumf %max3A_351, %get3A_357 : vector<16xf32>
        %add3A_359 = arith.constant 8 : i32
        %add3A_360 = arith.addi %mul3A_76, %add3A_359 : i32
        %get3A_361 = arith.index_cast %add3A_360 : i32 to index
        %get3A_362 = arith.constant 32 : index
        %get3A_363 = tpu.vector_load %arg11[%get3A_361, %get3A_362] {strides = array<i32>} : memref<128x128xf32, #tpu.memory_space<vmem>>, vector<1x16xf32>,
        %get3A_364 = vector.shape_cast %get3A_363 : vector<1x16xf32> to vector<16xf32>
        %max3A_365 = arith.maximumf %max3A_358, %get3A_364 : vector<16xf32>
        %add3A_366 = arith.constant 9 : i32
        %add3A_367 = arith.addi %mul3A_76, %add3A_366 : i32
        %get3A_368 = arith.index_cast %add3A_367 : i32 to index
        %get3A_369 = arith.constant 32 : index
        %get3A_370 = tpu.vector_load %arg11[%get3A_368, %get3A_369] {strides = array<i32>} : memref<128x128xf32, #tpu.memory_space<vmem>>, vector<1x16xf32>,
        %get3A_371 = vector.shape_cast %get3A_370 : vector<1x16xf32> to vector<16xf32>
        %max3A_372 = arith.maximumf %max3A_365, %get3A_371 : vector<16xf32>
        %add3A_373 = arith.constant 10 : i32
        %add3A_374 = arith.addi %mul3A_76, %add3A_373 : i32
        %get3A_375 = arith.index_cast %add3A_374 : i32 to index
        %get3A_376 = arith.constant 32 : index
        %get3A_377 = tpu.vector_load %arg11[%get3A_375, %get3A_376] {strides = array<i32>} : memref<128x128xf32, #tpu.memory_space<vmem>>, vector<1x16xf32>,
        %get3A_378 = vector.shape_cast %get3A_377 : vector<1x16xf32> to vector<16xf32>
        %max3A_379 = arith.maximumf %max3A_372, %get3A_378 : vector<16xf32>
        %add3A_380 = arith.constant 11 : i32
        %add3A_381 = arith.addi %mul3A_76, %add3A_380 : i32
        %get3A_382 = arith.index_cast %add3A_381 : i32 to index
        %get3A_383 = arith.constant 32 : index
        %get3A_384 = tpu.vector_load %arg11[%get3A_382, %get3A_383] {strides = array<i32>} : memref<128x128xf32, #tpu.memory_space<vmem>>, vector<1x16xf32>,
        %get3A_385 = vector.shape_cast %get3A_384 : vector<1x16xf32> to vector<16xf32>
        %max3A_386 = arith.maximumf %max3A_379, %get3A_385 : vector<16xf32>
        %add3A_387 = arith.constant 12 : i32
        %add3A_388 = arith.addi %mul3A_76, %add3A_387 : i32
        %get3A_389 = arith.index_cast %add3A_388 : i32 to index
        %get3A_390 = arith.constant 32 : index
        %get3A_391 = tpu.vector_load %arg11[%get3A_389, %get3A_390] {strides = array<i32>} : memref<128x128xf32, #tpu.memory_space<vmem>>, vector<1x16xf32>,
        %get3A_392 = vector.shape_cast %get3A_391 : vector<1x16xf32> to vector<16xf32>
        %max3A_393 = arith.maximumf %max3A_386, %get3A_392 : vector<16xf32>
        %add3A_394 = arith.constant 13 : i32
        %add3A_395 = arith.addi %mul3A_76, %add3A_394 : i32
        %get3A_396 = arith.index_cast %add3A_395 : i32 to index
        %get3A_397 = arith.constant 32 : index
        %get3A_398 = tpu.vector_load %arg11[%get3A_396, %get3A_397] {strides = array<i32>} : memref<128x128xf32, #tpu.memory_space<vmem>>, vector<1x16xf32>,
        %get3A_399 = vector.shape_cast %get3A_398 : vector<1x16xf32> to vector<16xf32>
        %max3A_400 = arith.maximumf %max3A_393, %get3A_399 : vector<16xf32>
        %add3A_401 = arith.constant 14 : i32
        %add3A_402 = arith.addi %mul3A_76, %add3A_401 : i32
        %get3A_403 = arith.index_cast %add3A_402 : i32 to index
        %get3A_404 = arith.constant 32 : index
        %get3A_405 = tpu.vector_load %arg11[%get3A_403, %get3A_404] {strides = array<i32>} : memref<128x128xf32, #tpu.memory_space<vmem>>, vector<1x16xf32>,
        %get3A_406 = vector.shape_cast %get3A_405 : vector<1x16xf32> to vector<16xf32>
        %max3A_407 = arith.maximumf %max3A_400, %get3A_406 : vector<16xf32>
        %add3A_408 = arith.constant 15 : i32
        %add3A_409 = arith.addi %mul3A_76, %add3A_408 : i32
        %get3A_410 = arith.index_cast %add3A_409 : i32 to index
        %get3A_411 = arith.constant 32 : index
        %get3A_412 = tpu.vector_load %arg11[%get3A_410, %get3A_411] {strides = array<i32>} : memref<128x128xf32, #tpu.memory_space<vmem>>, vector<1x16xf32>,
        %get3A_413 = vector.shape_cast %get3A_412 : vector<1x16xf32> to vector<16xf32>
        %max3A_414 = arith.maximumf %max3A_407, %get3A_413 : vector<16xf32>
        %add3A_415 = arith.constant 16 : i32
        %add3A_416 = arith.addi %add3A_415, %scan3A_74 : i32
        %swap3A_417 = arith.index_cast %add3A_416 : i32 to index
        %swap3A_418 = arith.constant 32 : index
        %swap3A_419 = tpu.vector_load %arg13[%swap3A_417, %swap3A_418] {strides = array<i32>} : memref<32x128xf32, #tpu.memory_space<vmem>>, vector<1x16xf32>,
        %swap3A_420 = vector.shape_cast %swap3A_419 : vector<1x16xf32> to vector<16xf32>
        %swap3A_421 = vector.shape_cast %max3A_414 : vector<16xf32> to vector<1x16xf32>
        tpu.vector_store %arg13[%swap3A_417, %swap3A_418], %swap3A_421 {strides = array<i32>} : memref<32x128xf32, #tpu.memory_space<vmem>>, vector<1x16xf32>,
        %get3A_422 = arith.index_cast %mul3A_76 : i32 to index
        %get3A_423 = arith.constant 48 : index
        %get3A_424 = tpu.vector_load %arg11[%get3A_422, %get3A_423] {strides = array<i32>} : memref<128x128xf32, #tpu.memory_space<vmem>>, vector<1x16xf32>,
        %get3A_425 = vector.shape_cast %get3A_424 : vector<1x16xf32> to vector<16xf32>
        %add3A_426 = arith.constant 1 : i32
        %add3A_427 = arith.addi %mul3A_76, %add3A_426 : i32
        %get3A_428 = arith.index_cast %add3A_427 : i32 to index
        %get3A_429 = arith.constant 48 : index
        %get3A_430 = tpu.vector_load %arg11[%get3A_428, %get3A_429] {strides = array<i32>} : memref<128x128xf32, #tpu.memory_space<vmem>>, vector<1x16xf32>,
        %get3A_431 = vector.shape_cast %get3A_430 : vector<1x16xf32> to vector<16xf32>
        %max3A_432 = arith.maximumf %get3A_425, %get3A_431 : vector<16xf32>
        %add3A_433 = arith.constant 2 : i32
        %add3A_434 = arith.addi %mul3A_76, %add3A_433 : i32
        %get3A_435 = arith.index_cast %add3A_434 : i32 to index
        %get3A_436 = arith.constant 48 : index
        %get3A_437 = tpu.vector_load %arg11[%get3A_435, %get3A_436] {strides = array<i32>} : memref<128x128xf32, #tpu.memory_space<vmem>>, vector<1x16xf32>,
        %get3A_438 = vector.shape_cast %get3A_437 : vector<1x16xf32> to vector<16xf32>
        %max3A_439 = arith.maximumf %max3A_432, %get3A_438 : vector<16xf32>
        %add3A_440 = arith.constant 3 : i32
        %add3A_441 = arith.addi %mul3A_76, %add3A_440 : i32
        %get3A_442 = arith.index_cast %add3A_441 : i32 to index
        %get3A_443 = arith.constant 48 : index
        %get3A_444 = tpu.vector_load %arg11[%get3A_442, %get3A_443] {strides = array<i32>} : memref<128x128xf32, #tpu.memory_space<vmem>>, vector<1x16xf32>,
        %get3A_445 = vector.shape_cast %get3A_444 : vector<1x16xf32> to vector<16xf32>
        %max3A_446 = arith.maximumf %max3A_439, %get3A_445 : vector<16xf32>
        %add3A_447 = arith.constant 4 : i32
        %add3A_448 = arith.addi %mul3A_76, %add3A_447 : i32
        %get3A_449 = arith.index_cast %add3A_448 : i32 to index
        %get3A_450 = arith.constant 48 : index
        %get3A_451 = tpu.vector_load %arg11[%get3A_449, %get3A_450] {strides = array<i32>} : memref<128x128xf32, #tpu.memory_space<vmem>>, vector<1x16xf32>,
        %get3A_452 = vector.shape_cast %get3A_451 : vector<1x16xf32> to vector<16xf32>
        %max3A_453 = arith.maximumf %max3A_446, %get3A_452 : vector<16xf32>
        %add3A_454 = arith.constant 5 : i32
        %add3A_455 = arith.addi %mul3A_76, %add3A_454 : i32
        %get3A_456 = arith.index_cast %add3A_455 : i32 to index
        %get3A_457 = arith.constant 48 : index
        %get3A_458 = tpu.vector_load %arg11[%get3A_456, %get3A_457] {strides = array<i32>} : memref<128x128xf32, #tpu.memory_space<vmem>>, vector<1x16xf32>,
        %get3A_459 = vector.shape_cast %get3A_458 : vector<1x16xf32> to vector<16xf32>
        %max3A_460 = arith.maximumf %max3A_453, %get3A_459 : vector<16xf32>
        %add3A_461 = arith.constant 6 : i32
        %add3A_462 = arith.addi %mul3A_76, %add3A_461 : i32
        %get3A_463 = arith.index_cast %add3A_462 : i32 to index
        %get3A_464 = arith.constant 48 : index
        %get3A_465 = tpu.vector_load %arg11[%get3A_463, %get3A_464] {strides = array<i32>} : memref<128x128xf32, #tpu.memory_space<vmem>>, vector<1x16xf32>,
        %get3A_466 = vector.shape_cast %get3A_465 : vector<1x16xf32> to vector<16xf32>
        %max3A_467 = arith.maximumf %max3A_460, %get3A_466 : vector<16xf32>
        %add3A_468 = arith.constant 7 : i32
        %add3A_469 = arith.addi %mul3A_76, %add3A_468 : i32
        %get3A_470 = arith.index_cast %add3A_469 : i32 to index
        %get3A_471 = arith.constant 48 : index
        %get3A_472 = tpu.vector_load %arg11[%get3A_470, %get3A_471] {strides = array<i32>} : memref<128x128xf32, #tpu.memory_space<vmem>>, vector<1x16xf32>,
        %get3A_473 = vector.shape_cast %get3A_472 : vector<1x16xf32> to vector<16xf32>
        %max3A_474 = arith.maximumf %max3A_467, %get3A_473 : vector<16xf32>
        %add3A_475 = arith.constant 8 : i32
        %add3A_476 = arith.addi %mul3A_76, %add3A_475 : i32
        %get3A_477 = arith.index_cast %add3A_476 : i32 to index
        %get3A_478 = arith.constant 48 : index
        %get3A_479 = tpu.vector_load %arg11[%get3A_477, %get3A_478] {strides = array<i32>} : memref<128x128xf32, #tpu.memory_space<vmem>>, vector<1x16xf32>,
        %get3A_480 = vector.shape_cast %get3A_479 : vector<1x16xf32> to vector<16xf32>
        %max3A_481 = arith.maximumf %max3A_474, %get3A_480 : vector<16xf32>
        %add3A_482 = arith.constant 9 : i32
        %add3A_483 = arith.addi %mul3A_76, %add3A_482 : i32
        %get3A_484 = arith.index_cast %add3A_483 : i32 to index
        %get3A_485 = arith.constant 48 : index
        %get3A_486 = tpu.vector_load %arg11[%get3A_484, %get3A_485] {strides = array<i32>} : memref<128x128xf32, #tpu.memory_space<vmem>>, vector<1x16xf32>,
        %get3A_487 = vector.shape_cast %get3A_486 : vector<1x16xf32> to vector<16xf32>
        %max3A_488 = arith.maximumf %max3A_481, %get3A_487 : vector<16xf32>
        %add3A_489 = arith.constant 10 : i32
        %add3A_490 = arith.addi %mul3A_76, %add3A_489 : i32
        %get3A_491 = arith.index_cast %add3A_490 : i32 to index
        %get3A_492 = arith.constant 48 : index
        %get3A_493 = tpu.vector_load %arg11[%get3A_491, %get3A_492] {strides = array<i32>} : memref<128x128xf32, #tpu.memory_space<vmem>>, vector<1x16xf32>,
        %get3A_494 = vector.shape_cast %get3A_493 : vector<1x16xf32> to vector<16xf32>
        %max3A_495 = arith.maximumf %max3A_488, %get3A_494 : vector<16xf32>
        %add3A_496 = arith.constant 11 : i32
        %add3A_497 = arith.addi %mul3A_76, %add3A_496 : i32
        %get3A_498 = arith.index_cast %add3A_497 : i32 to index
        %get3A_499 = arith.constant 48 : index
        %get3A_500 = tpu.vector_load %arg11[%get3A_498, %get3A_499] {strides = array<i32>} : memref<128x128xf32, #tpu.memory_space<vmem>>, vector<1x16xf32>,
        %get3A_501 = vector.shape_cast %get3A_500 : vector<1x16xf32> to vector<16xf32>
        %max3A_502 = arith.maximumf %max3A_495, %get3A_501 : vector<16xf32>
        %add3A_503 = arith.constant 12 : i32
        %add3A_504 = arith.addi %mul3A_76, %add3A_503 : i32
        %get3A_505 = arith.index_cast %add3A_504 : i32 to index
        %get3A_506 = arith.constant 48 : index
        %get3A_507 = tpu.vector_load %arg11[%get3A_505, %get3A_506] {strides = array<i32>} : memref<128x128xf32, #tpu.memory_space<vmem>>, vector<1x16xf32>,
        %get3A_508 = vector.shape_cast %get3A_507 : vector<1x16xf32> to vector<16xf32>
        %max3A_509 = arith.maximumf %max3A_502, %get3A_508 : vector<16xf32>
        %add3A_510 = arith.constant 13 : i32
        %add3A_511 = arith.addi %mul3A_76, %add3A_510 : i32
        %get3A_512 = arith.index_cast %add3A_511 : i32 to index
        %get3A_513 = arith.constant 48 : index
        %get3A_514 = tpu.vector_load %arg11[%get3A_512, %get3A_513] {strides = array<i32>} : memref<128x128xf32, #tpu.memory_space<vmem>>, vector<1x16xf32>,
        %get3A_515 = vector.shape_cast %get3A_514 : vector<1x16xf32> to vector<16xf32>
        %max3A_516 = arith.maximumf %max3A_509, %get3A_515 : vector<16xf32>
        %add3A_517 = arith.constant 14 : i32
        %add3A_518 = arith.addi %mul3A_76, %add3A_517 : i32
        %get3A_519 = arith.index_cast %add3A_518 : i32 to index
        %get3A_520 = arith.constant 48 : index
        %get3A_521 = tpu.vector_load %arg11[%get3A_519, %get3A_520] {strides = array<i32>} : memref<128x128xf32, #tpu.memory_space<vmem>>, vector<1x16xf32>,
        %get3A_522 = vector.shape_cast %get3A_521 : vector<1x16xf32> to vector<16xf32>
        %max3A_523 = arith.maximumf %max3A_516, %get3A_522 : vector<16xf32>
        %add3A_524 = arith.constant 15 : i32
        %add3A_525 = arith.addi %mul3A_76, %add3A_524 : i32
        %get3A_526 = arith.index_cast %add3A_525 : i32 to index
        %get3A_527 = arith.constant 48 : index
        %get3A_528 = tpu.vector_load %arg11[%get3A_526, %get3A_527] {strides = array<i32>} : memref<128x128xf32, #tpu.memory_space<vmem>>, vector<1x16xf32>,
        %get3A_529 = vector.shape_cast %get3A_528 : vector<1x16xf32> to vector<16xf32>
        %max3A_530 = arith.maximumf %max3A_523, %get3A_529 : vector<16xf32>
        %add3A_531 = arith.constant 16 : i32
        %add3A_532 = arith.addi %add3A_531, %scan3A_74 : i32
        %swap3A_533 = arith.index_cast %add3A_532 : i32 to index
        %swap3A_534 = arith.constant 48 : index
        %swap3A_535 = tpu.vector_load %arg13[%swap3A_533, %swap3A_534] {strides = array<i32>} : memref<32x128xf32, #tpu.memory_space<vmem>>, vector<1x16xf32>,
        %swap3A_536 = vector.shape_cast %swap3A_535 : vector<1x16xf32> to vector<16xf32>
        %swap3A_537 = vector.shape_cast %max3A_530 : vector<16xf32> to vector<1x16xf32>
        tpu.vector_store %arg13[%swap3A_533, %swap3A_534], %swap3A_537 {strides = array<i32>} : memref<32x128xf32, #tpu.memory_space<vmem>>, vector<1x16xf32>,
        %get3A_538 = arith.index_cast %mul3A_76 : i32 to index
        %get3A_539 = arith.constant 64 : index
        %get3A_540 = tpu.vector_load %arg11[%get3A_538, %get3A_539] {strides = array<i32>} : memref<128x128xf32, #tpu.memory_space<vmem>>, vector<1x16xf32>,
        %get3A_541 = vector.shape_cast %get3A_540 : vector<1x16xf32> to vector<16xf32>
        %add3A_542 = arith.constant 1 : i32
        %add3A_543 = arith.addi %mul3A_76, %add3A_542 : i32
        %get3A_544 = arith.index_cast %add3A_543 : i32 to index
        %get3A_545 = arith.constant 64 : index
        %get3A_546 = tpu.vector_load %arg11[%get3A_544, %get3A_545] {strides = array<i32>} : memref<128x128xf32, #tpu.memory_space<vmem>>, vector<1x16xf32>,
        %get3A_547 = vector.shape_cast %get3A_546 : vector<1x16xf32> to vector<16xf32>
        %max3A_548 = arith.maximumf %get3A_541, %get3A_547 : vector<16xf32>
        %add3A_549 = arith.constant 2 : i32
        %add3A_550 = arith.addi %mul3A_76, %add3A_549 : i32
        %get3A_551 = arith.index_cast %add3A_550 : i32 to index
        %get3A_552 = arith.constant 64 : index
        %get3A_553 = tpu.vector_load %arg11[%get3A_551, %get3A_552] {strides = array<i32>} : memref<128x128xf32, #tpu.memory_space<vmem>>, vector<1x16xf32>,
        %get3A_554 = vector.shape_cast %get3A_553 : vector<1x16xf32> to vector<16xf32>
        %max3A_555 = arith.maximumf %max3A_548, %get3A_554 : vector<16xf32>
        %add3A_556 = arith.constant 3 : i32
        %add3A_557 = arith.addi %mul3A_76, %add3A_556 : i32
        %get3A_558 = arith.index_cast %add3A_557 : i32 to index
        %get3A_559 = arith.constant 64 : index
        %get3A_560 = tpu.vector_load %arg11[%get3A_558, %get3A_559] {strides = array<i32>} : memref<128x128xf32, #tpu.memory_space<vmem>>, vector<1x16xf32>,
        %get3A_561 = vector.shape_cast %get3A_560 : vector<1x16xf32> to vector<16xf32>
        %max3A_562 = arith.maximumf %max3A_555, %get3A_561 : vector<16xf32>
        %add3A_563 = arith.constant 4 : i32
        %add3A_564 = arith.addi %mul3A_76, %add3A_563 : i32
        %get3A_565 = arith.index_cast %add3A_564 : i32 to index
        %get3A_566 = arith.constant 64 : index
        %get3A_567 = tpu.vector_load %arg11[%get3A_565, %get3A_566] {strides = array<i32>} : memref<128x128xf32, #tpu.memory_space<vmem>>, vector<1x16xf32>,
        %get3A_568 = vector.shape_cast %get3A_567 : vector<1x16xf32> to vector<16xf32>
        %max3A_569 = arith.maximumf %max3A_562, %get3A_568 : vector<16xf32>
        %add3A_570 = arith.constant 5 : i32
        %add3A_571 = arith.addi %mul3A_76, %add3A_570 : i32
        %get3A_572 = arith.index_cast %add3A_571 : i32 to index
        %get3A_573 = arith.constant 64 : index
        %get3A_574 = tpu.vector_load %arg11[%get3A_572, %get3A_573] {strides = array<i32>} : memref<128x128xf32, #tpu.memory_space<vmem>>, vector<1x16xf32>,
        %get3A_575 = vector.shape_cast %get3A_574 : vector<1x16xf32> to vector<16xf32>
        %max3A_576 = arith.maximumf %max3A_569, %get3A_575 : vector<16xf32>
        %add3A_577 = arith.constant 6 : i32
        %add3A_578 = arith.addi %mul3A_76, %add3A_577 : i32
        %get3A_579 = arith.index_cast %add3A_578 : i32 to index
        %get3A_580 = arith.constant 64 : index
        %get3A_581 = tpu.vector_load %arg11[%get3A_579, %get3A_580] {strides = array<i32>} : memref<128x128xf32, #tpu.memory_space<vmem>>, vector<1x16xf32>,
        %get3A_582 = vector.shape_cast %get3A_581 : vector<1x16xf32> to vector<16xf32>
        %max3A_583 = arith.maximumf %max3A_576, %get3A_582 : vector<16xf32>
        %add3A_584 = arith.constant 7 : i32
        %add3A_585 = arith.addi %mul3A_76, %add3A_584 : i32
        %get3A_586 = arith.index_cast %add3A_585 : i32 to index
        %get3A_587 = arith.constant 64 : index
        %get3A_588 = tpu.vector_load %arg11[%get3A_586, %get3A_587] {strides = array<i32>} : memref<128x128xf32, #tpu.memory_space<vmem>>, vector<1x16xf32>,
        %get3A_589 = vector.shape_cast %get3A_588 : vector<1x16xf32> to vector<16xf32>
        %max3A_590 = arith.maximumf %max3A_583, %get3A_589 : vector<16xf32>
        %add3A_591 = arith.constant 8 : i32
        %add3A_592 = arith.addi %mul3A_76, %add3A_591 : i32
        %get3A_593 = arith.index_cast %add3A_592 : i32 to index
        %get3A_594 = arith.constant 64 : index
        %get3A_595 = tpu.vector_load %arg11[%get3A_593, %get3A_594] {strides = array<i32>} : memref<128x128xf32, #tpu.memory_space<vmem>>, vector<1x16xf32>,
        %get3A_596 = vector.shape_cast %get3A_595 : vector<1x16xf32> to vector<16xf32>
        %max3A_597 = arith.maximumf %max3A_590, %get3A_596 : vector<16xf32>
        %add3A_598 = arith.constant 9 : i32
        %add3A_599 = arith.addi %mul3A_76, %add3A_598 : i32
        %get3A_600 = arith.index_cast %add3A_599 : i32 to index
        %get3A_601 = arith.constant 64 : index
        %get3A_602 = tpu.vector_load %arg11[%get3A_600, %get3A_601] {strides = array<i32>} : memref<128x128xf32, #tpu.memory_space<vmem>>, vector<1x16xf32>,
        %get3A_603 = vector.shape_cast %get3A_602 : vector<1x16xf32> to vector<16xf32>
        %max3A_604 = arith.maximumf %max3A_597, %get3A_603 : vector<16xf32>
        %add3A_605 = arith.constant 10 : i32
        %add3A_606 = arith.addi %mul3A_76, %add3A_605 : i32
        %get3A_607 = arith.index_cast %add3A_606 : i32 to index
        %get3A_608 = arith.constant 64 : index
        %get3A_609 = tpu.vector_load %arg11[%get3A_607, %get3A_608] {strides = array<i32>} : memref<128x128xf32, #tpu.memory_space<vmem>>, vector<1x16xf32>,
        %get3A_610 = vector.shape_cast %get3A_609 : vector<1x16xf32> to vector<16xf32>
        %max3A_611 = arith.maximumf %max3A_604, %get3A_610 : vector<16xf32>
        %add3A_612 = arith.constant 11 : i32
        %add3A_613 = arith.addi %mul3A_76, %add3A_612 : i32
        %get3A_614 = arith.index_cast %add3A_613 : i32 to index
        %get3A_615 = arith.constant 64 : index
        %get3A_616 = tpu.vector_load %arg11[%get3A_614, %get3A_615] {strides = array<i32>} : memref<128x128xf32, #tpu.memory_space<vmem>>, vector<1x16xf32>,
        %get3A_617 = vector.shape_cast %get3A_616 : vector<1x16xf32> to vector<16xf32>
        %max3A_618 = arith.maximumf %max3A_611, %get3A_617 : vector<16xf32>
        %add3A_619 = arith.constant 12 : i32
        %add3A_620 = arith.addi %mul3A_76, %add3A_619 : i32
        %get3A_621 = arith.index_cast %add3A_620 : i32 to index
        %get3A_622 = arith.constant 64 : index
        %get3A_623 = tpu.vector_load %arg11[%get3A_621, %get3A_622] {strides = array<i32>} : memref<128x128xf32, #tpu.memory_space<vmem>>, vector<1x16xf32>,
        %get3A_624 = vector.shape_cast %get3A_623 : vector<1x16xf32> to vector<16xf32>
        %max3A_625 = arith.maximumf %max3A_618, %get3A_624 : vector<16xf32>
        %add3A_626 = arith.constant 13 : i32
        %add3A_627 = arith.addi %mul3A_76, %add3A_626 : i32
        %get3A_628 = arith.index_cast %add3A_627 : i32 to index
        %get3A_629 = arith.constant 64 : index
        %get3A_630 = tpu.vector_load %arg11[%get3A_628, %get3A_629] {strides = array<i32>} : memref<128x128xf32, #tpu.memory_space<vmem>>, vector<1x16xf32>,
        %get3A_631 = vector.shape_cast %get3A_630 : vector<1x16xf32> to vector<16xf32>
        %max3A_632 = arith.maximumf %max3A_625, %get3A_631 : vector<16xf32>
        %add3A_633 = arith.constant 14 : i32
        %add3A_634 = arith.addi %mul3A_76, %add3A_633 : i32
        %get3A_635 = arith.index_cast %add3A_634 : i32 to index
        %get3A_636 = arith.constant 64 : index
        %get3A_637 = tpu.vector_load %arg11[%get3A_635, %get3A_636] {strides = array<i32>} : memref<128x128xf32, #tpu.memory_space<vmem>>, vector<1x16xf32>,
        %get3A_638 = vector.shape_cast %get3A_637 : vector<1x16xf32> to vector<16xf32>
        %max3A_639 = arith.maximumf %max3A_632, %get3A_638 : vector<16xf32>
        %add3A_640 = arith.constant 15 : i32
        %add3A_641 = arith.addi %mul3A_76, %add3A_640 : i32
        %get3A_642 = arith.index_cast %add3A_641 : i32 to index
        %get3A_643 = arith.constant 64 : index
        %get3A_644 = tpu.vector_load %arg11[%get3A_642, %get3A_643] {strides = array<i32>} : memref<128x128xf32, #tpu.memory_space<vmem>>, vector<1x16xf32>,
        %get3A_645 = vector.shape_cast %get3A_644 : vector<1x16xf32> to vector<16xf32>
        %max3A_646 = arith.maximumf %max3A_639, %get3A_645 : vector<16xf32>
        %add3A_647 = arith.constant 16 : i32
        %add3A_648 = arith.addi %add3A_647, %scan3A_74 : i32
        %swap3A_649 = arith.index_cast %add3A_648 : i32 to index
        %swap3A_650 = arith.constant 64 : index
        %swap3A_651 = tpu.vector_load %arg13[%swap3A_649, %swap3A_650] {strides = array<i32>} : memref<32x128xf32, #tpu.memory_space<vmem>>, vector<1x16xf32>,
        %swap3A_652 = vector.shape_cast %swap3A_651 : vector<1x16xf32> to vector<16xf32>
        %swap3A_653 = vector.shape_cast %max3A_646 : vector<16xf32> to vector<1x16xf32>
        tpu.vector_store %arg13[%swap3A_649, %swap3A_650], %swap3A_653 {strides = array<i32>} : memref<32x128xf32, #tpu.memory_space<vmem>>, vector<1x16xf32>,
        %get3A_654 = arith.index_cast %mul3A_76 : i32 to index
        %get3A_655 = arith.constant 80 : index
        %get3A_656 = tpu.vector_load %arg11[%get3A_654, %get3A_655] {strides = array<i32>} : memref<128x128xf32, #tpu.memory_space<vmem>>, vector<1x16xf32>,
        %get3A_657 = vector.shape_cast %get3A_656 : vector<1x16xf32> to vector<16xf32>
        %add3A_658 = arith.constant 1 : i32
        %add3A_659 = arith.addi %mul3A_76, %add3A_658 : i32
        %get3A_660 = arith.index_cast %add3A_659 : i32 to index
        %get3A_661 = arith.constant 80 : index
        %get3A_662 = tpu.vector_load %arg11[%get3A_660, %get3A_661] {strides = array<i32>} : memref<128x128xf32, #tpu.memory_space<vmem>>, vector<1x16xf32>,
        %get3A_663 = vector.shape_cast %get3A_662 : vector<1x16xf32> to vector<16xf32>
        %max3A_664 = arith.maximumf %get3A_657, %get3A_663 : vector<16xf32>
        %add3A_665 = arith.constant 2 : i32
        %add3A_666 = arith.addi %mul3A_76, %add3A_665 : i32
        %get3A_667 = arith.index_cast %add3A_666 : i32 to index
        %get3A_668 = arith.constant 80 : index
        %get3A_669 = tpu.vector_load %arg11[%get3A_667, %get3A_668] {strides = array<i32>} : memref<128x128xf32, #tpu.memory_space<vmem>>, vector<1x16xf32>,
        %get3A_670 = vector.shape_cast %get3A_669 : vector<1x16xf32> to vector<16xf32>
        %max3A_671 = arith.maximumf %max3A_664, %get3A_670 : vector<16xf32>
        %add3A_672 = arith.constant 3 : i32
        %add3A_673 = arith.addi %mul3A_76, %add3A_672 : i32
        %get3A_674 = arith.index_cast %add3A_673 : i32 to index
        %get3A_675 = arith.constant 80 : index
        %get3A_676 = tpu.vector_load %arg11[%get3A_674, %get3A_675] {strides = array<i32>} : memref<128x128xf32, #tpu.memory_space<vmem>>, vector<1x16xf32>,
        %get3A_677 = vector.shape_cast %get3A_676 : vector<1x16xf32> to vector<16xf32>
        %max3A_678 = arith.maximumf %max3A_671, %get3A_677 : vector<16xf32>
        %add3A_679 = arith.constant 4 : i32
        %add3A_680 = arith.addi %mul3A_76, %add3A_679 : i32
        %get3A_681 = arith.index_cast %add3A_680 : i32 to index
        %get3A_682 = arith.constant 80 : index
        %get3A_683 = tpu.vector_load %arg11[%get3A_681, %get3A_682] {strides = array<i32>} : memref<128x128xf32, #tpu.memory_space<vmem>>, vector<1x16xf32>,
        %get3A_684 = vector.shape_cast %get3A_683 : vector<1x16xf32> to vector<16xf32>
        %max3A_685 = arith.maximumf %max3A_678, %get3A_684 : vector<16xf32>
        %add3A_686 = arith.constant 5 : i32
        %add3A_687 = arith.addi %mul3A_76, %add3A_686 : i32
        %get3A_688 = arith.index_cast %add3A_687 : i32 to index
        %get3A_689 = arith.constant 80 : index
        %get3A_690 = tpu.vector_load %arg11[%get3A_688, %get3A_689] {strides = array<i32>} : memref<128x128xf32, #tpu.memory_space<vmem>>, vector<1x16xf32>,
        %get3A_691 = vector.shape_cast %get3A_690 : vector<1x16xf32> to vector<16xf32>
        %max3A_692 = arith.maximumf %max3A_685, %get3A_691 : vector<16xf32>
        %add3A_693 = arith.constant 6 : i32
        %add3A_694 = arith.addi %mul3A_76, %add3A_693 : i32
        %get3A_695 = arith.index_cast %add3A_694 : i32 to index
        %get3A_696 = arith.constant 80 : index
        %get3A_697 = tpu.vector_load %arg11[%get3A_695, %get3A_696] {strides = array<i32>} : memref<128x128xf32, #tpu.memory_space<vmem>>, vector<1x16xf32>,
        %get3A_698 = vector.shape_cast %get3A_697 : vector<1x16xf32> to vector<16xf32>
        %max3A_699 = arith.maximumf %max3A_692, %get3A_698 : vector<16xf32>
        %add3A_700 = arith.constant 7 : i32
        %add3A_701 = arith.addi %mul3A_76, %add3A_700 : i32
        %get3A_702 = arith.index_cast %add3A_701 : i32 to index
        %get3A_703 = arith.constant 80 : index
        %get3A_704 = tpu.vector_load %arg11[%get3A_702, %get3A_703] {strides = array<i32>} : memref<128x128xf32, #tpu.memory_space<vmem>>, vector<1x16xf32>,
        %get3A_705 = vector.shape_cast %get3A_704 : vector<1x16xf32> to vector<16xf32>
        %max3A_706 = arith.maximumf %max3A_699, %get3A_705 : vector<16xf32>
        %add3A_707 = arith.constant 8 : i32
        %add3A_708 = arith.addi %mul3A_76, %add3A_707 : i32
        %get3A_709 = arith.index_cast %add3A_708 : i32 to index
        %get3A_710 = arith.constant 80 : index
        %get3A_711 = tpu.vector_load %arg11[%get3A_709, %get3A_710] {strides = array<i32>} : memref<128x128xf32, #tpu.memory_space<vmem>>, vector<1x16xf32>,
        %get3A_712 = vector.shape_cast %get3A_711 : vector<1x16xf32> to vector<16xf32>
        %max3A_713 = arith.maximumf %max3A_706, %get3A_712 : vector<16xf32>
        %add3A_714 = arith.constant 9 : i32
        %add3A_715 = arith.addi %mul3A_76, %add3A_714 : i32
        %get3A_716 = arith.index_cast %add3A_715 : i32 to index
        %get3A_717 = arith.constant 80 : index
        %get3A_718 = tpu.vector_load %arg11[%get3A_716, %get3A_717] {strides = array<i32>} : memref<128x128xf32, #tpu.memory_space<vmem>>, vector<1x16xf32>,
        %get3A_719 = vector.shape_cast %get3A_718 : vector<1x16xf32> to vector<16xf32>
        %max3A_720 = arith.maximumf %max3A_713, %get3A_719 : vector<16xf32>
        %add3A_721 = arith.constant 10 : i32
        %add3A_722 = arith.addi %mul3A_76, %add3A_721 : i32
        %get3A_723 = arith.index_cast %add3A_722 : i32 to index
        %get3A_724 = arith.constant 80 : index
        %get3A_725 = tpu.vector_load %arg11[%get3A_723, %get3A_724] {strides = array<i32>} : memref<128x128xf32, #tpu.memory_space<vmem>>, vector<1x16xf32>,
        %get3A_726 = vector.shape_cast %get3A_725 : vector<1x16xf32> to vector<16xf32>
        %max3A_727 = arith.maximumf %max3A_720, %get3A_726 : vector<16xf32>
        %add3A_728 = arith.constant 11 : i32
        %add3A_729 = arith.addi %mul3A_76, %add3A_728 : i32
        %get3A_730 = arith.index_cast %add3A_729 : i32 to index
        %get3A_731 = arith.constant 80 : index
        %get3A_732 = tpu.vector_load %arg11[%get3A_730, %get3A_731] {strides = array<i32>} : memref<128x128xf32, #tpu.memory_space<vmem>>, vector<1x16xf32>,
        %get3A_733 = vector.shape_cast %get3A_732 : vector<1x16xf32> to vector<16xf32>
        %max3A_734 = arith.maximumf %max3A_727, %get3A_733 : vector<16xf32>
        %add3A_735 = arith.constant 12 : i32
        %add3A_736 = arith.addi %mul3A_76, %add3A_735 : i32
        %get3A_737 = arith.index_cast %add3A_736 : i32 to index
        %get3A_738 = arith.constant 80 : index
        %get3A_739 = tpu.vector_load %arg11[%get3A_737, %get3A_738] {strides = array<i32>} : memref<128x128xf32, #tpu.memory_space<vmem>>, vector<1x16xf32>,
        %get3A_740 = vector.shape_cast %get3A_739 : vector<1x16xf32> to vector<16xf32>
        %max3A_741 = arith.maximumf %max3A_734, %get3A_740 : vector<16xf32>
        %add3A_742 = arith.constant 13 : i32
        %add3A_743 = arith.addi %mul3A_76, %add3A_742 : i32
        %get3A_744 = arith.index_cast %add3A_743 : i32 to index
        %get3A_745 = arith.constant 80 : index
        %get3A_746 = tpu.vector_load %arg11[%get3A_744, %get3A_745] {strides = array<i32>} : memref<128x128xf32, #tpu.memory_space<vmem>>, vector<1x16xf32>,
        %get3A_747 = vector.shape_cast %get3A_746 : vector<1x16xf32> to vector<16xf32>
        %max3A_748 = arith.maximumf %max3A_741, %get3A_747 : vector<16xf32>
        %add3A_749 = arith.constant 14 : i32
        %add3A_750 = arith.addi %mul3A_76, %add3A_749 : i32
        %get3A_751 = arith.index_cast %add3A_750 : i32 to index
        %get3A_752 = arith.constant 80 : index
        %get3A_753 = tpu.vector_load %arg11[%get3A_751, %get3A_752] {strides = array<i32>} : memref<128x128xf32, #tpu.memory_space<vmem>>, vector<1x16xf32>,
        %get3A_754 = vector.shape_cast %get3A_753 : vector<1x16xf32> to vector<16xf32>
        %max3A_755 = arith.maximumf %max3A_748, %get3A_754 : vector<16xf32>
        %add3A_756 = arith.constant 15 : i32
        %add3A_757 = arith.addi %mul3A_76, %add3A_756 : i32
        %get3A_758 = arith.index_cast %add3A_757 : i32 to index
        %get3A_759 = arith.constant 80 : index
        %get3A_760 = tpu.vector_load %arg11[%get3A_758, %get3A_759] {strides = array<i32>} : memref<128x128xf32, #tpu.memory_space<vmem>>, vector<1x16xf32>,
        %get3A_761 = vector.shape_cast %get3A_760 : vector<1x16xf32> to vector<16xf32>
        %max3A_762 = arith.maximumf %max3A_755, %get3A_761 : vector<16xf32>
        %add3A_763 = arith.constant 16 : i32
        %add3A_764 = arith.addi %add3A_763, %scan3A_74 : i32
        %swap3A_765 = arith.index_cast %add3A_764 : i32 to index
        %swap3A_766 = arith.constant 80 : index
        %swap3A_767 = tpu.vector_load %arg13[%swap3A_765, %swap3A_766] {strides = array<i32>} : memref<32x128xf32, #tpu.memory_space<vmem>>, vector<1x16xf32>,
        %swap3A_768 = vector.shape_cast %swap3A_767 : vector<1x16xf32> to vector<16xf32>
        %swap3A_769 = vector.shape_cast %max3A_762 : vector<16xf32> to vector<1x16xf32>
        tpu.vector_store %arg13[%swap3A_765, %swap3A_766], %swap3A_769 {strides = array<i32>} : memref<32x128xf32, #tpu.memory_space<vmem>>, vector<1x16xf32>,
        %get3A_770 = arith.index_cast %mul3A_76 : i32 to index
        %get3A_771 = arith.constant 96 : index
        %get3A_772 = tpu.vector_load %arg11[%get3A_770, %get3A_771] {strides = array<i32>} : memref<128x128xf32, #tpu.memory_space<vmem>>, vector<1x16xf32>,
        %get3A_773 = vector.shape_cast %get3A_772 : vector<1x16xf32> to vector<16xf32>
        %add3A_774 = arith.constant 1 : i32
        %add3A_775 = arith.addi %mul3A_76, %add3A_774 : i32
        %get3A_776 = arith.index_cast %add3A_775 : i32 to index
        %get3A_777 = arith.constant 96 : index
        %get3A_778 = tpu.vector_load %arg11[%get3A_776, %get3A_777] {strides = array<i32>} : memref<128x128xf32, #tpu.memory_space<vmem>>, vector<1x16xf32>,
        %get3A_779 = vector.shape_cast %get3A_778 : vector<1x16xf32> to vector<16xf32>
        %max3A_780 = arith.maximumf %get3A_773, %get3A_779 : vector<16xf32>
        %add3A_781 = arith.constant 2 : i32
        %add3A_782 = arith.addi %mul3A_76, %add3A_781 : i32
        %get3A_783 = arith.index_cast %add3A_782 : i32 to index
        %get3A_784 = arith.constant 96 : index
        %get3A_785 = tpu.vector_load %arg11[%get3A_783, %get3A_784] {strides = array<i32>} : memref<128x128xf32, #tpu.memory_space<vmem>>, vector<1x16xf32>,
        %get3A_786 = vector.shape_cast %get3A_785 : vector<1x16xf32> to vector<16xf32>
        %max3A_787 = arith.maximumf %max3A_780, %get3A_786 : vector<16xf32>
        %add3A_788 = arith.constant 3 : i32
        %add3A_789 = arith.addi %mul3A_76, %add3A_788 : i32
        %get3A_790 = arith.index_cast %add3A_789 : i32 to index
        %get3A_791 = arith.constant 96 : index
        %get3A_792 = tpu.vector_load %arg11[%get3A_790, %get3A_791] {strides = array<i32>} : memref<128x128xf32, #tpu.memory_space<vmem>>, vector<1x16xf32>,
        %get3A_793 = vector.shape_cast %get3A_792 : vector<1x16xf32> to vector<16xf32>
        %max3A_794 = arith.maximumf %max3A_787, %get3A_793 : vector<16xf32>
        %add3A_795 = arith.constant 4 : i32
        %add3A_796 = arith.addi %mul3A_76, %add3A_795 : i32
        %get3A_797 = arith.index_cast %add3A_796 : i32 to index
        %get3A_798 = arith.constant 96 : index
        %get3A_799 = tpu.vector_load %arg11[%get3A_797, %get3A_798] {strides = array<i32>} : memref<128x128xf32, #tpu.memory_space<vmem>>, vector<1x16xf32>,
        %get3A_800 = vector.shape_cast %get3A_799 : vector<1x16xf32> to vector<16xf32>
        %max3A_801 = arith.maximumf %max3A_794, %get3A_800 : vector<16xf32>
        %add3A_802 = arith.constant 5 : i32
        %add3A_803 = arith.addi %mul3A_76, %add3A_802 : i32
        %get3A_804 = arith.index_cast %add3A_803 : i32 to index
        %get3A_805 = arith.constant 96 : index
        %get3A_806 = tpu.vector_load %arg11[%get3A_804, %get3A_805] {strides = array<i32>} : memref<128x128xf32, #tpu.memory_space<vmem>>, vector<1x16xf32>,
        %get3A_807 = vector.shape_cast %get3A_806 : vector<1x16xf32> to vector<16xf32>
        %max3A_808 = arith.maximumf %max3A_801, %get3A_807 : vector<16xf32>
        %add3A_809 = arith.constant 6 : i32
        %add3A_810 = arith.addi %mul3A_76, %add3A_809 : i32
        %get3A_811 = arith.index_cast %add3A_810 : i32 to index
        %get3A_812 = arith.constant 96 : index
        %get3A_813 = tpu.vector_load %arg11[%get3A_811, %get3A_812] {strides = array<i32>} : memref<128x128xf32, #tpu.memory_space<vmem>>, vector<1x16xf32>,
        %get3A_814 = vector.shape_cast %get3A_813 : vector<1x16xf32> to vector<16xf32>
        %max3A_815 = arith.maximumf %max3A_808, %get3A_814 : vector<16xf32>
        %add3A_816 = arith.constant 7 : i32
        %add3A_817 = arith.addi %mul3A_76, %add3A_816 : i32
        %get3A_818 = arith.index_cast %add3A_817 : i32 to index
        %get3A_819 = arith.constant 96 : index
        %get3A_820 = tpu.vector_load %arg11[%get3A_818, %get3A_819] {strides = array<i32>} : memref<128x128xf32, #tpu.memory_space<vmem>>, vector<1x16xf32>,
        %get3A_821 = vector.shape_cast %get3A_820 : vector<1x16xf32> to vector<16xf32>
        %max3A_822 = arith.maximumf %max3A_815, %get3A_821 : vector<16xf32>
        %add3A_823 = arith.constant 8 : i32
        %add3A_824 = arith.addi %mul3A_76, %add3A_823 : i32
        %get3A_825 = arith.index_cast %add3A_824 : i32 to index
        %get3A_826 = arith.constant 96 : index
        %get3A_827 = tpu.vector_load %arg11[%get3A_825, %get3A_826] {strides = array<i32>} : memref<128x128xf32, #tpu.memory_space<vmem>>, vector<1x16xf32>,
        %get3A_828 = vector.shape_cast %get3A_827 : vector<1x16xf32> to vector<16xf32>
        %max3A_829 = arith.maximumf %max3A_822, %get3A_828 : vector<16xf32>
        %add3A_830 = arith.constant 9 : i32
        %add3A_831 = arith.addi %mul3A_76, %add3A_830 : i32
        %get3A_832 = arith.index_cast %add3A_831 : i32 to index
        %get3A_833 = arith.constant 96 : index
        %get3A_834 = tpu.vector_load %arg11[%get3A_832, %get3A_833] {strides = array<i32>} : memref<128x128xf32, #tpu.memory_space<vmem>>, vector<1x16xf32>,
        %get3A_835 = vector.shape_cast %get3A_834 : vector<1x16xf32> to vector<16xf32>
        %max3A_836 = arith.maximumf %max3A_829, %get3A_835 : vector<16xf32>
        %add3A_837 = arith.constant 10 : i32
        %add3A_838 = arith.addi %mul3A_76, %add3A_837 : i32
        %get3A_839 = arith.index_cast %add3A_838 : i32 to index
        %get3A_840 = arith.constant 96 : index
        %get3A_841 = tpu.vector_load %arg11[%get3A_839, %get3A_840] {strides = array<i32>} : memref<128x128xf32, #tpu.memory_space<vmem>>, vector<1x16xf32>,
        %get3A_842 = vector.shape_cast %get3A_841 : vector<1x16xf32> to vector<16xf32>
        %max3A_843 = arith.maximumf %max3A_836, %get3A_842 : vector<16xf32>
        %add3A_844 = arith.constant 11 : i32
        %add3A_845 = arith.addi %mul3A_76, %add3A_844 : i32
        %get3A_846 = arith.index_cast %add3A_845 : i32 to index
        %get3A_847 = arith.constant 96 : index
        %get3A_848 = tpu.vector_load %arg11[%get3A_846, %get3A_847] {strides = array<i32>} : memref<128x128xf32, #tpu.memory_space<vmem>>, vector<1x16xf32>,
        %get3A_849 = vector.shape_cast %get3A_848 : vector<1x16xf32> to vector<16xf32>
        %max3A_850 = arith.maximumf %max3A_843, %get3A_849 : vector<16xf32>
        %add3A_851 = arith.constant 12 : i32
        %add3A_852 = arith.addi %mul3A_76, %add3A_851 : i32
        %get3A_853 = arith.index_cast %add3A_852 : i32 to index
        %get3A_854 = arith.constant 96 : index
        %get3A_855 = tpu.vector_load %arg11[%get3A_853, %get3A_854] {strides = array<i32>} : memref<128x128xf32, #tpu.memory_space<vmem>>, vector<1x16xf32>,
        %get3A_856 = vector.shape_cast %get3A_855 : vector<1x16xf32> to vector<16xf32>
        %max3A_857 = arith.maximumf %max3A_850, %get3A_856 : vector<16xf32>
        %add3A_858 = arith.constant 13 : i32
        %add3A_859 = arith.addi %mul3A_76, %add3A_858 : i32
        %get3A_860 = arith.index_cast %add3A_859 : i32 to index
        %get3A_861 = arith.constant 96 : index
        %get3A_862 = tpu.vector_load %arg11[%get3A_860, %get3A_861] {strides = array<i32>} : memref<128x128xf32, #tpu.memory_space<vmem>>, vector<1x16xf32>,
        %get3A_863 = vector.shape_cast %get3A_862 : vector<1x16xf32> to vector<16xf32>
        %max3A_864 = arith.maximumf %max3A_857, %get3A_863 : vector<16xf32>
        %add3A_865 = arith.constant 14 : i32
        %add3A_866 = arith.addi %mul3A_76, %add3A_865 : i32
        %get3A_867 = arith.index_cast %add3A_866 : i32 to index
        %get3A_868 = arith.constant 96 : index
        %get3A_869 = tpu.vector_load %arg11[%get3A_867, %get3A_868] {strides = array<i32>} : memref<128x128xf32, #tpu.memory_space<vmem>>, vector<1x16xf32>,
        %get3A_870 = vector.shape_cast %get3A_869 : vector<1x16xf32> to vector<16xf32>
        %max3A_871 = arith.maximumf %max3A_864, %get3A_870 : vector<16xf32>
        %add3A_872 = arith.constant 15 : i32
        %add3A_873 = arith.addi %mul3A_76, %add3A_872 : i32
        %get3A_874 = arith.index_cast %add3A_873 : i32 to index
        %get3A_875 = arith.constant 96 : index
        %get3A_876 = tpu.vector_load %arg11[%get3A_874, %get3A_875] {strides = array<i32>} : memref<128x128xf32, #tpu.memory_space<vmem>>, vector<1x16xf32>,
        %get3A_877 = vector.shape_cast %get3A_876 : vector<1x16xf32> to vector<16xf32>
        %max3A_878 = arith.maximumf %max3A_871, %get3A_877 : vector<16xf32>
        %add3A_879 = arith.constant 16 : i32
        %add3A_880 = arith.addi %add3A_879, %scan3A_74 : i32
        %swap3A_881 = arith.index_cast %add3A_880 : i32 to index
        %swap3A_882 = arith.constant 96 : index
        %swap3A_883 = tpu.vector_load %arg13[%swap3A_881, %swap3A_882] {strides = array<i32>} : memref<32x128xf32, #tpu.memory_space<vmem>>, vector<1x16xf32>,
        %swap3A_884 = vector.shape_cast %swap3A_883 : vector<1x16xf32> to vector<16xf32>
        %swap3A_885 = vector.shape_cast %max3A_878 : vector<16xf32> to vector<1x16xf32>
        tpu.vector_store %arg13[%swap3A_881, %swap3A_882], %swap3A_885 {strides = array<i32>} : memref<32x128xf32, #tpu.memory_space<vmem>>, vector<1x16xf32>,
        %get3A_886 = arith.index_cast %mul3A_76 : i32 to index
        %get3A_887 = arith.constant 112 : index
        %get3A_888 = tpu.vector_load %arg11[%get3A_886, %get3A_887] {strides = array<i32>} : memref<128x128xf32, #tpu.memory_space<vmem>>, vector<1x16xf32>,
        %get3A_889 = vector.shape_cast %get3A_888 : vector<1x16xf32> to vector<16xf32>
        %add3A_890 = arith.constant 1 : i32
        %add3A_891 = arith.addi %mul3A_76, %add3A_890 : i32
        %get3A_892 = arith.index_cast %add3A_891 : i32 to index
        %get3A_893 = arith.constant 112 : index
        %get3A_894 = tpu.vector_load %arg11[%get3A_892, %get3A_893] {strides = array<i32>} : memref<128x128xf32, #tpu.memory_space<vmem>>, vector<1x16xf32>,
        %get3A_895 = vector.shape_cast %get3A_894 : vector<1x16xf32> to vector<16xf32>
        %max3A_896 = arith.maximumf %get3A_889, %get3A_895 : vector<16xf32>
        %add3A_897 = arith.constant 2 : i32
        %add3A_898 = arith.addi %mul3A_76, %add3A_897 : i32
        %get3A_899 = arith.index_cast %add3A_898 : i32 to index
        %get3A_900 = arith.constant 112 : index
        %get3A_901 = tpu.vector_load %arg11[%get3A_899, %get3A_900] {strides = array<i32>} : memref<128x128xf32, #tpu.memory_space<vmem>>, vector<1x16xf32>,
        %get3A_902 = vector.shape_cast %get3A_901 : vector<1x16xf32> to vector<16xf32>
        %max3A_903 = arith.maximumf %max3A_896, %get3A_902 : vector<16xf32>
        %add3A_904 = arith.constant 3 : i32
        %add3A_905 = arith.addi %mul3A_76, %add3A_904 : i32
        %get3A_906 = arith.index_cast %add3A_905 : i32 to index
        %get3A_907 = arith.constant 112 : index
        %get3A_908 = tpu.vector_load %arg11[%get3A_906, %get3A_907] {strides = array<i32>} : memref<128x128xf32, #tpu.memory_space<vmem>>, vector<1x16xf32>,
        %get3A_909 = vector.shape_cast %get3A_908 : vector<1x16xf32> to vector<16xf32>
        %max3A_910 = arith.maximumf %max3A_903, %get3A_909 : vector<16xf32>
        %add3A_911 = arith.constant 4 : i32
        %add3A_912 = arith.addi %mul3A_76, %add3A_911 : i32
        %get3A_913 = arith.index_cast %add3A_912 : i32 to index
        %get3A_914 = arith.constant 112 : index
        %get3A_915 = tpu.vector_load %arg11[%get3A_913, %get3A_914] {strides = array<i32>} : memref<128x128xf32, #tpu.memory_space<vmem>>, vector<1x16xf32>,
        %get3A_916 = vector.shape_cast %get3A_915 : vector<1x16xf32> to vector<16xf32>
        %max3A_917 = arith.maximumf %max3A_910, %get3A_916 : vector<16xf32>
        %add3A_918 = arith.constant 5 : i32
        %add3A_919 = arith.addi %mul3A_76, %add3A_918 : i32
        %get3A_920 = arith.index_cast %add3A_919 : i32 to index
        %get3A_921 = arith.constant 112 : index
        %get3A_922 = tpu.vector_load %arg11[%get3A_920, %get3A_921] {strides = array<i32>} : memref<128x128xf32, #tpu.memory_space<vmem>>, vector<1x16xf32>,
        %get3A_923 = vector.shape_cast %get3A_922 : vector<1x16xf32> to vector<16xf32>
        %max3A_924 = arith.maximumf %max3A_917, %get3A_923 : vector<16xf32>
        %add3A_925 = arith.constant 6 : i32
        %add3A_926 = arith.addi %mul3A_76, %add3A_925 : i32
        %get3A_927 = arith.index_cast %add3A_926 : i32 to index
        %get3A_928 = arith.constant 112 : index
        %get3A_929 = tpu.vector_load %arg11[%get3A_927, %get3A_928] {strides = array<i32>} : memref<128x128xf32, #tpu.memory_space<vmem>>, vector<1x16xf32>,
        %get3A_930 = vector.shape_cast %get3A_929 : vector<1x16xf32> to vector<16xf32>
        %max3A_931 = arith.maximumf %max3A_924, %get3A_930 : vector<16xf32>
        %add3A_932 = arith.constant 7 : i32
        %add3A_933 = arith.addi %mul3A_76, %add3A_932 : i32
        %get3A_934 = arith.index_cast %add3A_933 : i32 to index
        %get3A_935 = arith.constant 112 : index
        %get3A_936 = tpu.vector_load %arg11[%get3A_934, %get3A_935] {strides = array<i32>} : memref<128x128xf32, #tpu.memory_space<vmem>>, vector<1x16xf32>,
        %get3A_937 = vector.shape_cast %get3A_936 : vector<1x16xf32> to vector<16xf32>
        %max3A_938 = arith.maximumf %max3A_931, %get3A_937 : vector<16xf32>
        %add3A_939 = arith.constant 8 : i32
        %add3A_940 = arith.addi %mul3A_76, %add3A_939 : i32
        %get3A_941 = arith.index_cast %add3A_940 : i32 to index
        %get3A_942 = arith.constant 112 : index
        %get3A_943 = tpu.vector_load %arg11[%get3A_941, %get3A_942] {strides = array<i32>} : memref<128x128xf32, #tpu.memory_space<vmem>>, vector<1x16xf32>,
        %get3A_944 = vector.shape_cast %get3A_943 : vector<1x16xf32> to vector<16xf32>
        %max3A_945 = arith.maximumf %max3A_938, %get3A_944 : vector<16xf32>
        %add3A_946 = arith.constant 9 : i32
        %add3A_947 = arith.addi %mul3A_76, %add3A_946 : i32
        %get3A_948 = arith.index_cast %add3A_947 : i32 to index
        %get3A_949 = arith.constant 112 : index
        %get3A_950 = tpu.vector_load %arg11[%get3A_948, %get3A_949] {strides = array<i32>} : memref<128x128xf32, #tpu.memory_space<vmem>>, vector<1x16xf32>,
        %get3A_951 = vector.shape_cast %get3A_950 : vector<1x16xf32> to vector<16xf32>
        %max3A_952 = arith.maximumf %max3A_945, %get3A_951 : vector<16xf32>
        %add3A_953 = arith.constant 10 : i32
        %add3A_954 = arith.addi %mul3A_76, %add3A_953 : i32
        %get3A_955 = arith.index_cast %add3A_954 : i32 to index
        %get3A_956 = arith.constant 112 : index
        %get3A_957 = tpu.vector_load %arg11[%get3A_955, %get3A_956] {strides = array<i32>} : memref<128x128xf32, #tpu.memory_space<vmem>>, vector<1x16xf32>,
        %get3A_958 = vector.shape_cast %get3A_957 : vector<1x16xf32> to vector<16xf32>
        %max3A_959 = arith.maximumf %max3A_952, %get3A_958 : vector<16xf32>
        %add3A_960 = arith.constant 11 : i32
        %add3A_961 = arith.addi %mul3A_76, %add3A_960 : i32
        %get3A_962 = arith.index_cast %add3A_961 : i32 to index
        %get3A_963 = arith.constant 112 : index
        %get3A_964 = tpu.vector_load %arg11[%get3A_962, %get3A_963] {strides = array<i32>} : memref<128x128xf32, #tpu.memory_space<vmem>>, vector<1x16xf32>,
        %get3A_965 = vector.shape_cast %get3A_964 : vector<1x16xf32> to vector<16xf32>
        %max3A_966 = arith.maximumf %max3A_959, %get3A_965 : vector<16xf32>
        %add3A_967 = arith.constant 12 : i32
        %add3A_968 = arith.addi %mul3A_76, %add3A_967 : i32
        %get3A_969 = arith.index_cast %add3A_968 : i32 to index
        %get3A_970 = arith.constant 112 : index
        %get3A_971 = tpu.vector_load %arg11[%get3A_969, %get3A_970] {strides = array<i32>} : memref<128x128xf32, #tpu.memory_space<vmem>>, vector<1x16xf32>,
        %get3A_972 = vector.shape_cast %get3A_971 : vector<1x16xf32> to vector<16xf32>
        %max3A_973 = arith.maximumf %max3A_966, %get3A_972 : vector<16xf32>
        %add3A_974 = arith.constant 13 : i32
        %add3A_975 = arith.addi %mul3A_76, %add3A_974 : i32
        %get3A_976 = arith.index_cast %add3A_975 : i32 to index
        %get3A_977 = arith.constant 112 : index
        %get3A_978 = tpu.vector_load %arg11[%get3A_976, %get3A_977] {strides = array<i32>} : memref<128x128xf32, #tpu.memory_space<vmem>>, vector<1x16xf32>,
        %get3A_979 = vector.shape_cast %get3A_978 : vector<1x16xf32> to vector<16xf32>
        %max3A_980 = arith.maximumf %max3A_973, %get3A_979 : vector<16xf32>
        %add3A_981 = arith.constant 14 : i32
        %add3A_982 = arith.addi %mul3A_76, %add3A_981 : i32
        %get3A_983 = arith.index_cast %add3A_982 : i32 to index
        %get3A_984 = arith.constant 112 : index
        %get3A_985 = tpu.vector_load %arg11[%get3A_983, %get3A_984] {strides = array<i32>} : memref<128x128xf32, #tpu.memory_space<vmem>>, vector<1x16xf32>,
        %get3A_986 = vector.shape_cast %get3A_985 : vector<1x16xf32> to vector<16xf32>
        %max3A_987 = arith.maximumf %max3A_980, %get3A_986 : vector<16xf32>
        %add3A_988 = arith.constant 15 : i32
        %add3A_989 = arith.addi %mul3A_76, %add3A_988 : i32
        %get3A_990 = arith.index_cast %add3A_989 : i32 to index
        %get3A_991 = arith.constant 112 : index
        %get3A_992 = tpu.vector_load %arg11[%get3A_990, %get3A_991] {strides = array<i32>} : memref<128x128xf32, #tpu.memory_space<vmem>>, vector<1x16xf32>,
        %get3A_993 = vector.shape_cast %get3A_992 : vector<1x16xf32> to vector<16xf32>
        %max3A_994 = arith.maximumf %max3A_987, %get3A_993 : vector<16xf32>
        %add3A_995 = arith.constant 16 : i32
        %add3A_996 = arith.addi %add3A_995, %scan3A_74 : i32
        %swap3A_997 = arith.index_cast %add3A_996 : i32 to index
        %swap3A_998 = arith.constant 112 : index
        %swap3A_999 = tpu.vector_load %arg13[%swap3A_997, %swap3A_998] {strides = array<i32>} : memref<32x128xf32, #tpu.memory_space<vmem>>, vector<1x16xf32>,
        %swap3A_1000 = vector.shape_cast %swap3A_999 : vector<1x16xf32> to vector<16xf32>
        %swap3A_1001 = vector.shape_cast %max3A_994 : vector<16xf32> to vector<1x16xf32>
        tpu.vector_store %arg13[%swap3A_997, %swap3A_998], %swap3A_1001 {strides = array<i32>} : memref<32x128xf32, #tpu.memory_space<vmem>>, vector<1x16xf32>,
      }
      %scan3A_67 = arith.constant 8 : i32
      %scan3A_68 = arith.constant 0 : i32
      %scan3A_69 = arith.constant 0 : i32
      %scan3A_70 = arith.constant 8 : i32
      %scan3A_71 = arith.addi %scan3A_69, %scan3A_70 : i32
      %scan3A_72 = arith.constant 1 : i32
      scf.for %scan3A_74 = %scan3A_69 to %scan3A_71 step %scan3A_72  : i32 {
        %mul3A_75 = arith.constant 16 : i32
        %mul3A_76 = arith.muli %scan3A_74, %mul3A_75 : i32
        %get3A = arith.index_cast %mul3A_76 : i32 to index
        %get3A_77 = arith.constant 0 : index
        %get3A_78 = tpu.vector_load %arg12[%get3A, %get3A_77] {strides = array<i32>} : memref<128x128xf32, #tpu.memory_space<vmem>>, vector<1x16xf32>,
        %get3A_79 = vector.shape_cast %get3A_78 : vector<1x16xf32> to vector<16xf32>
        %add3A_80 = arith.constant 1 : i32
        %add3A_81 = arith.addi %mul3A_76, %add3A_80 : i32
        %get3A_82 = arith.index_cast %add3A_81 : i32 to index
        %get3A_83 = arith.constant 0 : index
        %get3A_84 = tpu.vector_load %arg12[%get3A_82, %get3A_83] {strides = array<i32>} : memref<128x128xf32, #tpu.memory_space<vmem>>, vector<1x16xf32>,
        %get3A_85 = vector.shape_cast %get3A_84 : vector<1x16xf32> to vector<16xf32>
        %max3A = arith.maximumf %get3A_79, %get3A_85 : vector<16xf32>
        %add3A_86 = arith.constant 2 : i32
        %add3A_87 = arith.addi %mul3A_76, %add3A_86 : i32
        %get3A_88 = arith.index_cast %add3A_87 : i32 to index
        %get3A_89 = arith.constant 0 : index
        %get3A_90 = tpu.vector_load %arg12[%get3A_88, %get3A_89] {strides = array<i32>} : memref<128x128xf32, #tpu.memory_space<vmem>>, vector<1x16xf32>,
        %get3A_91 = vector.shape_cast %get3A_90 : vector<1x16xf32> to vector<16xf32>
        %max3A_92 = arith.maximumf %max3A, %get3A_91 : vector<16xf32>
        %add3A_93 = arith.constant 3 : i32
        %add3A_94 = arith.addi %mul3A_76, %add3A_93 : i32
        %get3A_95 = arith.index_cast %add3A_94 : i32 to index
        %get3A_96 = arith.constant 0 : index
        %get3A_97 = tpu.vector_load %arg12[%get3A_95, %get3A_96] {strides = array<i32>} : memref<128x128xf32, #tpu.memory_space<vmem>>, vector<1x16xf32>,
        %get3A_98 = vector.shape_cast %get3A_97 : vector<1x16xf32> to vector<16xf32>
        %max3A_99 = arith.maximumf %max3A_92, %get3A_98 : vector<16xf32>
        %add3A_100 = arith.constant 4 : i32
        %add3A_101 = arith.addi %mul3A_76, %add3A_100 : i32
        %get3A_102 = arith.index_cast %add3A_101 : i32 to index
        %get3A_103 = arith.constant 0 : index
        %get3A_104 = tpu.vector_load %arg12[%get3A_102, %get3A_103] {strides = array<i32>} : memref<128x128xf32, #tpu.memory_space<vmem>>, vector<1x16xf32>,
        %get3A_105 = vector.shape_cast %get3A_104 : vector<1x16xf32> to vector<16xf32>
        %max3A_106 = arith.maximumf %max3A_99, %get3A_105 : vector<16xf32>
        %add3A_107 = arith.constant 5 : i32
        %add3A_108 = arith.addi %mul3A_76, %add3A_107 : i32
        %get3A_109 = arith.index_cast %add3A_108 : i32 to index
        %get3A_110 = arith.constant 0 : index
        %get3A_111 = tpu.vector_load %arg12[%get3A_109, %get3A_110] {strides = array<i32>} : memref<128x128xf32, #tpu.memory_space<vmem>>, vector<1x16xf32>,
        %get3A_112 = vector.shape_cast %get3A_111 : vector<1x16xf32> to vector<16xf32>
        %max3A_113 = arith.maximumf %max3A_106, %get3A_112 : vector<16xf32>
        %add3A_114 = arith.constant 6 : i32
        %add3A_115 = arith.addi %mul3A_76, %add3A_114 : i32
        %get3A_116 = arith.index_cast %add3A_115 : i32 to index
        %get3A_117 = arith.constant 0 : index
        %get3A_118 = tpu.vector_load %arg12[%get3A_116, %get3A_117] {strides = array<i32>} : memref<128x128xf32, #tpu.memory_space<vmem>>, vector<1x16xf32>,
        %get3A_119 = vector.shape_cast %get3A_118 : vector<1x16xf32> to vector<16xf32>
        %max3A_120 = arith.maximumf %max3A_113, %get3A_119 : vector<16xf32>
        %add3A_121 = arith.constant 7 : i32
        %add3A_122 = arith.addi %mul3A_76, %add3A_121 : i32
        %get3A_123 = arith.index_cast %add3A_122 : i32 to index
        %get3A_124 = arith.constant 0 : index
        %get3A_125 = tpu.vector_load %arg12[%get3A_123, %get3A_124] {strides = array<i32>} : memref<128x128xf32, #tpu.memory_space<vmem>>, vector<1x16xf32>,
        %get3A_126 = vector.shape_cast %get3A_125 : vector<1x16xf32> to vector<16xf32>
        %max3A_127 = arith.maximumf %max3A_120, %get3A_126 : vector<16xf32>
        %add3A_128 = arith.constant 8 : i32
        %add3A_129 = arith.addi %mul3A_76, %add3A_128 : i32
        %get3A_130 = arith.index_cast %add3A_129 : i32 to index
        %get3A_131 = arith.constant 0 : index
        %get3A_132 = tpu.vector_load %arg12[%get3A_130, %get3A_131] {strides = array<i32>} : memref<128x128xf32, #tpu.memory_space<vmem>>, vector<1x16xf32>,
        %get3A_133 = vector.shape_cast %get3A_132 : vector<1x16xf32> to vector<16xf32>
        %max3A_134 = arith.maximumf %max3A_127, %get3A_133 : vector<16xf32>
        %add3A_135 = arith.constant 9 : i32
        %add3A_136 = arith.addi %mul3A_76, %add3A_135 : i32
        %get3A_137 = arith.index_cast %add3A_136 : i32 to index
        %get3A_138 = arith.constant 0 : index
        %get3A_139 = tpu.vector_load %arg12[%get3A_137, %get3A_138] {strides = array<i32>} : memref<128x128xf32, #tpu.memory_space<vmem>>, vector<1x16xf32>,
        %get3A_140 = vector.shape_cast %get3A_139 : vector<1x16xf32> to vector<16xf32>
        %max3A_141 = arith.maximumf %max3A_134, %get3A_140 : vector<16xf32>
        %add3A_142 = arith.constant 10 : i32
        %add3A_143 = arith.addi %mul3A_76, %add3A_142 : i32
        %get3A_144 = arith.index_cast %add3A_143 : i32 to index
        %get3A_145 = arith.constant 0 : index
        %get3A_146 = tpu.vector_load %arg12[%get3A_144, %get3A_145] {strides = array<i32>} : memref<128x128xf32, #tpu.memory_space<vmem>>, vector<1x16xf32>,
        %get3A_147 = vector.shape_cast %get3A_146 : vector<1x16xf32> to vector<16xf32>
        %max3A_148 = arith.maximumf %max3A_141, %get3A_147 : vector<16xf32>
        %add3A_149 = arith.constant 11 : i32
        %add3A_150 = arith.addi %mul3A_76, %add3A_149 : i32
        %get3A_151 = arith.index_cast %add3A_150 : i32 to index
        %get3A_152 = arith.constant 0 : index
        %get3A_153 = tpu.vector_load %arg12[%get3A_151, %get3A_152] {strides = array<i32>} : memref<128x128xf32, #tpu.memory_space<vmem>>, vector<1x16xf32>,
        %get3A_154 = vector.shape_cast %get3A_153 : vector<1x16xf32> to vector<16xf32>
        %max3A_155 = arith.maximumf %max3A_148, %get3A_154 : vector<16xf32>
        %add3A_156 = arith.constant 12 : i32
        %add3A_157 = arith.addi %mul3A_76, %add3A_156 : i32
        %get3A_158 = arith.index_cast %add3A_157 : i32 to index
        %get3A_159 = arith.constant 0 : index
        %get3A_160 = tpu.vector_load %arg12[%get3A_158, %get3A_159] {strides = array<i32>} : memref<128x128xf32, #tpu.memory_space<vmem>>, vector<1x16xf32>,
        %get3A_161 = vector.shape_cast %get3A_160 : vector<1x16xf32> to vector<16xf32>
        %max3A_162 = arith.maximumf %max3A_155, %get3A_161 : vector<16xf32>
        %add3A_163 = arith.constant 13 : i32
        %add3A_164 = arith.addi %mul3A_76, %add3A_163 : i32
        %get3A_165 = arith.index_cast %add3A_164 : i32 to index
        %get3A_166 = arith.constant 0 : index
        %get3A_167 = tpu.vector_load %arg12[%get3A_165, %get3A_166] {strides = array<i32>} : memref<128x128xf32, #tpu.memory_space<vmem>>, vector<1x16xf32>,
        %get3A_168 = vector.shape_cast %get3A_167 : vector<1x16xf32> to vector<16xf32>
        %max3A_169 = arith.maximumf %max3A_162, %get3A_168 : vector<16xf32>
        %add3A_170 = arith.constant 14 : i32
        %add3A_171 = arith.addi %mul3A_76, %add3A_170 : i32
        %get3A_172 = arith.index_cast %add3A_171 : i32 to index
        %get3A_173 = arith.constant 0 : index
        %get3A_174 = tpu.vector_load %arg12[%get3A_172, %get3A_173] {strides = array<i32>} : memref<128x128xf32, #tpu.memory_space<vmem>>, vector<1x16xf32>,
        %get3A_175 = vector.shape_cast %get3A_174 : vector<1x16xf32> to vector<16xf32>
        %max3A_176 = arith.maximumf %max3A_169, %get3A_175 : vector<16xf32>
        %add3A_177 = arith.constant 15 : i32
        %add3A_178 = arith.addi %mul3A_76, %add3A_177 : i32
        %get3A_179 = arith.index_cast %add3A_178 : i32 to index
        %get3A_180 = arith.constant 0 : index
        %get3A_181 = tpu.vector_load %arg12[%get3A_179, %get3A_180] {strides = array<i32>} : memref<128x128xf32, #tpu.memory_space<vmem>>, vector<1x16xf32>,
        %get3A_182 = vector.shape_cast %get3A_181 : vector<1x16xf32> to vector<16xf32>
        %max3A_183 = arith.maximumf %max3A_176, %get3A_182 : vector<16xf32>
        %add3A_184 = arith.constant 24 : i32
        %add3A_185 = arith.addi %add3A_184, %scan3A_74 : i32
        %swap3A = arith.index_cast %add3A_185 : i32 to index
        %swap3A_186 = arith.constant 0 : index
        %swap3A_187 = tpu.vector_load %arg13[%swap3A, %swap3A_186] {strides = array<i32>} : memref<32x128xf32, #tpu.memory_space<vmem>>, vector<1x16xf32>,
        %swap3A_188 = vector.shape_cast %swap3A_187 : vector<1x16xf32> to vector<16xf32>
        %swap3A_189 = vector.shape_cast %max3A_183 : vector<16xf32> to vector<1x16xf32>
        tpu.vector_store %arg13[%swap3A, %swap3A_186], %swap3A_189 {strides = array<i32>} : memref<32x128xf32, #tpu.memory_space<vmem>>, vector<1x16xf32>,
        %get3A_190 = arith.index_cast %mul3A_76 : i32 to index
        %get3A_191 = arith.constant 16 : index
        %get3A_192 = tpu.vector_load %arg12[%get3A_190, %get3A_191] {strides = array<i32>} : memref<128x128xf32, #tpu.memory_space<vmem>>, vector<1x16xf32>,
        %get3A_193 = vector.shape_cast %get3A_192 : vector<1x16xf32> to vector<16xf32>
        %add3A_194 = arith.constant 1 : i32
        %add3A_195 = arith.addi %mul3A_76, %add3A_194 : i32
        %get3A_196 = arith.index_cast %add3A_195 : i32 to index
        %get3A_197 = arith.constant 16 : index
        %get3A_198 = tpu.vector_load %arg12[%get3A_196, %get3A_197] {strides = array<i32>} : memref<128x128xf32, #tpu.memory_space<vmem>>, vector<1x16xf32>,
        %get3A_199 = vector.shape_cast %get3A_198 : vector<1x16xf32> to vector<16xf32>
        %max3A_200 = arith.maximumf %get3A_193, %get3A_199 : vector<16xf32>
        %add3A_201 = arith.constant 2 : i32
        %add3A_202 = arith.addi %mul3A_76, %add3A_201 : i32
        %get3A_203 = arith.index_cast %add3A_202 : i32 to index
        %get3A_204 = arith.constant 16 : index
        %get3A_205 = tpu.vector_load %arg12[%get3A_203, %get3A_204] {strides = array<i32>} : memref<128x128xf32, #tpu.memory_space<vmem>>, vector<1x16xf32>,
        %get3A_206 = vector.shape_cast %get3A_205 : vector<1x16xf32> to vector<16xf32>
        %max3A_207 = arith.maximumf %max3A_200, %get3A_206 : vector<16xf32>
        %add3A_208 = arith.constant 3 : i32
        %add3A_209 = arith.addi %mul3A_76, %add3A_208 : i32
        %get3A_210 = arith.index_cast %add3A_209 : i32 to index
        %get3A_211 = arith.constant 16 : index
        %get3A_212 = tpu.vector_load %arg12[%get3A_210, %get3A_211] {strides = array<i32>} : memref<128x128xf32, #tpu.memory_space<vmem>>, vector<1x16xf32>,
        %get3A_213 = vector.shape_cast %get3A_212 : vector<1x16xf32> to vector<16xf32>
        %max3A_214 = arith.maximumf %max3A_207, %get3A_213 : vector<16xf32>
        %add3A_215 = arith.constant 4 : i32
        %add3A_216 = arith.addi %mul3A_76, %add3A_215 : i32
        %get3A_217 = arith.index_cast %add3A_216 : i32 to index
        %get3A_218 = arith.constant 16 : index
        %get3A_219 = tpu.vector_load %arg12[%get3A_217, %get3A_218] {strides = array<i32>} : memref<128x128xf32, #tpu.memory_space<vmem>>, vector<1x16xf32>,
        %get3A_220 = vector.shape_cast %get3A_219 : vector<1x16xf32> to vector<16xf32>
        %max3A_221 = arith.maximumf %max3A_214, %get3A_220 : vector<16xf32>
        %add3A_222 = arith.constant 5 : i32
        %add3A_223 = arith.addi %mul3A_76, %add3A_222 : i32
        %get3A_224 = arith.index_cast %add3A_223 : i32 to index
        %get3A_225 = arith.constant 16 : index
        %get3A_226 = tpu.vector_load %arg12[%get3A_224, %get3A_225] {strides = array<i32>} : memref<128x128xf32, #tpu.memory_space<vmem>>, vector<1x16xf32>,
        %get3A_227 = vector.shape_cast %get3A_226 : vector<1x16xf32> to vector<16xf32>
        %max3A_228 = arith.maximumf %max3A_221, %get3A_227 : vector<16xf32>
        %add3A_229 = arith.constant 6 : i32
        %add3A_230 = arith.addi %mul3A_76, %add3A_229 : i32
        %get3A_231 = arith.index_cast %add3A_230 : i32 to index
        %get3A_232 = arith.constant 16 : index
        %get3A_233 = tpu.vector_load %arg12[%get3A_231, %get3A_232] {strides = array<i32>} : memref<128x128xf32, #tpu.memory_space<vmem>>, vector<1x16xf32>,
        %get3A_234 = vector.shape_cast %get3A_233 : vector<1x16xf32> to vector<16xf32>
        %max3A_235 = arith.maximumf %max3A_228, %get3A_234 : vector<16xf32>
        %add3A_236 = arith.constant 7 : i32
        %add3A_237 = arith.addi %mul3A_76, %add3A_236 : i32
        %get3A_238 = arith.index_cast %add3A_237 : i32 to index
        %get3A_239 = arith.constant 16 : index
        %get3A_240 = tpu.vector_load %arg12[%get3A_238, %get3A_239] {strides = array<i32>} : memref<128x128xf32, #tpu.memory_space<vmem>>, vector<1x16xf32>,
        %get3A_241 = vector.shape_cast %get3A_240 : vector<1x16xf32> to vector<16xf32>
        %max3A_242 = arith.maximumf %max3A_235, %get3A_241 : vector<16xf32>
        %add3A_243 = arith.constant 8 : i32
        %add3A_244 = arith.addi %mul3A_76, %add3A_243 : i32
        %get3A_245 = arith.index_cast %add3A_244 : i32 to index
        %get3A_246 = arith.constant 16 : index
        %get3A_247 = tpu.vector_load %arg12[%get3A_245, %get3A_246] {strides = array<i32>} : memref<128x128xf32, #tpu.memory_space<vmem>>, vector<1x16xf32>,
        %get3A_248 = vector.shape_cast %get3A_247 : vector<1x16xf32> to vector<16xf32>
        %max3A_249 = arith.maximumf %max3A_242, %get3A_248 : vector<16xf32>
        %add3A_250 = arith.constant 9 : i32
        %add3A_251 = arith.addi %mul3A_76, %add3A_250 : i32
        %get3A_252 = arith.index_cast %add3A_251 : i32 to index
        %get3A_253 = arith.constant 16 : index
        %get3A_254 = tpu.vector_load %arg12[%get3A_252, %get3A_253] {strides = array<i32>} : memref<128x128xf32, #tpu.memory_space<vmem>>, vector<1x16xf32>,
        %get3A_255 = vector.shape_cast %get3A_254 : vector<1x16xf32> to vector<16xf32>
        %max3A_256 = arith.maximumf %max3A_249, %get3A_255 : vector<16xf32>
        %add3A_257 = arith.constant 10 : i32
        %add3A_258 = arith.addi %mul3A_76, %add3A_257 : i32
        %get3A_259 = arith.index_cast %add3A_258 : i32 to index
        %get3A_260 = arith.constant 16 : index
        %get3A_261 = tpu.vector_load %arg12[%get3A_259, %get3A_260] {strides = array<i32>} : memref<128x128xf32, #tpu.memory_space<vmem>>, vector<1x16xf32>,
        %get3A_262 = vector.shape_cast %get3A_261 : vector<1x16xf32> to vector<16xf32>
        %max3A_263 = arith.maximumf %max3A_256, %get3A_262 : vector<16xf32>
        %add3A_264 = arith.constant 11 : i32
        %add3A_265 = arith.addi %mul3A_76, %add3A_264 : i32
        %get3A_266 = arith.index_cast %add3A_265 : i32 to index
        %get3A_267 = arith.constant 16 : index
        %get3A_268 = tpu.vector_load %arg12[%get3A_266, %get3A_267] {strides = array<i32>} : memref<128x128xf32, #tpu.memory_space<vmem>>, vector<1x16xf32>,
        %get3A_269 = vector.shape_cast %get3A_268 : vector<1x16xf32> to vector<16xf32>
        %max3A_270 = arith.maximumf %max3A_263, %get3A_269 : vector<16xf32>
        %add3A_271 = arith.constant 12 : i32
        %add3A_272 = arith.addi %mul3A_76, %add3A_271 : i32
        %get3A_273 = arith.index_cast %add3A_272 : i32 to index
        %get3A_274 = arith.constant 16 : index
        %get3A_275 = tpu.vector_load %arg12[%get3A_273, %get3A_274] {strides = array<i32>} : memref<128x128xf32, #tpu.memory_space<vmem>>, vector<1x16xf32>,
        %get3A_276 = vector.shape_cast %get3A_275 : vector<1x16xf32> to vector<16xf32>
        %max3A_277 = arith.maximumf %max3A_270, %get3A_276 : vector<16xf32>
        %add3A_278 = arith.constant 13 : i32
        %add3A_279 = arith.addi %mul3A_76, %add3A_278 : i32
        %get3A_280 = arith.index_cast %add3A_279 : i32 to index
        %get3A_281 = arith.constant 16 : index
        %get3A_282 = tpu.vector_load %arg12[%get3A_280, %get3A_281] {strides = array<i32>} : memref<128x128xf32, #tpu.memory_space<vmem>>, vector<1x16xf32>,
        %get3A_283 = vector.shape_cast %get3A_282 : vector<1x16xf32> to vector<16xf32>
        %max3A_284 = arith.maximumf %max3A_277, %get3A_283 : vector<16xf32>
        %add3A_285 = arith.constant 14 : i32
        %add3A_286 = arith.addi %mul3A_76, %add3A_285 : i32
        %get3A_287 = arith.index_cast %add3A_286 : i32 to index
        %get3A_288 = arith.constant 16 : index
        %get3A_289 = tpu.vector_load %arg12[%get3A_287, %get3A_288] {strides = array<i32>} : memref<128x128xf32, #tpu.memory_space<vmem>>, vector<1x16xf32>,
        %get3A_290 = vector.shape_cast %get3A_289 : vector<1x16xf32> to vector<16xf32>
        %max3A_291 = arith.maximumf %max3A_284, %get3A_290 : vector<16xf32>
        %add3A_292 = arith.constant 15 : i32
        %add3A_293 = arith.addi %mul3A_76, %add3A_292 : i32
        %get3A_294 = arith.index_cast %add3A_293 : i32 to index
        %get3A_295 = arith.constant 16 : index
        %get3A_296 = tpu.vector_load %arg12[%get3A_294, %get3A_295] {strides = array<i32>} : memref<128x128xf32, #tpu.memory_space<vmem>>, vector<1x16xf32>,
        %get3A_297 = vector.shape_cast %get3A_296 : vector<1x16xf32> to vector<16xf32>
        %max3A_298 = arith.maximumf %max3A_291, %get3A_297 : vector<16xf32>
        %add3A_299 = arith.constant 24 : i32
        %add3A_300 = arith.addi %add3A_299, %scan3A_74 : i32
        %swap3A_301 = arith.index_cast %add3A_300 : i32 to index
        %swap3A_302 = arith.constant 16 : index
        %swap3A_303 = tpu.vector_load %arg13[%swap3A_301, %swap3A_302] {strides = array<i32>} : memref<32x128xf32, #tpu.memory_space<vmem>>, vector<1x16xf32>,
        %swap3A_304 = vector.shape_cast %swap3A_303 : vector<1x16xf32> to vector<16xf32>
        %swap3A_305 = vector.shape_cast %max3A_298 : vector<16xf32> to vector<1x16xf32>
        tpu.vector_store %arg13[%swap3A_301, %swap3A_302], %swap3A_305 {strides = array<i32>} : memref<32x128xf32, #tpu.memory_space<vmem>>, vector<1x16xf32>,
        %get3A_306 = arith.index_cast %mul3A_76 : i32 to index
        %get3A_307 = arith.constant 32 : index
        %get3A_308 = tpu.vector_load %arg12[%get3A_306, %get3A_307] {strides = array<i32>} : memref<128x128xf32, #tpu.memory_space<vmem>>, vector<1x16xf32>,
        %get3A_309 = vector.shape_cast %get3A_308 : vector<1x16xf32> to vector<16xf32>
        %add3A_310 = arith.constant 1 : i32
        %add3A_311 = arith.addi %mul3A_76, %add3A_310 : i32
        %get3A_312 = arith.index_cast %add3A_311 : i32 to index
        %get3A_313 = arith.constant 32 : index
        %get3A_314 = tpu.vector_load %arg12[%get3A_312, %get3A_313] {strides = array<i32>} : memref<128x128xf32, #tpu.memory_space<vmem>>, vector<1x16xf32>,
        %get3A_315 = vector.shape_cast %get3A_314 : vector<1x16xf32> to vector<16xf32>
        %max3A_316 = arith.maximumf %get3A_309, %get3A_315 : vector<16xf32>
        %add3A_317 = arith.constant 2 : i32
        %add3A_318 = arith.addi %mul3A_76, %add3A_317 : i32
        %get3A_319 = arith.index_cast %add3A_318 : i32 to index
        %get3A_320 = arith.constant 32 : index
        %get3A_321 = tpu.vector_load %arg12[%get3A_319, %get3A_320] {strides = array<i32>} : memref<128x128xf32, #tpu.memory_space<vmem>>, vector<1x16xf32>,
        %get3A_322 = vector.shape_cast %get3A_321 : vector<1x16xf32> to vector<16xf32>
        %max3A_323 = arith.maximumf %max3A_316, %get3A_322 : vector<16xf32>
        %add3A_324 = arith.constant 3 : i32
        %add3A_325 = arith.addi %mul3A_76, %add3A_324 : i32
        %get3A_326 = arith.index_cast %add3A_325 : i32 to index
        %get3A_327 = arith.constant 32 : index
        %get3A_328 = tpu.vector_load %arg12[%get3A_326, %get3A_327] {strides = array<i32>} : memref<128x128xf32, #tpu.memory_space<vmem>>, vector<1x16xf32>,
        %get3A_329 = vector.shape_cast %get3A_328 : vector<1x16xf32> to vector<16xf32>
        %max3A_330 = arith.maximumf %max3A_323, %get3A_329 : vector<16xf32>
        %add3A_331 = arith.constant 4 : i32
        %add3A_332 = arith.addi %mul3A_76, %add3A_331 : i32
        %get3A_333 = arith.index_cast %add3A_332 : i32 to index
        %get3A_334 = arith.constant 32 : index
        %get3A_335 = tpu.vector_load %arg12[%get3A_333, %get3A_334] {strides = array<i32>} : memref<128x128xf32, #tpu.memory_space<vmem>>, vector<1x16xf32>,
        %get3A_336 = vector.shape_cast %get3A_335 : vector<1x16xf32> to vector<16xf32>
        %max3A_337 = arith.maximumf %max3A_330, %get3A_336 : vector<16xf32>
        %add3A_338 = arith.constant 5 : i32
        %add3A_339 = arith.addi %mul3A_76, %add3A_338 : i32
        %get3A_340 = arith.index_cast %add3A_339 : i32 to index
        %get3A_341 = arith.constant 32 : index
        %get3A_342 = tpu.vector_load %arg12[%get3A_340, %get3A_341] {strides = array<i32>} : memref<128x128xf32, #tpu.memory_space<vmem>>, vector<1x16xf32>,
        %get3A_343 = vector.shape_cast %get3A_342 : vector<1x16xf32> to vector<16xf32>
        %max3A_344 = arith.maximumf %max3A_337, %get3A_343 : vector<16xf32>
        %add3A_345 = arith.constant 6 : i32
        %add3A_346 = arith.addi %mul3A_76, %add3A_345 : i32
        %get3A_347 = arith.index_cast %add3A_346 : i32 to index
        %get3A_348 = arith.constant 32 : index
        %get3A_349 = tpu.vector_load %arg12[%get3A_347, %get3A_348] {strides = array<i32>} : memref<128x128xf32, #tpu.memory_space<vmem>>, vector<1x16xf32>,
        %get3A_350 = vector.shape_cast %get3A_349 : vector<1x16xf32> to vector<16xf32>
        %max3A_351 = arith.maximumf %max3A_344, %get3A_350 : vector<16xf32>
        %add3A_352 = arith.constant 7 : i32
        %add3A_353 = arith.addi %mul3A_76, %add3A_352 : i32
        %get3A_354 = arith.index_cast %add3A_353 : i32 to index
        %get3A_355 = arith.constant 32 : index
        %get3A_356 = tpu.vector_load %arg12[%get3A_354, %get3A_355] {strides = array<i32>} : memref<128x128xf32, #tpu.memory_space<vmem>>, vector<1x16xf32>,
        %get3A_357 = vector.shape_cast %get3A_356 : vector<1x16xf32> to vector<16xf32>
        %max3A_358 = arith.maximumf %max3A_351, %get3A_357 : vector<16xf32>
        %add3A_359 = arith.constant 8 : i32
        %add3A_360 = arith.addi %mul3A_76, %add3A_359 : i32
        %get3A_361 = arith.index_cast %add3A_360 : i32 to index
        %get3A_362 = arith.constant 32 : index
        %get3A_363 = tpu.vector_load %arg12[%get3A_361, %get3A_362] {strides = array<i32>} : memref<128x128xf32, #tpu.memory_space<vmem>>, vector<1x16xf32>,
        %get3A_364 = vector.shape_cast %get3A_363 : vector<1x16xf32> to vector<16xf32>
        %max3A_365 = arith.maximumf %max3A_358, %get3A_364 : vector<16xf32>
        %add3A_366 = arith.constant 9 : i32
        %add3A_367 = arith.addi %mul3A_76, %add3A_366 : i32
        %get3A_368 = arith.index_cast %add3A_367 : i32 to index
        %get3A_369 = arith.constant 32 : index
        %get3A_370 = tpu.vector_load %arg12[%get3A_368, %get3A_369] {strides = array<i32>} : memref<128x128xf32, #tpu.memory_space<vmem>>, vector<1x16xf32>,
        %get3A_371 = vector.shape_cast %get3A_370 : vector<1x16xf32> to vector<16xf32>
        %max3A_372 = arith.maximumf %max3A_365, %get3A_371 : vector<16xf32>
        %add3A_373 = arith.constant 10 : i32
        %add3A_374 = arith.addi %mul3A_76, %add3A_373 : i32
        %get3A_375 = arith.index_cast %add3A_374 : i32 to index
        %get3A_376 = arith.constant 32 : index
        %get3A_377 = tpu.vector_load %arg12[%get3A_375, %get3A_376] {strides = array<i32>} : memref<128x128xf32, #tpu.memory_space<vmem>>, vector<1x16xf32>,
        %get3A_378 = vector.shape_cast %get3A_377 : vector<1x16xf32> to vector<16xf32>
        %max3A_379 = arith.maximumf %max3A_372, %get3A_378 : vector<16xf32>
        %add3A_380 = arith.constant 11 : i32
        %add3A_381 = arith.addi %mul3A_76, %add3A_380 : i32
        %get3A_382 = arith.index_cast %add3A_381 : i32 to index
        %get3A_383 = arith.constant 32 : index
        %get3A_384 = tpu.vector_load %arg12[%get3A_382, %get3A_383] {strides = array<i32>} : memref<128x128xf32, #tpu.memory_space<vmem>>, vector<1x16xf32>,
        %get3A_385 = vector.shape_cast %get3A_384 : vector<1x16xf32> to vector<16xf32>
        %max3A_386 = arith.maximumf %max3A_379, %get3A_385 : vector<16xf32>
        %add3A_387 = arith.constant 12 : i32
        %add3A_388 = arith.addi %mul3A_76, %add3A_387 : i32
        %get3A_389 = arith.index_cast %add3A_388 : i32 to index
        %get3A_390 = arith.constant 32 : index
        %get3A_391 = tpu.vector_load %arg12[%get3A_389, %get3A_390] {strides = array<i32>} : memref<128x128xf32, #tpu.memory_space<vmem>>, vector<1x16xf32>,
        %get3A_392 = vector.shape_cast %get3A_391 : vector<1x16xf32> to vector<16xf32>
        %max3A_393 = arith.maximumf %max3A_386, %get3A_392 : vector<16xf32>
        %add3A_394 = arith.constant 13 : i32
        %add3A_395 = arith.addi %mul3A_76, %add3A_394 : i32
        %get3A_396 = arith.index_cast %add3A_395 : i32 to index
        %get3A_397 = arith.constant 32 : index
        %get3A_398 = tpu.vector_load %arg12[%get3A_396, %get3A_397] {strides = array<i32>} : memref<128x128xf32, #tpu.memory_space<vmem>>, vector<1x16xf32>,
        %get3A_399 = vector.shape_cast %get3A_398 : vector<1x16xf32> to vector<16xf32>
        %max3A_400 = arith.maximumf %max3A_393, %get3A_399 : vector<16xf32>
        %add3A_401 = arith.constant 14 : i32
        %add3A_402 = arith.addi %mul3A_76, %add3A_401 : i32
        %get3A_403 = arith.index_cast %add3A_402 : i32 to index
        %get3A_404 = arith.constant 32 : index
        %get3A_405 = tpu.vector_load %arg12[%get3A_403, %get3A_404] {strides = array<i32>} : memref<128x128xf32, #tpu.memory_space<vmem>>, vector<1x16xf32>,
        %get3A_406 = vector.shape_cast %get3A_405 : vector<1x16xf32> to vector<16xf32>
        %max3A_407 = arith.maximumf %max3A_400, %get3A_406 : vector<16xf32>
        %add3A_408 = arith.constant 15 : i32
        %add3A_409 = arith.addi %mul3A_76, %add3A_408 : i32
        %get3A_410 = arith.index_cast %add3A_409 : i32 to index
        %get3A_411 = arith.constant 32 : index
        %get3A_412 = tpu.vector_load %arg12[%get3A_410, %get3A_411] {strides = array<i32>} : memref<128x128xf32, #tpu.memory_space<vmem>>, vector<1x16xf32>,
        %get3A_413 = vector.shape_cast %get3A_412 : vector<1x16xf32> to vector<16xf32>
        %max3A_414 = arith.maximumf %max3A_407, %get3A_413 : vector<16xf32>
        %add3A_415 = arith.constant 24 : i32
        %add3A_416 = arith.addi %add3A_415, %scan3A_74 : i32
        %swap3A_417 = arith.index_cast %add3A_416 : i32 to index
        %swap3A_418 = arith.constant 32 : index
        %swap3A_419 = tpu.vector_load %arg13[%swap3A_417, %swap3A_418] {strides = array<i32>} : memref<32x128xf32, #tpu.memory_space<vmem>>, vector<1x16xf32>,
        %swap3A_420 = vector.shape_cast %swap3A_419 : vector<1x16xf32> to vector<16xf32>
        %swap3A_421 = vector.shape_cast %max3A_414 : vector<16xf32> to vector<1x16xf32>
        tpu.vector_store %arg13[%swap3A_417, %swap3A_418], %swap3A_421 {strides = array<i32>} : memref<32x128xf32, #tpu.memory_space<vmem>>, vector<1x16xf32>,
        %get3A_422 = arith.index_cast %mul3A_76 : i32 to index
        %get3A_423 = arith.constant 48 : index
        %get3A_424 = tpu.vector_load %arg12[%get3A_422, %get3A_423] {strides = array<i32>} : memref<128x128xf32, #tpu.memory_space<vmem>>, vector<1x16xf32>,
        %get3A_425 = vector.shape_cast %get3A_424 : vector<1x16xf32> to vector<16xf32>
        %add3A_426 = arith.constant 1 : i32
        %add3A_427 = arith.addi %mul3A_76, %add3A_426 : i32
        %get3A_428 = arith.index_cast %add3A_427 : i32 to index
        %get3A_429 = arith.constant 48 : index
        %get3A_430 = tpu.vector_load %arg12[%get3A_428, %get3A_429] {strides = array<i32>} : memref<128x128xf32, #tpu.memory_space<vmem>>, vector<1x16xf32>,
        %get3A_431 = vector.shape_cast %get3A_430 : vector<1x16xf32> to vector<16xf32>
        %max3A_432 = arith.maximumf %get3A_425, %get3A_431 : vector<16xf32>
        %add3A_433 = arith.constant 2 : i32
        %add3A_434 = arith.addi %mul3A_76, %add3A_433 : i32
        %get3A_435 = arith.index_cast %add3A_434 : i32 to index
        %get3A_436 = arith.constant 48 : index
        %get3A_437 = tpu.vector_load %arg12[%get3A_435, %get3A_436] {strides = array<i32>} : memref<128x128xf32, #tpu.memory_space<vmem>>, vector<1x16xf32>,
        %get3A_438 = vector.shape_cast %get3A_437 : vector<1x16xf32> to vector<16xf32>
        %max3A_439 = arith.maximumf %max3A_432, %get3A_438 : vector<16xf32>
        %add3A_440 = arith.constant 3 : i32
        %add3A_441 = arith.addi %mul3A_76, %add3A_440 : i32
        %get3A_442 = arith.index_cast %add3A_441 : i32 to index
        %get3A_443 = arith.constant 48 : index
        %get3A_444 = tpu.vector_load %arg12[%get3A_442, %get3A_443] {strides = array<i32>} : memref<128x128xf32, #tpu.memory_space<vmem>>, vector<1x16xf32>,
        %get3A_445 = vector.shape_cast %get3A_444 : vector<1x16xf32> to vector<16xf32>
        %max3A_446 = arith.maximumf %max3A_439, %get3A_445 : vector<16xf32>
        %add3A_447 = arith.constant 4 : i32
        %add3A_448 = arith.addi %mul3A_76, %add3A_447 : i32
        %get3A_449 = arith.index_cast %add3A_448 : i32 to index
        %get3A_450 = arith.constant 48 : index
        %get3A_451 = tpu.vector_load %arg12[%get3A_449, %get3A_450] {strides = array<i32>} : memref<128x128xf32, #tpu.memory_space<vmem>>, vector<1x16xf32>,
        %get3A_452 = vector.shape_cast %get3A_451 : vector<1x16xf32> to vector<16xf32>
        %max3A_453 = arith.maximumf %max3A_446, %get3A_452 : vector<16xf32>
        %add3A_454 = arith.constant 5 : i32
        %add3A_455 = arith.addi %mul3A_76, %add3A_454 : i32
        %get3A_456 = arith.index_cast %add3A_455 : i32 to index
        %get3A_457 = arith.constant 48 : index
        %get3A_458 = tpu.vector_load %arg12[%get3A_456, %get3A_457] {strides = array<i32>} : memref<128x128xf32, #tpu.memory_space<vmem>>, vector<1x16xf32>,
        %get3A_459 = vector.shape_cast %get3A_458 : vector<1x16xf32> to vector<16xf32>
        %max3A_460 = arith.maximumf %max3A_453, %get3A_459 : vector<16xf32>
        %add3A_461 = arith.constant 6 : i32
        %add3A_462 = arith.addi %mul3A_76, %add3A_461 : i32
        %get3A_463 = arith.index_cast %add3A_462 : i32 to index
        %get3A_464 = arith.constant 48 : index
        %get3A_465 = tpu.vector_load %arg12[%get3A_463, %get3A_464] {strides = array<i32>} : memref<128x128xf32, #tpu.memory_space<vmem>>, vector<1x16xf32>,
        %get3A_466 = vector.shape_cast %get3A_465 : vector<1x16xf32> to vector<16xf32>
        %max3A_467 = arith.maximumf %max3A_460, %get3A_466 : vector<16xf32>
        %add3A_468 = arith.constant 7 : i32
        %add3A_469 = arith.addi %mul3A_76, %add3A_468 : i32
        %get3A_470 = arith.index_cast %add3A_469 : i32 to index
        %get3A_471 = arith.constant 48 : index
        %get3A_472 = tpu.vector_load %arg12[%get3A_470, %get3A_471] {strides = array<i32>} : memref<128x128xf32, #tpu.memory_space<vmem>>, vector<1x16xf32>,
        %get3A_473 = vector.shape_cast %get3A_472 : vector<1x16xf32> to vector<16xf32>
        %max3A_474 = arith.maximumf %max3A_467, %get3A_473 : vector<16xf32>
        %add3A_475 = arith.constant 8 : i32
        %add3A_476 = arith.addi %mul3A_76, %add3A_475 : i32
        %get3A_477 = arith.index_cast %add3A_476 : i32 to index
        %get3A_478 = arith.constant 48 : index
        %get3A_479 = tpu.vector_load %arg12[%get3A_477, %get3A_478] {strides = array<i32>} : memref<128x128xf32, #tpu.memory_space<vmem>>, vector<1x16xf32>,
        %get3A_480 = vector.shape_cast %get3A_479 : vector<1x16xf32> to vector<16xf32>
        %max3A_481 = arith.maximumf %max3A_474, %get3A_480 : vector<16xf32>
        %add3A_482 = arith.constant 9 : i32
        %add3A_483 = arith.addi %mul3A_76, %add3A_482 : i32
        %get3A_484 = arith.index_cast %add3A_483 : i32 to index
        %get3A_485 = arith.constant 48 : index
        %get3A_486 = tpu.vector_load %arg12[%get3A_484, %get3A_485] {strides = array<i32>} : memref<128x128xf32, #tpu.memory_space<vmem>>, vector<1x16xf32>,
        %get3A_487 = vector.shape_cast %get3A_486 : vector<1x16xf32> to vector<16xf32>
        %max3A_488 = arith.maximumf %max3A_481, %get3A_487 : vector<16xf32>
        %add3A_489 = arith.constant 10 : i32
        %add3A_490 = arith.addi %mul3A_76, %add3A_489 : i32
        %get3A_491 = arith.index_cast %add3A_490 : i32 to index
        %get3A_492 = arith.constant 48 : index
        %get3A_493 = tpu.vector_load %arg12[%get3A_491, %get3A_492] {strides = array<i32>} : memref<128x128xf32, #tpu.memory_space<vmem>>, vector<1x16xf32>,
        %get3A_494 = vector.shape_cast %get3A_493 : vector<1x16xf32> to vector<16xf32>
        %max3A_495 = arith.maximumf %max3A_488, %get3A_494 : vector<16xf32>
        %add3A_496 = arith.constant 11 : i32
        %add3A_497 = arith.addi %mul3A_76, %add3A_496 : i32
        %get3A_498 = arith.index_cast %add3A_497 : i32 to index
        %get3A_499 = arith.constant 48 : index
        %get3A_500 = tpu.vector_load %arg12[%get3A_498, %get3A_499] {strides = array<i32>} : memref<128x128xf32, #tpu.memory_space<vmem>>, vector<1x16xf32>,
        %get3A_501 = vector.shape_cast %get3A_500 : vector<1x16xf32> to vector<16xf32>
        %max3A_502 = arith.maximumf %max3A_495, %get3A_501 : vector<16xf32>
        %add3A_503 = arith.constant 12 : i32
        %add3A_504 = arith.addi %mul3A_76, %add3A_503 : i32
        %get3A_505 = arith.index_cast %add3A_504 : i32 to index
        %get3A_506 = arith.constant 48 : index
        %get3A_507 = tpu.vector_load %arg12[%get3A_505, %get3A_506] {strides = array<i32>} : memref<128x128xf32, #tpu.memory_space<vmem>>, vector<1x16xf32>,
        %get3A_508 = vector.shape_cast %get3A_507 : vector<1x16xf32> to vector<16xf32>
        %max3A_509 = arith.maximumf %max3A_502, %get3A_508 : vector<16xf32>
        %add3A_510 = arith.constant 13 : i32
        %add3A_511 = arith.addi %mul3A_76, %add3A_510 : i32
        %get3A_512 = arith.index_cast %add3A_511 : i32 to index
        %get3A_513 = arith.constant 48 : index
        %get3A_514 = tpu.vector_load %arg12[%get3A_512, %get3A_513] {strides = array<i32>} : memref<128x128xf32, #tpu.memory_space<vmem>>, vector<1x16xf32>,
        %get3A_515 = vector.shape_cast %get3A_514 : vector<1x16xf32> to vector<16xf32>
        %max3A_516 = arith.maximumf %max3A_509, %get3A_515 : vector<16xf32>
        %add3A_517 = arith.constant 14 : i32
        %add3A_518 = arith.addi %mul3A_76, %add3A_517 : i32
        %get3A_519 = arith.index_cast %add3A_518 : i32 to index
        %get3A_520 = arith.constant 48 : index
        %get3A_521 = tpu.vector_load %arg12[%get3A_519, %get3A_520] {strides = array<i32>} : memref<128x128xf32, #tpu.memory_space<vmem>>, vector<1x16xf32>,
        %get3A_522 = vector.shape_cast %get3A_521 : vector<1x16xf32> to vector<16xf32>
        %max3A_523 = arith.maximumf %max3A_516, %get3A_522 : vector<16xf32>
        %add3A_524 = arith.constant 15 : i32
        %add3A_525 = arith.addi %mul3A_76, %add3A_524 : i32
        %get3A_526 = arith.index_cast %add3A_525 : i32 to index
        %get3A_527 = arith.constant 48 : index
        %get3A_528 = tpu.vector_load %arg12[%get3A_526, %get3A_527] {strides = array<i32>} : memref<128x128xf32, #tpu.memory_space<vmem>>, vector<1x16xf32>,
        %get3A_529 = vector.shape_cast %get3A_528 : vector<1x16xf32> to vector<16xf32>
        %max3A_530 = arith.maximumf %max3A_523, %get3A_529 : vector<16xf32>
        %add3A_531 = arith.constant 24 : i32
        %add3A_532 = arith.addi %add3A_531, %scan3A_74 : i32
        %swap3A_533 = arith.index_cast %add3A_532 : i32 to index
        %swap3A_534 = arith.constant 48 : index
        %swap3A_535 = tpu.vector_load %arg13[%swap3A_533, %swap3A_534] {strides = array<i32>} : memref<32x128xf32, #tpu.memory_space<vmem>>, vector<1x16xf32>,
        %swap3A_536 = vector.shape_cast %swap3A_535 : vector<1x16xf32> to vector<16xf32>
        %swap3A_537 = vector.shape_cast %max3A_530 : vector<16xf32> to vector<1x16xf32>
        tpu.vector_store %arg13[%swap3A_533, %swap3A_534], %swap3A_537 {strides = array<i32>} : memref<32x128xf32, #tpu.memory_space<vmem>>, vector<1x16xf32>,
        %get3A_538 = arith.index_cast %mul3A_76 : i32 to index
        %get3A_539 = arith.constant 64 : index
        %get3A_540 = tpu.vector_load %arg12[%get3A_538, %get3A_539] {strides = array<i32>} : memref<128x128xf32, #tpu.memory_space<vmem>>, vector<1x16xf32>,
        %get3A_541 = vector.shape_cast %get3A_540 : vector<1x16xf32> to vector<16xf32>
        %add3A_542 = arith.constant 1 : i32
        %add3A_543 = arith.addi %mul3A_76, %add3A_542 : i32
        %get3A_544 = arith.index_cast %add3A_543 : i32 to index
        %get3A_545 = arith.constant 64 : index
        %get3A_546 = tpu.vector_load %arg12[%get3A_544, %get3A_545] {strides = array<i32>} : memref<128x128xf32, #tpu.memory_space<vmem>>, vector<1x16xf32>,
        %get3A_547 = vector.shape_cast %get3A_546 : vector<1x16xf32> to vector<16xf32>
        %max3A_548 = arith.maximumf %get3A_541, %get3A_547 : vector<16xf32>
        %add3A_549 = arith.constant 2 : i32
        %add3A_550 = arith.addi %mul3A_76, %add3A_549 : i32
        %get3A_551 = arith.index_cast %add3A_550 : i32 to index
        %get3A_552 = arith.constant 64 : index
        %get3A_553 = tpu.vector_load %arg12[%get3A_551, %get3A_552] {strides = array<i32>} : memref<128x128xf32, #tpu.memory_space<vmem>>, vector<1x16xf32>,
        %get3A_554 = vector.shape_cast %get3A_553 : vector<1x16xf32> to vector<16xf32>
        %max3A_555 = arith.maximumf %max3A_548, %get3A_554 : vector<16xf32>
        %add3A_556 = arith.constant 3 : i32
        %add3A_557 = arith.addi %mul3A_76, %add3A_556 : i32
        %get3A_558 = arith.index_cast %add3A_557 : i32 to index
        %get3A_559 = arith.constant 64 : index
        %get3A_560 = tpu.vector_load %arg12[%get3A_558, %get3A_559] {strides = array<i32>} : memref<128x128xf32, #tpu.memory_space<vmem>>, vector<1x16xf32>,
        %get3A_561 = vector.shape_cast %get3A_560 : vector<1x16xf32> to vector<16xf32>
        %max3A_562 = arith.maximumf %max3A_555, %get3A_561 : vector<16xf32>
        %add3A_563 = arith.constant 4 : i32
        %add3A_564 = arith.addi %mul3A_76, %add3A_563 : i32
        %get3A_565 = arith.index_cast %add3A_564 : i32 to index
        %get3A_566 = arith.constant 64 : index
        %get3A_567 = tpu.vector_load %arg12[%get3A_565, %get3A_566] {strides = array<i32>} : memref<128x128xf32, #tpu.memory_space<vmem>>, vector<1x16xf32>,
        %get3A_568 = vector.shape_cast %get3A_567 : vector<1x16xf32> to vector<16xf32>
        %max3A_569 = arith.maximumf %max3A_562, %get3A_568 : vector<16xf32>
        %add3A_570 = arith.constant 5 : i32
        %add3A_571 = arith.addi %mul3A_76, %add3A_570 : i32
        %get3A_572 = arith.index_cast %add3A_571 : i32 to index
        %get3A_573 = arith.constant 64 : index
        %get3A_574 = tpu.vector_load %arg12[%get3A_572, %get3A_573] {strides = array<i32>} : memref<128x128xf32, #tpu.memory_space<vmem>>, vector<1x16xf32>,
        %get3A_575 = vector.shape_cast %get3A_574 : vector<1x16xf32> to vector<16xf32>
        %max3A_576 = arith.maximumf %max3A_569, %get3A_575 : vector<16xf32>
        %add3A_577 = arith.constant 6 : i32
        %add3A_578 = arith.addi %mul3A_76, %add3A_577 : i32
        %get3A_579 = arith.index_cast %add3A_578 : i32 to index
        %get3A_580 = arith.constant 64 : index
        %get3A_581 = tpu.vector_load %arg12[%get3A_579, %get3A_580] {strides = array<i32>} : memref<128x128xf32, #tpu.memory_space<vmem>>, vector<1x16xf32>,
        %get3A_582 = vector.shape_cast %get3A_581 : vector<1x16xf32> to vector<16xf32>
        %max3A_583 = arith.maximumf %max3A_576, %get3A_582 : vector<16xf32>
        %add3A_584 = arith.constant 7 : i32
        %add3A_585 = arith.addi %mul3A_76, %add3A_584 : i32
        %get3A_586 = arith.index_cast %add3A_585 : i32 to index
        %get3A_587 = arith.constant 64 : index
        %get3A_588 = tpu.vector_load %arg12[%get3A_586, %get3A_587] {strides = array<i32>} : memref<128x128xf32, #tpu.memory_space<vmem>>, vector<1x16xf32>,
        %get3A_589 = vector.shape_cast %get3A_588 : vector<1x16xf32> to vector<16xf32>
        %max3A_590 = arith.maximumf %max3A_583, %get3A_589 : vector<16xf32>
        %add3A_591 = arith.constant 8 : i32
        %add3A_592 = arith.addi %mul3A_76, %add3A_591 : i32
        %get3A_593 = arith.index_cast %add3A_592 : i32 to index
        %get3A_594 = arith.constant 64 : index
        %get3A_595 = tpu.vector_load %arg12[%get3A_593, %get3A_594] {strides = array<i32>} : memref<128x128xf32, #tpu.memory_space<vmem>>, vector<1x16xf32>,
        %get3A_596 = vector.shape_cast %get3A_595 : vector<1x16xf32> to vector<16xf32>
        %max3A_597 = arith.maximumf %max3A_590, %get3A_596 : vector<16xf32>
        %add3A_598 = arith.constant 9 : i32
        %add3A_599 = arith.addi %mul3A_76, %add3A_598 : i32
        %get3A_600 = arith.index_cast %add3A_599 : i32 to index
        %get3A_601 = arith.constant 64 : index
        %get3A_602 = tpu.vector_load %arg12[%get3A_600, %get3A_601] {strides = array<i32>} : memref<128x128xf32, #tpu.memory_space<vmem>>, vector<1x16xf32>,
        %get3A_603 = vector.shape_cast %get3A_602 : vector<1x16xf32> to vector<16xf32>
        %max3A_604 = arith.maximumf %max3A_597, %get3A_603 : vector<16xf32>
        %add3A_605 = arith.constant 10 : i32
        %add3A_606 = arith.addi %mul3A_76, %add3A_605 : i32
        %get3A_607 = arith.index_cast %add3A_606 : i32 to index
        %get3A_608 = arith.constant 64 : index
        %get3A_609 = tpu.vector_load %arg12[%get3A_607, %get3A_608] {strides = array<i32>} : memref<128x128xf32, #tpu.memory_space<vmem>>, vector<1x16xf32>,
        %get3A_610 = vector.shape_cast %get3A_609 : vector<1x16xf32> to vector<16xf32>
        %max3A_611 = arith.maximumf %max3A_604, %get3A_610 : vector<16xf32>
        %add3A_612 = arith.constant 11 : i32
        %add3A_613 = arith.addi %mul3A_76, %add3A_612 : i32
        %get3A_614 = arith.index_cast %add3A_613 : i32 to index
        %get3A_615 = arith.constant 64 : index
        %get3A_616 = tpu.vector_load %arg12[%get3A_614, %get3A_615] {strides = array<i32>} : memref<128x128xf32, #tpu.memory_space<vmem>>, vector<1x16xf32>,
        %get3A_617 = vector.shape_cast %get3A_616 : vector<1x16xf32> to vector<16xf32>
        %max3A_618 = arith.maximumf %max3A_611, %get3A_617 : vector<16xf32>
        %add3A_619 = arith.constant 12 : i32
        %add3A_620 = arith.addi %mul3A_76, %add3A_619 : i32
        %get3A_621 = arith.index_cast %add3A_620 : i32 to index
        %get3A_622 = arith.constant 64 : index
        %get3A_623 = tpu.vector_load %arg12[%get3A_621, %get3A_622] {strides = array<i32>} : memref<128x128xf32, #tpu.memory_space<vmem>>, vector<1x16xf32>,
        %get3A_624 = vector.shape_cast %get3A_623 : vector<1x16xf32> to vector<16xf32>
        %max3A_625 = arith.maximumf %max3A_618, %get3A_624 : vector<16xf32>
        %add3A_626 = arith.constant 13 : i32
        %add3A_627 = arith.addi %mul3A_76, %add3A_626 : i32
        %get3A_628 = arith.index_cast %add3A_627 : i32 to index
        %get3A_629 = arith.constant 64 : index
        %get3A_630 = tpu.vector_load %arg12[%get3A_628, %get3A_629] {strides = array<i32>} : memref<128x128xf32, #tpu.memory_space<vmem>>, vector<1x16xf32>,
        %get3A_631 = vector.shape_cast %get3A_630 : vector<1x16xf32> to vector<16xf32>
        %max3A_632 = arith.maximumf %max3A_625, %get3A_631 : vector<16xf32>
        %add3A_633 = arith.constant 14 : i32
        %add3A_634 = arith.addi %mul3A_76, %add3A_633 : i32
        %get3A_635 = arith.index_cast %add3A_634 : i32 to index
        %get3A_636 = arith.constant 64 : index
        %get3A_637 = tpu.vector_load %arg12[%get3A_635, %get3A_636] {strides = array<i32>} : memref<128x128xf32, #tpu.memory_space<vmem>>, vector<1x16xf32>,
        %get3A_638 = vector.shape_cast %get3A_637 : vector<1x16xf32> to vector<16xf32>
        %max3A_639 = arith.maximumf %max3A_632, %get3A_638 : vector<16xf32>
        %add3A_640 = arith.constant 15 : i32
        %add3A_641 = arith.addi %mul3A_76, %add3A_640 : i32
        %get3A_642 = arith.index_cast %add3A_641 : i32 to index
        %get3A_643 = arith.constant 64 : index
        %get3A_644 = tpu.vector_load %arg12[%get3A_642, %get3A_643] {strides = array<i32>} : memref<128x128xf32, #tpu.memory_space<vmem>>, vector<1x16xf32>,
        %get3A_645 = vector.shape_cast %get3A_644 : vector<1x16xf32> to vector<16xf32>
        %max3A_646 = arith.maximumf %max3A_639, %get3A_645 : vector<16xf32>
        %add3A_647 = arith.constant 24 : i32
        %add3A_648 = arith.addi %add3A_647, %scan3A_74 : i32
        %swap3A_649 = arith.index_cast %add3A_648 : i32 to index
        %swap3A_650 = arith.constant 64 : index
        %swap3A_651 = tpu.vector_load %arg13[%swap3A_649, %swap3A_650] {strides = array<i32>} : memref<32x128xf32, #tpu.memory_space<vmem>>, vector<1x16xf32>,
        %swap3A_652 = vector.shape_cast %swap3A_651 : vector<1x16xf32> to vector<16xf32>
        %swap3A_653 = vector.shape_cast %max3A_646 : vector<16xf32> to vector<1x16xf32>
        tpu.vector_store %arg13[%swap3A_649, %swap3A_650], %swap3A_653 {strides = array<i32>} : memref<32x128xf32, #tpu.memory_space<vmem>>, vector<1x16xf32>,
        %get3A_654 = arith.index_cast %mul3A_76 : i32 to index
        %get3A_655 = arith.constant 80 : index
        %get3A_656 = tpu.vector_load %arg12[%get3A_654, %get3A_655] {strides = array<i32>} : memref<128x128xf32, #tpu.memory_space<vmem>>, vector<1x16xf32>,
        %get3A_657 = vector.shape_cast %get3A_656 : vector<1x16xf32> to vector<16xf32>
        %add3A_658 = arith.constant 1 : i32
        %add3A_659 = arith.addi %mul3A_76, %add3A_658 : i32
        %get3A_660 = arith.index_cast %add3A_659 : i32 to index
        %get3A_661 = arith.constant 80 : index
        %get3A_662 = tpu.vector_load %arg12[%get3A_660, %get3A_661] {strides = array<i32>} : memref<128x128xf32, #tpu.memory_space<vmem>>, vector<1x16xf32>,
        %get3A_663 = vector.shape_cast %get3A_662 : vector<1x16xf32> to vector<16xf32>
        %max3A_664 = arith.maximumf %get3A_657, %get3A_663 : vector<16xf32>
        %add3A_665 = arith.constant 2 : i32
        %add3A_666 = arith.addi %mul3A_76, %add3A_665 : i32
        %get3A_667 = arith.index_cast %add3A_666 : i32 to index
        %get3A_668 = arith.constant 80 : index
        %get3A_669 = tpu.vector_load %arg12[%get3A_667, %get3A_668] {strides = array<i32>} : memref<128x128xf32, #tpu.memory_space<vmem>>, vector<1x16xf32>,
        %get3A_670 = vector.shape_cast %get3A_669 : vector<1x16xf32> to vector<16xf32>
        %max3A_671 = arith.maximumf %max3A_664, %get3A_670 : vector<16xf32>
        %add3A_672 = arith.constant 3 : i32
        %add3A_673 = arith.addi %mul3A_76, %add3A_672 : i32
        %get3A_674 = arith.index_cast %add3A_673 : i32 to index
        %get3A_675 = arith.constant 80 : index
        %get3A_676 = tpu.vector_load %arg12[%get3A_674, %get3A_675] {strides = array<i32>} : memref<128x128xf32, #tpu.memory_space<vmem>>, vector<1x16xf32>,
        %get3A_677 = vector.shape_cast %get3A_676 : vector<1x16xf32> to vector<16xf32>
        %max3A_678 = arith.maximumf %max3A_671, %get3A_677 : vector<16xf32>
        %add3A_679 = arith.constant 4 : i32
        %add3A_680 = arith.addi %mul3A_76, %add3A_679 : i32
        %get3A_681 = arith.index_cast %add3A_680 : i32 to index
        %get3A_682 = arith.constant 80 : index
        %get3A_683 = tpu.vector_load %arg12[%get3A_681, %get3A_682] {strides = array<i32>} : memref<128x128xf32, #tpu.memory_space<vmem>>, vector<1x16xf32>,
        %get3A_684 = vector.shape_cast %get3A_683 : vector<1x16xf32> to vector<16xf32>
        %max3A_685 = arith.maximumf %max3A_678, %get3A_684 : vector<16xf32>
        %add3A_686 = arith.constant 5 : i32
        %add3A_687 = arith.addi %mul3A_76, %add3A_686 : i32
        %get3A_688 = arith.index_cast %add3A_687 : i32 to index
        %get3A_689 = arith.constant 80 : index
        %get3A_690 = tpu.vector_load %arg12[%get3A_688, %get3A_689] {strides = array<i32>} : memref<128x128xf32, #tpu.memory_space<vmem>>, vector<1x16xf32>,
        %get3A_691 = vector.shape_cast %get3A_690 : vector<1x16xf32> to vector<16xf32>
        %max3A_692 = arith.maximumf %max3A_685, %get3A_691 : vector<16xf32>
        %add3A_693 = arith.constant 6 : i32
        %add3A_694 = arith.addi %mul3A_76, %add3A_693 : i32
        %get3A_695 = arith.index_cast %add3A_694 : i32 to index
        %get3A_696 = arith.constant 80 : index
        %get3A_697 = tpu.vector_load %arg12[%get3A_695, %get3A_696] {strides = array<i32>} : memref<128x128xf32, #tpu.memory_space<vmem>>, vector<1x16xf32>,
        %get3A_698 = vector.shape_cast %get3A_697 : vector<1x16xf32> to vector<16xf32>
        %max3A_699 = arith.maximumf %max3A_692, %get3A_698 : vector<16xf32>
        %add3A_700 = arith.constant 7 : i32
        %add3A_701 = arith.addi %mul3A_76, %add3A_700 : i32
        %get3A_702 = arith.index_cast %add3A_701 : i32 to index
        %get3A_703 = arith.constant 80 : index
        %get3A_704 = tpu.vector_load %arg12[%get3A_702, %get3A_703] {strides = array<i32>} : memref<128x128xf32, #tpu.memory_space<vmem>>, vector<1x16xf32>,
        %get3A_705 = vector.shape_cast %get3A_704 : vector<1x16xf32> to vector<16xf32>
        %max3A_706 = arith.maximumf %max3A_699, %get3A_705 : vector<16xf32>
        %add3A_707 = arith.constant 8 : i32
        %add3A_708 = arith.addi %mul3A_76, %add3A_707 : i32
        %get3A_709 = arith.index_cast %add3A_708 : i32 to index
        %get3A_710 = arith.constant 80 : index
        %get3A_711 = tpu.vector_load %arg12[%get3A_709, %get3A_710] {strides = array<i32>} : memref<128x128xf32, #tpu.memory_space<vmem>>, vector<1x16xf32>,
        %get3A_712 = vector.shape_cast %get3A_711 : vector<1x16xf32> to vector<16xf32>
        %max3A_713 = arith.maximumf %max3A_706, %get3A_712 : vector<16xf32>
        %add3A_714 = arith.constant 9 : i32
        %add3A_715 = arith.addi %mul3A_76, %add3A_714 : i32
        %get3A_716 = arith.index_cast %add3A_715 : i32 to index
        %get3A_717 = arith.constant 80 : index
        %get3A_718 = tpu.vector_load %arg12[%get3A_716, %get3A_717] {strides = array<i32>} : memref<128x128xf32, #tpu.memory_space<vmem>>, vector<1x16xf32>,
        %get3A_719 = vector.shape_cast %get3A_718 : vector<1x16xf32> to vector<16xf32>
        %max3A_720 = arith.maximumf %max3A_713, %get3A_719 : vector<16xf32>
        %add3A_721 = arith.constant 10 : i32
        %add3A_722 = arith.addi %mul3A_76, %add3A_721 : i32
        %get3A_723 = arith.index_cast %add3A_722 : i32 to index
        %get3A_724 = arith.constant 80 : index
        %get3A_725 = tpu.vector_load %arg12[%get3A_723, %get3A_724] {strides = array<i32>} : memref<128x128xf32, #tpu.memory_space<vmem>>, vector<1x16xf32>,
        %get3A_726 = vector.shape_cast %get3A_725 : vector<1x16xf32> to vector<16xf32>
        %max3A_727 = arith.maximumf %max3A_720, %get3A_726 : vector<16xf32>
        %add3A_728 = arith.constant 11 : i32
        %add3A_729 = arith.addi %mul3A_76, %add3A_728 : i32
        %get3A_730 = arith.index_cast %add3A_729 : i32 to index
        %get3A_731 = arith.constant 80 : index
        %get3A_732 = tpu.vector_load %arg12[%get3A_730, %get3A_731] {strides = array<i32>} : memref<128x128xf32, #tpu.memory_space<vmem>>, vector<1x16xf32>,
        %get3A_733 = vector.shape_cast %get3A_732 : vector<1x16xf32> to vector<16xf32>
        %max3A_734 = arith.maximumf %max3A_727, %get3A_733 : vector<16xf32>
        %add3A_735 = arith.constant 12 : i32
        %add3A_736 = arith.addi %mul3A_76, %add3A_735 : i32
        %get3A_737 = arith.index_cast %add3A_736 : i32 to index
        %get3A_738 = arith.constant 80 : index
        %get3A_739 = tpu.vector_load %arg12[%get3A_737, %get3A_738] {strides = array<i32>} : memref<128x128xf32, #tpu.memory_space<vmem>>, vector<1x16xf32>,
        %get3A_740 = vector.shape_cast %get3A_739 : vector<1x16xf32> to vector<16xf32>
        %max3A_741 = arith.maximumf %max3A_734, %get3A_740 : vector<16xf32>
        %add3A_742 = arith.constant 13 : i32
        %add3A_743 = arith.addi %mul3A_76, %add3A_742 : i32
        %get3A_744 = arith.index_cast %add3A_743 : i32 to index
        %get3A_745 = arith.constant 80 : index
        %get3A_746 = tpu.vector_load %arg12[%get3A_744, %get3A_745] {strides = array<i32>} : memref<128x128xf32, #tpu.memory_space<vmem>>, vector<1x16xf32>,
        %get3A_747 = vector.shape_cast %get3A_746 : vector<1x16xf32> to vector<16xf32>
        %max3A_748 = arith.maximumf %max3A_741, %get3A_747 : vector<16xf32>
        %add3A_749 = arith.constant 14 : i32
        %add3A_750 = arith.addi %mul3A_76, %add3A_749 : i32
        %get3A_751 = arith.index_cast %add3A_750 : i32 to index
        %get3A_752 = arith.constant 80 : index
        %get3A_753 = tpu.vector_load %arg12[%get3A_751, %get3A_752] {strides = array<i32>} : memref<128x128xf32, #tpu.memory_space<vmem>>, vector<1x16xf32>,
        %get3A_754 = vector.shape_cast %get3A_753 : vector<1x16xf32> to vector<16xf32>
        %max3A_755 = arith.maximumf %max3A_748, %get3A_754 : vector<16xf32>
        %add3A_756 = arith.constant 15 : i32
        %add3A_757 = arith.addi %mul3A_76, %add3A_756 : i32
        %get3A_758 = arith.index_cast %add3A_757 : i32 to index
        %get3A_759 = arith.constant 80 : index
        %get3A_760 = tpu.vector_load %arg12[%get3A_758, %get3A_759] {strides = array<i32>} : memref<128x128xf32, #tpu.memory_space<vmem>>, vector<1x16xf32>,
        %get3A_761 = vector.shape_cast %get3A_760 : vector<1x16xf32> to vector<16xf32>
        %max3A_762 = arith.maximumf %max3A_755, %get3A_761 : vector<16xf32>
        %add3A_763 = arith.constant 24 : i32
        %add3A_764 = arith.addi %add3A_763, %scan3A_74 : i32
        %swap3A_765 = arith.index_cast %add3A_764 : i32 to index
        %swap3A_766 = arith.constant 80 : index
        %swap3A_767 = tpu.vector_load %arg13[%swap3A_765, %swap3A_766] {strides = array<i32>} : memref<32x128xf32, #tpu.memory_space<vmem>>, vector<1x16xf32>,
        %swap3A_768 = vector.shape_cast %swap3A_767 : vector<1x16xf32> to vector<16xf32>
        %swap3A_769 = vector.shape_cast %max3A_762 : vector<16xf32> to vector<1x16xf32>
        tpu.vector_store %arg13[%swap3A_765, %swap3A_766], %swap3A_769 {strides = array<i32>} : memref<32x128xf32, #tpu.memory_space<vmem>>, vector<1x16xf32>,
        %get3A_770 = arith.index_cast %mul3A_76 : i32 to index
        %get3A_771 = arith.constant 96 : index
        %get3A_772 = tpu.vector_load %arg12[%get3A_770, %get3A_771] {strides = array<i32>} : memref<128x128xf32, #tpu.memory_space<vmem>>, vector<1x16xf32>,
        %get3A_773 = vector.shape_cast %get3A_772 : vector<1x16xf32> to vector<16xf32>
        %add3A_774 = arith.constant 1 : i32
        %add3A_775 = arith.addi %mul3A_76, %add3A_774 : i32
        %get3A_776 = arith.index_cast %add3A_775 : i32 to index
        %get3A_777 = arith.constant 96 : index
        %get3A_778 = tpu.vector_load %arg12[%get3A_776, %get3A_777] {strides = array<i32>} : memref<128x128xf32, #tpu.memory_space<vmem>>, vector<1x16xf32>,
        %get3A_779 = vector.shape_cast %get3A_778 : vector<1x16xf32> to vector<16xf32>
        %max3A_780 = arith.maximumf %get3A_773, %get3A_779 : vector<16xf32>
        %add3A_781 = arith.constant 2 : i32
        %add3A_782 = arith.addi %mul3A_76, %add3A_781 : i32
        %get3A_783 = arith.index_cast %add3A_782 : i32 to index
        %get3A_784 = arith.constant 96 : index
        %get3A_785 = tpu.vector_load %arg12[%get3A_783, %get3A_784] {strides = array<i32>} : memref<128x128xf32, #tpu.memory_space<vmem>>, vector<1x16xf32>,
        %get3A_786 = vector.shape_cast %get3A_785 : vector<1x16xf32> to vector<16xf32>
        %max3A_787 = arith.maximumf %max3A_780, %get3A_786 : vector<16xf32>
        %add3A_788 = arith.constant 3 : i32
        %add3A_789 = arith.addi %mul3A_76, %add3A_788 : i32
        %get3A_790 = arith.index_cast %add3A_789 : i32 to index
        %get3A_791 = arith.constant 96 : index
        %get3A_792 = tpu.vector_load %arg12[%get3A_790, %get3A_791] {strides = array<i32>} : memref<128x128xf32, #tpu.memory_space<vmem>>, vector<1x16xf32>,
        %get3A_793 = vector.shape_cast %get3A_792 : vector<1x16xf32> to vector<16xf32>
        %max3A_794 = arith.maximumf %max3A_787, %get3A_793 : vector<16xf32>
        %add3A_795 = arith.constant 4 : i32
        %add3A_796 = arith.addi %mul3A_76, %add3A_795 : i32
        %get3A_797 = arith.index_cast %add3A_796 : i32 to index
        %get3A_798 = arith.constant 96 : index
        %get3A_799 = tpu.vector_load %arg12[%get3A_797, %get3A_798] {strides = array<i32>} : memref<128x128xf32, #tpu.memory_space<vmem>>, vector<1x16xf32>,
        %get3A_800 = vector.shape_cast %get3A_799 : vector<1x16xf32> to vector<16xf32>
        %max3A_801 = arith.maximumf %max3A_794, %get3A_800 : vector<16xf32>
        %add3A_802 = arith.constant 5 : i32
        %add3A_803 = arith.addi %mul3A_76, %add3A_802 : i32
        %get3A_804 = arith.index_cast %add3A_803 : i32 to index
        %get3A_805 = arith.constant 96 : index
        %get3A_806 = tpu.vector_load %arg12[%get3A_804, %get3A_805] {strides = array<i32>} : memref<128x128xf32, #tpu.memory_space<vmem>>, vector<1x16xf32>,
        %get3A_807 = vector.shape_cast %get3A_806 : vector<1x16xf32> to vector<16xf32>
        %max3A_808 = arith.maximumf %max3A_801, %get3A_807 : vector<16xf32>
        %add3A_809 = arith.constant 6 : i32
        %add3A_810 = arith.addi %mul3A_76, %add3A_809 : i32
        %get3A_811 = arith.index_cast %add3A_810 : i32 to index
        %get3A_812 = arith.constant 96 : index
        %get3A_813 = tpu.vector_load %arg12[%get3A_811, %get3A_812] {strides = array<i32>} : memref<128x128xf32, #tpu.memory_space<vmem>>, vector<1x16xf32>,
        %get3A_814 = vector.shape_cast %get3A_813 : vector<1x16xf32> to vector<16xf32>
        %max3A_815 = arith.maximumf %max3A_808, %get3A_814 : vector<16xf32>
        %add3A_816 = arith.constant 7 : i32
        %add3A_817 = arith.addi %mul3A_76, %add3A_816 : i32
        %get3A_818 = arith.index_cast %add3A_817 : i32 to index
        %get3A_819 = arith.constant 96 : index
        %get3A_820 = tpu.vector_load %arg12[%get3A_818, %get3A_819] {strides = array<i32>} : memref<128x128xf32, #tpu.memory_space<vmem>>, vector<1x16xf32>,
        %get3A_821 = vector.shape_cast %get3A_820 : vector<1x16xf32> to vector<16xf32>
        %max3A_822 = arith.maximumf %max3A_815, %get3A_821 : vector<16xf32>
        %add3A_823 = arith.constant 8 : i32
        %add3A_824 = arith.addi %mul3A_76, %add3A_823 : i32
        %get3A_825 = arith.index_cast %add3A_824 : i32 to index
        %get3A_826 = arith.constant 96 : index
        %get3A_827 = tpu.vector_load %arg12[%get3A_825, %get3A_826] {strides = array<i32>} : memref<128x128xf32, #tpu.memory_space<vmem>>, vector<1x16xf32>,
        %get3A_828 = vector.shape_cast %get3A_827 : vector<1x16xf32> to vector<16xf32>
        %max3A_829 = arith.maximumf %max3A_822, %get3A_828 : vector<16xf32>
        %add3A_830 = arith.constant 9 : i32
        %add3A_831 = arith.addi %mul3A_76, %add3A_830 : i32
        %get3A_832 = arith.index_cast %add3A_831 : i32 to index
        %get3A_833 = arith.constant 96 : index
        %get3A_834 = tpu.vector_load %arg12[%get3A_832, %get3A_833] {strides = array<i32>} : memref<128x128xf32, #tpu.memory_space<vmem>>, vector<1x16xf32>,
        %get3A_835 = vector.shape_cast %get3A_834 : vector<1x16xf32> to vector<16xf32>
        %max3A_836 = arith.maximumf %max3A_829, %get3A_835 : vector<16xf32>
        %add3A_837 = arith.constant 10 : i32
        %add3A_838 = arith.addi %mul3A_76, %add3A_837 : i32
        %get3A_839 = arith.index_cast %add3A_838 : i32 to index
        %get3A_840 = arith.constant 96 : index
        %get3A_841 = tpu.vector_load %arg12[%get3A_839, %get3A_840] {strides = array<i32>} : memref<128x128xf32, #tpu.memory_space<vmem>>, vector<1x16xf32>,
        %get3A_842 = vector.shape_cast %get3A_841 : vector<1x16xf32> to vector<16xf32>
        %max3A_843 = arith.maximumf %max3A_836, %get3A_842 : vector<16xf32>
        %add3A_844 = arith.constant 11 : i32
        %add3A_845 = arith.addi %mul3A_76, %add3A_844 : i32
        %get3A_846 = arith.index_cast %add3A_845 : i32 to index
        %get3A_847 = arith.constant 96 : index
        %get3A_848 = tpu.vector_load %arg12[%get3A_846, %get3A_847] {strides = array<i32>} : memref<128x128xf32, #tpu.memory_space<vmem>>, vector<1x16xf32>,
        %get3A_849 = vector.shape_cast %get3A_848 : vector<1x16xf32> to vector<16xf32>
        %max3A_850 = arith.maximumf %max3A_843, %get3A_849 : vector<16xf32>
        %add3A_851 = arith.constant 12 : i32
        %add3A_852 = arith.addi %mul3A_76, %add3A_851 : i32
        %get3A_853 = arith.index_cast %add3A_852 : i32 to index
        %get3A_854 = arith.constant 96 : index
        %get3A_855 = tpu.vector_load %arg12[%get3A_853, %get3A_854] {strides = array<i32>} : memref<128x128xf32, #tpu.memory_space<vmem>>, vector<1x16xf32>,
        %get3A_856 = vector.shape_cast %get3A_855 : vector<1x16xf32> to vector<16xf32>
        %max3A_857 = arith.maximumf %max3A_850, %get3A_856 : vector<16xf32>
        %add3A_858 = arith.constant 13 : i32
        %add3A_859 = arith.addi %mul3A_76, %add3A_858 : i32
        %get3A_860 = arith.index_cast %add3A_859 : i32 to index
        %get3A_861 = arith.constant 96 : index
        %get3A_862 = tpu.vector_load %arg12[%get3A_860, %get3A_861] {strides = array<i32>} : memref<128x128xf32, #tpu.memory_space<vmem>>, vector<1x16xf32>,
        %get3A_863 = vector.shape_cast %get3A_862 : vector<1x16xf32> to vector<16xf32>
        %max3A_864 = arith.maximumf %max3A_857, %get3A_863 : vector<16xf32>
        %add3A_865 = arith.constant 14 : i32
        %add3A_866 = arith.addi %mul3A_76, %add3A_865 : i32
        %get3A_867 = arith.index_cast %add3A_866 : i32 to index
        %get3A_868 = arith.constant 96 : index
        %get3A_869 = tpu.vector_load %arg12[%get3A_867, %get3A_868] {strides = array<i32>} : memref<128x128xf32, #tpu.memory_space<vmem>>, vector<1x16xf32>,
        %get3A_870 = vector.shape_cast %get3A_869 : vector<1x16xf32> to vector<16xf32>
        %max3A_871 = arith.maximumf %max3A_864, %get3A_870 : vector<16xf32>
        %add3A_872 = arith.constant 15 : i32
        %add3A_873 = arith.addi %mul3A_76, %add3A_872 : i32
        %get3A_874 = arith.index_cast %add3A_873 : i32 to index
        %get3A_875 = arith.constant 96 : index
        %get3A_876 = tpu.vector_load %arg12[%get3A_874, %get3A_875] {strides = array<i32>} : memref<128x128xf32, #tpu.memory_space<vmem>>, vector<1x16xf32>,
        %get3A_877 = vector.shape_cast %get3A_876 : vector<1x16xf32> to vector<16xf32>
        %max3A_878 = arith.maximumf %max3A_871, %get3A_877 : vector<16xf32>
        %add3A_879 = arith.constant 24 : i32
        %add3A_880 = arith.addi %add3A_879, %scan3A_74 : i32
        %swap3A_881 = arith.index_cast %add3A_880 : i32 to index
        %swap3A_882 = arith.constant 96 : index
        %swap3A_883 = tpu.vector_load %arg13[%swap3A_881, %swap3A_882] {strides = array<i32>} : memref<32x128xf32, #tpu.memory_space<vmem>>, vector<1x16xf32>,
        %swap3A_884 = vector.shape_cast %swap3A_883 : vector<1x16xf32> to vector<16xf32>
        %swap3A_885 = vector.shape_cast %max3A_878 : vector<16xf32> to vector<1x16xf32>
        tpu.vector_store %arg13[%swap3A_881, %swap3A_882], %swap3A_885 {strides = array<i32>} : memref<32x128xf32, #tpu.memory_space<vmem>>, vector<1x16xf32>,
        %get3A_886 = arith.index_cast %mul3A_76 : i32 to index
        %get3A_887 = arith.constant 112 : index
        %get3A_888 = tpu.vector_load %arg12[%get3A_886, %get3A_887] {strides = array<i32>} : memref<128x128xf32, #tpu.memory_space<vmem>>, vector<1x16xf32>,
        %get3A_889 = vector.shape_cast %get3A_888 : vector<1x16xf32> to vector<16xf32>
        %add3A_890 = arith.constant 1 : i32
        %add3A_891 = arith.addi %mul3A_76, %add3A_890 : i32
        %get3A_892 = arith.index_cast %add3A_891 : i32 to index
        %get3A_893 = arith.constant 112 : index
        %get3A_894 = tpu.vector_load %arg12[%get3A_892, %get3A_893] {strides = array<i32>} : memref<128x128xf32, #tpu.memory_space<vmem>>, vector<1x16xf32>,
        %get3A_895 = vector.shape_cast %get3A_894 : vector<1x16xf32> to vector<16xf32>
        %max3A_896 = arith.maximumf %get3A_889, %get3A_895 : vector<16xf32>
        %add3A_897 = arith.constant 2 : i32
        %add3A_898 = arith.addi %mul3A_76, %add3A_897 : i32
        %get3A_899 = arith.index_cast %add3A_898 : i32 to index
        %get3A_900 = arith.constant 112 : index
        %get3A_901 = tpu.vector_load %arg12[%get3A_899, %get3A_900] {strides = array<i32>} : memref<128x128xf32, #tpu.memory_space<vmem>>, vector<1x16xf32>,
        %get3A_902 = vector.shape_cast %get3A_901 : vector<1x16xf32> to vector<16xf32>
        %max3A_903 = arith.maximumf %max3A_896, %get3A_902 : vector<16xf32>
        %add3A_904 = arith.constant 3 : i32
        %add3A_905 = arith.addi %mul3A_76, %add3A_904 : i32
        %get3A_906 = arith.index_cast %add3A_905 : i32 to index
        %get3A_907 = arith.constant 112 : index
        %get3A_908 = tpu.vector_load %arg12[%get3A_906, %get3A_907] {strides = array<i32>} : memref<128x128xf32, #tpu.memory_space<vmem>>, vector<1x16xf32>,
        %get3A_909 = vector.shape_cast %get3A_908 : vector<1x16xf32> to vector<16xf32>
        %max3A_910 = arith.maximumf %max3A_903, %get3A_909 : vector<16xf32>
        %add3A_911 = arith.constant 4 : i32
        %add3A_912 = arith.addi %mul3A_76, %add3A_911 : i32
        %get3A_913 = arith.index_cast %add3A_912 : i32 to index
        %get3A_914 = arith.constant 112 : index
        %get3A_915 = tpu.vector_load %arg12[%get3A_913, %get3A_914] {strides = array<i32>} : memref<128x128xf32, #tpu.memory_space<vmem>>, vector<1x16xf32>,
        %get3A_916 = vector.shape_cast %get3A_915 : vector<1x16xf32> to vector<16xf32>
        %max3A_917 = arith.maximumf %max3A_910, %get3A_916 : vector<16xf32>
        %add3A_918 = arith.constant 5 : i32
        %add3A_919 = arith.addi %mul3A_76, %add3A_918 : i32
        %get3A_920 = arith.index_cast %add3A_919 : i32 to index
        %get3A_921 = arith.constant 112 : index
        %get3A_922 = tpu.vector_load %arg12[%get3A_920, %get3A_921] {strides = array<i32>} : memref<128x128xf32, #tpu.memory_space<vmem>>, vector<1x16xf32>,
        %get3A_923 = vector.shape_cast %get3A_922 : vector<1x16xf32> to vector<16xf32>
        %max3A_924 = arith.maximumf %max3A_917, %get3A_923 : vector<16xf32>
        %add3A_925 = arith.constant 6 : i32
        %add3A_926 = arith.addi %mul3A_76, %add3A_925 : i32
        %get3A_927 = arith.index_cast %add3A_926 : i32 to index
        %get3A_928 = arith.constant 112 : index
        %get3A_929 = tpu.vector_load %arg12[%get3A_927, %get3A_928] {strides = array<i32>} : memref<128x128xf32, #tpu.memory_space<vmem>>, vector<1x16xf32>,
        %get3A_930 = vector.shape_cast %get3A_929 : vector<1x16xf32> to vector<16xf32>
        %max3A_931 = arith.maximumf %max3A_924, %get3A_930 : vector<16xf32>
        %add3A_932 = arith.constant 7 : i32
        %add3A_933 = arith.addi %mul3A_76, %add3A_932 : i32
        %get3A_934 = arith.index_cast %add3A_933 : i32 to index
        %get3A_935 = arith.constant 112 : index
        %get3A_936 = tpu.vector_load %arg12[%get3A_934, %get3A_935] {strides = array<i32>} : memref<128x128xf32, #tpu.memory_space<vmem>>, vector<1x16xf32>,
        %get3A_937 = vector.shape_cast %get3A_936 : vector<1x16xf32> to vector<16xf32>
        %max3A_938 = arith.maximumf %max3A_931, %get3A_937 : vector<16xf32>
        %add3A_939 = arith.constant 8 : i32
        %add3A_940 = arith.addi %mul3A_76, %add3A_939 : i32
        %get3A_941 = arith.index_cast %add3A_940 : i32 to index
        %get3A_942 = arith.constant 112 : index
        %get3A_943 = tpu.vector_load %arg12[%get3A_941, %get3A_942] {strides = array<i32>} : memref<128x128xf32, #tpu.memory_space<vmem>>, vector<1x16xf32>,
        %get3A_944 = vector.shape_cast %get3A_943 : vector<1x16xf32> to vector<16xf32>
        %max3A_945 = arith.maximumf %max3A_938, %get3A_944 : vector<16xf32>
        %add3A_946 = arith.constant 9 : i32
        %add3A_947 = arith.addi %mul3A_76, %add3A_946 : i32
        %get3A_948 = arith.index_cast %add3A_947 : i32 to index
        %get3A_949 = arith.constant 112 : index
        %get3A_950 = tpu.vector_load %arg12[%get3A_948, %get3A_949] {strides = array<i32>} : memref<128x128xf32, #tpu.memory_space<vmem>>, vector<1x16xf32>,
        %get3A_951 = vector.shape_cast %get3A_950 : vector<1x16xf32> to vector<16xf32>
        %max3A_952 = arith.maximumf %max3A_945, %get3A_951 : vector<16xf32>
        %add3A_953 = arith.constant 10 : i32
        %add3A_954 = arith.addi %mul3A_76, %add3A_953 : i32
        %get3A_955 = arith.index_cast %add3A_954 : i32 to index
        %get3A_956 = arith.constant 112 : index
        %get3A_957 = tpu.vector_load %arg12[%get3A_955, %get3A_956] {strides = array<i32>} : memref<128x128xf32, #tpu.memory_space<vmem>>, vector<1x16xf32>,
        %get3A_958 = vector.shape_cast %get3A_957 : vector<1x16xf32> to vector<16xf32>
        %max3A_959 = arith.maximumf %max3A_952, %get3A_958 : vector<16xf32>
        %add3A_960 = arith.constant 11 : i32
        %add3A_961 = arith.addi %mul3A_76, %add3A_960 : i32
        %get3A_962 = arith.index_cast %add3A_961 : i32 to index
        %get3A_963 = arith.constant 112 : index
        %get3A_964 = tpu.vector_load %arg12[%get3A_962, %get3A_963] {strides = array<i32>} : memref<128x128xf32, #tpu.memory_space<vmem>>, vector<1x16xf32>,
        %get3A_965 = vector.shape_cast %get3A_964 : vector<1x16xf32> to vector<16xf32>
        %max3A_966 = arith.maximumf %max3A_959, %get3A_965 : vector<16xf32>
        %add3A_967 = arith.constant 12 : i32
        %add3A_968 = arith.addi %mul3A_76, %add3A_967 : i32
        %get3A_969 = arith.index_cast %add3A_968 : i32 to index
        %get3A_970 = arith.constant 112 : index
        %get3A_971 = tpu.vector_load %arg12[%get3A_969, %get3A_970] {strides = array<i32>} : memref<128x128xf32, #tpu.memory_space<vmem>>, vector<1x16xf32>,
        %get3A_972 = vector.shape_cast %get3A_971 : vector<1x16xf32> to vector<16xf32>
        %max3A_973 = arith.maximumf %max3A_966, %get3A_972 : vector<16xf32>
        %add3A_974 = arith.constant 13 : i32
        %add3A_975 = arith.addi %mul3A_76, %add3A_974 : i32
        %get3A_976 = arith.index_cast %add3A_975 : i32 to index
        %get3A_977 = arith.constant 112 : index
        %get3A_978 = tpu.vector_load %arg12[%get3A_976, %get3A_977] {strides = array<i32>} : memref<128x128xf32, #tpu.memory_space<vmem>>, vector<1x16xf32>,
        %get3A_979 = vector.shape_cast %get3A_978 : vector<1x16xf32> to vector<16xf32>
        %max3A_980 = arith.maximumf %max3A_973, %get3A_979 : vector<16xf32>
        %add3A_981 = arith.constant 14 : i32
        %add3A_982 = arith.addi %mul3A_76, %add3A_981 : i32
        %get3A_983 = arith.index_cast %add3A_982 : i32 to index
        %get3A_984 = arith.constant 112 : index
        %get3A_985 = tpu.vector_load %arg12[%get3A_983, %get3A_984] {strides = array<i32>} : memref<128x128xf32, #tpu.memory_space<vmem>>, vector<1x16xf32>,
        %get3A_986 = vector.shape_cast %get3A_985 : vector<1x16xf32> to vector<16xf32>
        %max3A_987 = arith.maximumf %max3A_980, %get3A_986 : vector<16xf32>
        %add3A_988 = arith.constant 15 : i32
        %add3A_989 = arith.addi %mul3A_76, %add3A_988 : i32
        %get3A_990 = arith.index_cast %add3A_989 : i32 to index
        %get3A_991 = arith.constant 112 : index
        %get3A_992 = tpu.vector_load %arg12[%get3A_990, %get3A_991] {strides = array<i32>} : memref<128x128xf32, #tpu.memory_space<vmem>>, vector<1x16xf32>,
        %get3A_993 = vector.shape_cast %get3A_992 : vector<1x16xf32> to vector<16xf32>
        %max3A_994 = arith.maximumf %max3A_987, %get3A_993 : vector<16xf32>
        %add3A_995 = arith.constant 24 : i32
        %add3A_996 = arith.addi %add3A_995, %scan3A_74 : i32
        %swap3A_997 = arith.index_cast %add3A_996 : i32 to index
        %swap3A_998 = arith.constant 112 : index
        %swap3A_999 = tpu.vector_load %arg13[%swap3A_997, %swap3A_998] {strides = array<i32>} : memref<32x128xf32, #tpu.memory_space<vmem>>, vector<1x16xf32>,
        %swap3A_1000 = vector.shape_cast %swap3A_999 : vector<1x16xf32> to vector<16xf32>
        %swap3A_1001 = vector.shape_cast %max3A_994 : vector<16xf32> to vector<1x16xf32>
        tpu.vector_store %arg13[%swap3A_997, %swap3A_998], %swap3A_1001 {strides = array<i32>} : memref<32x128xf32, #tpu.memory_space<vmem>>, vector<1x16xf32>,
      }
      %scan3A_73 = arith.constant 8 : i32
      "tpu.region"() ({
        %run_scoped3A = tpu.sem_alloc : memref<!tpu.dma_semaphore, #tpu.memory_space<semaphore_mem>>
        %dma_start3A_74 = arith.constant 0 : i32
        %dma_start3A_75 = tpu.memref_slice %arg4[%add3A_11, %dma_start3A_74] : memref<10240x128xf32, #tpu.memory_space<hbm>> -> memref<32x128xf32, #tpu.memory_space<hbm>>
        %dma_start3A_76 = arith.constant 0 : i32
        %dma_start3A_77 = tpu.memref_slice %arg4[%add3A_11, %dma_start3A_76] : memref<10240x128xf32, #tpu.memory_space<hbm>> -> memref<32x128xf32, #tpu.memory_space<hbm>>
        tpu.enqueue_dma source(%arg13 : memref<32x128xf32, #tpu.memory_space<vmem>>) target(%dma_start3A_77 : memref<32x128xf32, #tpu.memory_space<hbm>>) target_semaphore(%run_scoped3A : memref<!tpu.dma_semaphore, #tpu.memory_space<semaphore_mem>>)
        %dma_wait3A_78 = arith.constant 0 : i32
        %dma_wait3A_79 = tpu.memref_slice %arg4[%add3A_11, %dma_wait3A_78] : memref<10240x128xf32, #tpu.memory_space<hbm>> -> memref<32x128xf32, #tpu.memory_space<hbm>>
        %dma_wait3A_80 = arith.constant 0 : i32
        %dma_wait3A_81 = tpu.memref_slice %arg4[%add3A_11, %dma_wait3A_80] : memref<10240x128xf32, #tpu.memory_space<hbm>> -> memref<32x128xf32, #tpu.memory_space<hbm>>
        tpu.wait_dma2 semaphore(%run_scoped3A : memref<!tpu.dma_semaphore, #tpu.memory_space<semaphore_mem>>) src(%arg13 : memref<32x128xf32, #tpu.memory_space<vmem>>) dst(%dma_wait3A_81 : memref<32x128xf32, #tpu.memory_space<hbm>>)
        tpu.yield
      }) : () -> ()
    }
    %scan3A_7 = arith.constant 10 : i32
    return
  }
}

module attributes {stable_mosaic.version = 14 : i64} {
  func.func @_knn_body(%arg0: i32, %arg1: memref<40x2xi32, #tpu.memory_space<smem>>, %arg2: memref<256x8xf32, #tpu.memory_space<vmem>>, %arg3: memref<20x8x512xf32, #tpu.memory_space<vmem>>, %arg4: memref<256x16xi32, #tpu.memory_space<vmem>>) attributes {dimension_semantics = [#tpu.dimension_semantics<arbitrary>], iteration_bounds = array<i64: 40>, scalar_prefetch = 0 : i64, scratch_operands = 0 : i64, tpu.core_type = #tpu.core_type<tc>, window_params = [{transform_indices = @transform_0, window_bounds = array<i64: 40, 2>}, {transform_indices = @transform_1, window_bounds = array<i64: 256, 8>}, {pipeline_mode = #tpu.pipeline_mode<synchronous>, transform_indices = @transform_2, window_bounds = array<i64: 20, 8, 512>}, {transform_indices = @transform_3, window_bounds = array<i64: 256, 16>}]} {
    %mul3A = arith.constant 256 : i32
    %mul3A_0 = arith.muli %arg0, %mul3A : i32
    %get3A = arith.constant 0 : index
    %get3A_1 = arith.constant 0 : index
    %get3A_2 = vector.load %arg2[%get3A, %get3A_1] : memref<256x8xf32, #tpu.memory_space<vmem>>, vector<256x8xf32>
    %slice3A = vector.extract_strided_slice %get3A_2 {offsets = [0, 0], sizes = [256, 1], strides = [1, 1]} : vector<256x8xf32> to vector<256x1xf32>
    %slice3A_3 = vector.extract_strided_slice %get3A_2 {offsets = [0, 1], sizes = [256, 1], strides = [1, 1]} : vector<256x8xf32> to vector<256x1xf32>
    %slice3A_4 = vector.extract_strided_slice %get3A_2 {offsets = [0, 2], sizes = [256, 1], strides = [1, 1]} : vector<256x8xf32> to vector<256x1xf32>
    %slice3A_5 = vector.extract_strided_slice %get3A_2 {offsets = [0, 3], sizes = [256, 1], strides = [1, 1]} : vector<256x8xf32> to vector<256x1xf32>
    %slice3A_6 = vector.extract_strided_slice %get3A_2 {offsets = [0, 4], sizes = [256, 1], strides = [1, 1]} : vector<256x8xf32> to vector<256x1xf32>
    %iota3A = tpu.iota {dimensions = array<i32: 0>} : vector<256x1xi32>
    %add3A = vector.broadcast %mul3A_0 : i32 to vector<256x1xi32>
    %add3A_7 = arith.addi %add3A, %iota3A : vector<256x1xi32>
    %get3A_8 = arith.index_cast %arg0 : i32 to index
    %get3A_9 = arith.constant 0 : index
    %get3A_10 = memref.load %arg1[%get3A_8, %get3A_9] : memref<40x2xi32, #tpu.memory_space<smem>>
    %get3A_11 = arith.index_cast %arg0 : i32 to index
    %get3A_12 = arith.constant 1 : index
    %get3A_13 = memref.load %arg1[%get3A_11, %get3A_12] : memref<40x2xi32, #tpu.memory_space<smem>>
    %broadcast_in_dim3A = arith.constant 3.000000e+38 : f32
    %broadcast_in_dim3A_14 = vector.broadcast %broadcast_in_dim3A : f32 to vector<256x16xf32>
    %iota3A_15 = tpu.iota {dimensions = array<i32: 1>} : vector<1x16xi32>
    %add3A_16 = arith.constant 10240 : i32
    %add3A_17 = vector.broadcast %add3A_16 : i32 to vector<1x16xi32>
    %add3A_18 = arith.addi %iota3A_15, %add3A_17 : vector<1x16xi32>
    %broadcast_in_dim3A_19 = vector.shape_cast %add3A_18 : vector<1x16xi32> to vector<1x16xi32>
    %broadcast_in_dim3A_20 = vector.broadcast %broadcast_in_dim3A_19 : vector<1x16xi32> to vector<256x16xi32>
    %while3A = arith.subi %get3A_13, %get3A_10 : i32
    %while3A_21 = arith.addi %get3A_10, %while3A : i32
    %while3A_22 = arith.constant 1 : i32
    %while3A_23 = arith.divsi %while3A, %while3A_22 : i32
    %while3A_24 = arith.muli %while3A_23, %while3A_22 : i32
    %while3A_25 = arith.addi %get3A_10, %while3A_24 : i32
    %while3A_26 = arith.constant 1 : i32
    %while3A_27:2 = scf.for %while3A_35 = %get3A_10 to %while3A_25 step %while3A_26 iter_args(%while3A_36 = %broadcast_in_dim3A_14, %while3A_37 = %broadcast_in_dim3A_20) -> (vector<256x16xf32>, vector<256x16xi32>)  : i32 {
      %mul3A_38 = arith.constant 512 : i32
      %mul3A_39 = arith.muli %while3A_35, %mul3A_38 : i32
      %get3A_40 = arith.index_cast %while3A_35 : i32 to index
      %get3A_41 = arith.constant 0 : index
      %get3A_42 = arith.constant 0 : index
      %get3A_43 = vector.load %arg3[%get3A_40, %get3A_41, %get3A_42] : memref<20x8x512xf32, #tpu.memory_space<vmem>>, vector<1x8x512xf32>
      %get3A_44 = vector.shape_cast %get3A_43 : vector<1x8x512xf32> to vector<8x512xf32>
      %slice3A_45 = vector.extract_strided_slice %get3A_44 {offsets = [0, 0], sizes = [1, 512], strides = [1, 1]} : vector<8x512xf32> to vector<1x512xf32>
      %slice3A_46 = vector.extract_strided_slice %get3A_44 {offsets = [1, 0], sizes = [1, 512], strides = [1, 1]} : vector<8x512xf32> to vector<1x512xf32>
      %slice3A_47 = vector.extract_strided_slice %get3A_44 {offsets = [2, 0], sizes = [1, 512], strides = [1, 1]} : vector<8x512xf32> to vector<1x512xf32>
      %slice3A_48 = vector.extract_strided_slice %get3A_44 {offsets = [3, 0], sizes = [1, 512], strides = [1, 1]} : vector<8x512xf32> to vector<1x512xf32>
      %slice3A_49 = vector.extract_strided_slice %get3A_44 {offsets = [4, 0], sizes = [1, 512], strides = [1, 1]} : vector<8x512xf32> to vector<1x512xf32>
      %mul3A_50 = vector.broadcast %slice3A : vector<256x1xf32> to vector<256x512xf32>
      %mul3A_51 = vector.broadcast %slice3A_45 : vector<1x512xf32> to vector<256x512xf32>
      %mul3A_52 = arith.mulf %mul3A_50, %mul3A_51 : vector<256x512xf32>
      %mul3A_53 = vector.broadcast %slice3A_3 : vector<256x1xf32> to vector<256x512xf32>
      %mul3A_54 = vector.broadcast %slice3A_46 : vector<1x512xf32> to vector<256x512xf32>
      %mul3A_55 = arith.mulf %mul3A_53, %mul3A_54 : vector<256x512xf32>
      %add3A_56 = arith.addf %mul3A_52, %mul3A_55 : vector<256x512xf32>
      %mul3A_57 = vector.broadcast %slice3A_4 : vector<256x1xf32> to vector<256x512xf32>
      %mul3A_58 = vector.broadcast %slice3A_47 : vector<1x512xf32> to vector<256x512xf32>
      %mul3A_59 = arith.mulf %mul3A_57, %mul3A_58 : vector<256x512xf32>
      %add3A_60 = arith.addf %add3A_56, %mul3A_59 : vector<256x512xf32>
      %add3A_61 = vector.broadcast %slice3A_5 : vector<256x1xf32> to vector<256x512xf32>
      %add3A_62 = vector.broadcast %slice3A_48 : vector<1x512xf32> to vector<256x512xf32>
      %add3A_63 = arith.addf %add3A_61, %add3A_62 : vector<256x512xf32>
      %mul3A_64 = arith.constant 2.000000e+00 : f32
      %mul3A_65 = vector.broadcast %mul3A_64 : f32 to vector<256x512xf32>
      %mul3A_66 = arith.mulf %mul3A_65, %add3A_60 : vector<256x512xf32>
      %sub3A = arith.subf %add3A_63, %mul3A_66 : vector<256x512xf32>
      %iota3A_67 = tpu.iota {dimensions = array<i32: 1>} : vector<1x512xi32>
      %add3A_68 = vector.broadcast %mul3A_39 : i32 to vector<1x512xi32>
      %add3A_69 = arith.addi %add3A_68, %iota3A_67 : vector<1x512xi32>
      %ne3A = vector.broadcast %slice3A_6 : vector<256x1xf32> to vector<256x512xf32>
      %ne3A_70 = vector.broadcast %slice3A_49 : vector<1x512xf32> to vector<256x512xf32>
      %ne3A_71 = arith.cmpf one, %ne3A, %ne3A_70 : vector<256x512xf32>
      %jit3A_72 = arith.constant 1.000000e+09 : f32
      %jit3A_73 = arith.constant 0.000000e+00 : f32
      %broadcast_in_dim3A_74 = vector.broadcast %jit3A_72 : f32 to vector<256x512xf32>
      %broadcast_in_dim3A_75 = vector.broadcast %jit3A_73 : f32 to vector<256x512xf32>
      %select_n3A = arith.select %ne3A_71, %broadcast_in_dim3A_74, %broadcast_in_dim3A_75 : vector<256x512xi1>, vector<256x512xf32>
      %add3A_76 = arith.addf %sub3A, %select_n3A : vector<256x512xf32>
      %eq3A = vector.broadcast %add3A_7 : vector<256x1xi32> to vector<256x512xi32>
      %eq3A_77 = vector.broadcast %add3A_69 : vector<1x512xi32> to vector<256x512xi32>
      %eq3A_78 = arith.cmpi eq, %eq3A, %eq3A_77 : vector<256x512xi32>
      %jit3A_79 = arith.constant 1.000000e+09 : f32
      %jit3A_80 = arith.constant 0.000000e+00 : f32
      %broadcast_in_dim3A_81 = vector.broadcast %jit3A_79 : f32 to vector<256x512xf32>
      %broadcast_in_dim3A_82 = vector.broadcast %jit3A_80 : f32 to vector<256x512xf32>
      %select_n3A_83 = arith.select %eq3A_78, %broadcast_in_dim3A_81, %broadcast_in_dim3A_82 : vector<256x512xi1>, vector<256x512xf32>
      %add3A_84 = arith.addf %add3A_76, %select_n3A_83 : vector<256x512xf32>
      %concatenate3A = tpu.concatenate %while3A_36, %add3A_84 in 1 : vector<256x16xf32>, vector<256x512xf32> -> vector<256x528xf32>
      %broadcast_in_dim3A_85 = vector.shape_cast %add3A_69 : vector<1x512xi32> to vector<1x512xi32>
      %broadcast_in_dim3A_86 = vector.broadcast %broadcast_in_dim3A_85 : vector<1x512xi32> to vector<256x512xi32>
      %concatenate3A_87 = tpu.concatenate %while3A_37, %broadcast_in_dim3A_86 in 1 : vector<256x16xi32>, vector<256x512xi32> -> vector<256x528xi32>
      %reduce_min3A = arith.constant dense<0x7F800000> : vector<256xf32>
      %reduce_min3A_88 = vector.multi_reduction <minimumf>, %concatenate3A, %reduce_min3A [1] : vector<256x528xf32> to vector<256xf32>
      %broadcast_in_dim3A_89 = vector.shape_cast %reduce_min3A_88 : vector<256xf32> to vector<256x1xf32>
      %eq3A_90 = vector.broadcast %broadcast_in_dim3A_89 : vector<256x1xf32> to vector<256x528xf32>
      %eq3A_91 = arith.cmpf oeq, %concatenate3A, %eq3A_90 : vector<256x528xf32>
      %jit3A_92 = arith.constant 2147483647 : i32
      %broadcast_in_dim3A_93 = vector.broadcast %jit3A_92 : i32 to vector<256x528xi32>
      %select_n3A_94 = arith.select %eq3A_91, %concatenate3A_87, %broadcast_in_dim3A_93 : vector<256x528xi1>, vector<256x528xi32>
      %reduce_min3A_95 = arith.constant dense<2147483647> : vector<256xi32>
      %reduce_min3A_96 = vector.multi_reduction <minsi>, %select_n3A_94, %reduce_min3A_95 [1] : vector<256x528xi32> to vector<256xi32>
      %broadcast_in_dim3A_97 = vector.shape_cast %reduce_min3A_96 : vector<256xi32> to vector<256x1xi32>
      %eq3A_98 = vector.broadcast %broadcast_in_dim3A_97 : vector<256x1xi32> to vector<256x528xi32>
      %eq3A_99 = arith.cmpi eq, %concatenate3A_87, %eq3A_98 : vector<256x528xi32>
      %jit3A_100 = arith.constant 3.000000e+38 : f32
      %broadcast_in_dim3A_101 = vector.broadcast %jit3A_100 : f32 to vector<256x528xf32>
      %select_n3A_102 = arith.select %eq3A_99, %broadcast_in_dim3A_101, %concatenate3A : vector<256x528xi1>, vector<256x528xf32>
      %reduce_min3A_103 = arith.constant dense<0x7F800000> : vector<256xf32>
      %reduce_min3A_104 = vector.multi_reduction <minimumf>, %select_n3A_102, %reduce_min3A_103 [1] : vector<256x528xf32> to vector<256xf32>
      %broadcast_in_dim3A_105 = vector.shape_cast %reduce_min3A_104 : vector<256xf32> to vector<256x1xf32>
      %eq3A_106 = vector.broadcast %broadcast_in_dim3A_105 : vector<256x1xf32> to vector<256x528xf32>
      %eq3A_107 = arith.cmpf oeq, %select_n3A_102, %eq3A_106 : vector<256x528xf32>
      %jit3A_108 = arith.constant 2147483647 : i32
      %broadcast_in_dim3A_109 = vector.broadcast %jit3A_108 : i32 to vector<256x528xi32>
      %select_n3A_110 = arith.select %eq3A_107, %concatenate3A_87, %broadcast_in_dim3A_109 : vector<256x528xi1>, vector<256x528xi32>
      %reduce_min3A_111 = arith.constant dense<2147483647> : vector<256xi32>
      %reduce_min3A_112 = vector.multi_reduction <minsi>, %select_n3A_110, %reduce_min3A_111 [1] : vector<256x528xi32> to vector<256xi32>
      %broadcast_in_dim3A_113 = vector.shape_cast %reduce_min3A_112 : vector<256xi32> to vector<256x1xi32>
      %eq3A_114 = vector.broadcast %broadcast_in_dim3A_113 : vector<256x1xi32> to vector<256x528xi32>
      %eq3A_115 = arith.cmpi eq, %concatenate3A_87, %eq3A_114 : vector<256x528xi32>
      %jit3A_116 = arith.constant 3.000000e+38 : f32
      %broadcast_in_dim3A_117 = vector.broadcast %jit3A_116 : f32 to vector<256x528xf32>
      %select_n3A_118 = arith.select %eq3A_115, %broadcast_in_dim3A_117, %select_n3A_102 : vector<256x528xi1>, vector<256x528xf32>
      %reduce_min3A_119 = arith.constant dense<0x7F800000> : vector<256xf32>
      %reduce_min3A_120 = vector.multi_reduction <minimumf>, %select_n3A_118, %reduce_min3A_119 [1] : vector<256x528xf32> to vector<256xf32>
      %broadcast_in_dim3A_121 = vector.shape_cast %reduce_min3A_120 : vector<256xf32> to vector<256x1xf32>
      %eq3A_122 = vector.broadcast %broadcast_in_dim3A_121 : vector<256x1xf32> to vector<256x528xf32>
      %eq3A_123 = arith.cmpf oeq, %select_n3A_118, %eq3A_122 : vector<256x528xf32>
      %jit3A_124 = arith.constant 2147483647 : i32
      %broadcast_in_dim3A_125 = vector.broadcast %jit3A_124 : i32 to vector<256x528xi32>
      %select_n3A_126 = arith.select %eq3A_123, %concatenate3A_87, %broadcast_in_dim3A_125 : vector<256x528xi1>, vector<256x528xi32>
      %reduce_min3A_127 = arith.constant dense<2147483647> : vector<256xi32>
      %reduce_min3A_128 = vector.multi_reduction <minsi>, %select_n3A_126, %reduce_min3A_127 [1] : vector<256x528xi32> to vector<256xi32>
      %broadcast_in_dim3A_129 = vector.shape_cast %reduce_min3A_128 : vector<256xi32> to vector<256x1xi32>
      %eq3A_130 = vector.broadcast %broadcast_in_dim3A_129 : vector<256x1xi32> to vector<256x528xi32>
      %eq3A_131 = arith.cmpi eq, %concatenate3A_87, %eq3A_130 : vector<256x528xi32>
      %jit3A_132 = arith.constant 3.000000e+38 : f32
      %broadcast_in_dim3A_133 = vector.broadcast %jit3A_132 : f32 to vector<256x528xf32>
      %select_n3A_134 = arith.select %eq3A_131, %broadcast_in_dim3A_133, %select_n3A_118 : vector<256x528xi1>, vector<256x528xf32>
      %reduce_min3A_135 = arith.constant dense<0x7F800000> : vector<256xf32>
      %reduce_min3A_136 = vector.multi_reduction <minimumf>, %select_n3A_134, %reduce_min3A_135 [1] : vector<256x528xf32> to vector<256xf32>
      %broadcast_in_dim3A_137 = vector.shape_cast %reduce_min3A_136 : vector<256xf32> to vector<256x1xf32>
      %eq3A_138 = vector.broadcast %broadcast_in_dim3A_137 : vector<256x1xf32> to vector<256x528xf32>
      %eq3A_139 = arith.cmpf oeq, %select_n3A_134, %eq3A_138 : vector<256x528xf32>
      %jit3A_140 = arith.constant 2147483647 : i32
      %broadcast_in_dim3A_141 = vector.broadcast %jit3A_140 : i32 to vector<256x528xi32>
      %select_n3A_142 = arith.select %eq3A_139, %concatenate3A_87, %broadcast_in_dim3A_141 : vector<256x528xi1>, vector<256x528xi32>
      %reduce_min3A_143 = arith.constant dense<2147483647> : vector<256xi32>
      %reduce_min3A_144 = vector.multi_reduction <minsi>, %select_n3A_142, %reduce_min3A_143 [1] : vector<256x528xi32> to vector<256xi32>
      %broadcast_in_dim3A_145 = vector.shape_cast %reduce_min3A_144 : vector<256xi32> to vector<256x1xi32>
      %eq3A_146 = vector.broadcast %broadcast_in_dim3A_145 : vector<256x1xi32> to vector<256x528xi32>
      %eq3A_147 = arith.cmpi eq, %concatenate3A_87, %eq3A_146 : vector<256x528xi32>
      %jit3A_148 = arith.constant 3.000000e+38 : f32
      %broadcast_in_dim3A_149 = vector.broadcast %jit3A_148 : f32 to vector<256x528xf32>
      %select_n3A_150 = arith.select %eq3A_147, %broadcast_in_dim3A_149, %select_n3A_134 : vector<256x528xi1>, vector<256x528xf32>
      %reduce_min3A_151 = arith.constant dense<0x7F800000> : vector<256xf32>
      %reduce_min3A_152 = vector.multi_reduction <minimumf>, %select_n3A_150, %reduce_min3A_151 [1] : vector<256x528xf32> to vector<256xf32>
      %broadcast_in_dim3A_153 = vector.shape_cast %reduce_min3A_152 : vector<256xf32> to vector<256x1xf32>
      %eq3A_154 = vector.broadcast %broadcast_in_dim3A_153 : vector<256x1xf32> to vector<256x528xf32>
      %eq3A_155 = arith.cmpf oeq, %select_n3A_150, %eq3A_154 : vector<256x528xf32>
      %jit3A_156 = arith.constant 2147483647 : i32
      %broadcast_in_dim3A_157 = vector.broadcast %jit3A_156 : i32 to vector<256x528xi32>
      %select_n3A_158 = arith.select %eq3A_155, %concatenate3A_87, %broadcast_in_dim3A_157 : vector<256x528xi1>, vector<256x528xi32>
      %reduce_min3A_159 = arith.constant dense<2147483647> : vector<256xi32>
      %reduce_min3A_160 = vector.multi_reduction <minsi>, %select_n3A_158, %reduce_min3A_159 [1] : vector<256x528xi32> to vector<256xi32>
      %broadcast_in_dim3A_161 = vector.shape_cast %reduce_min3A_160 : vector<256xi32> to vector<256x1xi32>
      %eq3A_162 = vector.broadcast %broadcast_in_dim3A_161 : vector<256x1xi32> to vector<256x528xi32>
      %eq3A_163 = arith.cmpi eq, %concatenate3A_87, %eq3A_162 : vector<256x528xi32>
      %jit3A_164 = arith.constant 3.000000e+38 : f32
      %broadcast_in_dim3A_165 = vector.broadcast %jit3A_164 : f32 to vector<256x528xf32>
      %select_n3A_166 = arith.select %eq3A_163, %broadcast_in_dim3A_165, %select_n3A_150 : vector<256x528xi1>, vector<256x528xf32>
      %reduce_min3A_167 = arith.constant dense<0x7F800000> : vector<256xf32>
      %reduce_min3A_168 = vector.multi_reduction <minimumf>, %select_n3A_166, %reduce_min3A_167 [1] : vector<256x528xf32> to vector<256xf32>
      %broadcast_in_dim3A_169 = vector.shape_cast %reduce_min3A_168 : vector<256xf32> to vector<256x1xf32>
      %eq3A_170 = vector.broadcast %broadcast_in_dim3A_169 : vector<256x1xf32> to vector<256x528xf32>
      %eq3A_171 = arith.cmpf oeq, %select_n3A_166, %eq3A_170 : vector<256x528xf32>
      %jit3A_172 = arith.constant 2147483647 : i32
      %broadcast_in_dim3A_173 = vector.broadcast %jit3A_172 : i32 to vector<256x528xi32>
      %select_n3A_174 = arith.select %eq3A_171, %concatenate3A_87, %broadcast_in_dim3A_173 : vector<256x528xi1>, vector<256x528xi32>
      %reduce_min3A_175 = arith.constant dense<2147483647> : vector<256xi32>
      %reduce_min3A_176 = vector.multi_reduction <minsi>, %select_n3A_174, %reduce_min3A_175 [1] : vector<256x528xi32> to vector<256xi32>
      %broadcast_in_dim3A_177 = vector.shape_cast %reduce_min3A_176 : vector<256xi32> to vector<256x1xi32>
      %eq3A_178 = vector.broadcast %broadcast_in_dim3A_177 : vector<256x1xi32> to vector<256x528xi32>
      %eq3A_179 = arith.cmpi eq, %concatenate3A_87, %eq3A_178 : vector<256x528xi32>
      %jit3A_180 = arith.constant 3.000000e+38 : f32
      %broadcast_in_dim3A_181 = vector.broadcast %jit3A_180 : f32 to vector<256x528xf32>
      %select_n3A_182 = arith.select %eq3A_179, %broadcast_in_dim3A_181, %select_n3A_166 : vector<256x528xi1>, vector<256x528xf32>
      %reduce_min3A_183 = arith.constant dense<0x7F800000> : vector<256xf32>
      %reduce_min3A_184 = vector.multi_reduction <minimumf>, %select_n3A_182, %reduce_min3A_183 [1] : vector<256x528xf32> to vector<256xf32>
      %broadcast_in_dim3A_185 = vector.shape_cast %reduce_min3A_184 : vector<256xf32> to vector<256x1xf32>
      %eq3A_186 = vector.broadcast %broadcast_in_dim3A_185 : vector<256x1xf32> to vector<256x528xf32>
      %eq3A_187 = arith.cmpf oeq, %select_n3A_182, %eq3A_186 : vector<256x528xf32>
      %jit3A_188 = arith.constant 2147483647 : i32
      %broadcast_in_dim3A_189 = vector.broadcast %jit3A_188 : i32 to vector<256x528xi32>
      %select_n3A_190 = arith.select %eq3A_187, %concatenate3A_87, %broadcast_in_dim3A_189 : vector<256x528xi1>, vector<256x528xi32>
      %reduce_min3A_191 = arith.constant dense<2147483647> : vector<256xi32>
      %reduce_min3A_192 = vector.multi_reduction <minsi>, %select_n3A_190, %reduce_min3A_191 [1] : vector<256x528xi32> to vector<256xi32>
      %broadcast_in_dim3A_193 = vector.shape_cast %reduce_min3A_192 : vector<256xi32> to vector<256x1xi32>
      %eq3A_194 = vector.broadcast %broadcast_in_dim3A_193 : vector<256x1xi32> to vector<256x528xi32>
      %eq3A_195 = arith.cmpi eq, %concatenate3A_87, %eq3A_194 : vector<256x528xi32>
      %jit3A_196 = arith.constant 3.000000e+38 : f32
      %broadcast_in_dim3A_197 = vector.broadcast %jit3A_196 : f32 to vector<256x528xf32>
      %select_n3A_198 = arith.select %eq3A_195, %broadcast_in_dim3A_197, %select_n3A_182 : vector<256x528xi1>, vector<256x528xf32>
      %reduce_min3A_199 = arith.constant dense<0x7F800000> : vector<256xf32>
      %reduce_min3A_200 = vector.multi_reduction <minimumf>, %select_n3A_198, %reduce_min3A_199 [1] : vector<256x528xf32> to vector<256xf32>
      %broadcast_in_dim3A_201 = vector.shape_cast %reduce_min3A_200 : vector<256xf32> to vector<256x1xf32>
      %eq3A_202 = vector.broadcast %broadcast_in_dim3A_201 : vector<256x1xf32> to vector<256x528xf32>
      %eq3A_203 = arith.cmpf oeq, %select_n3A_198, %eq3A_202 : vector<256x528xf32>
      %jit3A_204 = arith.constant 2147483647 : i32
      %broadcast_in_dim3A_205 = vector.broadcast %jit3A_204 : i32 to vector<256x528xi32>
      %select_n3A_206 = arith.select %eq3A_203, %concatenate3A_87, %broadcast_in_dim3A_205 : vector<256x528xi1>, vector<256x528xi32>
      %reduce_min3A_207 = arith.constant dense<2147483647> : vector<256xi32>
      %reduce_min3A_208 = vector.multi_reduction <minsi>, %select_n3A_206, %reduce_min3A_207 [1] : vector<256x528xi32> to vector<256xi32>
      %broadcast_in_dim3A_209 = vector.shape_cast %reduce_min3A_208 : vector<256xi32> to vector<256x1xi32>
      %eq3A_210 = vector.broadcast %broadcast_in_dim3A_209 : vector<256x1xi32> to vector<256x528xi32>
      %eq3A_211 = arith.cmpi eq, %concatenate3A_87, %eq3A_210 : vector<256x528xi32>
      %jit3A_212 = arith.constant 3.000000e+38 : f32
      %broadcast_in_dim3A_213 = vector.broadcast %jit3A_212 : f32 to vector<256x528xf32>
      %select_n3A_214 = arith.select %eq3A_211, %broadcast_in_dim3A_213, %select_n3A_198 : vector<256x528xi1>, vector<256x528xf32>
      %reduce_min3A_215 = arith.constant dense<0x7F800000> : vector<256xf32>
      %reduce_min3A_216 = vector.multi_reduction <minimumf>, %select_n3A_214, %reduce_min3A_215 [1] : vector<256x528xf32> to vector<256xf32>
      %broadcast_in_dim3A_217 = vector.shape_cast %reduce_min3A_216 : vector<256xf32> to vector<256x1xf32>
      %eq3A_218 = vector.broadcast %broadcast_in_dim3A_217 : vector<256x1xf32> to vector<256x528xf32>
      %eq3A_219 = arith.cmpf oeq, %select_n3A_214, %eq3A_218 : vector<256x528xf32>
      %jit3A_220 = arith.constant 2147483647 : i32
      %broadcast_in_dim3A_221 = vector.broadcast %jit3A_220 : i32 to vector<256x528xi32>
      %select_n3A_222 = arith.select %eq3A_219, %concatenate3A_87, %broadcast_in_dim3A_221 : vector<256x528xi1>, vector<256x528xi32>
      %reduce_min3A_223 = arith.constant dense<2147483647> : vector<256xi32>
      %reduce_min3A_224 = vector.multi_reduction <minsi>, %select_n3A_222, %reduce_min3A_223 [1] : vector<256x528xi32> to vector<256xi32>
      %broadcast_in_dim3A_225 = vector.shape_cast %reduce_min3A_224 : vector<256xi32> to vector<256x1xi32>
      %eq3A_226 = vector.broadcast %broadcast_in_dim3A_225 : vector<256x1xi32> to vector<256x528xi32>
      %eq3A_227 = arith.cmpi eq, %concatenate3A_87, %eq3A_226 : vector<256x528xi32>
      %jit3A_228 = arith.constant 3.000000e+38 : f32
      %broadcast_in_dim3A_229 = vector.broadcast %jit3A_228 : f32 to vector<256x528xf32>
      %select_n3A_230 = arith.select %eq3A_227, %broadcast_in_dim3A_229, %select_n3A_214 : vector<256x528xi1>, vector<256x528xf32>
      %reduce_min3A_231 = arith.constant dense<0x7F800000> : vector<256xf32>
      %reduce_min3A_232 = vector.multi_reduction <minimumf>, %select_n3A_230, %reduce_min3A_231 [1] : vector<256x528xf32> to vector<256xf32>
      %broadcast_in_dim3A_233 = vector.shape_cast %reduce_min3A_232 : vector<256xf32> to vector<256x1xf32>
      %eq3A_234 = vector.broadcast %broadcast_in_dim3A_233 : vector<256x1xf32> to vector<256x528xf32>
      %eq3A_235 = arith.cmpf oeq, %select_n3A_230, %eq3A_234 : vector<256x528xf32>
      %jit3A_236 = arith.constant 2147483647 : i32
      %broadcast_in_dim3A_237 = vector.broadcast %jit3A_236 : i32 to vector<256x528xi32>
      %select_n3A_238 = arith.select %eq3A_235, %concatenate3A_87, %broadcast_in_dim3A_237 : vector<256x528xi1>, vector<256x528xi32>
      %reduce_min3A_239 = arith.constant dense<2147483647> : vector<256xi32>
      %reduce_min3A_240 = vector.multi_reduction <minsi>, %select_n3A_238, %reduce_min3A_239 [1] : vector<256x528xi32> to vector<256xi32>
      %broadcast_in_dim3A_241 = vector.shape_cast %reduce_min3A_240 : vector<256xi32> to vector<256x1xi32>
      %eq3A_242 = vector.broadcast %broadcast_in_dim3A_241 : vector<256x1xi32> to vector<256x528xi32>
      %eq3A_243 = arith.cmpi eq, %concatenate3A_87, %eq3A_242 : vector<256x528xi32>
      %jit3A_244 = arith.constant 3.000000e+38 : f32
      %broadcast_in_dim3A_245 = vector.broadcast %jit3A_244 : f32 to vector<256x528xf32>
      %select_n3A_246 = arith.select %eq3A_243, %broadcast_in_dim3A_245, %select_n3A_230 : vector<256x528xi1>, vector<256x528xf32>
      %reduce_min3A_247 = arith.constant dense<0x7F800000> : vector<256xf32>
      %reduce_min3A_248 = vector.multi_reduction <minimumf>, %select_n3A_246, %reduce_min3A_247 [1] : vector<256x528xf32> to vector<256xf32>
      %broadcast_in_dim3A_249 = vector.shape_cast %reduce_min3A_248 : vector<256xf32> to vector<256x1xf32>
      %eq3A_250 = vector.broadcast %broadcast_in_dim3A_249 : vector<256x1xf32> to vector<256x528xf32>
      %eq3A_251 = arith.cmpf oeq, %select_n3A_246, %eq3A_250 : vector<256x528xf32>
      %jit3A_252 = arith.constant 2147483647 : i32
      %broadcast_in_dim3A_253 = vector.broadcast %jit3A_252 : i32 to vector<256x528xi32>
      %select_n3A_254 = arith.select %eq3A_251, %concatenate3A_87, %broadcast_in_dim3A_253 : vector<256x528xi1>, vector<256x528xi32>
      %reduce_min3A_255 = arith.constant dense<2147483647> : vector<256xi32>
      %reduce_min3A_256 = vector.multi_reduction <minsi>, %select_n3A_254, %reduce_min3A_255 [1] : vector<256x528xi32> to vector<256xi32>
      %broadcast_in_dim3A_257 = vector.shape_cast %reduce_min3A_256 : vector<256xi32> to vector<256x1xi32>
      %eq3A_258 = vector.broadcast %broadcast_in_dim3A_257 : vector<256x1xi32> to vector<256x528xi32>
      %eq3A_259 = arith.cmpi eq, %concatenate3A_87, %eq3A_258 : vector<256x528xi32>
      %jit3A_260 = arith.constant 3.000000e+38 : f32
      %broadcast_in_dim3A_261 = vector.broadcast %jit3A_260 : f32 to vector<256x528xf32>
      %select_n3A_262 = arith.select %eq3A_259, %broadcast_in_dim3A_261, %select_n3A_246 : vector<256x528xi1>, vector<256x528xf32>
      %reduce_min3A_263 = arith.constant dense<0x7F800000> : vector<256xf32>
      %reduce_min3A_264 = vector.multi_reduction <minimumf>, %select_n3A_262, %reduce_min3A_263 [1] : vector<256x528xf32> to vector<256xf32>
      %broadcast_in_dim3A_265 = vector.shape_cast %reduce_min3A_264 : vector<256xf32> to vector<256x1xf32>
      %eq3A_266 = vector.broadcast %broadcast_in_dim3A_265 : vector<256x1xf32> to vector<256x528xf32>
      %eq3A_267 = arith.cmpf oeq, %select_n3A_262, %eq3A_266 : vector<256x528xf32>
      %jit3A_268 = arith.constant 2147483647 : i32
      %broadcast_in_dim3A_269 = vector.broadcast %jit3A_268 : i32 to vector<256x528xi32>
      %select_n3A_270 = arith.select %eq3A_267, %concatenate3A_87, %broadcast_in_dim3A_269 : vector<256x528xi1>, vector<256x528xi32>
      %reduce_min3A_271 = arith.constant dense<2147483647> : vector<256xi32>
      %reduce_min3A_272 = vector.multi_reduction <minsi>, %select_n3A_270, %reduce_min3A_271 [1] : vector<256x528xi32> to vector<256xi32>
      %broadcast_in_dim3A_273 = vector.shape_cast %reduce_min3A_272 : vector<256xi32> to vector<256x1xi32>
      %eq3A_274 = vector.broadcast %broadcast_in_dim3A_273 : vector<256x1xi32> to vector<256x528xi32>
      %eq3A_275 = arith.cmpi eq, %concatenate3A_87, %eq3A_274 : vector<256x528xi32>
      %jit3A_276 = arith.constant 3.000000e+38 : f32
      %broadcast_in_dim3A_277 = vector.broadcast %jit3A_276 : f32 to vector<256x528xf32>
      %select_n3A_278 = arith.select %eq3A_275, %broadcast_in_dim3A_277, %select_n3A_262 : vector<256x528xi1>, vector<256x528xf32>
      %reduce_min3A_279 = arith.constant dense<0x7F800000> : vector<256xf32>
      %reduce_min3A_280 = vector.multi_reduction <minimumf>, %select_n3A_278, %reduce_min3A_279 [1] : vector<256x528xf32> to vector<256xf32>
      %broadcast_in_dim3A_281 = vector.shape_cast %reduce_min3A_280 : vector<256xf32> to vector<256x1xf32>
      %eq3A_282 = vector.broadcast %broadcast_in_dim3A_281 : vector<256x1xf32> to vector<256x528xf32>
      %eq3A_283 = arith.cmpf oeq, %select_n3A_278, %eq3A_282 : vector<256x528xf32>
      %jit3A_284 = arith.constant 2147483647 : i32
      %broadcast_in_dim3A_285 = vector.broadcast %jit3A_284 : i32 to vector<256x528xi32>
      %select_n3A_286 = arith.select %eq3A_283, %concatenate3A_87, %broadcast_in_dim3A_285 : vector<256x528xi1>, vector<256x528xi32>
      %reduce_min3A_287 = arith.constant dense<2147483647> : vector<256xi32>
      %reduce_min3A_288 = vector.multi_reduction <minsi>, %select_n3A_286, %reduce_min3A_287 [1] : vector<256x528xi32> to vector<256xi32>
      %broadcast_in_dim3A_289 = vector.shape_cast %reduce_min3A_288 : vector<256xi32> to vector<256x1xi32>
      %eq3A_290 = vector.broadcast %broadcast_in_dim3A_289 : vector<256x1xi32> to vector<256x528xi32>
      %eq3A_291 = arith.cmpi eq, %concatenate3A_87, %eq3A_290 : vector<256x528xi32>
      %jit3A_292 = arith.constant 3.000000e+38 : f32
      %broadcast_in_dim3A_293 = vector.broadcast %jit3A_292 : f32 to vector<256x528xf32>
      %select_n3A_294 = arith.select %eq3A_291, %broadcast_in_dim3A_293, %select_n3A_278 : vector<256x528xi1>, vector<256x528xf32>
      %reduce_min3A_295 = arith.constant dense<0x7F800000> : vector<256xf32>
      %reduce_min3A_296 = vector.multi_reduction <minimumf>, %select_n3A_294, %reduce_min3A_295 [1] : vector<256x528xf32> to vector<256xf32>
      %broadcast_in_dim3A_297 = vector.shape_cast %reduce_min3A_296 : vector<256xf32> to vector<256x1xf32>
      %eq3A_298 = vector.broadcast %broadcast_in_dim3A_297 : vector<256x1xf32> to vector<256x528xf32>
      %eq3A_299 = arith.cmpf oeq, %select_n3A_294, %eq3A_298 : vector<256x528xf32>
      %jit3A_300 = arith.constant 2147483647 : i32
      %broadcast_in_dim3A_301 = vector.broadcast %jit3A_300 : i32 to vector<256x528xi32>
      %select_n3A_302 = arith.select %eq3A_299, %concatenate3A_87, %broadcast_in_dim3A_301 : vector<256x528xi1>, vector<256x528xi32>
      %reduce_min3A_303 = arith.constant dense<2147483647> : vector<256xi32>
      %reduce_min3A_304 = vector.multi_reduction <minsi>, %select_n3A_302, %reduce_min3A_303 [1] : vector<256x528xi32> to vector<256xi32>
      %broadcast_in_dim3A_305 = vector.shape_cast %reduce_min3A_304 : vector<256xi32> to vector<256x1xi32>
      %eq3A_306 = vector.broadcast %broadcast_in_dim3A_305 : vector<256x1xi32> to vector<256x528xi32>
      %eq3A_307 = arith.cmpi eq, %concatenate3A_87, %eq3A_306 : vector<256x528xi32>
      %jit3A_308 = arith.constant 3.000000e+38 : f32
      %broadcast_in_dim3A_309 = vector.broadcast %jit3A_308 : f32 to vector<256x528xf32>
      %select_n3A_310 = arith.select %eq3A_307, %broadcast_in_dim3A_309, %select_n3A_294 : vector<256x528xi1>, vector<256x528xf32>
      %reduce_min3A_311 = arith.constant dense<0x7F800000> : vector<256xf32>
      %reduce_min3A_312 = vector.multi_reduction <minimumf>, %select_n3A_310, %reduce_min3A_311 [1] : vector<256x528xf32> to vector<256xf32>
      %broadcast_in_dim3A_313 = vector.shape_cast %reduce_min3A_312 : vector<256xf32> to vector<256x1xf32>
      %eq3A_314 = vector.broadcast %broadcast_in_dim3A_313 : vector<256x1xf32> to vector<256x528xf32>
      %eq3A_315 = arith.cmpf oeq, %select_n3A_310, %eq3A_314 : vector<256x528xf32>
      %jit3A_316 = arith.constant 2147483647 : i32
      %broadcast_in_dim3A_317 = vector.broadcast %jit3A_316 : i32 to vector<256x528xi32>
      %select_n3A_318 = arith.select %eq3A_315, %concatenate3A_87, %broadcast_in_dim3A_317 : vector<256x528xi1>, vector<256x528xi32>
      %reduce_min3A_319 = arith.constant dense<2147483647> : vector<256xi32>
      %reduce_min3A_320 = vector.multi_reduction <minsi>, %select_n3A_318, %reduce_min3A_319 [1] : vector<256x528xi32> to vector<256xi32>
      %broadcast_in_dim3A_321 = vector.shape_cast %reduce_min3A_320 : vector<256xi32> to vector<256x1xi32>
      %eq3A_322 = vector.broadcast %broadcast_in_dim3A_321 : vector<256x1xi32> to vector<256x528xi32>
      %eq3A_323 = arith.cmpi eq, %concatenate3A_87, %eq3A_322 : vector<256x528xi32>
      %jit3A_324 = arith.constant 3.000000e+38 : f32
      %broadcast_in_dim3A_325 = vector.broadcast %jit3A_324 : f32 to vector<256x528xf32>
      %select_n3A_326 = arith.select %eq3A_323, %broadcast_in_dim3A_325, %select_n3A_310 : vector<256x528xi1>, vector<256x528xf32>
      %reduce_min3A_327 = arith.constant dense<0x7F800000> : vector<256xf32>
      %reduce_min3A_328 = vector.multi_reduction <minimumf>, %select_n3A_326, %reduce_min3A_327 [1] : vector<256x528xf32> to vector<256xf32>
      %broadcast_in_dim3A_329 = vector.shape_cast %reduce_min3A_328 : vector<256xf32> to vector<256x1xf32>
      %eq3A_330 = vector.broadcast %broadcast_in_dim3A_329 : vector<256x1xf32> to vector<256x528xf32>
      %eq3A_331 = arith.cmpf oeq, %select_n3A_326, %eq3A_330 : vector<256x528xf32>
      %jit3A_332 = arith.constant 2147483647 : i32
      %broadcast_in_dim3A_333 = vector.broadcast %jit3A_332 : i32 to vector<256x528xi32>
      %select_n3A_334 = arith.select %eq3A_331, %concatenate3A_87, %broadcast_in_dim3A_333 : vector<256x528xi1>, vector<256x528xi32>
      %reduce_min3A_335 = arith.constant dense<2147483647> : vector<256xi32>
      %reduce_min3A_336 = vector.multi_reduction <minsi>, %select_n3A_334, %reduce_min3A_335 [1] : vector<256x528xi32> to vector<256xi32>
      %broadcast_in_dim3A_337 = vector.shape_cast %reduce_min3A_336 : vector<256xi32> to vector<256x1xi32>
      %eq3A_338 = vector.broadcast %broadcast_in_dim3A_337 : vector<256x1xi32> to vector<256x528xi32>
      %eq3A_339 = arith.cmpi eq, %concatenate3A_87, %eq3A_338 : vector<256x528xi32>
      %jit3A_340 = arith.constant 3.000000e+38 : f32
      %broadcast_in_dim3A_341 = vector.broadcast %jit3A_340 : f32 to vector<256x528xf32>
      %select_n3A_342 = arith.select %eq3A_339, %broadcast_in_dim3A_341, %select_n3A_326 : vector<256x528xi1>, vector<256x528xf32>
      %concatenate3A_343 = tpu.concatenate %broadcast_in_dim3A_89, %broadcast_in_dim3A_105, %broadcast_in_dim3A_121, %broadcast_in_dim3A_137, %broadcast_in_dim3A_153, %broadcast_in_dim3A_169, %broadcast_in_dim3A_185, %broadcast_in_dim3A_201, %broadcast_in_dim3A_217, %broadcast_in_dim3A_233, %broadcast_in_dim3A_249, %broadcast_in_dim3A_265, %broadcast_in_dim3A_281, %broadcast_in_dim3A_297, %broadcast_in_dim3A_313, %broadcast_in_dim3A_329 in 1 : vector<256x1xf32>, vector<256x1xf32>, vector<256x1xf32>, vector<256x1xf32>, vector<256x1xf32>, vector<256x1xf32>, vector<256x1xf32>, vector<256x1xf32>, vector<256x1xf32>, vector<256x1xf32>, vector<256x1xf32>, vector<256x1xf32>, vector<256x1xf32>, vector<256x1xf32>, vector<256x1xf32>, vector<256x1xf32> -> vector<256x16xf32>
      %concatenate3A_344 = tpu.concatenate %broadcast_in_dim3A_97, %broadcast_in_dim3A_113, %broadcast_in_dim3A_129, %broadcast_in_dim3A_145, %broadcast_in_dim3A_161, %broadcast_in_dim3A_177, %broadcast_in_dim3A_193, %broadcast_in_dim3A_209, %broadcast_in_dim3A_225, %broadcast_in_dim3A_241, %broadcast_in_dim3A_257, %broadcast_in_dim3A_273, %broadcast_in_dim3A_289, %broadcast_in_dim3A_305, %broadcast_in_dim3A_321, %broadcast_in_dim3A_337 in 1 : vector<256x1xi32>, vector<256x1xi32>, vector<256x1xi32>, vector<256x1xi32>, vector<256x1xi32>, vector<256x1xi32>, vector<256x1xi32>, vector<256x1xi32>, vector<256x1xi32>, vector<256x1xi32>, vector<256x1xi32>, vector<256x1xi32>, vector<256x1xi32>, vector<256x1xi32>, vector<256x1xi32>, vector<256x1xi32> -> vector<256x16xi32>
      scf.yield %concatenate3A_343, %concatenate3A_344 : vector<256x16xf32>, vector<256x16xi32>
    }
    %while3A_28 = arith.constant 1 : i32
    %while3A_29:2 = scf.for %while3A_35 = %while3A_25 to %while3A_21 step %while3A_28 iter_args(%while3A_36 = %while3A_27#0, %while3A_37 = %while3A_27#1) -> (vector<256x16xf32>, vector<256x16xi32>)  : i32 {
      %mul3A_38 = arith.constant 512 : i32
      %mul3A_39 = arith.muli %while3A_35, %mul3A_38 : i32
      %get3A_40 = arith.index_cast %while3A_35 : i32 to index
      %get3A_41 = arith.constant 0 : index
      %get3A_42 = arith.constant 0 : index
      %get3A_43 = vector.load %arg3[%get3A_40, %get3A_41, %get3A_42] : memref<20x8x512xf32, #tpu.memory_space<vmem>>, vector<1x8x512xf32>
      %get3A_44 = vector.shape_cast %get3A_43 : vector<1x8x512xf32> to vector<8x512xf32>
      %slice3A_45 = vector.extract_strided_slice %get3A_44 {offsets = [0, 0], sizes = [1, 512], strides = [1, 1]} : vector<8x512xf32> to vector<1x512xf32>
      %slice3A_46 = vector.extract_strided_slice %get3A_44 {offsets = [1, 0], sizes = [1, 512], strides = [1, 1]} : vector<8x512xf32> to vector<1x512xf32>
      %slice3A_47 = vector.extract_strided_slice %get3A_44 {offsets = [2, 0], sizes = [1, 512], strides = [1, 1]} : vector<8x512xf32> to vector<1x512xf32>
      %slice3A_48 = vector.extract_strided_slice %get3A_44 {offsets = [3, 0], sizes = [1, 512], strides = [1, 1]} : vector<8x512xf32> to vector<1x512xf32>
      %slice3A_49 = vector.extract_strided_slice %get3A_44 {offsets = [4, 0], sizes = [1, 512], strides = [1, 1]} : vector<8x512xf32> to vector<1x512xf32>
      %mul3A_50 = vector.broadcast %slice3A : vector<256x1xf32> to vector<256x512xf32>
      %mul3A_51 = vector.broadcast %slice3A_45 : vector<1x512xf32> to vector<256x512xf32>
      %mul3A_52 = arith.mulf %mul3A_50, %mul3A_51 : vector<256x512xf32>
      %mul3A_53 = vector.broadcast %slice3A_3 : vector<256x1xf32> to vector<256x512xf32>
      %mul3A_54 = vector.broadcast %slice3A_46 : vector<1x512xf32> to vector<256x512xf32>
      %mul3A_55 = arith.mulf %mul3A_53, %mul3A_54 : vector<256x512xf32>
      %add3A_56 = arith.addf %mul3A_52, %mul3A_55 : vector<256x512xf32>
      %mul3A_57 = vector.broadcast %slice3A_4 : vector<256x1xf32> to vector<256x512xf32>
      %mul3A_58 = vector.broadcast %slice3A_47 : vector<1x512xf32> to vector<256x512xf32>
      %mul3A_59 = arith.mulf %mul3A_57, %mul3A_58 : vector<256x512xf32>
      %add3A_60 = arith.addf %add3A_56, %mul3A_59 : vector<256x512xf32>
      %add3A_61 = vector.broadcast %slice3A_5 : vector<256x1xf32> to vector<256x512xf32>
      %add3A_62 = vector.broadcast %slice3A_48 : vector<1x512xf32> to vector<256x512xf32>
      %add3A_63 = arith.addf %add3A_61, %add3A_62 : vector<256x512xf32>
      %mul3A_64 = arith.constant 2.000000e+00 : f32
      %mul3A_65 = vector.broadcast %mul3A_64 : f32 to vector<256x512xf32>
      %mul3A_66 = arith.mulf %mul3A_65, %add3A_60 : vector<256x512xf32>
      %sub3A = arith.subf %add3A_63, %mul3A_66 : vector<256x512xf32>
      %iota3A_67 = tpu.iota {dimensions = array<i32: 1>} : vector<1x512xi32>
      %add3A_68 = vector.broadcast %mul3A_39 : i32 to vector<1x512xi32>
      %add3A_69 = arith.addi %add3A_68, %iota3A_67 : vector<1x512xi32>
      %ne3A = vector.broadcast %slice3A_6 : vector<256x1xf32> to vector<256x512xf32>
      %ne3A_70 = vector.broadcast %slice3A_49 : vector<1x512xf32> to vector<256x512xf32>
      %ne3A_71 = arith.cmpf one, %ne3A, %ne3A_70 : vector<256x512xf32>
      %jit3A_72 = arith.constant 1.000000e+09 : f32
      %jit3A_73 = arith.constant 0.000000e+00 : f32
      %broadcast_in_dim3A_74 = vector.broadcast %jit3A_72 : f32 to vector<256x512xf32>
      %broadcast_in_dim3A_75 = vector.broadcast %jit3A_73 : f32 to vector<256x512xf32>
      %select_n3A = arith.select %ne3A_71, %broadcast_in_dim3A_74, %broadcast_in_dim3A_75 : vector<256x512xi1>, vector<256x512xf32>
      %add3A_76 = arith.addf %sub3A, %select_n3A : vector<256x512xf32>
      %eq3A = vector.broadcast %add3A_7 : vector<256x1xi32> to vector<256x512xi32>
      %eq3A_77 = vector.broadcast %add3A_69 : vector<1x512xi32> to vector<256x512xi32>
      %eq3A_78 = arith.cmpi eq, %eq3A, %eq3A_77 : vector<256x512xi32>
      %jit3A_79 = arith.constant 1.000000e+09 : f32
      %jit3A_80 = arith.constant 0.000000e+00 : f32
      %broadcast_in_dim3A_81 = vector.broadcast %jit3A_79 : f32 to vector<256x512xf32>
      %broadcast_in_dim3A_82 = vector.broadcast %jit3A_80 : f32 to vector<256x512xf32>
      %select_n3A_83 = arith.select %eq3A_78, %broadcast_in_dim3A_81, %broadcast_in_dim3A_82 : vector<256x512xi1>, vector<256x512xf32>
      %add3A_84 = arith.addf %add3A_76, %select_n3A_83 : vector<256x512xf32>
      %concatenate3A = tpu.concatenate %while3A_36, %add3A_84 in 1 : vector<256x16xf32>, vector<256x512xf32> -> vector<256x528xf32>
      %broadcast_in_dim3A_85 = vector.shape_cast %add3A_69 : vector<1x512xi32> to vector<1x512xi32>
      %broadcast_in_dim3A_86 = vector.broadcast %broadcast_in_dim3A_85 : vector<1x512xi32> to vector<256x512xi32>
      %concatenate3A_87 = tpu.concatenate %while3A_37, %broadcast_in_dim3A_86 in 1 : vector<256x16xi32>, vector<256x512xi32> -> vector<256x528xi32>
      %reduce_min3A = arith.constant dense<0x7F800000> : vector<256xf32>
      %reduce_min3A_88 = vector.multi_reduction <minimumf>, %concatenate3A, %reduce_min3A [1] : vector<256x528xf32> to vector<256xf32>
      %broadcast_in_dim3A_89 = vector.shape_cast %reduce_min3A_88 : vector<256xf32> to vector<256x1xf32>
      %eq3A_90 = vector.broadcast %broadcast_in_dim3A_89 : vector<256x1xf32> to vector<256x528xf32>
      %eq3A_91 = arith.cmpf oeq, %concatenate3A, %eq3A_90 : vector<256x528xf32>
      %jit3A_92 = arith.constant 2147483647 : i32
      %broadcast_in_dim3A_93 = vector.broadcast %jit3A_92 : i32 to vector<256x528xi32>
      %select_n3A_94 = arith.select %eq3A_91, %concatenate3A_87, %broadcast_in_dim3A_93 : vector<256x528xi1>, vector<256x528xi32>
      %reduce_min3A_95 = arith.constant dense<2147483647> : vector<256xi32>
      %reduce_min3A_96 = vector.multi_reduction <minsi>, %select_n3A_94, %reduce_min3A_95 [1] : vector<256x528xi32> to vector<256xi32>
      %broadcast_in_dim3A_97 = vector.shape_cast %reduce_min3A_96 : vector<256xi32> to vector<256x1xi32>
      %eq3A_98 = vector.broadcast %broadcast_in_dim3A_97 : vector<256x1xi32> to vector<256x528xi32>
      %eq3A_99 = arith.cmpi eq, %concatenate3A_87, %eq3A_98 : vector<256x528xi32>
      %jit3A_100 = arith.constant 3.000000e+38 : f32
      %broadcast_in_dim3A_101 = vector.broadcast %jit3A_100 : f32 to vector<256x528xf32>
      %select_n3A_102 = arith.select %eq3A_99, %broadcast_in_dim3A_101, %concatenate3A : vector<256x528xi1>, vector<256x528xf32>
      %reduce_min3A_103 = arith.constant dense<0x7F800000> : vector<256xf32>
      %reduce_min3A_104 = vector.multi_reduction <minimumf>, %select_n3A_102, %reduce_min3A_103 [1] : vector<256x528xf32> to vector<256xf32>
      %broadcast_in_dim3A_105 = vector.shape_cast %reduce_min3A_104 : vector<256xf32> to vector<256x1xf32>
      %eq3A_106 = vector.broadcast %broadcast_in_dim3A_105 : vector<256x1xf32> to vector<256x528xf32>
      %eq3A_107 = arith.cmpf oeq, %select_n3A_102, %eq3A_106 : vector<256x528xf32>
      %jit3A_108 = arith.constant 2147483647 : i32
      %broadcast_in_dim3A_109 = vector.broadcast %jit3A_108 : i32 to vector<256x528xi32>
      %select_n3A_110 = arith.select %eq3A_107, %concatenate3A_87, %broadcast_in_dim3A_109 : vector<256x528xi1>, vector<256x528xi32>
      %reduce_min3A_111 = arith.constant dense<2147483647> : vector<256xi32>
      %reduce_min3A_112 = vector.multi_reduction <minsi>, %select_n3A_110, %reduce_min3A_111 [1] : vector<256x528xi32> to vector<256xi32>
      %broadcast_in_dim3A_113 = vector.shape_cast %reduce_min3A_112 : vector<256xi32> to vector<256x1xi32>
      %eq3A_114 = vector.broadcast %broadcast_in_dim3A_113 : vector<256x1xi32> to vector<256x528xi32>
      %eq3A_115 = arith.cmpi eq, %concatenate3A_87, %eq3A_114 : vector<256x528xi32>
      %jit3A_116 = arith.constant 3.000000e+38 : f32
      %broadcast_in_dim3A_117 = vector.broadcast %jit3A_116 : f32 to vector<256x528xf32>
      %select_n3A_118 = arith.select %eq3A_115, %broadcast_in_dim3A_117, %select_n3A_102 : vector<256x528xi1>, vector<256x528xf32>
      %reduce_min3A_119 = arith.constant dense<0x7F800000> : vector<256xf32>
      %reduce_min3A_120 = vector.multi_reduction <minimumf>, %select_n3A_118, %reduce_min3A_119 [1] : vector<256x528xf32> to vector<256xf32>
      %broadcast_in_dim3A_121 = vector.shape_cast %reduce_min3A_120 : vector<256xf32> to vector<256x1xf32>
      %eq3A_122 = vector.broadcast %broadcast_in_dim3A_121 : vector<256x1xf32> to vector<256x528xf32>
      %eq3A_123 = arith.cmpf oeq, %select_n3A_118, %eq3A_122 : vector<256x528xf32>
      %jit3A_124 = arith.constant 2147483647 : i32
      %broadcast_in_dim3A_125 = vector.broadcast %jit3A_124 : i32 to vector<256x528xi32>
      %select_n3A_126 = arith.select %eq3A_123, %concatenate3A_87, %broadcast_in_dim3A_125 : vector<256x528xi1>, vector<256x528xi32>
      %reduce_min3A_127 = arith.constant dense<2147483647> : vector<256xi32>
      %reduce_min3A_128 = vector.multi_reduction <minsi>, %select_n3A_126, %reduce_min3A_127 [1] : vector<256x528xi32> to vector<256xi32>
      %broadcast_in_dim3A_129 = vector.shape_cast %reduce_min3A_128 : vector<256xi32> to vector<256x1xi32>
      %eq3A_130 = vector.broadcast %broadcast_in_dim3A_129 : vector<256x1xi32> to vector<256x528xi32>
      %eq3A_131 = arith.cmpi eq, %concatenate3A_87, %eq3A_130 : vector<256x528xi32>
      %jit3A_132 = arith.constant 3.000000e+38 : f32
      %broadcast_in_dim3A_133 = vector.broadcast %jit3A_132 : f32 to vector<256x528xf32>
      %select_n3A_134 = arith.select %eq3A_131, %broadcast_in_dim3A_133, %select_n3A_118 : vector<256x528xi1>, vector<256x528xf32>
      %reduce_min3A_135 = arith.constant dense<0x7F800000> : vector<256xf32>
      %reduce_min3A_136 = vector.multi_reduction <minimumf>, %select_n3A_134, %reduce_min3A_135 [1] : vector<256x528xf32> to vector<256xf32>
      %broadcast_in_dim3A_137 = vector.shape_cast %reduce_min3A_136 : vector<256xf32> to vector<256x1xf32>
      %eq3A_138 = vector.broadcast %broadcast_in_dim3A_137 : vector<256x1xf32> to vector<256x528xf32>
      %eq3A_139 = arith.cmpf oeq, %select_n3A_134, %eq3A_138 : vector<256x528xf32>
      %jit3A_140 = arith.constant 2147483647 : i32
      %broadcast_in_dim3A_141 = vector.broadcast %jit3A_140 : i32 to vector<256x528xi32>
      %select_n3A_142 = arith.select %eq3A_139, %concatenate3A_87, %broadcast_in_dim3A_141 : vector<256x528xi1>, vector<256x528xi32>
      %reduce_min3A_143 = arith.constant dense<2147483647> : vector<256xi32>
      %reduce_min3A_144 = vector.multi_reduction <minsi>, %select_n3A_142, %reduce_min3A_143 [1] : vector<256x528xi32> to vector<256xi32>
      %broadcast_in_dim3A_145 = vector.shape_cast %reduce_min3A_144 : vector<256xi32> to vector<256x1xi32>
      %eq3A_146 = vector.broadcast %broadcast_in_dim3A_145 : vector<256x1xi32> to vector<256x528xi32>
      %eq3A_147 = arith.cmpi eq, %concatenate3A_87, %eq3A_146 : vector<256x528xi32>
      %jit3A_148 = arith.constant 3.000000e+38 : f32
      %broadcast_in_dim3A_149 = vector.broadcast %jit3A_148 : f32 to vector<256x528xf32>
      %select_n3A_150 = arith.select %eq3A_147, %broadcast_in_dim3A_149, %select_n3A_134 : vector<256x528xi1>, vector<256x528xf32>
      %reduce_min3A_151 = arith.constant dense<0x7F800000> : vector<256xf32>
      %reduce_min3A_152 = vector.multi_reduction <minimumf>, %select_n3A_150, %reduce_min3A_151 [1] : vector<256x528xf32> to vector<256xf32>
      %broadcast_in_dim3A_153 = vector.shape_cast %reduce_min3A_152 : vector<256xf32> to vector<256x1xf32>
      %eq3A_154 = vector.broadcast %broadcast_in_dim3A_153 : vector<256x1xf32> to vector<256x528xf32>
      %eq3A_155 = arith.cmpf oeq, %select_n3A_150, %eq3A_154 : vector<256x528xf32>
      %jit3A_156 = arith.constant 2147483647 : i32
      %broadcast_in_dim3A_157 = vector.broadcast %jit3A_156 : i32 to vector<256x528xi32>
      %select_n3A_158 = arith.select %eq3A_155, %concatenate3A_87, %broadcast_in_dim3A_157 : vector<256x528xi1>, vector<256x528xi32>
      %reduce_min3A_159 = arith.constant dense<2147483647> : vector<256xi32>
      %reduce_min3A_160 = vector.multi_reduction <minsi>, %select_n3A_158, %reduce_min3A_159 [1] : vector<256x528xi32> to vector<256xi32>
      %broadcast_in_dim3A_161 = vector.shape_cast %reduce_min3A_160 : vector<256xi32> to vector<256x1xi32>
      %eq3A_162 = vector.broadcast %broadcast_in_dim3A_161 : vector<256x1xi32> to vector<256x528xi32>
      %eq3A_163 = arith.cmpi eq, %concatenate3A_87, %eq3A_162 : vector<256x528xi32>
      %jit3A_164 = arith.constant 3.000000e+38 : f32
      %broadcast_in_dim3A_165 = vector.broadcast %jit3A_164 : f32 to vector<256x528xf32>
      %select_n3A_166 = arith.select %eq3A_163, %broadcast_in_dim3A_165, %select_n3A_150 : vector<256x528xi1>, vector<256x528xf32>
      %reduce_min3A_167 = arith.constant dense<0x7F800000> : vector<256xf32>
      %reduce_min3A_168 = vector.multi_reduction <minimumf>, %select_n3A_166, %reduce_min3A_167 [1] : vector<256x528xf32> to vector<256xf32>
      %broadcast_in_dim3A_169 = vector.shape_cast %reduce_min3A_168 : vector<256xf32> to vector<256x1xf32>
      %eq3A_170 = vector.broadcast %broadcast_in_dim3A_169 : vector<256x1xf32> to vector<256x528xf32>
      %eq3A_171 = arith.cmpf oeq, %select_n3A_166, %eq3A_170 : vector<256x528xf32>
      %jit3A_172 = arith.constant 2147483647 : i32
      %broadcast_in_dim3A_173 = vector.broadcast %jit3A_172 : i32 to vector<256x528xi32>
      %select_n3A_174 = arith.select %eq3A_171, %concatenate3A_87, %broadcast_in_dim3A_173 : vector<256x528xi1>, vector<256x528xi32>
      %reduce_min3A_175 = arith.constant dense<2147483647> : vector<256xi32>
      %reduce_min3A_176 = vector.multi_reduction <minsi>, %select_n3A_174, %reduce_min3A_175 [1] : vector<256x528xi32> to vector<256xi32>
      %broadcast_in_dim3A_177 = vector.shape_cast %reduce_min3A_176 : vector<256xi32> to vector<256x1xi32>
      %eq3A_178 = vector.broadcast %broadcast_in_dim3A_177 : vector<256x1xi32> to vector<256x528xi32>
      %eq3A_179 = arith.cmpi eq, %concatenate3A_87, %eq3A_178 : vector<256x528xi32>
      %jit3A_180 = arith.constant 3.000000e+38 : f32
      %broadcast_in_dim3A_181 = vector.broadcast %jit3A_180 : f32 to vector<256x528xf32>
      %select_n3A_182 = arith.select %eq3A_179, %broadcast_in_dim3A_181, %select_n3A_166 : vector<256x528xi1>, vector<256x528xf32>
      %reduce_min3A_183 = arith.constant dense<0x7F800000> : vector<256xf32>
      %reduce_min3A_184 = vector.multi_reduction <minimumf>, %select_n3A_182, %reduce_min3A_183 [1] : vector<256x528xf32> to vector<256xf32>
      %broadcast_in_dim3A_185 = vector.shape_cast %reduce_min3A_184 : vector<256xf32> to vector<256x1xf32>
      %eq3A_186 = vector.broadcast %broadcast_in_dim3A_185 : vector<256x1xf32> to vector<256x528xf32>
      %eq3A_187 = arith.cmpf oeq, %select_n3A_182, %eq3A_186 : vector<256x528xf32>
      %jit3A_188 = arith.constant 2147483647 : i32
      %broadcast_in_dim3A_189 = vector.broadcast %jit3A_188 : i32 to vector<256x528xi32>
      %select_n3A_190 = arith.select %eq3A_187, %concatenate3A_87, %broadcast_in_dim3A_189 : vector<256x528xi1>, vector<256x528xi32>
      %reduce_min3A_191 = arith.constant dense<2147483647> : vector<256xi32>
      %reduce_min3A_192 = vector.multi_reduction <minsi>, %select_n3A_190, %reduce_min3A_191 [1] : vector<256x528xi32> to vector<256xi32>
      %broadcast_in_dim3A_193 = vector.shape_cast %reduce_min3A_192 : vector<256xi32> to vector<256x1xi32>
      %eq3A_194 = vector.broadcast %broadcast_in_dim3A_193 : vector<256x1xi32> to vector<256x528xi32>
      %eq3A_195 = arith.cmpi eq, %concatenate3A_87, %eq3A_194 : vector<256x528xi32>
      %jit3A_196 = arith.constant 3.000000e+38 : f32
      %broadcast_in_dim3A_197 = vector.broadcast %jit3A_196 : f32 to vector<256x528xf32>
      %select_n3A_198 = arith.select %eq3A_195, %broadcast_in_dim3A_197, %select_n3A_182 : vector<256x528xi1>, vector<256x528xf32>
      %reduce_min3A_199 = arith.constant dense<0x7F800000> : vector<256xf32>
      %reduce_min3A_200 = vector.multi_reduction <minimumf>, %select_n3A_198, %reduce_min3A_199 [1] : vector<256x528xf32> to vector<256xf32>
      %broadcast_in_dim3A_201 = vector.shape_cast %reduce_min3A_200 : vector<256xf32> to vector<256x1xf32>
      %eq3A_202 = vector.broadcast %broadcast_in_dim3A_201 : vector<256x1xf32> to vector<256x528xf32>
      %eq3A_203 = arith.cmpf oeq, %select_n3A_198, %eq3A_202 : vector<256x528xf32>
      %jit3A_204 = arith.constant 2147483647 : i32
      %broadcast_in_dim3A_205 = vector.broadcast %jit3A_204 : i32 to vector<256x528xi32>
      %select_n3A_206 = arith.select %eq3A_203, %concatenate3A_87, %broadcast_in_dim3A_205 : vector<256x528xi1>, vector<256x528xi32>
      %reduce_min3A_207 = arith.constant dense<2147483647> : vector<256xi32>
      %reduce_min3A_208 = vector.multi_reduction <minsi>, %select_n3A_206, %reduce_min3A_207 [1] : vector<256x528xi32> to vector<256xi32>
      %broadcast_in_dim3A_209 = vector.shape_cast %reduce_min3A_208 : vector<256xi32> to vector<256x1xi32>
      %eq3A_210 = vector.broadcast %broadcast_in_dim3A_209 : vector<256x1xi32> to vector<256x528xi32>
      %eq3A_211 = arith.cmpi eq, %concatenate3A_87, %eq3A_210 : vector<256x528xi32>
      %jit3A_212 = arith.constant 3.000000e+38 : f32
      %broadcast_in_dim3A_213 = vector.broadcast %jit3A_212 : f32 to vector<256x528xf32>
      %select_n3A_214 = arith.select %eq3A_211, %broadcast_in_dim3A_213, %select_n3A_198 : vector<256x528xi1>, vector<256x528xf32>
      %reduce_min3A_215 = arith.constant dense<0x7F800000> : vector<256xf32>
      %reduce_min3A_216 = vector.multi_reduction <minimumf>, %select_n3A_214, %reduce_min3A_215 [1] : vector<256x528xf32> to vector<256xf32>
      %broadcast_in_dim3A_217 = vector.shape_cast %reduce_min3A_216 : vector<256xf32> to vector<256x1xf32>
      %eq3A_218 = vector.broadcast %broadcast_in_dim3A_217 : vector<256x1xf32> to vector<256x528xf32>
      %eq3A_219 = arith.cmpf oeq, %select_n3A_214, %eq3A_218 : vector<256x528xf32>
      %jit3A_220 = arith.constant 2147483647 : i32
      %broadcast_in_dim3A_221 = vector.broadcast %jit3A_220 : i32 to vector<256x528xi32>
      %select_n3A_222 = arith.select %eq3A_219, %concatenate3A_87, %broadcast_in_dim3A_221 : vector<256x528xi1>, vector<256x528xi32>
      %reduce_min3A_223 = arith.constant dense<2147483647> : vector<256xi32>
      %reduce_min3A_224 = vector.multi_reduction <minsi>, %select_n3A_222, %reduce_min3A_223 [1] : vector<256x528xi32> to vector<256xi32>
      %broadcast_in_dim3A_225 = vector.shape_cast %reduce_min3A_224 : vector<256xi32> to vector<256x1xi32>
      %eq3A_226 = vector.broadcast %broadcast_in_dim3A_225 : vector<256x1xi32> to vector<256x528xi32>
      %eq3A_227 = arith.cmpi eq, %concatenate3A_87, %eq3A_226 : vector<256x528xi32>
      %jit3A_228 = arith.constant 3.000000e+38 : f32
      %broadcast_in_dim3A_229 = vector.broadcast %jit3A_228 : f32 to vector<256x528xf32>
      %select_n3A_230 = arith.select %eq3A_227, %broadcast_in_dim3A_229, %select_n3A_214 : vector<256x528xi1>, vector<256x528xf32>
      %reduce_min3A_231 = arith.constant dense<0x7F800000> : vector<256xf32>
      %reduce_min3A_232 = vector.multi_reduction <minimumf>, %select_n3A_230, %reduce_min3A_231 [1] : vector<256x528xf32> to vector<256xf32>
      %broadcast_in_dim3A_233 = vector.shape_cast %reduce_min3A_232 : vector<256xf32> to vector<256x1xf32>
      %eq3A_234 = vector.broadcast %broadcast_in_dim3A_233 : vector<256x1xf32> to vector<256x528xf32>
      %eq3A_235 = arith.cmpf oeq, %select_n3A_230, %eq3A_234 : vector<256x528xf32>
      %jit3A_236 = arith.constant 2147483647 : i32
      %broadcast_in_dim3A_237 = vector.broadcast %jit3A_236 : i32 to vector<256x528xi32>
      %select_n3A_238 = arith.select %eq3A_235, %concatenate3A_87, %broadcast_in_dim3A_237 : vector<256x528xi1>, vector<256x528xi32>
      %reduce_min3A_239 = arith.constant dense<2147483647> : vector<256xi32>
      %reduce_min3A_240 = vector.multi_reduction <minsi>, %select_n3A_238, %reduce_min3A_239 [1] : vector<256x528xi32> to vector<256xi32>
      %broadcast_in_dim3A_241 = vector.shape_cast %reduce_min3A_240 : vector<256xi32> to vector<256x1xi32>
      %eq3A_242 = vector.broadcast %broadcast_in_dim3A_241 : vector<256x1xi32> to vector<256x528xi32>
      %eq3A_243 = arith.cmpi eq, %concatenate3A_87, %eq3A_242 : vector<256x528xi32>
      %jit3A_244 = arith.constant 3.000000e+38 : f32
      %broadcast_in_dim3A_245 = vector.broadcast %jit3A_244 : f32 to vector<256x528xf32>
      %select_n3A_246 = arith.select %eq3A_243, %broadcast_in_dim3A_245, %select_n3A_230 : vector<256x528xi1>, vector<256x528xf32>
      %reduce_min3A_247 = arith.constant dense<0x7F800000> : vector<256xf32>
      %reduce_min3A_248 = vector.multi_reduction <minimumf>, %select_n3A_246, %reduce_min3A_247 [1] : vector<256x528xf32> to vector<256xf32>
      %broadcast_in_dim3A_249 = vector.shape_cast %reduce_min3A_248 : vector<256xf32> to vector<256x1xf32>
      %eq3A_250 = vector.broadcast %broadcast_in_dim3A_249 : vector<256x1xf32> to vector<256x528xf32>
      %eq3A_251 = arith.cmpf oeq, %select_n3A_246, %eq3A_250 : vector<256x528xf32>
      %jit3A_252 = arith.constant 2147483647 : i32
      %broadcast_in_dim3A_253 = vector.broadcast %jit3A_252 : i32 to vector<256x528xi32>
      %select_n3A_254 = arith.select %eq3A_251, %concatenate3A_87, %broadcast_in_dim3A_253 : vector<256x528xi1>, vector<256x528xi32>
      %reduce_min3A_255 = arith.constant dense<2147483647> : vector<256xi32>
      %reduce_min3A_256 = vector.multi_reduction <minsi>, %select_n3A_254, %reduce_min3A_255 [1] : vector<256x528xi32> to vector<256xi32>
      %broadcast_in_dim3A_257 = vector.shape_cast %reduce_min3A_256 : vector<256xi32> to vector<256x1xi32>
      %eq3A_258 = vector.broadcast %broadcast_in_dim3A_257 : vector<256x1xi32> to vector<256x528xi32>
      %eq3A_259 = arith.cmpi eq, %concatenate3A_87, %eq3A_258 : vector<256x528xi32>
      %jit3A_260 = arith.constant 3.000000e+38 : f32
      %broadcast_in_dim3A_261 = vector.broadcast %jit3A_260 : f32 to vector<256x528xf32>
      %select_n3A_262 = arith.select %eq3A_259, %broadcast_in_dim3A_261, %select_n3A_246 : vector<256x528xi1>, vector<256x528xf32>
      %reduce_min3A_263 = arith.constant dense<0x7F800000> : vector<256xf32>
      %reduce_min3A_264 = vector.multi_reduction <minimumf>, %select_n3A_262, %reduce_min3A_263 [1] : vector<256x528xf32> to vector<256xf32>
      %broadcast_in_dim3A_265 = vector.shape_cast %reduce_min3A_264 : vector<256xf32> to vector<256x1xf32>
      %eq3A_266 = vector.broadcast %broadcast_in_dim3A_265 : vector<256x1xf32> to vector<256x528xf32>
      %eq3A_267 = arith.cmpf oeq, %select_n3A_262, %eq3A_266 : vector<256x528xf32>
      %jit3A_268 = arith.constant 2147483647 : i32
      %broadcast_in_dim3A_269 = vector.broadcast %jit3A_268 : i32 to vector<256x528xi32>
      %select_n3A_270 = arith.select %eq3A_267, %concatenate3A_87, %broadcast_in_dim3A_269 : vector<256x528xi1>, vector<256x528xi32>
      %reduce_min3A_271 = arith.constant dense<2147483647> : vector<256xi32>
      %reduce_min3A_272 = vector.multi_reduction <minsi>, %select_n3A_270, %reduce_min3A_271 [1] : vector<256x528xi32> to vector<256xi32>
      %broadcast_in_dim3A_273 = vector.shape_cast %reduce_min3A_272 : vector<256xi32> to vector<256x1xi32>
      %eq3A_274 = vector.broadcast %broadcast_in_dim3A_273 : vector<256x1xi32> to vector<256x528xi32>
      %eq3A_275 = arith.cmpi eq, %concatenate3A_87, %eq3A_274 : vector<256x528xi32>
      %jit3A_276 = arith.constant 3.000000e+38 : f32
      %broadcast_in_dim3A_277 = vector.broadcast %jit3A_276 : f32 to vector<256x528xf32>
      %select_n3A_278 = arith.select %eq3A_275, %broadcast_in_dim3A_277, %select_n3A_262 : vector<256x528xi1>, vector<256x528xf32>
      %reduce_min3A_279 = arith.constant dense<0x7F800000> : vector<256xf32>
      %reduce_min3A_280 = vector.multi_reduction <minimumf>, %select_n3A_278, %reduce_min3A_279 [1] : vector<256x528xf32> to vector<256xf32>
      %broadcast_in_dim3A_281 = vector.shape_cast %reduce_min3A_280 : vector<256xf32> to vector<256x1xf32>
      %eq3A_282 = vector.broadcast %broadcast_in_dim3A_281 : vector<256x1xf32> to vector<256x528xf32>
      %eq3A_283 = arith.cmpf oeq, %select_n3A_278, %eq3A_282 : vector<256x528xf32>
      %jit3A_284 = arith.constant 2147483647 : i32
      %broadcast_in_dim3A_285 = vector.broadcast %jit3A_284 : i32 to vector<256x528xi32>
      %select_n3A_286 = arith.select %eq3A_283, %concatenate3A_87, %broadcast_in_dim3A_285 : vector<256x528xi1>, vector<256x528xi32>
      %reduce_min3A_287 = arith.constant dense<2147483647> : vector<256xi32>
      %reduce_min3A_288 = vector.multi_reduction <minsi>, %select_n3A_286, %reduce_min3A_287 [1] : vector<256x528xi32> to vector<256xi32>
      %broadcast_in_dim3A_289 = vector.shape_cast %reduce_min3A_288 : vector<256xi32> to vector<256x1xi32>
      %eq3A_290 = vector.broadcast %broadcast_in_dim3A_289 : vector<256x1xi32> to vector<256x528xi32>
      %eq3A_291 = arith.cmpi eq, %concatenate3A_87, %eq3A_290 : vector<256x528xi32>
      %jit3A_292 = arith.constant 3.000000e+38 : f32
      %broadcast_in_dim3A_293 = vector.broadcast %jit3A_292 : f32 to vector<256x528xf32>
      %select_n3A_294 = arith.select %eq3A_291, %broadcast_in_dim3A_293, %select_n3A_278 : vector<256x528xi1>, vector<256x528xf32>
      %reduce_min3A_295 = arith.constant dense<0x7F800000> : vector<256xf32>
      %reduce_min3A_296 = vector.multi_reduction <minimumf>, %select_n3A_294, %reduce_min3A_295 [1] : vector<256x528xf32> to vector<256xf32>
      %broadcast_in_dim3A_297 = vector.shape_cast %reduce_min3A_296 : vector<256xf32> to vector<256x1xf32>
      %eq3A_298 = vector.broadcast %broadcast_in_dim3A_297 : vector<256x1xf32> to vector<256x528xf32>
      %eq3A_299 = arith.cmpf oeq, %select_n3A_294, %eq3A_298 : vector<256x528xf32>
      %jit3A_300 = arith.constant 2147483647 : i32
      %broadcast_in_dim3A_301 = vector.broadcast %jit3A_300 : i32 to vector<256x528xi32>
      %select_n3A_302 = arith.select %eq3A_299, %concatenate3A_87, %broadcast_in_dim3A_301 : vector<256x528xi1>, vector<256x528xi32>
      %reduce_min3A_303 = arith.constant dense<2147483647> : vector<256xi32>
      %reduce_min3A_304 = vector.multi_reduction <minsi>, %select_n3A_302, %reduce_min3A_303 [1] : vector<256x528xi32> to vector<256xi32>
      %broadcast_in_dim3A_305 = vector.shape_cast %reduce_min3A_304 : vector<256xi32> to vector<256x1xi32>
      %eq3A_306 = vector.broadcast %broadcast_in_dim3A_305 : vector<256x1xi32> to vector<256x528xi32>
      %eq3A_307 = arith.cmpi eq, %concatenate3A_87, %eq3A_306 : vector<256x528xi32>
      %jit3A_308 = arith.constant 3.000000e+38 : f32
      %broadcast_in_dim3A_309 = vector.broadcast %jit3A_308 : f32 to vector<256x528xf32>
      %select_n3A_310 = arith.select %eq3A_307, %broadcast_in_dim3A_309, %select_n3A_294 : vector<256x528xi1>, vector<256x528xf32>
      %reduce_min3A_311 = arith.constant dense<0x7F800000> : vector<256xf32>
      %reduce_min3A_312 = vector.multi_reduction <minimumf>, %select_n3A_310, %reduce_min3A_311 [1] : vector<256x528xf32> to vector<256xf32>
      %broadcast_in_dim3A_313 = vector.shape_cast %reduce_min3A_312 : vector<256xf32> to vector<256x1xf32>
      %eq3A_314 = vector.broadcast %broadcast_in_dim3A_313 : vector<256x1xf32> to vector<256x528xf32>
      %eq3A_315 = arith.cmpf oeq, %select_n3A_310, %eq3A_314 : vector<256x528xf32>
      %jit3A_316 = arith.constant 2147483647 : i32
      %broadcast_in_dim3A_317 = vector.broadcast %jit3A_316 : i32 to vector<256x528xi32>
      %select_n3A_318 = arith.select %eq3A_315, %concatenate3A_87, %broadcast_in_dim3A_317 : vector<256x528xi1>, vector<256x528xi32>
      %reduce_min3A_319 = arith.constant dense<2147483647> : vector<256xi32>
      %reduce_min3A_320 = vector.multi_reduction <minsi>, %select_n3A_318, %reduce_min3A_319 [1] : vector<256x528xi32> to vector<256xi32>
      %broadcast_in_dim3A_321 = vector.shape_cast %reduce_min3A_320 : vector<256xi32> to vector<256x1xi32>
      %eq3A_322 = vector.broadcast %broadcast_in_dim3A_321 : vector<256x1xi32> to vector<256x528xi32>
      %eq3A_323 = arith.cmpi eq, %concatenate3A_87, %eq3A_322 : vector<256x528xi32>
      %jit3A_324 = arith.constant 3.000000e+38 : f32
      %broadcast_in_dim3A_325 = vector.broadcast %jit3A_324 : f32 to vector<256x528xf32>
      %select_n3A_326 = arith.select %eq3A_323, %broadcast_in_dim3A_325, %select_n3A_310 : vector<256x528xi1>, vector<256x528xf32>
      %reduce_min3A_327 = arith.constant dense<0x7F800000> : vector<256xf32>
      %reduce_min3A_328 = vector.multi_reduction <minimumf>, %select_n3A_326, %reduce_min3A_327 [1] : vector<256x528xf32> to vector<256xf32>
      %broadcast_in_dim3A_329 = vector.shape_cast %reduce_min3A_328 : vector<256xf32> to vector<256x1xf32>
      %eq3A_330 = vector.broadcast %broadcast_in_dim3A_329 : vector<256x1xf32> to vector<256x528xf32>
      %eq3A_331 = arith.cmpf oeq, %select_n3A_326, %eq3A_330 : vector<256x528xf32>
      %jit3A_332 = arith.constant 2147483647 : i32
      %broadcast_in_dim3A_333 = vector.broadcast %jit3A_332 : i32 to vector<256x528xi32>
      %select_n3A_334 = arith.select %eq3A_331, %concatenate3A_87, %broadcast_in_dim3A_333 : vector<256x528xi1>, vector<256x528xi32>
      %reduce_min3A_335 = arith.constant dense<2147483647> : vector<256xi32>
      %reduce_min3A_336 = vector.multi_reduction <minsi>, %select_n3A_334, %reduce_min3A_335 [1] : vector<256x528xi32> to vector<256xi32>
      %broadcast_in_dim3A_337 = vector.shape_cast %reduce_min3A_336 : vector<256xi32> to vector<256x1xi32>
      %eq3A_338 = vector.broadcast %broadcast_in_dim3A_337 : vector<256x1xi32> to vector<256x528xi32>
      %eq3A_339 = arith.cmpi eq, %concatenate3A_87, %eq3A_338 : vector<256x528xi32>
      %jit3A_340 = arith.constant 3.000000e+38 : f32
      %broadcast_in_dim3A_341 = vector.broadcast %jit3A_340 : f32 to vector<256x528xf32>
      %select_n3A_342 = arith.select %eq3A_339, %broadcast_in_dim3A_341, %select_n3A_326 : vector<256x528xi1>, vector<256x528xf32>
      %concatenate3A_343 = tpu.concatenate %broadcast_in_dim3A_89, %broadcast_in_dim3A_105, %broadcast_in_dim3A_121, %broadcast_in_dim3A_137, %broadcast_in_dim3A_153, %broadcast_in_dim3A_169, %broadcast_in_dim3A_185, %broadcast_in_dim3A_201, %broadcast_in_dim3A_217, %broadcast_in_dim3A_233, %broadcast_in_dim3A_249, %broadcast_in_dim3A_265, %broadcast_in_dim3A_281, %broadcast_in_dim3A_297, %broadcast_in_dim3A_313, %broadcast_in_dim3A_329 in 1 : vector<256x1xf32>, vector<256x1xf32>, vector<256x1xf32>, vector<256x1xf32>, vector<256x1xf32>, vector<256x1xf32>, vector<256x1xf32>, vector<256x1xf32>, vector<256x1xf32>, vector<256x1xf32>, vector<256x1xf32>, vector<256x1xf32>, vector<256x1xf32>, vector<256x1xf32>, vector<256x1xf32>, vector<256x1xf32> -> vector<256x16xf32>
      %concatenate3A_344 = tpu.concatenate %broadcast_in_dim3A_97, %broadcast_in_dim3A_113, %broadcast_in_dim3A_129, %broadcast_in_dim3A_145, %broadcast_in_dim3A_161, %broadcast_in_dim3A_177, %broadcast_in_dim3A_193, %broadcast_in_dim3A_209, %broadcast_in_dim3A_225, %broadcast_in_dim3A_241, %broadcast_in_dim3A_257, %broadcast_in_dim3A_273, %broadcast_in_dim3A_289, %broadcast_in_dim3A_305, %broadcast_in_dim3A_321, %broadcast_in_dim3A_337 in 1 : vector<256x1xi32>, vector<256x1xi32>, vector<256x1xi32>, vector<256x1xi32>, vector<256x1xi32>, vector<256x1xi32>, vector<256x1xi32>, vector<256x1xi32>, vector<256x1xi32>, vector<256x1xi32>, vector<256x1xi32>, vector<256x1xi32>, vector<256x1xi32>, vector<256x1xi32>, vector<256x1xi32>, vector<256x1xi32> -> vector<256x16xi32>
      scf.yield %concatenate3A_343, %concatenate3A_344 : vector<256x16xf32>, vector<256x16xi32>
    }
    %jit3A = arith.constant 0 : i32
    %jit3A_30 = arith.constant 9999 : i32
    %max3A = vector.broadcast %jit3A : i32 to vector<256x16xi32>
    %max3A_31 = arith.maxsi %max3A, %while3A_29#1 : vector<256x16xi32>
    %min3A = vector.broadcast %jit3A_30 : i32 to vector<256x16xi32>
    %min3A_32 = arith.minsi %min3A, %max3A_31 : vector<256x16xi32>
    %swap3A = arith.constant 0 : index
    %swap3A_33 = arith.constant 0 : index
    %swap3A_34 = vector.load %arg4[%swap3A, %swap3A_33] : memref<256x16xi32, #tpu.memory_space<vmem>>, vector<256x16xi32>
    tpu.vector_store %arg4[%swap3A, %swap3A_33], %min3A_32 {strides = array<i32>} : memref<256x16xi32, #tpu.memory_space<vmem>>, vector<256x16xi32>,
    return
  }
  func.func @transform_0(%arg0: i32) -> (i32, i32) {
    %c0_i32 = arith.constant 0 : i32
    %c0_i32_0 = arith.constant 0 : i32
    %c0_i32_1 = arith.constant 0 : i32
    return %c0_i32, %c0_i32_0 : i32, i32
  }
  func.func @transform_1(%arg0: i32) -> (i32, i32) {
    %c0_i32 = arith.constant 0 : i32
    %c0_i32_0 = arith.constant 0 : i32
    return %arg0, %c0_i32 : i32, i32
  }
  func.func @transform_2(%arg0: i32) -> (i32, i32, i32) {
    %c0_i32 = arith.constant 0 : i32
    %c0_i32_0 = arith.constant 0 : i32
    %c0_i32_1 = arith.constant 0 : i32
    %c0_i32_2 = arith.constant 0 : i32
    return %c0_i32, %c0_i32_0, %c0_i32_1 : i32, i32, i32
  }
  func.func @transform_3(%arg0: i32) -> (i32, i32) {
    %c0_i32 = arith.constant 0 : i32
    %c0_i32_0 = arith.constant 0 : i32
    return %arg0, %c0_i32 : i32, i32
  }
}

module attributes {stable_mosaic.version = 14 : i64} {
  func.func @_lang_body(%arg0: memref<32x256xf32, #tpu.memory_space<vmem>>, %arg1: memref<256x128xf32, #tpu.memory_space<vmem>>, %arg2: memref<128xf32, #tpu.memory_space<vmem>>, %arg3: memref<128xf32, #tpu.memory_space<vmem>>, %arg4: memref<128xf32, #tpu.memory_space<vmem>>, %arg5: memref<128x128xf32, #tpu.memory_space<vmem>>, %arg6: memref<128xf32, #tpu.memory_space<vmem>>, %arg7: memref<32x128xf32, #tpu.memory_space<vmem>>) attributes {dimension_semantics = [], scalar_prefetch = 0 : i64, scratch_operands = 0 : i64, tpu.core_type = #tpu.core_type<tc>} {
    %get3A = arith.constant 0 : index
    %get3A_0 = arith.constant 0 : index
    %get3A_1 = vector.load %arg0[%get3A, %get3A_0] : memref<32x256xf32, #tpu.memory_space<vmem>>, vector<32x256xf32>
    %get3A_2 = arith.constant 0 : index
    %get3A_3 = arith.constant 0 : index
    %get3A_4 = vector.load %arg1[%get3A_2, %get3A_3] : memref<256x128xf32, #tpu.memory_space<vmem>>, vector<256x128xf32>
    %dot_general3A = arith.constant dense<0.000000e+00> : vector<32x128xf32>
    %dot_general3A_5 = tpu.matmul %get3A_1, %get3A_4, %dot_general3A {dimension_numbers = #tpu.dot_dimension_numbers<[1], [0], [0], [1], [0, 0, 1, 1], [], []>, transpose_lhs_hint = false} : vector<32x256xf32>, vector<256x128xf32>, vector<32x128xf32> -> vector<32x128xf32>
    %get3A_6 = arith.constant 0 : index
    %get3A_7 = vector.load %arg2[%get3A_6] : memref<128xf32, #tpu.memory_space<vmem>>, vector<128xf32>
    %broadcast_in_dim3A = vector.shape_cast %get3A_7 : vector<128xf32> to vector<1x128xf32>
    %add3A = vector.broadcast %broadcast_in_dim3A : vector<1x128xf32> to vector<32x128xf32>
    %add3A_8 = arith.addf %dot_general3A_5, %add3A : vector<32x128xf32>
    %reduce_sum3A = arith.constant dense<0.000000e+00> : vector<128xf32>
    %reduce_sum3A_9 = vector.multi_reduction <add>, %add3A_8, %reduce_sum3A [0] : vector<32x128xf32> to vector<128xf32>
    %broadcast_in_dim3A_10 = vector.shape_cast %reduce_sum3A_9 : vector<128xf32> to vector<1x128xf32>
    %div3A = arith.constant 3.200000e+01 : f32
    %div3A_11 = vector.broadcast %div3A : f32 to vector<1x128xf32>
    %div3A_12 = arith.divf %broadcast_in_dim3A_10, %div3A_11 : vector<1x128xf32>
    %sub3A = vector.broadcast %div3A_12 : vector<1x128xf32> to vector<32x128xf32>
    %sub3A_13 = arith.subf %add3A_8, %sub3A : vector<32x128xf32>
    %integer_pow3A = arith.mulf %sub3A_13, %sub3A_13 : vector<32x128xf32>
    %reduce_sum3A_14 = arith.constant dense<0.000000e+00> : vector<128xf32>
    %reduce_sum3A_15 = vector.multi_reduction <add>, %integer_pow3A, %reduce_sum3A_14 [0] : vector<32x128xf32> to vector<128xf32>
    %broadcast_in_dim3A_16 = vector.shape_cast %reduce_sum3A_15 : vector<128xf32> to vector<1x128xf32>
    %div3A_17 = arith.constant 3.200000e+01 : f32
    %div3A_18 = vector.broadcast %div3A_17 : f32 to vector<1x128xf32>
    %div3A_19 = arith.divf %broadcast_in_dim3A_16, %div3A_18 : vector<1x128xf32>
    %sub3A_20 = vector.broadcast %div3A_12 : vector<1x128xf32> to vector<32x128xf32>
    %sub3A_21 = arith.subf %add3A_8, %sub3A_20 : vector<32x128xf32>
    %add3A_22 = arith.constant 9.99999974E-6 : f32
    %add3A_23 = vector.broadcast %add3A_22 : f32 to vector<1x128xf32>
    %add3A_24 = arith.addf %div3A_19, %add3A_23 : vector<1x128xf32>
    %sqrt3A = math.sqrt %add3A_24 : vector<1x128xf32>
    %div3A_25 = vector.broadcast %sqrt3A : vector<1x128xf32> to vector<32x128xf32>
    %div3A_26 = arith.divf %sub3A_21, %div3A_25 : vector<32x128xf32>
    %get3A_27 = arith.constant 0 : index
    %get3A_28 = vector.load %arg3[%get3A_27] : memref<128xf32, #tpu.memory_space<vmem>>, vector<128xf32>
    %broadcast_in_dim3A_29 = vector.shape_cast %get3A_28 : vector<128xf32> to vector<1x128xf32>
    %mul3A = vector.broadcast %broadcast_in_dim3A_29 : vector<1x128xf32> to vector<32x128xf32>
    %mul3A_30 = arith.mulf %div3A_26, %mul3A : vector<32x128xf32>
    %get3A_31 = arith.constant 0 : index
    %get3A_32 = vector.load %arg4[%get3A_31] : memref<128xf32, #tpu.memory_space<vmem>>, vector<128xf32>
    %broadcast_in_dim3A_33 = vector.shape_cast %get3A_32 : vector<128xf32> to vector<1x128xf32>
    %add3A_34 = vector.broadcast %broadcast_in_dim3A_33 : vector<1x128xf32> to vector<32x128xf32>
    %add3A_35 = arith.addf %mul3A_30, %add3A_34 : vector<32x128xf32>
    %max3A = arith.constant 0.000000e+00 : f32
    %max3A_36 = vector.broadcast %max3A : f32 to vector<32x128xf32>
    %max3A_37 = arith.maximumf %add3A_35, %max3A_36 : vector<32x128xf32>
    %get3A_38 = arith.constant 0 : index
    %get3A_39 = arith.constant 0 : index
    %get3A_40 = vector.load %arg5[%get3A_38, %get3A_39] : memref<128x128xf32, #tpu.memory_space<vmem>>, vector<128x128xf32>
    %dot_general3A_41 = arith.constant dense<0.000000e+00> : vector<32x128xf32>
    %dot_general3A_42 = tpu.matmul %max3A_37, %get3A_40, %dot_general3A_41 {dimension_numbers = #tpu.dot_dimension_numbers<[1], [0], [0], [1], [0, 0, 1, 1], [], []>, transpose_lhs_hint = false} : vector<32x128xf32>, vector<128x128xf32>, vector<32x128xf32> -> vector<32x128xf32>
    %get3A_43 = arith.constant 0 : index
    %get3A_44 = vector.load %arg6[%get3A_43] : memref<128xf32, #tpu.memory_space<vmem>>, vector<128xf32>
    %broadcast_in_dim3A_45 = vector.shape_cast %get3A_44 : vector<128xf32> to vector<1x128xf32>
    %add3A_46 = vector.broadcast %broadcast_in_dim3A_45 : vector<1x128xf32> to vector<32x128xf32>
    %add3A_47 = arith.addf %dot_general3A_42, %add3A_46 : vector<32x128xf32>
    %swap3A = arith.constant 0 : index
    %swap3A_48 = arith.constant 0 : index
    %swap3A_49 = vector.load %arg7[%swap3A, %swap3A_48] : memref<32x128xf32, #tpu.memory_space<vmem>>, vector<32x128xf32>
    tpu.vector_store %arg7[%swap3A, %swap3A_48], %add3A_47 {strides = array<i32>} : memref<32x128xf32, #tpu.memory_space<vmem>>, vector<32x128xf32>,
    return
  }
}

module attributes {stable_mosaic.version = 14 : i64} {
  func.func @_pre_body(%arg0: i32, %arg1: memref<10000x153xf32, #tpu.memory_space<vmem>>, %arg2: memref<153x128xf32, #tpu.memory_space<vmem>>, %arg3: memref<153x128xf32, #tpu.memory_space<vmem>>, %arg4: memref<128xf32, #tpu.memory_space<vmem>>, %arg5: memref<10240x128xf32, #tpu.memory_space<vmem>>, %arg6: memref<10240x128xf32, #tpu.memory_space<vmem>>) attributes {dimension_semantics = [#tpu.dimension_semantics<arbitrary>], iteration_bounds = array<i64: 40>, scalar_prefetch = 0 : i64, scratch_operands = 0 : i64, tpu.core_type = #tpu.core_type<tc>, window_params = [{pipeline_mode = #tpu.pipeline_mode<synchronous>, transform_indices = @transform_0, window_bounds = array<i64: 10000, 153>}, {pipeline_mode = #tpu.pipeline_mode<synchronous>, transform_indices = @transform_1, window_bounds = array<i64: 153, 128>}, {pipeline_mode = #tpu.pipeline_mode<synchronous>, transform_indices = @transform_2, window_bounds = array<i64: 153, 128>}, {pipeline_mode = #tpu.pipeline_mode<synchronous>, transform_indices = @transform_3, window_bounds = array<i64: 128>}, {pipeline_mode = #tpu.pipeline_mode<synchronous>, transform_indices = @transform_4, window_bounds = array<i64: 10240, 128>}, {pipeline_mode = #tpu.pipeline_mode<synchronous>, transform_indices = @transform_5, window_bounds = array<i64: 10240, 128>}]} {
    %mul3A = arith.constant 256 : i32
    %mul3A_0 = arith.muli %arg0, %mul3A : i32
    %min3A = arith.constant 9744 : i32
    %min3A_1 = arith.minsi %mul3A_0, %min3A : i32
    %get3A = arith.index_cast %min3A_1 : i32 to index
    %get3A_2 = arith.constant 0 : index
    %get3A_3 = vector.load %arg1[%get3A, %get3A_2] : memref<10000x153xf32, #tpu.memory_space<vmem>>, vector<256x153xf32>
    %get3A_4 = arith.constant 0 : index
    %get3A_5 = arith.constant 0 : index
    %get3A_6 = vector.load %arg2[%get3A_4, %get3A_5] : memref<153x128xf32, #tpu.memory_space<vmem>>, vector<153x128xf32>
    %dot_general3A = arith.constant dense<0.000000e+00> : vector<256x128xf32>
    %dot_general3A_7 = tpu.matmul %get3A_3, %get3A_6, %dot_general3A {dimension_numbers = #tpu.dot_dimension_numbers<[1], [0], [0], [1], [0, 0, 1, 1], [], []>, transpose_lhs_hint = false} : vector<256x153xf32>, vector<153x128xf32>, vector<256x128xf32> -> vector<256x128xf32>
    %get3A_8 = arith.constant 0 : index
    %get3A_9 = vector.load %arg4[%get3A_8] : memref<128xf32, #tpu.memory_space<vmem>>, vector<128xf32>
    %broadcast_in_dim3A = vector.shape_cast %get3A_9 : vector<128xf32> to vector<1x128xf32>
    %add3A = vector.broadcast %broadcast_in_dim3A : vector<1x128xf32> to vector<256x128xf32>
    %add3A_10 = arith.addf %dot_general3A_7, %add3A : vector<256x128xf32>
    %swap3A = arith.index_cast %min3A_1 : i32 to index
    %swap3A_11 = arith.constant 0 : index
    %swap3A_12 = vector.load %arg5[%swap3A, %swap3A_11] : memref<10240x128xf32, #tpu.memory_space<vmem>>, vector<256x128xf32>
    tpu.vector_store %arg5[%swap3A, %swap3A_11], %add3A_10 {strides = array<i32>} : memref<10240x128xf32, #tpu.memory_space<vmem>>, vector<256x128xf32>,
    %get3A_13 = arith.constant 0 : index
    %get3A_14 = arith.constant 0 : index
    %get3A_15 = vector.load %arg3[%get3A_13, %get3A_14] : memref<153x128xf32, #tpu.memory_space<vmem>>, vector<153x128xf32>
    %dot_general3A_16 = arith.constant dense<0.000000e+00> : vector<256x128xf32>
    %dot_general3A_17 = tpu.matmul %get3A_3, %get3A_15, %dot_general3A_16 {dimension_numbers = #tpu.dot_dimension_numbers<[1], [0], [0], [1], [0, 0, 1, 1], [], []>, transpose_lhs_hint = false} : vector<256x153xf32>, vector<153x128xf32>, vector<256x128xf32> -> vector<256x128xf32>
    %swap3A_18 = arith.index_cast %min3A_1 : i32 to index
    %swap3A_19 = arith.constant 0 : index
    %swap3A_20 = vector.load %arg6[%swap3A_18, %swap3A_19] : memref<10240x128xf32, #tpu.memory_space<vmem>>, vector<256x128xf32>
    tpu.vector_store %arg6[%swap3A_18, %swap3A_19], %dot_general3A_17 {strides = array<i32>} : memref<10240x128xf32, #tpu.memory_space<vmem>>, vector<256x128xf32>,
    return
  }
  func.func @transform_0(%arg0: i32) -> (i32, i32) {
    %c0_i32 = arith.constant 0 : i32
    %c0_i32_0 = arith.constant 0 : i32
    %c0_i32_1 = arith.constant 0 : i32
    return %c0_i32, %c0_i32_0 : i32, i32
  }
  func.func @transform_1(%arg0: i32) -> (i32, i32) {
    %c0_i32 = arith.constant 0 : i32
    %c0_i32_0 = arith.constant 0 : i32
    %c0_i32_1 = arith.constant 0 : i32
    return %c0_i32, %c0_i32_0 : i32, i32
  }
  func.func @transform_2(%arg0: i32) -> (i32, i32) {
    %c0_i32 = arith.constant 0 : i32
    %c0_i32_0 = arith.constant 0 : i32
    %c0_i32_1 = arith.constant 0 : i32
    return %c0_i32, %c0_i32_0 : i32, i32
  }
  func.func @transform_3(%arg0: i32) -> i32 {
    %c0_i32 = arith.constant 0 : i32
    %c0_i32_0 = arith.constant 0 : i32
    return %c0_i32 : i32
  }
  func.func @transform_4(%arg0: i32) -> (i32, i32) {
    %c0_i32 = arith.constant 0 : i32
    %c0_i32_0 = arith.constant 0 : i32
    %c0_i32_1 = arith.constant 0 : i32
    return %c0_i32, %c0_i32_0 : i32, i32
  }
  func.func @transform_5(%arg0: i32) -> (i32, i32) {
    %c0_i32 = arith.constant 0 : i32
    %c0_i32_0 = arith.constant 0 : i32
    %c0_i32_1 = arith.constant 0 : i32
    return %c0_i32, %c0_i32_0 : i32, i32
  }
}

module attributes {stable_mosaic.version = 14 : i64} {
  func.func @_vis_body(%arg0: i32, %arg1: memref<256x128xf32, #tpu.memory_space<vmem>>, %arg2: memref<256x128xf32, #tpu.memory_space<vmem>>, %arg3: memref<256x8xf32, #tpu.memory_space<vmem>>, %arg4: memref<32x128xf32, #tpu.memory_space<vmem>>, %arg5: memref<128x128xf32, #tpu.memory_space<vmem>>, %arg6: memref<128xf32, #tpu.memory_space<vmem>>, %arg7: memref<128xf32, #tpu.memory_space<vmem>>, %arg8: memref<128xf32, #tpu.memory_space<vmem>>, %arg9: memref<128x128xf32, #tpu.memory_space<vmem>>, %arg10: memref<128xf32, #tpu.memory_space<vmem>>, %arg11: memref<256x1xf32, #tpu.memory_space<vmem>>) attributes {dimension_semantics = [#tpu.dimension_semantics<arbitrary>], iteration_bounds = array<i64: 40>, scalar_prefetch = 0 : i64, scratch_operands = 0 : i64, tpu.core_type = #tpu.core_type<tc>, window_params = [{transform_indices = @transform_0, window_bounds = array<i64: 256, 128>}, {transform_indices = @transform_1, window_bounds = array<i64: 256, 128>}, {transform_indices = @transform_2, window_bounds = array<i64: 256, 8>}, {pipeline_mode = #tpu.pipeline_mode<synchronous>, transform_indices = @transform_3, window_bounds = array<i64: 32, 128>}, {pipeline_mode = #tpu.pipeline_mode<synchronous>, transform_indices = @transform_4, window_bounds = array<i64: 128, 128>}, {pipeline_mode = #tpu.pipeline_mode<synchronous>, transform_indices = @transform_5, window_bounds = array<i64: 128>}, {pipeline_mode = #tpu.pipeline_mode<synchronous>, transform_indices = @transform_6, window_bounds = array<i64: 128>}, {pipeline_mode = #tpu.pipeline_mode<synchronous>, transform_indices = @transform_7, window_bounds = array<i64: 128>}, {pipeline_mode = #tpu.pipeline_mode<synchronous>, transform_indices = @transform_8, window_bounds = array<i64: 128, 128>}, {pipeline_mode = #tpu.pipeline_mode<synchronous>, transform_indices = @transform_9, window_bounds = array<i64: 128>}, {transform_indices = @transform_10, window_bounds = array<i64: 256, 1>}]} {
    %get3A = arith.constant 0 : index
    %get3A_0 = arith.constant 0 : index
    %get3A_1 = vector.load %arg1[%get3A, %get3A_0] : memref<256x128xf32, #tpu.memory_space<vmem>>, vector<256x128xf32>
    %get3A_2 = arith.constant 0 : index
    %get3A_3 = arith.constant 0 : index
    %get3A_4 = vector.load %arg2[%get3A_2, %get3A_3] : memref<256x128xf32, #tpu.memory_space<vmem>>, vector<256x128xf32>
    %add3A = arith.addf %get3A_1, %get3A_4 : vector<256x128xf32>
    %max3A = arith.constant 0.000000e+00 : f32
    %max3A_5 = vector.broadcast %max3A : f32 to vector<256x128xf32>
    %max3A_6 = arith.maximumf %add3A, %max3A_5 : vector<256x128xf32>
    %get3A_7 = arith.constant 0 : index
    %get3A_8 = arith.constant 0 : index
    %get3A_9 = vector.load %arg5[%get3A_7, %get3A_8] : memref<128x128xf32, #tpu.memory_space<vmem>>, vector<128x128xf32>
    %dot_general3A = arith.constant dense<0.000000e+00> : vector<256x128xf32>
    %dot_general3A_10 = tpu.matmul %max3A_6, %get3A_9, %dot_general3A {dimension_numbers = #tpu.dot_dimension_numbers<[1], [0], [0], [1], [0, 0, 1, 1], [], []>, transpose_lhs_hint = false} : vector<256x128xf32>, vector<128x128xf32>, vector<256x128xf32> -> vector<256x128xf32>
    %get3A_11 = arith.constant 0 : index
    %get3A_12 = vector.load %arg6[%get3A_11] : memref<128xf32, #tpu.memory_space<vmem>>, vector<128xf32>
    %broadcast_in_dim3A = vector.shape_cast %get3A_12 : vector<128xf32> to vector<1x128xf32>
    %add3A_13 = vector.broadcast %broadcast_in_dim3A : vector<1x128xf32> to vector<256x128xf32>
    %add3A_14 = arith.addf %dot_general3A_10, %add3A_13 : vector<256x128xf32>
    %reduce_sum3A = arith.constant dense<0.000000e+00> : vector<256xf32>
    %reduce_sum3A_15 = vector.multi_reduction <add>, %add3A_14, %reduce_sum3A [1] : vector<256x128xf32> to vector<256xf32>
    %broadcast_in_dim3A_16 = vector.shape_cast %reduce_sum3A_15 : vector<256xf32> to vector<256x1xf32>
    %div3A = arith.constant 1.280000e+02 : f32
    %div3A_17 = vector.broadcast %div3A : f32 to vector<256x1xf32>
    %div3A_18 = arith.divf %broadcast_in_dim3A_16, %div3A_17 : vector<256x1xf32>
    %sub3A = vector.broadcast %div3A_18 : vector<256x1xf32> to vector<256x128xf32>
    %sub3A_19 = arith.subf %add3A_14, %sub3A : vector<256x128xf32>
    %integer_pow3A = arith.mulf %sub3A_19, %sub3A_19 : vector<256x128xf32>
    %reduce_sum3A_20 = arith.constant dense<0.000000e+00> : vector<256xf32>
    %reduce_sum3A_21 = vector.multi_reduction <add>, %integer_pow3A, %reduce_sum3A_20 [1] : vector<256x128xf32> to vector<256xf32>
    %broadcast_in_dim3A_22 = vector.shape_cast %reduce_sum3A_21 : vector<256xf32> to vector<256x1xf32>
    %div3A_23 = arith.constant 1.280000e+02 : f32
    %div3A_24 = vector.broadcast %div3A_23 : f32 to vector<256x1xf32>
    %div3A_25 = arith.divf %broadcast_in_dim3A_22, %div3A_24 : vector<256x1xf32>
    %sub3A_26 = vector.broadcast %div3A_18 : vector<256x1xf32> to vector<256x128xf32>
    %sub3A_27 = arith.subf %add3A_14, %sub3A_26 : vector<256x128xf32>
    %add3A_28 = arith.constant 9.99999974E-6 : f32
    %add3A_29 = vector.broadcast %add3A_28 : f32 to vector<256x1xf32>
    %add3A_30 = arith.addf %div3A_25, %add3A_29 : vector<256x1xf32>
    %sqrt3A = math.sqrt %add3A_30 : vector<256x1xf32>
    %div3A_31 = vector.broadcast %sqrt3A : vector<256x1xf32> to vector<256x128xf32>
    %div3A_32 = arith.divf %sub3A_27, %div3A_31 : vector<256x128xf32>
    %get3A_33 = arith.constant 0 : index
    %get3A_34 = vector.load %arg7[%get3A_33] : memref<128xf32, #tpu.memory_space<vmem>>, vector<128xf32>
    %broadcast_in_dim3A_35 = vector.shape_cast %get3A_34 : vector<128xf32> to vector<1x128xf32>
    %mul3A = vector.broadcast %broadcast_in_dim3A_35 : vector<1x128xf32> to vector<256x128xf32>
    %mul3A_36 = arith.mulf %div3A_32, %mul3A : vector<256x128xf32>
    %get3A_37 = arith.constant 0 : index
    %get3A_38 = vector.load %arg8[%get3A_37] : memref<128xf32, #tpu.memory_space<vmem>>, vector<128xf32>
    %broadcast_in_dim3A_39 = vector.shape_cast %get3A_38 : vector<128xf32> to vector<1x128xf32>
    %add3A_40 = vector.broadcast %broadcast_in_dim3A_39 : vector<1x128xf32> to vector<256x128xf32>
    %add3A_41 = arith.addf %mul3A_36, %add3A_40 : vector<256x128xf32>
    %max3A_42 = arith.constant 0.000000e+00 : f32
    %max3A_43 = vector.broadcast %max3A_42 : f32 to vector<256x128xf32>
    %max3A_44 = arith.maximumf %add3A_41, %max3A_43 : vector<256x128xf32>
    %get3A_45 = arith.constant 0 : index
    %get3A_46 = arith.constant 0 : index
    %get3A_47 = vector.load %arg9[%get3A_45, %get3A_46] : memref<128x128xf32, #tpu.memory_space<vmem>>, vector<128x128xf32>
    %dot_general3A_48 = arith.constant dense<0.000000e+00> : vector<256x128xf32>
    %dot_general3A_49 = tpu.matmul %max3A_44, %get3A_47, %dot_general3A_48 {dimension_numbers = #tpu.dot_dimension_numbers<[1], [0], [0], [1], [0, 0, 1, 1], [], []>, transpose_lhs_hint = false} : vector<256x128xf32>, vector<128x128xf32>, vector<256x128xf32> -> vector<256x128xf32>
    %get3A_50 = arith.constant 0 : index
    %get3A_51 = vector.load %arg10[%get3A_50] : memref<128xf32, #tpu.memory_space<vmem>>, vector<128xf32>
    %broadcast_in_dim3A_52 = vector.shape_cast %get3A_51 : vector<128xf32> to vector<1x128xf32>
    %add3A_53 = vector.broadcast %broadcast_in_dim3A_52 : vector<1x128xf32> to vector<256x128xf32>
    %add3A_54 = arith.addf %dot_general3A_49, %add3A_53 : vector<256x128xf32>
    %get3A_55 = arith.constant 0 : index
    %get3A_56 = arith.constant 0 : index
    %get3A_57 = vector.load %arg3[%get3A_55, %get3A_56] : memref<256x8xf32, #tpu.memory_space<vmem>>, vector<256x8xf32>
    %slice3A = vector.extract_strided_slice %get3A_57 {offsets = [0, 4], sizes = [256, 1], strides = [1, 1]} : vector<256x8xf32> to vector<256x1xf32>
    %iota3A = tpu.iota {dimensions = array<i32: 1>} : vector<256x32xi32>
    %convert_element_type3A = arith.sitofp %iota3A : vector<256x32xi32> to vector<256x32xf32>
    %eq3A = vector.broadcast %slice3A : vector<256x1xf32> to vector<256x32xf32>
    %eq3A_58 = arith.cmpf oeq, %eq3A, %convert_element_type3A : vector<256x32xf32>
    %convert_element_type3A_59 = arith.extui %eq3A_58 : vector<256x32xi1> to vector<256x32xi32>
    %convert_element_type3A_60 = arith.sitofp %convert_element_type3A_59 : vector<256x32xi32> to vector<256x32xf32>
    %get3A_61 = arith.constant 0 : index
    %get3A_62 = arith.constant 0 : index
    %get3A_63 = vector.load %arg4[%get3A_61, %get3A_62] : memref<32x128xf32, #tpu.memory_space<vmem>>, vector<32x128xf32>
    %dot_general3A_64 = arith.constant dense<0.000000e+00> : vector<256x128xf32>
    %dot_general3A_65 = tpu.matmul %convert_element_type3A_60, %get3A_63, %dot_general3A_64 {dimension_numbers = #tpu.dot_dimension_numbers<[1], [0], [0], [1], [0, 0, 1, 1], [], []>, transpose_lhs_hint = false} : vector<256x32xf32>, vector<32x128xf32>, vector<256x128xf32> -> vector<256x128xf32>
    %mul3A_66 = arith.mulf %add3A_54, %dot_general3A_65 : vector<256x128xf32>
    %reduce_sum3A_67 = arith.constant dense<0.000000e+00> : vector<256xf32>
    %reduce_sum3A_68 = vector.multi_reduction <add>, %mul3A_66, %reduce_sum3A_67 [1] : vector<256x128xf32> to vector<256xf32>
    %broadcast_in_dim3A_69 = vector.shape_cast %reduce_sum3A_68 : vector<256xf32> to vector<256x1xf32>
    %mul3A_70 = arith.mulf %add3A_54, %add3A_54 : vector<256x128xf32>
    %reduce_sum3A_71 = arith.constant dense<0.000000e+00> : vector<256xf32>
    %reduce_sum3A_72 = vector.multi_reduction <add>, %mul3A_70, %reduce_sum3A_71 [1] : vector<256x128xf32> to vector<256xf32>
    %broadcast_in_dim3A_73 = vector.shape_cast %reduce_sum3A_72 : vector<256xf32> to vector<256x1xf32>
    %sqrt3A_74 = math.sqrt %broadcast_in_dim3A_73 : vector<256x1xf32>
    %mul3A_75 = arith.mulf %dot_general3A_65, %dot_general3A_65 : vector<256x128xf32>
    %reduce_sum3A_76 = arith.constant dense<0.000000e+00> : vector<256xf32>
    %reduce_sum3A_77 = vector.multi_reduction <add>, %mul3A_75, %reduce_sum3A_76 [1] : vector<256x128xf32> to vector<256xf32>
    %broadcast_in_dim3A_78 = vector.shape_cast %reduce_sum3A_77 : vector<256xf32> to vector<256x1xf32>
    %sqrt3A_79 = math.sqrt %broadcast_in_dim3A_78 : vector<256x1xf32>
    %mul3A_80 = arith.mulf %sqrt3A_74, %sqrt3A_79 : vector<256x1xf32>
    %add3A_81 = arith.constant 9.99999993E-9 : f32
    %add3A_82 = vector.broadcast %add3A_81 : f32 to vector<256x1xf32>
    %add3A_83 = arith.addf %mul3A_80, %add3A_82 : vector<256x1xf32>
    %div3A_84 = arith.divf %broadcast_in_dim3A_69, %add3A_83 : vector<256x1xf32>
    %swap3A = arith.constant 0 : index
    %swap3A_85 = arith.constant 0 : index
    %swap3A_86 = vector.load %arg11[%swap3A, %swap3A_85] : memref<256x1xf32, #tpu.memory_space<vmem>>, vector<256x1xf32>
    tpu.vector_store %arg11[%swap3A, %swap3A_85], %div3A_84 {strides = array<i32>} : memref<256x1xf32, #tpu.memory_space<vmem>>, vector<256x1xf32>,
    return
  }
  func.func @transform_0(%arg0: i32) -> (i32, i32) {
    %c0_i32 = arith.constant 0 : i32
    %c0_i32_0 = arith.constant 0 : i32
    return %arg0, %c0_i32 : i32, i32
  }
  func.func @transform_1(%arg0: i32) -> (i32, i32) {
    %c0_i32 = arith.constant 0 : i32
    %c0_i32_0 = arith.constant 0 : i32
    return %arg0, %c0_i32 : i32, i32
  }
  func.func @transform_2(%arg0: i32) -> (i32, i32) {
    %c0_i32 = arith.constant 0 : i32
    %c0_i32_0 = arith.constant 0 : i32
    return %arg0, %c0_i32 : i32, i32
  }
  func.func @transform_3(%arg0: i32) -> (i32, i32) {
    %c0_i32 = arith.constant 0 : i32
    %c0_i32_0 = arith.constant 0 : i32
    %c0_i32_1 = arith.constant 0 : i32
    return %c0_i32, %c0_i32_0 : i32, i32
  }
  func.func @transform_4(%arg0: i32) -> (i32, i32) {
    %c0_i32 = arith.constant 0 : i32
    %c0_i32_0 = arith.constant 0 : i32
    %c0_i32_1 = arith.constant 0 : i32
    return %c0_i32, %c0_i32_0 : i32, i32
  }
  func.func @transform_5(%arg0: i32) -> i32 {
    %c0_i32 = arith.constant 0 : i32
    %c0_i32_0 = arith.constant 0 : i32
    return %c0_i32 : i32
  }
  func.func @transform_6(%arg0: i32) -> i32 {
    %c0_i32 = arith.constant 0 : i32
    %c0_i32_0 = arith.constant 0 : i32
    return %c0_i32 : i32
  }
  func.func @transform_7(%arg0: i32) -> i32 {
    %c0_i32 = arith.constant 0 : i32
    %c0_i32_0 = arith.constant 0 : i32
    return %c0_i32 : i32
  }
  func.func @transform_8(%arg0: i32) -> (i32, i32) {
    %c0_i32 = arith.constant 0 : i32
    %c0_i32_0 = arith.constant 0 : i32
    %c0_i32_1 = arith.constant 0 : i32
    return %c0_i32, %c0_i32_0 : i32, i32
  }
  func.func @transform_9(%arg0: i32) -> i32 {
    %c0_i32 = arith.constant 0 : i32
    %c0_i32_0 = arith.constant 0 : i32
    return %c0_i32 : i32
  }
  func.func @transform_10(%arg0: i32) -> (i32, i32) {
    %c0_i32 = arith.constant 0 : i32
    %c0_i32_0 = arith.constant 0 : i32
    return %arg0, %c0_i32 : i32, i32
  }
}

</mosaic_0001>

<sc_bundles>
// kernel: kernel.7.cloned.1.call-start
scs
__scs_entry_jumppad:
0x0: {  	(pc) =	sbr.rel $0x88, $3  }
0x1: {  	(tag) =	ssettag $0x0;
	lr =	simm.s32 $0x1  }
0x2: {  	[smem:$0x3F8F] =	sst lr;
	_ =	strace $0xD0000000  }
0x3: {  	_ = 	snop  }
0x4: {  	_ = 	snop  }
0x5: {  	_ = 	snop  }
0x6: {  	_ = 	snop  }
0x7: {  	_ = 	snop  }
__scs_overlays_trampoline_lowered:
0x8: {  	[smem:$0x3F9E] =	sst s0  }
0x9: {  	[smem:$0x3F9F] =	sst s1  }
0xa: {  	[smem:$0x3FA0] =	sst s2  }
0xb: {  	[smem:$0x3FA1] =	sst s3  }
0xc: {  	[smem:$0x3FA2] =	sst s4  }
0xd: {  	[smem:$0x3FA3] =	sst s5  }
0xe: {  	[smem:$0x3FA4] =	sst s6  }
0xf: {  	[smem:$0x3FA5] =	sst s7  }
0x10: {  	[smem:$0x3FA6] =	sst s8  }
0x11: {  	[smem:$0x3FA7] =	sst s9;
	s0 =	simm.s32 @!p0 $0x0  }
0x12: {  	s1 =	sld [smem:$0x3F8D];
	s0 =	simm.s32 @p0 $0x1  }
0x13: {  	[smem:$0x3FA8] =	sst s0;
	s0 =	simm.s32 @!p1 $0x0  }
0x14: {  	s2 =	sld [smem:$0x3F8C];
	s0 =	simm.s32 @p1 $0x1  }
0x15: {  	[smem:$0x3FA9] =	sst s0;
	s0 =	simm.s32 @!p2 $0x0  }
0x16: {  	s3 =	sld [smem:$0x3FDB];
	s0 =	simm.s32 @p2 $0x1  }
0x17: {  	s4 =	simm.s32 $0x1BF5;
	[smem:$0x3FAB] =	sst s0  }
0x18: {  	s0 =	sld [smem:$0x3F8E];
	_ =	swait.ge [sflag:s4], $0x0  }
0x19: {  	s7 =	sld [smem:$0x3F8F]  }
0x1a: {  	s8 =	sadd.s32 $0xFFFFE003, lr  }
0x1b: {  	s9 =	sadd.s32 $0xFFFFFEF7, lr;
	s5 =	simm.s32 $0xFFFFFFFF;
	p2 =	slt.u32 s8, $0xFFFFF086  }
0x1c: {  	p1 =	slt.u32 s9, $0xF7A;
	s5 =	simm.s32 @!p2 $0x0  }
0x1d: {  	s5 =	simm.s32 @p1 $0x1;
	p0 =	seq.s32 s7, s2  }
0x1e: {  	s7 =	smul.u32 @!p0 $0xF7A, s2;
	p2 =	seq.s32 @!p0 s5, $0x0  }
0x1f: {  	s9 =	smul.u32 $0xF7A, s1;
	s8 =	simm.s32 @!p0 $0x1BF5;
	p2 =	por !p2, p0  }
0x20: {  	[sflag:s8] =	ssyncset.s32 @!p0 $0xFFFFF086;
	s6 =	sadd.s32 @!p0 s3, s7;
	s7 =	simm.s32 @!p0 $0x108  }
0x21: {  	s3 =	sadd.s32 s3, s9;
	s6 =	sadd.s32 @!p0 $0x88, s6;
	s7 =	simm.s32 @p2 $0x1082  }
0x22: {  	[simem:s7], [sflag:s8] =	dma.local @!p0 [hbm:s6], $0xF7A  }
0x23: {  	s9 =	sor.u32 $0xD0000000, s2;
	s6 =	simm.s32 $0x108;
	_ =	swait.ge @!p0 [sflag:s8], $0x0  }
0x24: {  	s3 =	sadd.s32 $0x88, s3;
	s6 =	simm.s32 @!p1 $0x1082;
	[sflag:s4] =	ssyncset.s32 $0xFFFFF086  }
0x25: {  	[simem:s6], [sflag:s4] =	dma.local [hbm:s3], $0xF7A  }
0x26: {  	[smem:$0x3F8F] =	sst s1;
	(tag) =	ssettag s2;
	_ =	strace s9  }
0x27: {  	s1 =	sld [smem:$0x3F9F]  }
0x28: {  	s2 =	sld [smem:$0x3FA0]  }
0x29: {  	s4 =	sld [smem:$0x3FA2]  }
0x2a: {  	p0 =	seq.s32 s5, $0x0;
	s5 =	sld [smem:$0x3FA3]  }
0x2b: {  	s6 =	sld [smem:$0x3FA4]  }
0x2c: {  	s7 =	sld [smem:$0x3FA5]  }
0x2d: {  	s3 =	simm.s32 $0x108;
	s8 =	sld [smem:$0x3FA6]  }
0x2e: {  	s3 =	simm.s32 @!p0 $0x1082;
	s9 =	sld [smem:$0x3FA7]  }
0x2f: {  	lr =	sadd.s32 s0, s3;
	s0 =	sld [smem:$0x3F9E]  }
0x30: {  	s3 =	sld [smem:$0x3FA1]  }
0x31: {  	[smem:$0x3FAA] =	sst s10  }
0x32: {  	s10 =	sld [smem:$0x3FA8];
	_ =	sdelay $0x3  }
0x33: {  	p0 =	seq.s32 s10, $0x1;
	s10 =	sld [smem:$0x3FAA];
	_ =	sdelay $0x3  }
0x34: {  	[smem:$0x3FAA] =	sst s10  }
0x35: {  	s10 =	sld [smem:$0x3FA9];
	_ =	sdelay $0x3  }
0x36: {  	p1 =	seq.s32 s10, $0x1;
	s10 =	sld [smem:$0x3FAA];
	_ =	sdelay $0x3  }
0x37: {  	[smem:$0x3FAA] =	sst s10  }
0x38: {  	s10 =	sld [smem:$0x3FAB]  }
0x39: {  	_ = 	snop;
	(pc) =	sbr.ind lr, $3  }
0x3a: {  	_ = 	snop  }
0x3b: {  	_ = 	snop  }
0x3c: {  	p2 =	seq.s32 s10, $0x1;
	s10 =	sld [smem:$0x3FAA]  }
0x3d: {  	_ =	shalt  }
0x3e: {  	_ =	shalt  }
0x3f: {  	_ =	shalt  }
0x40: {  	_ =	shalt  }
0x41: {  	_ =	shalt  }
0x42: {  	_ =	shalt  }
0x43: {  	_ =	shalt  }
0x44: {  	_ =	shalt  }
0x45: {  	_ =	shalt  }
0x46: {  	_ =	shalt  }
0x47: {  	_ =	shalt  }
0x48: {  	_ =	shalt  }
0x49: {  	_ =	shalt  }
0x4a: {  	_ =	shalt  }
0x4b: {  	_ =	shalt  }
0x4c: {  	_ =	shalt  }
0x4d: {  	_ =	shalt  }
0x4e: {  	_ =	shalt  }
0x4f: {  	_ =	shalt  }
0x50: {  	_ =	shalt  }
0x51: {  	_ =	shalt  }
0x52: {  	_ =	shalt  }
0x53: {  	_ =	shalt  }
0x54: {  	_ =	shalt  }
0x55: {  	_ =	shalt  }
0x56: {  	_ =	shalt  }
0x57: {  	_ =	shalt  }
0x58: {  	_ =	shalt  }
0x59: {  	_ =	shalt  }
0x5a: {  	_ =	shalt  }
0x5b: {  	_ =	shalt  }
0x5c: {  	_ =	shalt  }
0x5d: {  	_ =	shalt  }
0x5e: {  	_ =	shalt  }
0x5f: {  	_ =	shalt  }
0x60: {  	_ =	shalt  }
0x61: {  	_ =	shalt  }
0x62: {  	_ =	shalt  }
0x63: {  	_ =	shalt  }
0x64: {  	_ =	shalt  }
0x65: {  	_ =	shalt  }
0x66: {  	_ =	shalt  }
0x67: {  	_ =	shalt  }
0x68: {  	_ =	shalt  }
0x69: {  	_ =	shalt  }
0x6a: {  	_ =	shalt  }
0x6b: {  	_ =	shalt  }
0x6c: {  	_ =	shalt  }
0x6d: {  	_ =	shalt  }
0x6e: {  	_ =	shalt  }
0x6f: {  	_ =	shalt  }
0x70: {  	_ =	shalt  }
0x71: {  	_ =	shalt  }
0x72: {  	_ =	shalt  }
0x73: {  	_ =	shalt  }
0x74: {  	_ =	shalt  }
0x75: {  	_ =	shalt  }
0x76: {  	_ =	shalt  }
0x77: {  	_ =	shalt  }
0x78: {  	_ =	shalt  }
0x79: {  	_ =	shalt  }
0x7a: {  	_ =	shalt  }
0x7b: {  	_ =	shalt  }
0x7c: {  	_ =	shalt  }
0x7d: {  	_ =	shalt  }
0x7e: {  	_ =	shalt  }
0x7f: {  	_ =	shalt  }
0x80: {  	_ =	shalt  }
0x81: {  	_ =	shalt  }
0x82: {  	_ =	shalt  }
0x83: {  	_ =	shalt  }
0x84: {  	_ =	shalt  }
0x85: {  	_ =	shalt  }
0x86: {  	_ =	shalt  }
0x87: {  	_ =	shalt  }
.Lfunc_end0:
.L_simem_size_0:
called_computation_lowered:
.L_overlay_start_0:
0x88: {  	s2 =	sld [smem:$0x3FD9]  }
0x89: {  	s3 =	sld [smem:$0x3FFE];
	_ =	sdelay $0x1  }
0x8a: {  	s1 =	srdreg.scid  }
0x8b: {  	s0 =	sand.u32 $0x1, s1  }
0x8c: {  	s16 =	sshll.u32 s0, $0xA;
	s2 =	sadd.s32 s3, s2  }
0x8d: {  	s2 =	sadd.s32 s2, s16  }
0x8e: {  	[smem:$0x3FB6] =	sst s2  }
0x8f: {  	_ = 	snop  }
0x90: {  	(tm) =	ssettm $0x1  }
0x91: {  	s17 =	sld [smem:$0x3FFB];
	_ =	sdelay $0x3  }
0x92: {  	_ =	strace s17  }
0x93: {  	s2 =	sld [smem:$0x3FFC];
	_ =	sdelay $0x3  }
0x94: {  	_ =	strace s2  }
0x95: {  	s2 =	sld [smem:$0x3FFD];
	_ =	sdelay $0x3  }
0x96: {  	_ =	strace s2  }
0x97: {  	_ =	strace $0x8FFFFFFF  }
0x98: {  	s18 =	sld [smem:$0x3FDB];
	_ =	sdelay $0x1  }
0x99: {  	s19 =	simm.s32 $_scs_section_size  }
0x9a: {  	s4 =	simm.s32 $_size__tile_overlayer_lowered;
	s5 =	simm.s32 $_tile_overlayer_lowered  }
0x9b: {  	s22 =	simm.s32 $0x1BFF;
	s21 =	sshll.u32 s5, $0x1;
	s2 =	sadd.s32 s19, s18  }
0x9c: {  	s6 =	simm.s32 $0x0;
	s20 =	sshll.u32 s4, $0x1;
	s4 =	sadd.s32 s21, s2  }
0x9d: {  	[timem:s6], [sflag:s22] =	dma.local [hbm:s4], s20  }
0x9e: {  	_ =	swait.ge [sflag:s22], s20  }
0x9f: {  	s3 =	ssub.s32 $0x0, s20;
	[sflag:s22] =	ssyncset.done $0x0  }
0xa0: {  	[sflag:s22] =	ssyncadd.s32 s3;
	_ =	sdelay $0x1  }
0xa1: {  	s23 =	simm.s32 $0x1B8B  }
0xa2: {  	_ =	swait.ge [sflag:s23], $0x1  }
0xa3: {  	[sflag:s23] =	ssyncset.done $0x0  }
0xa4: {  	s25 =	simm.s32 $0x1B8E;
	s24 =	sld [smem:$0x3FFE];
	[sflag:s23] =	ssyncadd.s32 $0xFFFFFFFF  }
0xa5: {  	s26 =	simm.s32 $execute0_lowered;
	[smem:$0x3FD2] =	sst s25  }
0xa6: {  	s4 =	sshll.u32 s26, $0x1;
	_ =	strace $0x80000046;
	[dreg:$0x1] =	wrdreg $0xFFFFFFFF  }
0xa7: {  	s28 =	simm.s32 $_size_execute0_lowered;
	s2 =	sadd.s32 s2, s4;
	[dreg:$0x0] =	wrdreg $0x0  }
0xa8: {  	s4 =	sshll.u32 s28, $0x1;
	[dreg:$0x2] =	wrdreg s2  }
0xa9: {  	[dreg:$0x3] =	wrdreg s4  }
0xaa: {  	[dreg:$0x4] =	wrdreg $0xC0  }
0xab: {  	_ =	task [dreg:s6], $0x5FFFF  }
0xac: {  	[dreg:$0x1] =	wrdreg $0xFFFFFFFF  }
0xad: {  	[dreg:$0x0] =	wrdreg $0x60  }
0xae: {  	[dreg:$0x2] =	wrdreg s24  }
0xaf: {  	[dreg:$0x3] =	wrdreg $0x9  }
0xb0: {  	_ =	task.clear_ibuf [dreg:s6], $0x4FFFF;
	_ =	strace $0x90000046  }
0xb1: {  	s29 =	simm.s32 $0x9;
	_ =	strace $0x80000048  }
0xb2: {  	_ =	swait.ge [sflag:s29], $0x1  }
0xb3: {  	[sflag:s29] =	ssyncadd.s32 $0xFFFFFFFF  }
0xb4: {  	_ =	strace $0x90000048  }
0xb5: {  	_ =	sfence  }
0xb6: {  	s30 =	sld [smem:$0x0];
	_ =	sdelay $0x2  }
0xb7: {  	s31 =	sshll.u32 s1, $0xD;
	s1 =	sshrl.u32 s1, $0x2  }
0xb8: {  	s3 =	sand.u32 $0x4000, s31;
	s1 =	sadd.s32 s1, s30  }
0xb9: {  	s0 =	sor.u32 s3, s0;
	s1 =	sshll.u32 s1, $0x11  }
0xba: {  	s0 =	sor.u32 s1, s0  }
0xbb: {  	s0 =	sadd.s32 $0x8F2B, s0  }
0xbc: {  	[sflag:s0] =	ssyncadd.remote.s32 $0x1  }
0xbd: {  	_ =	sfence.sel $0xFFFF  }
0xbe: {  	[dreg:$0x0] =	wrdreg $0xFFFFFFFF;
	(pc) =	sbr.abs _section_cstart, $3  }
0xbf: {  	[dreg:$0x1] =	wrdreg $0xFFFFFFFF  }
0xc0: {  	_ =	task.clear_ibuf [dreg:s6], $0x2FFFF;
	_ =	strace $0x9FFFFFFF  }
0xc1: {  	(tm) =	ssettm $0x7FFFFFFF  }
tec
execute0_lowered:
.L_overlay_start_1:
0x0: {  	(tag) =	ssettag $0x1  }
0x1: {  	s9 =	rddreg [dreg:$0x0]  }
0x2: {  	s0 =	rddreg [dreg:$0x1]  }
0x3: {  	s2 =	simm.s32 $0x0;
	s3 =	srdreg.scid;
	s1 =	stileid.u32  }
0x4: {  	s11 =	simm.s32 $0x2;
	s12 =	simm.s32 $0x80;
	s13 =	simm.s32 $0x100  }
0x5: {  	s14 =	simm.s32 $0x180;
	s15 =	simm.s32 $0x200;
	s16 =	simm.s32 $0x4200  }
0x6: {  	s17 =	simm.s32 $0x8200;
	s18 =	simm.s32 $0xC200;
	s19 =	simm.s32 $0x1  }
0x7: {  	s20 =	simm.s32 $0x10200;
	s21 =	simm.s32 $0x0;
	[smem:$0x7FF] =	sst s2  }
0x8: {  	s5 =	sand.u32 $0x1, s3;
	s3 =	sadd.s32 $0x51200, s9;
	s7 =	sshll.u32 s1, $0x1  }
0x9: {  	s4 =	sadd.s32 $0x2C00, s9;
	_ =	strace $0x80000047;
	s6 =	ssub.s32 $0x2, s5  }
0xa: {  	s7 =	sor.u32 s5, s7;
	s5 =	sadd.s32 $0x56200, s9;
	s8 =	sshrl.u32 s6, $0x1  }
0xb: {  	s10 =	ssub.s32 s6, s8;
	s6 =	smul.u32 $0x140, s7;
	s7 =	sadd.s32 $0x51210, s9  }
0xc: {  	s8 =	sadd.s32 $0x51220, s9;
	s9 =	sadd.s32 $0x51230, s9;
	s10 =	smax.u32 s10, $0x1  }
.LBB2_1:
0xd: {  	s22 =	simm.s32 $0x0  }
.LBB2_2:
0xe: {  	s23 =	sshll.u32 s22, $0x5  }
0xf: {  	s23 =	sadd.s32 s6, s23  }
0x10: {  	s25 =	sshll.u32 s23, $0x1  }
0x11: {  	s24 =	simm.s32 $0x0;
	s26 =	sadd.s32 s3, s25  }
0x12: {  	[tilespmem:s24], [sflag:$0x2] =	stream.linear.gather [hbm4b:s26+s24], $0x80, $0x38;
	[tilespmem:$0x11200] =	vst v63  }
0x13: {  	_ =	swait.ge [sflag:s11], $0x80  }
0x14: {  	[sflag:s11] =	ssyncset.done $0x0  }
0x15: {  	s30 =	sadd.s32 s25, s7;
	[sflag:s11] =	ssyncadd.s32 $0xFFFFFF80  }
0x16: {  	[tilespmem:s12], [sflag:$0x2] =	stream.linear.gather [hbm4b:s30+s24], $0x80, $0x38;
	[tilespmem:$0x11200] =	vst v63  }
0x17: {  	_ =	swait.ge [sflag:s11], $0x80  }
0x18: {  	[sflag:s11] =	ssyncset.done $0x0  }
0x19: {  	s31 =	sadd.s32 s25, s8;
	[sflag:s11] =	ssyncadd.s32 $0xFFFFFF80  }
0x1a: {  	[tilespmem:s13], [sflag:$0x2] =	stream.linear.gather [hbm4b:s31+s24], $0x80, $0x38;
	[tilespmem:$0x11200] =	vst v63  }
0x1b: {  	_ =	swait.ge [sflag:s11], $0x80  }
0x1c: {  	[sflag:s11] =	ssyncset.done $0x0  }
0x1d: {  	s25 =	sadd.s32 s25, s9;
	[sflag:s11] =	ssyncadd.s32 $0xFFFFFF80  }
0x1e: {  	[tilespmem:s14], [sflag:$0x2] =	stream.linear.gather [hbm4b:s25+s24], $0x80, $0x38;
	[tilespmem:$0x11200] =	vst v63  }
0x1f: {  	_ =	swait.ge [sflag:s11], $0x80  }
0x20: {  	[sflag:s11] =	ssyncset.done $0x0  }
0x21: {  	[sflag:s11] =	ssyncadd.s32 $0xFFFFFF80  }
0x22: {  	[tilespmem:s15], [sflag:$0x1] =	stream.indirect.gather [hbm4b:s4+s12], $0x80, s24, s12, $0xb8;
	[tilespmem:$0x11200] =	vst v63  }
0x23: {  	_ = 	snop  }
0x24: {  	[tilespmem:s16], [sflag:$0x1] =	stream.indirect.gather [hbm4b:s4+s12], $0x80, s12, s12, $0xb8;
	[tilespmem:$0x11200] =	vst v63  }
0x25: {  	_ = 	snop  }
0x26: {  	[tilespmem:s17], [sflag:$0x1] =	stream.indirect.gather [hbm4b:s4+s12], $0x80, s13, s12, $0xb8;
	[tilespmem:$0x11200] =	vst v63  }
0x27: {  	_ = 	snop  }
0x28: {  	[tilespmem:s18], [sflag:$0x1] =	stream.indirect.gather [hbm4b:s4+s12], $0x80, s14, s12, $0xb8;
	[tilespmem:$0x11200] =	vst v63  }
0x29: {  	_ =	swait.ge [sflag:s19], $0x4000  }
0x2a: {  	[sflag:s19] =	ssyncset.done $0x0  }
0x2b: {  	[sflag:s19] =	ssyncadd.s32 $0xFFFFC000  }
0x2c: {  	_ =	swait.ge [sflag:s19], $0x4000  }
0x2d: {  	[sflag:s19] =	ssyncset.done $0x0  }
0x2e: {  	[sflag:s19] =	ssyncadd.s32 $0xFFFFC000  }
0x2f: {  	_ =	swait.ge [sflag:s19], $0x4000  }
0x30: {  	[sflag:s19] =	ssyncset.done $0x0  }
0x31: {  	[sflag:s19] =	ssyncadd.s32 $0xFFFFC000  }
0x32: {  	_ =	swait.ge [sflag:s19], $0x4000  }
0x33: {  	[sflag:s19] =	ssyncset.done $0x0  }
0x34: {  	s26 =	simm.s32 $0x0;
	s25 =	simm.s32 $0x600;
	[sflag:s19] =	ssyncadd.s32 $0xFFFFC000  }
.LBB2_3:
0x35: {  	v0 =	vld [tilespmem:s25+$0xFFFFFC00]  }
0x36: {  	v1 =	vld [tilespmem:s25+$0xFFFFFC80]  }
0x37: {  	v2 =	vld [tilespmem:s25+$0xFFFFFD00]  }
0x38: {  	v3 =	vld [tilespmem:s25+$0xFFFFFD80]  }
0x39: {  	v4 =	vld [tilespmem:s25+$0xFFFFFE00]  }
0x3a: {  	v5 =	vld [tilespmem:s25+$0xFFFFFE80]  }
0x3b: {  	v61 =	vld [tilespmem:s25+$0xFFFFFF00];
	v0 =	vmax.f32 v0, v1  }
0x3c: {  	v62 =	vld [tilespmem:s25+$0xFFFFFF80];
	v0 =	vmax.f32 v0, v2  }
0x3d: {  	v63 =	vld [tilespmem:s25+$0x0];
	v0 =	vmax.f32 v0, v3  }
0x3e: {  	v8 =	vld [tilespmem:s25+$0x80];
	v0 =	vmax.f32 v0, v4  }
0x3f: {  	v9 =	vld [tilespmem:s25+$0x100];
	v0 =	vmax.f32 v0, v5  }
0x40: {  	v10 =	vld [tilespmem:s25+$0x180];
	v0 =	vmax.f32 v0, v61  }
0x41: {  	v11 =	vld [tilespmem:s25+$0x200];
	v0 =	vmax.f32 v0, v62  }
0x42: {  	v12 =	vld [tilespmem:s25+$0x280];
	v0 =	vmax.f32 v0, v63  }
0x43: {  	v13 =	vld [tilespmem:s25+$0x300];
	v0 =	vmax.f32 v0, v8  }
0x44: {  	v14 =	vld [tilespmem:s25+$0x380];
	v0 =	vmax.f32 v0, v9  }
0x45: {  	v0 =	vmax.f32 v0, v10  }
0x46: {  	v0 =	vmax.f32 v0, v11  }
0x47: {  	v0 =	vmax.f32 v0, v12  }
0x48: {  	v0 =	vmax.f32 v0, v13  }
0x49: {  	s28 =	sshra.s32 s26, $0x2;
	v0 =	vmax.f32 v0, v14  }
0x4a: {  	[tilespmem:s28+$0x10200] =	vst v0  }
0x4b: {  	v0 =	vld [tilespmem:s25+$0xFFFFFC10]  }
0x4c: {  	v15 =	vld [tilespmem:s25+$0xFFFFFC90]  }
0x4d: {  	v16 =	vld [tilespmem:s25+$0xFFFFFD10]  }
0x4e: {  	v17 =	vld [tilespmem:s25+$0xFFFFFD90]  }
0x4f: {  	v18 =	vld [tilespmem:s25+$0xFFFFFE10]  }
0x50: {  	v19 =	vld [tilespmem:s25+$0xFFFFFE90]  }
0x51: {  	v20 =	vld [tilespmem:s25+$0xFFFFFF10];
	v0 =	vmax.f32 v0, v15  }
0x52: {  	v21 =	vld [tilespmem:s25+$0xFFFFFF90];
	v0 =	vmax.f32 v0, v16  }
0x53: {  	v22 =	vld [tilespmem:s25+$0x10];
	v0 =	vmax.f32 v0, v17  }
0x54: {  	v23 =	vld [tilespmem:s25+$0x90];
	v0 =	vmax.f32 v0, v18  }
0x55: {  	v24 =	vld [tilespmem:s25+$0x110];
	v0 =	vmax.f32 v0, v19  }
0x56: {  	v25 =	vld [tilespmem:s25+$0x190];
	v0 =	vmax.f32 v0, v20  }
0x57: {  	v26 =	vld [tilespmem:s25+$0x210];
	v0 =	vmax.f32 v0, v21  }
0x58: {  	v27 =	vld [tilespmem:s25+$0x290];
	v0 =	vmax.f32 v0, v22  }
0x59: {  	v28 =	vld [tilespmem:s25+$0x310];
	v0 =	vmax.f32 v0, v23  }
0x5a: {  	v29 =	vld [tilespmem:s25+$0x390];
	v0 =	vmax.f32 v0, v24  }
0x5b: {  	v0 =	vmax.f32 v0, v25  }
0x5c: {  	v0 =	vmax.f32 v0, v26  }
0x5d: {  	v0 =	vmax.f32 v0, v27  }
0x5e: {  	v0 =	vmax.f32 v0, v28  }
0x5f: {  	v0 =	vmax.f32 v0, v29  }
0x60: {  	[tilespmem:s28+$0x10210] =	vst v0  }
0x61: {  	v0 =	vld [tilespmem:s25+$0xFFFFFC20]  }
0x62: {  	v30 =	vld [tilespmem:s25+$0xFFFFFCA0]  }
0x63: {  	v31 =	vld [tilespmem:s25+$0xFFFFFD20]  }
0x64: {  	v32 =	vld [tilespmem:s25+$0xFFFFFDA0]  }
0x65: {  	v33 =	vld [tilespmem:s25+$0xFFFFFE20]  }
0x66: {  	v34 =	vld [tilespmem:s25+$0xFFFFFEA0]  }
0x67: {  	v35 =	vld [tilespmem:s25+$0xFFFFFF20];
	v0 =	vmax.f32 v0, v30  }
0x68: {  	v36 =	vld [tilespmem:s25+$0xFFFFFFA0];
	v0 =	vmax.f32 v0, v31  }
0x69: {  	v37 =	vld [tilespmem:s25+$0x20];
	v0 =	vmax.f32 v0, v32  }
0x6a: {  	v38 =	vld [tilespmem:s25+$0xA0];
	v0 =	vmax.f32 v0, v33  }
0x6b: {  	v39 =	vld [tilespmem:s25+$0x120];
	v0 =	vmax.f32 v0, v34  }
0x6c: {  	v40 =	vld [tilespmem:s25+$0x1A0];
	v0 =	vmax.f32 v0, v35  }
0x6d: {  	v41 =	vld [tilespmem:s25+$0x220];
	v0 =	vmax.f32 v0, v36  }
0x6e: {  	v42 =	vld [tilespmem:s25+$0x2A0];
	v0 =	vmax.f32 v0, v37  }
0x6f: {  	v43 =	vld [tilespmem:s25+$0x320];
	v0 =	vmax.f32 v0, v38  }
0x70: {  	v44 =	vld [tilespmem:s25+$0x3A0];
	v0 =	vmax.f32 v0, v39  }
0x71: {  	v0 =	vmax.f32 v0, v40  }
0x72: {  	v0 =	vmax.f32 v0, v41  }
0x73: {  	v0 =	vmax.f32 v0, v42  }
0x74: {  	v0 =	vmax.f32 v0, v43  }
0x75: {  	v0 =	vmax.f32 v0, v44  }
0x76: {  	[tilespmem:s28+$0x10220] =	vst v0  }
0x77: {  	v0 =	vld [tilespmem:s25+$0xFFFFFC30]  }
0x78: {  	v45 =	vld [tilespmem:s25+$0xFFFFFCB0]  }
0x79: {  	v46 =	vld [tilespmem:s25+$0xFFFFFD30]  }
0x7a: {  	v47 =	vld [tilespmem:s25+$0xFFFFFDB0]  }
0x7b: {  	v48 =	vld [tilespmem:s25+$0xFFFFFE30]  }
0x7c: {  	v49 =	vld [tilespmem:s25+$0xFFFFFEB0]  }
0x7d: {  	v50 =	vld [tilespmem:s25+$0xFFFFFF30];
	v0 =	vmax.f32 v0, v45  }
0x7e: {  	v51 =	vld [tilespmem:s25+$0xFFFFFFB0];
	v0 =	vmax.f32 v0, v46  }
0x7f: {  	v52 =	vld [tilespmem:s25+$0x30];
	v0 =	vmax.f32 v0, v47  }
0x80: {  	v53 =	vld [tilespmem:s25+$0xB0];
	v0 =	vmax.f32 v0, v48  }
0x81: {  	v54 =	vld [tilespmem:s25+$0x130];
	v0 =	vmax.f32 v0, v49  }
0x82: {  	v55 =	vld [tilespmem:s25+$0x1B0];
	v0 =	vmax.f32 v0, v50  }
0x83: {  	v56 =	vld [tilespmem:s25+$0x230];
	v0 =	vmax.f32 v0, v51  }
0x84: {  	v57 =	vld [tilespmem:s25+$0x2B0];
	v0 =	vmax.f32 v0, v52  }
0x85: {  	v58 =	vld [tilespmem:s25+$0x330];
	v0 =	vmax.f32 v0, v53  }
0x86: {  	v59 =	vld [tilespmem:s25+$0x3B0];
	v0 =	vmax.f32 v0, v54  }
0x87: {  	v0 =	vmax.f32 v0, v55  }
0x88: {  	v0 =	vmax.f32 v0, v56  }
0x89: {  	v0 =	vmax.f32 v0, v57  }
0x8a: {  	v0 =	vmax.f32 v0, v58  }
0x8b: {  	v0 =	vmax.f32 v0, v59  }
0x8c: {  	[tilespmem:s28+$0x10230] =	vst v0  }
0x8d: {  	v0 =	vld [tilespmem:s25+$0xFFFFFC40]  }
0x8e: {  	v60 =	vld [tilespmem:s25+$0xFFFFFCC0]  }
0x8f: {  	v61 =	vld [tilespmem:s25+$0xFFFFFD40]  }
0x90: {  	v62 =	vld [tilespmem:s25+$0xFFFFFDC0]  }
0x91: {  	v63 =	vld [tilespmem:s25+$0xFFFFFE40]  }
0x92: {  	v8 =	vld [tilespmem:s25+$0xFFFFFEC0]  }
0x93: {  	v9 =	vld [tilespmem:s25+$0xFFFFFF40];
	v0 =	vmax.f32 v0, v60  }
0x94: {  	v10 =	vld [tilespmem:s25+$0xFFFFFFC0];
	v0 =	vmax.f32 v0, v61  }
0x95: {  	v11 =	vld [tilespmem:s25+$0x40];
	v0 =	vmax.f32 v0, v62  }
0x96: {  	v12 =	vld [tilespmem:s25+$0xC0];
	v0 =	vmax.f32 v0, v63  }
0x97: {  	v13 =	vld [tilespmem:s25+$0x140];
	v0 =	vmax.f32 v0, v8  }
0x98: {  	v14 =	vld [tilespmem:s25+$0x1C0];
	v0 =	vmax.f32 v0, v9  }
0x99: {  	v15 =	vld [tilespmem:s25+$0x240];
	v0 =	vmax.f32 v0, v10  }
0x9a: {  	v16 =	vld [tilespmem:s25+$0x2C0];
	v0 =	vmax.f32 v0, v11  }
0x9b: {  	v17 =	vld [tilespmem:s25+$0x340];
	v0 =	vmax.f32 v0, v12  }
0x9c: {  	v18 =	vld [tilespmem:s25+$0x3C0];
	v0 =	vmax.f32 v0, v13  }
0x9d: {  	v0 =	vmax.f32 v0, v14  }
0x9e: {  	v0 =	vmax.f32 v0, v15  }
0x9f: {  	v0 =	vmax.f32 v0, v16  }
0xa0: {  	v0 =	vmax.f32 v0, v17  }
0xa1: {  	v0 =	vmax.f32 v0, v18  }
0xa2: {  	[tilespmem:s28+$0x10240] =	vst v0  }
0xa3: {  	v0 =	vld [tilespmem:s25+$0xFFFFFC50]  }
0xa4: {  	v19 =	vld [tilespmem:s25+$0xFFFFFCD0]  }
0xa5: {  	v20 =	vld [tilespmem:s25+$0xFFFFFD50]  }
0xa6: {  	v21 =	vld [tilespmem:s25+$0xFFFFFDD0]  }
0xa7: {  	v22 =	vld [tilespmem:s25+$0xFFFFFE50]  }
0xa8: {  	v23 =	vld [tilespmem:s25+$0xFFFFFED0]  }
0xa9: {  	v24 =	vld [tilespmem:s25+$0xFFFFFF50];
	v0 =	vmax.f32 v0, v19  }
0xaa: {  	v25 =	vld [tilespmem:s25+$0xFFFFFFD0];
	v0 =	vmax.f32 v0, v20  }
0xab: {  	v26 =	vld [tilespmem:s25+$0x50];
	v0 =	vmax.f32 v0, v21  }
0xac: {  	v27 =	vld [tilespmem:s25+$0xD0];
	v0 =	vmax.f32 v0, v22  }
0xad: {  	v28 =	vld [tilespmem:s25+$0x150];
	v0 =	vmax.f32 v0, v23  }
0xae: {  	v29 =	vld [tilespmem:s25+$0x1D0];
	v0 =	vmax.f32 v0, v24  }
0xaf: {  	v30 =	vld [tilespmem:s25+$0x250];
	v0 =	vmax.f32 v0, v25  }
0xb0: {  	v31 =	vld [tilespmem:s25+$0x2D0];
	v0 =	vmax.f32 v0, v26  }
0xb1: {  	v32 =	vld [tilespmem:s25+$0x350];
	v0 =	vmax.f32 v0, v27  }
0xb2: {  	v33 =	vld [tilespmem:s25+$0x3D0];
	v0 =	vmax.f32 v0, v28  }
0xb3: {  	v0 =	vmax.f32 v0, v29  }
0xb4: {  	v0 =	vmax.f32 v0, v30  }
0xb5: {  	v0 =	vmax.f32 v0, v31  }
0xb6: {  	v0 =	vmax.f32 v0, v32  }
0xb7: {  	v0 =	vmax.f32 v0, v33  }
0xb8: {  	[tilespmem:s28+$0x10250] =	vst v0  }
0xb9: {  	v0 =	vld [tilespmem:s25+$0xFFFFFC60]  }
0xba: {  	v34 =	vld [tilespmem:s25+$0xFFFFFCE0]  }
0xbb: {  	v35 =	vld [tilespmem:s25+$0xFFFFFD60]  }
0xbc: {  	v36 =	vld [tilespmem:s25+$0xFFFFFDE0]  }
0xbd: {  	v37 =	vld [tilespmem:s25+$0xFFFFFE60]  }
0xbe: {  	v38 =	vld [tilespmem:s25+$0xFFFFFEE0]  }
0xbf: {  	v39 =	vld [tilespmem:s25+$0xFFFFFF60];
	v0 =	vmax.f32 v0, v34  }
0xc0: {  	v40 =	vld [tilespmem:s25+$0xFFFFFFE0];
	v0 =	vmax.f32 v0, v35  }
0xc1: {  	v41 =	vld [tilespmem:s25+$0x60];
	v0 =	vmax.f32 v0, v36  }
0xc2: {  	v42 =	vld [tilespmem:s25+$0xE0];
	v0 =	vmax.f32 v0, v37  }
0xc3: {  	v43 =	vld [tilespmem:s25+$0x160];
	v0 =	vmax.f32 v0, v38  }
0xc4: {  	v44 =	vld [tilespmem:s25+$0x1E0];
	v0 =	vmax.f32 v0, v39  }
0xc5: {  	v45 =	vld [tilespmem:s25+$0x260];
	v0 =	vmax.f32 v0, v40  }
0xc6: {  	v46 =	vld [tilespmem:s25+$0x2E0];
	v0 =	vmax.f32 v0, v41  }
0xc7: {  	v47 =	vld [tilespmem:s25+$0x360];
	v0 =	vmax.f32 v0, v42  }
0xc8: {  	v48 =	vld [tilespmem:s25+$0x3E0];
	v0 =	vmax.f32 v0, v43  }
0xc9: {  	v0 =	vmax.f32 v0, v44  }
0xca: {  	v0 =	vmax.f32 v0, v45  }
0xcb: {  	v0 =	vmax.f32 v0, v46  }
0xcc: {  	v0 =	vmax.f32 v0, v47  }
0xcd: {  	v0 =	vmax.f32 v0, v48  }
0xce: {  	[tilespmem:s28+$0x10260] =	vst v0  }
0xcf: {  	v0 =	vld [tilespmem:s25+$0xFFFFFC70]  }
0xd0: {  	v49 =	vld [tilespmem:s25+$0xFFFFFCF0]  }
0xd1: {  	v50 =	vld [tilespmem:s25+$0xFFFFFD70]  }
0xd2: {  	v51 =	vld [tilespmem:s25+$0xFFFFFDF0]  }
0xd3: {  	v52 =	vld [tilespmem:s25+$0xFFFFFE70]  }
0xd4: {  	v53 =	vld [tilespmem:s25+$0xFFFFFEF0]  }
0xd5: {  	v54 =	vld [tilespmem:s25+$0xFFFFFF70];
	v0 =	vmax.f32 v0, v49  }
0xd6: {  	v55 =	vld [tilespmem:s25+$0xFFFFFFF0];
	v0 =	vmax.f32 v0, v50  }
0xd7: {  	v56 =	vld [tilespmem:s25+$0x70];
	v0 =	vmax.f32 v0, v51  }
0xd8: {  	v57 =	vld [tilespmem:s25+$0xF0];
	v0 =	vmax.f32 v0, v52  }
0xd9: {  	v58 =	vld [tilespmem:s25+$0x170];
	v0 =	vmax.f32 v0, v53  }
0xda: {  	v59 =	vld [tilespmem:s25+$0x1F0];
	v0 =	vmax.f32 v0, v54  }
0xdb: {  	v60 =	vld [tilespmem:s25+$0x270];
	v0 =	vmax.f32 v0, v55  }
0xdc: {  	v61 =	vld [tilespmem:s25+$0x2F0];
	v0 =	vmax.f32 v0, v56  }
0xdd: {  	v62 =	vld [tilespmem:s25+$0x370];
	v0 =	vmax.f32 v0, v57  }
0xde: {  	v63 =	vld [tilespmem:s25+$0x3F0];
	v0 =	vmax.f32 v0, v58  }
0xdf: {  	p0 =	sne.s32 s26, $0xE00;
	v0 =	vmax.f32 v0, v59  }
.Ltmp0:
0xe0: {  	v0 =	vmax.f32 v0, v60;
	(pc) =	sbr.rel @p0 .LBB2_3-.Ltmp0, $4  }
0xe1: {  	v0 =	vmax.f32 v0, v61  }
0xe2: {  	v0 =	vmax.f32 v0, v62  }
0xe3: {  	v0 =	vmax.f32 v0, v63  }
0xe4: {  	s26 =	sadd.s32 $0x200, s26;
	s25 =	sadd.s32 $0x800, s25;
	[tilespmem:s28+$0x10270] =	vst v0  }
0xe5: {  	s25 =	simm.s32 $0x4600  }
.LBB2_5:
0xe6: {  	v0 =	vld [tilespmem:s25+$0xFFFFFC00]  }
0xe7: {  	v1 =	vld [tilespmem:s25+$0xFFFFFC80]  }
0xe8: {  	v2 =	vld [tilespmem:s25+$0xFFFFFD00]  }
0xe9: {  	v3 =	vld [tilespmem:s25+$0xFFFFFD80]  }
0xea: {  	v4 =	vld [tilespmem:s25+$0xFFFFFE00]  }
0xeb: {  	v5 =	vld [tilespmem:s25+$0xFFFFFE80]  }
0xec: {  	v61 =	vld [tilespmem:s25+$0xFFFFFF00];
	v0 =	vmax.f32 v0, v1  }
0xed: {  	v62 =	vld [tilespmem:s25+$0xFFFFFF80];
	v0 =	vmax.f32 v0, v2  }
0xee: {  	v63 =	vld [tilespmem:s25+$0x0];
	v0 =	vmax.f32 v0, v3  }
0xef: {  	v8 =	vld [tilespmem:s25+$0x80];
	v0 =	vmax.f32 v0, v4  }
0xf0: {  	v9 =	vld [tilespmem:s25+$0x100];
	v0 =	vmax.f32 v0, v5  }
0xf1: {  	v10 =	vld [tilespmem:s25+$0x180];
	v0 =	vmax.f32 v0, v61  }
0xf2: {  	v11 =	vld [tilespmem:s25+$0x200];
	v0 =	vmax.f32 v0, v62  }
0xf3: {  	v12 =	vld [tilespmem:s25+$0x280];
	v0 =	vmax.f32 v0, v63  }
0xf4: {  	v13 =	vld [tilespmem:s25+$0x300];
	v0 =	vmax.f32 v0, v8  }
0xf5: {  	v14 =	vld [tilespmem:s25+$0x380];
	v0 =	vmax.f32 v0, v9  }
0xf6: {  	v0 =	vmax.f32 v0, v10  }
0xf7: {  	v0 =	vmax.f32 v0, v11  }
0xf8: {  	v0 =	vmax.f32 v0, v12  }
0xf9: {  	v0 =	vmax.f32 v0, v13  }
0xfa: {  	s26 =	sshra.s32 s24, $0x2;
	v0 =	vmax.f32 v0, v14  }
0xfb: {  	[tilespmem:s26+$0x10600] =	vst v0  }
0xfc: {  	v0 =	vld [tilespmem:s25+$0xFFFFFC10]  }
0xfd: {  	v15 =	vld [tilespmem:s25+$0xFFFFFC90]  }
0xfe: {  	v16 =	vld [tilespmem:s25+$0xFFFFFD10]  }
0xff: {  	v17 =	vld [tilespmem:s25+$0xFFFFFD90]  }
0x100: {  	v18 =	vld [tilespmem:s25+$0xFFFFFE10]  }
0x101: {  	v19 =	vld [tilespmem:s25+$0xFFFFFE90]  }
0x102: {  	v20 =	vld [tilespmem:s25+$0xFFFFFF10];
	v0 =	vmax.f32 v0, v15  }
0x103: {  	v21 =	vld [tilespmem:s25+$0xFFFFFF90];
	v0 =	vmax.f32 v0, v16  }
0x104: {  	v22 =	vld [tilespmem:s25+$0x10];
	v0 =	vmax.f32 v0, v17  }
0x105: {  	v23 =	vld [tilespmem:s25+$0x90];
	v0 =	vmax.f32 v0, v18  }
0x106: {  	v24 =	vld [tilespmem:s25+$0x110];
	v0 =	vmax.f32 v0, v19  }
0x107: {  	v25 =	vld [tilespmem:s25+$0x190];
	v0 =	vmax.f32 v0, v20  }
0x108: {  	v26 =	vld [tilespmem:s25+$0x210];
	v0 =	vmax.f32 v0, v21  }
0x109: {  	v27 =	vld [tilespmem:s25+$0x290];
	v0 =	vmax.f32 v0, v22  }
0x10a: {  	v28 =	vld [tilespmem:s25+$0x310];
	v0 =	vmax.f32 v0, v23  }
0x10b: {  	v29 =	vld [tilespmem:s25+$0x390];
	v0 =	vmax.f32 v0, v24  }
0x10c: {  	v0 =	vmax.f32 v0, v25  }
0x10d: {  	v0 =	vmax.f32 v0, v26  }
0x10e: {  	v0 =	vmax.f32 v0, v27  }
0x10f: {  	v0 =	vmax.f32 v0, v28  }
0x110: {  	v0 =	vmax.f32 v0, v29  }
0x111: {  	[tilespmem:s26+$0x10610] =	vst v0  }
0x112: {  	v0 =	vld [tilespmem:s25+$0xFFFFFC20]  }
0x113: {  	v30 =	vld [tilespmem:s25+$0xFFFFFCA0]  }
0x114: {  	v31 =	vld [tilespmem:s25+$0xFFFFFD20]  }
0x115: {  	v32 =	vld [tilespmem:s25+$0xFFFFFDA0]  }
0x116: {  	v33 =	vld [tilespmem:s25+$0xFFFFFE20]  }
0x117: {  	v34 =	vld [tilespmem:s25+$0xFFFFFEA0]  }
0x118: {  	v35 =	vld [tilespmem:s25+$0xFFFFFF20];
	v0 =	vmax.f32 v0, v30  }
0x119: {  	v36 =	vld [tilespmem:s25+$0xFFFFFFA0];
	v0 =	vmax.f32 v0, v31  }
0x11a: {  	v37 =	vld [tilespmem:s25+$0x20];
	v0 =	vmax.f32 v0, v32  }
0x11b: {  	v38 =	vld [tilespmem:s25+$0xA0];
	v0 =	vmax.f32 v0, v33  }
0x11c: {  	v39 =	vld [tilespmem:s25+$0x120];
	v0 =	vmax.f32 v0, v34  }
0x11d: {  	v40 =	vld [tilespmem:s25+$0x1A0];
	v0 =	vmax.f32 v0, v35  }
0x11e: {  	v41 =	vld [tilespmem:s25+$0x220];
	v0 =	vmax.f32 v0, v36  }
0x11f: {  	v42 =	vld [tilespmem:s25+$0x2A0];
	v0 =	vmax.f32 v0, v37  }
0x120: {  	v43 =	vld [tilespmem:s25+$0x320];
	v0 =	vmax.f32 v0, v38  }
0x121: {  	v44 =	vld [tilespmem:s25+$0x3A0];
	v0 =	vmax.f32 v0, v39  }
0x122: {  	v0 =	vmax.f32 v0, v40  }
0x123: {  	v0 =	vmax.f32 v0, v41  }
0x124: {  	v0 =	vmax.f32 v0, v42  }
0x125: {  	v0 =	vmax.f32 v0, v43  }
0x126: {  	v0 =	vmax.f32 v0, v44  }
0x127: {  	[tilespmem:s26+$0x10620] =	vst v0  }
0x128: {  	v0 =	vld [tilespmem:s25+$0xFFFFFC30]  }
0x129: {  	v45 =	vld [tilespmem:s25+$0xFFFFFCB0]  }
0x12a: {  	v46 =	vld [tilespmem:s25+$0xFFFFFD30]  }
0x12b: {  	v47 =	vld [tilespmem:s25+$0xFFFFFDB0]  }
0x12c: {  	v48 =	vld [tilespmem:s25+$0xFFFFFE30]  }
0x12d: {  	v49 =	vld [tilespmem:s25+$0xFFFFFEB0]  }
0x12e: {  	v50 =	vld [tilespmem:s25+$0xFFFFFF30];
	v0 =	vmax.f32 v0, v45  }
0x12f: {  	v51 =	vld [tilespmem:s25+$0xFFFFFFB0];
	v0 =	vmax.f32 v0, v46  }
0x130: {  	v52 =	vld [tilespmem:s25+$0x30];
	v0 =	vmax.f32 v0, v47  }
0x131: {  	v53 =	vld [tilespmem:s25+$0xB0];
	v0 =	vmax.f32 v0, v48  }
0x132: {  	v54 =	vld [tilespmem:s25+$0x130];
	v0 =	vmax.f32 v0, v49  }
0x133: {  	v55 =	vld [tilespmem:s25+$0x1B0];
	v0 =	vmax.f32 v0, v50  }
0x134: {  	v56 =	vld [tilespmem:s25+$0x230];
	v0 =	vmax.f32 v0, v51  }
0x135: {  	v57 =	vld [tilespmem:s25+$0x2B0];
	v0 =	vmax.f32 v0, v52  }
0x136: {  	v58 =	vld [tilespmem:s25+$0x330];
	v0 =	vmax.f32 v0, v53  }
0x137: {  	v59 =	vld [tilespmem:s25+$0x3B0];
	v0 =	vmax.f32 v0, v54  }
0x138: {  	v0 =	vmax.f32 v0, v55  }
0x139: {  	v0 =	vmax.f32 v0, v56  }
0x13a: {  	v0 =	vmax.f32 v0, v57  }
0x13b: {  	v0 =	vmax.f32 v0, v58  }
0x13c: {  	v0 =	vmax.f32 v0, v59  }
0x13d: {  	[tilespmem:s26+$0x10630] =	vst v0  }
0x13e: {  	v0 =	vld [tilespmem:s25+$0xFFFFFC40]  }
0x13f: {  	v60 =	vld [tilespmem:s25+$0xFFFFFCC0]  }
0x140: {  	v61 =	vld [tilespmem:s25+$0xFFFFFD40]  }
0x141: {  	v62 =	vld [tilespmem:s25+$0xFFFFFDC0]  }
0x142: {  	v63 =	vld [tilespmem:s25+$0xFFFFFE40]  }
0x143: {  	v8 =	vld [tilespmem:s25+$0xFFFFFEC0]  }
0x144: {  	v9 =	vld [tilespmem:s25+$0xFFFFFF40];
	v0 =	vmax.f32 v0, v60  }
0x145: {  	v10 =	vld [tilespmem:s25+$0xFFFFFFC0];
	v0 =	vmax.f32 v0, v61  }
0x146: {  	v11 =	vld [tilespmem:s25+$0x40];
	v0 =	vmax.f32 v0, v62  }
0x147: {  	v12 =	vld [tilespmem:s25+$0xC0];
	v0 =	vmax.f32 v0, v63  }
0x148: {  	v13 =	vld [tilespmem:s25+$0x140];
	v0 =	vmax.f32 v0, v8  }
0x149: {  	v14 =	vld [tilespmem:s25+$0x1C0];
	v0 =	vmax.f32 v0, v9  }
0x14a: {  	v15 =	vld [tilespmem:s25+$0x240];
	v0 =	vmax.f32 v0, v10  }
0x14b: {  	v16 =	vld [tilespmem:s25+$0x2C0];
	v0 =	vmax.f32 v0, v11  }
0x14c: {  	v17 =	vld [tilespmem:s25+$0x340];
	v0 =	vmax.f32 v0, v12  }
0x14d: {  	v18 =	vld [tilespmem:s25+$0x3C0];
	v0 =	vmax.f32 v0, v13  }
0x14e: {  	v0 =	vmax.f32 v0, v14  }
0x14f: {  	v0 =	vmax.f32 v0, v15  }
0x150: {  	v0 =	vmax.f32 v0, v16  }
0x151: {  	v0 =	vmax.f32 v0, v17  }
0x152: {  	v0 =	vmax.f32 v0, v18  }
0x153: {  	[tilespmem:s26+$0x10640] =	vst v0  }
0x154: {  	v0 =	vld [tilespmem:s25+$0xFFFFFC50]  }
0x155: {  	v19 =	vld [tilespmem:s25+$0xFFFFFCD0]  }
0x156: {  	v20 =	vld [tilespmem:s25+$0xFFFFFD50]  }
0x157: {  	v21 =	vld [tilespmem:s25+$0xFFFFFDD0]  }
0x158: {  	v22 =	vld [tilespmem:s25+$0xFFFFFE50]  }
0x159: {  	v23 =	vld [tilespmem:s25+$0xFFFFFED0]  }
0x15a: {  	v24 =	vld [tilespmem:s25+$0xFFFFFF50];
	v0 =	vmax.f32 v0, v19  }
0x15b: {  	v25 =	vld [tilespmem:s25+$0xFFFFFFD0];
	v0 =	vmax.f32 v0, v20  }
0x15c: {  	v26 =	vld [tilespmem:s25+$0x50];
	v0 =	vmax.f32 v0, v21  }
0x15d: {  	v27 =	vld [tilespmem:s25+$0xD0];
	v0 =	vmax.f32 v0, v22  }
0x15e: {  	v28 =	vld [tilespmem:s25+$0x150];
	v0 =	vmax.f32 v0, v23  }
0x15f: {  	v29 =	vld [tilespmem:s25+$0x1D0];
	v0 =	vmax.f32 v0, v24  }
0x160: {  	v30 =	vld [tilespmem:s25+$0x250];
	v0 =	vmax.f32 v0, v25  }
0x161: {  	v31 =	vld [tilespmem:s25+$0x2D0];
	v0 =	vmax.f32 v0, v26  }
0x162: {  	v32 =	vld [tilespmem:s25+$0x350];
	v0 =	vmax.f32 v0, v27  }
0x163: {  	v33 =	vld [tilespmem:s25+$0x3D0];
	v0 =	vmax.f32 v0, v28  }
0x164: {  	v0 =	vmax.f32 v0, v29  }
0x165: {  	v0 =	vmax.f32 v0, v30  }
0x166: {  	v0 =	vmax.f32 v0, v31  }
0x167: {  	v0 =	vmax.f32 v0, v32  }
0x168: {  	v0 =	vmax.f32 v0, v33  }
0x169: {  	[tilespmem:s26+$0x10650] =	vst v0  }
0x16a: {  	v0 =	vld [tilespmem:s25+$0xFFFFFC60]  }
0x16b: {  	v34 =	vld [tilespmem:s25+$0xFFFFFCE0]  }
0x16c: {  	v35 =	vld [tilespmem:s25+$0xFFFFFD60]  }
0x16d: {  	v36 =	vld [tilespmem:s25+$0xFFFFFDE0]  }
0x16e: {  	v37 =	vld [tilespmem:s25+$0xFFFFFE60]  }
0x16f: {  	v38 =	vld [tilespmem:s25+$0xFFFFFEE0]  }
0x170: {  	v39 =	vld [tilespmem:s25+$0xFFFFFF60];
	v0 =	vmax.f32 v0, v34  }
0x171: {  	v40 =	vld [tilespmem:s25+$0xFFFFFFE0];
	v0 =	vmax.f32 v0, v35  }
0x172: {  	v41 =	vld [tilespmem:s25+$0x60];
	v0 =	vmax.f32 v0, v36  }
0x173: {  	v42 =	vld [tilespmem:s25+$0xE0];
	v0 =	vmax.f32 v0, v37  }
0x174: {  	v43 =	vld [tilespmem:s25+$0x160];
	v0 =	vmax.f32 v0, v38  }
0x175: {  	v44 =	vld [tilespmem:s25+$0x1E0];
	v0 =	vmax.f32 v0, v39  }
0x176: {  	v45 =	vld [tilespmem:s25+$0x260];
	v0 =	vmax.f32 v0, v40  }
0x177: {  	v46 =	vld [tilespmem:s25+$0x2E0];
	v0 =	vmax.f32 v0, v41  }
0x178: {  	v47 =	vld [tilespmem:s25+$0x360];
	v0 =	vmax.f32 v0, v42  }
0x179: {  	v48 =	vld [tilespmem:s25+$0x3E0];
	v0 =	vmax.f32 v0, v43  }
0x17a: {  	v0 =	vmax.f32 v0, v44  }
0x17b: {  	v0 =	vmax.f32 v0, v45  }
0x17c: {  	v0 =	vmax.f32 v0, v46  }
0x17d: {  	v0 =	vmax.f32 v0, v47  }
0x17e: {  	v0 =	vmax.f32 v0, v48  }
0x17f: {  	[tilespmem:s26+$0x10660] =	vst v0  }
0x180: {  	v0 =	vld [tilespmem:s25+$0xFFFFFC70]  }
0x181: {  	v49 =	vld [tilespmem:s25+$0xFFFFFCF0]  }
0x182: {  	v50 =	vld [tilespmem:s25+$0xFFFFFD70]  }
0x183: {  	v51 =	vld [tilespmem:s25+$0xFFFFFDF0]  }
0x184: {  	v52 =	vld [tilespmem:s25+$0xFFFFFE70]  }
0x185: {  	v53 =	vld [tilespmem:s25+$0xFFFFFEF0]  }
0x186: {  	v54 =	vld [tilespmem:s25+$0xFFFFFF70];
	v0 =	vmax.f32 v0, v49  }
0x187: {  	v55 =	vld [tilespmem:s25+$0xFFFFFFF0];
	v0 =	vmax.f32 v0, v50  }
0x188: {  	v56 =	vld [tilespmem:s25+$0x70];
	v0 =	vmax.f32 v0, v51  }
0x189: {  	v57 =	vld [tilespmem:s25+$0xF0];
	v0 =	vmax.f32 v0, v52  }
0x18a: {  	v58 =	vld [tilespmem:s25+$0x170];
	v0 =	vmax.f32 v0, v53  }
0x18b: {  	v59 =	vld [tilespmem:s25+$0x1F0];
	v0 =	vmax.f32 v0, v54  }
0x18c: {  	v60 =	vld [tilespmem:s25+$0x270];
	v0 =	vmax.f32 v0, v55  }
0x18d: {  	v61 =	vld [tilespmem:s25+$0x2F0];
	v0 =	vmax.f32 v0, v56  }
0x18e: {  	v62 =	vld [tilespmem:s25+$0x370];
	v0 =	vmax.f32 v0, v57  }
0x18f: {  	v63 =	vld [tilespmem:s25+$0x3F0];
	v0 =	vmax.f32 v0, v58  }
0x190: {  	p0 =	sne.s32 s24, $0xE00;
	v0 =	vmax.f32 v0, v59  }
.Ltmp1:
0x191: {  	v0 =	vmax.f32 v0, v60;
	(pc) =	sbr.rel @p0 .LBB2_5-.Ltmp1, $4  }
0x192: {  	v0 =	vmax.f32 v0, v61  }
0x193: {  	v0 =	vmax.f32 v0, v62  }
0x194: {  	v0 =	vmax.f32 v0, v63  }
0x195: {  	s24 =	sadd.s32 $0x200, s24;
	s25 =	sadd.s32 $0x800, s25;
	[tilespmem:s26+$0x10670] =	vst v0  }
0x196: {  	s24 =	simm.s32 $0x0;
	s25 =	simm.s32 $0x8600  }
.LBB2_7:
0x197: {  	v0 =	vld [tilespmem:s25+$0xFFFFFC00]  }
0x198: {  	v1 =	vld [tilespmem:s25+$0xFFFFFC80]  }
0x199: {  	v2 =	vld [tilespmem:s25+$0xFFFFFD00]  }
0x19a: {  	v3 =	vld [tilespmem:s25+$0xFFFFFD80]  }
0x19b: {  	v4 =	vld [tilespmem:s25+$0xFFFFFE00]  }
0x19c: {  	v5 =	vld [tilespmem:s25+$0xFFFFFE80]  }
0x19d: {  	v61 =	vld [tilespmem:s25+$0xFFFFFF00];
	v0 =	vmax.f32 v0, v1  }
0x19e: {  	v62 =	vld [tilespmem:s25+$0xFFFFFF80];
	v0 =	vmax.f32 v0, v2  }
0x19f: {  	v63 =	vld [tilespmem:s25+$0x0];
	v0 =	vmax.f32 v0, v3  }
0x1a0: {  	v8 =	vld [tilespmem:s25+$0x80];
	v0 =	vmax.f32 v0, v4  }
0x1a1: {  	v9 =	vld [tilespmem:s25+$0x100];
	v0 =	vmax.f32 v0, v5  }
0x1a2: {  	v10 =	vld [tilespmem:s25+$0x180];
	v0 =	vmax.f32 v0, v61  }
0x1a3: {  	v11 =	vld [tilespmem:s25+$0x200];
	v0 =	vmax.f32 v0, v62  }
0x1a4: {  	v12 =	vld [tilespmem:s25+$0x280];
	v0 =	vmax.f32 v0, v63  }
0x1a5: {  	v13 =	vld [tilespmem:s25+$0x300];
	v0 =	vmax.f32 v0, v8  }
0x1a6: {  	v14 =	vld [tilespmem:s25+$0x380];
	v0 =	vmax.f32 v0, v9  }
0x1a7: {  	v0 =	vmax.f32 v0, v10  }
0x1a8: {  	v0 =	vmax.f32 v0, v11  }
0x1a9: {  	v0 =	vmax.f32 v0, v12  }
0x1aa: {  	v0 =	vmax.f32 v0, v13  }
0x1ab: {  	s26 =	sshra.s32 s24, $0x2;
	v0 =	vmax.f32 v0, v14  }
0x1ac: {  	[tilespmem:s26+$0x10A00] =	vst v0  }
0x1ad: {  	v0 =	vld [tilespmem:s25+$0xFFFFFC10]  }
0x1ae: {  	v15 =	vld [tilespmem:s25+$0xFFFFFC90]  }
0x1af: {  	v16 =	vld [tilespmem:s25+$0xFFFFFD10]  }
0x1b0: {  	v17 =	vld [tilespmem:s25+$0xFFFFFD90]  }
0x1b1: {  	v18 =	vld [tilespmem:s25+$0xFFFFFE10]  }
0x1b2: {  	v19 =	vld [tilespmem:s25+$0xFFFFFE90]  }
0x1b3: {  	v20 =	vld [tilespmem:s25+$0xFFFFFF10];
	v0 =	vmax.f32 v0, v15  }
0x1b4: {  	v21 =	vld [tilespmem:s25+$0xFFFFFF90];
	v0 =	vmax.f32 v0, v16  }
0x1b5: {  	v22 =	vld [tilespmem:s25+$0x10];
	v0 =	vmax.f32 v0, v17  }
0x1b6: {  	v23 =	vld [tilespmem:s25+$0x90];
	v0 =	vmax.f32 v0, v18  }
0x1b7: {  	v24 =	vld [tilespmem:s25+$0x110];
	v0 =	vmax.f32 v0, v19  }
0x1b8: {  	v25 =	vld [tilespmem:s25+$0x190];
	v0 =	vmax.f32 v0, v20  }
0x1b9: {  	v26 =	vld [tilespmem:s25+$0x210];
	v0 =	vmax.f32 v0, v21  }
0x1ba: {  	v27 =	vld [tilespmem:s25+$0x290];
	v0 =	vmax.f32 v0, v22  }
0x1bb: {  	v28 =	vld [tilespmem:s25+$0x310];
	v0 =	vmax.f32 v0, v23  }
0x1bc: {  	v29 =	vld [tilespmem:s25+$0x390];
	v0 =	vmax.f32 v0, v24  }
0x1bd: {  	v0 =	vmax.f32 v0, v25  }
0x1be: {  	v0 =	vmax.f32 v0, v26  }
0x1bf: {  	v0 =	vmax.f32 v0, v27  }
0x1c0: {  	v0 =	vmax.f32 v0, v28  }
0x1c1: {  	v0 =	vmax.f32 v0, v29  }
0x1c2: {  	[tilespmem:s26+$0x10A10] =	vst v0  }
0x1c3: {  	v0 =	vld [tilespmem:s25+$0xFFFFFC20]  }
0x1c4: {  	v30 =	vld [tilespmem:s25+$0xFFFFFCA0]  }
0x1c5: {  	v31 =	vld [tilespmem:s25+$0xFFFFFD20]  }
0x1c6: {  	v32 =	vld [tilespmem:s25+$0xFFFFFDA0]  }
0x1c7: {  	v33 =	vld [tilespmem:s25+$0xFFFFFE20]  }
0x1c8: {  	v34 =	vld [tilespmem:s25+$0xFFFFFEA0]  }
0x1c9: {  	v35 =	vld [tilespmem:s25+$0xFFFFFF20];
	v0 =	vmax.f32 v0, v30  }
0x1ca: {  	v36 =	vld [tilespmem:s25+$0xFFFFFFA0];
	v0 =	vmax.f32 v0, v31  }
0x1cb: {  	v37 =	vld [tilespmem:s25+$0x20];
	v0 =	vmax.f32 v0, v32  }
0x1cc: {  	v38 =	vld [tilespmem:s25+$0xA0];
	v0 =	vmax.f32 v0, v33  }
0x1cd: {  	v39 =	vld [tilespmem:s25+$0x120];
	v0 =	vmax.f32 v0, v34  }
0x1ce: {  	v40 =	vld [tilespmem:s25+$0x1A0];
	v0 =	vmax.f32 v0, v35  }
0x1cf: {  	v41 =	vld [tilespmem:s25+$0x220];
	v0 =	vmax.f32 v0, v36  }
0x1d0: {  	v42 =	vld [tilespmem:s25+$0x2A0];
	v0 =	vmax.f32 v0, v37  }
0x1d1: {  	v43 =	vld [tilespmem:s25+$0x320];
	v0 =	vmax.f32 v0, v38  }
0x1d2: {  	v44 =	vld [tilespmem:s25+$0x3A0];
	v0 =	vmax.f32 v0, v39  }
0x1d3: {  	v0 =	vmax.f32 v0, v40  }
0x1d4: {  	v0 =	vmax.f32 v0, v41  }
0x1d5: {  	v0 =	vmax.f32 v0, v42  }
0x1d6: {  	v0 =	vmax.f32 v0, v43  }
0x1d7: {  	v0 =	vmax.f32 v0, v44  }
0x1d8: {  	[tilespmem:s26+$0x10A20] =	vst v0  }
0x1d9: {  	v0 =	vld [tilespmem:s25+$0xFFFFFC30]  }
0x1da: {  	v45 =	vld [tilespmem:s25+$0xFFFFFCB0]  }
0x1db: {  	v46 =	vld [tilespmem:s25+$0xFFFFFD30]  }
0x1dc: {  	v47 =	vld [tilespmem:s25+$0xFFFFFDB0]  }
0x1dd: {  	v48 =	vld [tilespmem:s25+$0xFFFFFE30]  }
0x1de: {  	v49 =	vld [tilespmem:s25+$0xFFFFFEB0]  }
0x1df: {  	v50 =	vld [tilespmem:s25+$0xFFFFFF30];
	v0 =	vmax.f32 v0, v45  }
0x1e0: {  	v51 =	vld [tilespmem:s25+$0xFFFFFFB0];
	v0 =	vmax.f32 v0, v46  }
0x1e1: {  	v52 =	vld [tilespmem:s25+$0x30];
	v0 =	vmax.f32 v0, v47  }
0x1e2: {  	v53 =	vld [tilespmem:s25+$0xB0];
	v0 =	vmax.f32 v0, v48  }
0x1e3: {  	v54 =	vld [tilespmem:s25+$0x130];
	v0 =	vmax.f32 v0, v49  }
0x1e4: {  	v55 =	vld [tilespmem:s25+$0x1B0];
	v0 =	vmax.f32 v0, v50  }
0x1e5: {  	v56 =	vld [tilespmem:s25+$0x230];
	v0 =	vmax.f32 v0, v51  }
0x1e6: {  	v57 =	vld [tilespmem:s25+$0x2B0];
	v0 =	vmax.f32 v0, v52  }
0x1e7: {  	v58 =	vld [tilespmem:s25+$0x330];
	v0 =	vmax.f32 v0, v53  }
0x1e8: {  	v59 =	vld [tilespmem:s25+$0x3B0];
	v0 =	vmax.f32 v0, v54  }
0x1e9: {  	v0 =	vmax.f32 v0, v55  }
0x1ea: {  	v0 =	vmax.f32 v0, v56  }
0x1eb: {  	v0 =	vmax.f32 v0, v57  }
0x1ec: {  	v0 =	vmax.f32 v0, v58  }
0x1ed: {  	v0 =	vmax.f32 v0, v59  }
0x1ee: {  	[tilespmem:s26+$0x10A30] =	vst v0  }
0x1ef: {  	v0 =	vld [tilespmem:s25+$0xFFFFFC40]  }
0x1f0: {  	v60 =	vld [tilespmem:s25+$0xFFFFFCC0]  }
0x1f1: {  	v61 =	vld [tilespmem:s25+$0xFFFFFD40]  }
0x1f2: {  	v62 =	vld [tilespmem:s25+$0xFFFFFDC0]  }
0x1f3: {  	v63 =	vld [tilespmem:s25+$0xFFFFFE40]  }
0x1f4: {  	v8 =	vld [tilespmem:s25+$0xFFFFFEC0]  }
0x1f5: {  	v9 =	vld [tilespmem:s25+$0xFFFFFF40];
	v0 =	vmax.f32 v0, v60  }
0x1f6: {  	v10 =	vld [tilespmem:s25+$0xFFFFFFC0];
	v0 =	vmax.f32 v0, v61  }
0x1f7: {  	v11 =	vld [tilespmem:s25+$0x40];
	v0 =	vmax.f32 v0, v62  }
0x1f8: {  	v12 =	vld [tilespmem:s25+$0xC0];
	v0 =	vmax.f32 v0, v63  }
0x1f9: {  	v13 =	vld [tilespmem:s25+$0x140];
	v0 =	vmax.f32 v0, v8  }
0x1fa: {  	v14 =	vld [tilespmem:s25+$0x1C0];
	v0 =	vmax.f32 v0, v9  }
0x1fb: {  	v15 =	vld [tilespmem:s25+$0x240];
	v0 =	vmax.f32 v0, v10  }
0x1fc: {  	v16 =	vld [tilespmem:s25+$0x2C0];
	v0 =	vmax.f32 v0, v11  }
0x1fd: {  	v17 =	vld [tilespmem:s25+$0x340];
	v0 =	vmax.f32 v0, v12  }
0x1fe: {  	v18 =	vld [tilespmem:s25+$0x3C0];
	v0 =	vmax.f32 v0, v13  }
0x1ff: {  	v0 =	vmax.f32 v0, v14  }
0x200: {  	v0 =	vmax.f32 v0, v15  }
0x201: {  	v0 =	vmax.f32 v0, v16  }
0x202: {  	v0 =	vmax.f32 v0, v17  }
0x203: {  	v0 =	vmax.f32 v0, v18  }
0x204: {  	[tilespmem:s26+$0x10A40] =	vst v0  }
0x205: {  	v0 =	vld [tilespmem:s25+$0xFFFFFC50]  }
0x206: {  	v19 =	vld [tilespmem:s25+$0xFFFFFCD0]  }
0x207: {  	v20 =	vld [tilespmem:s25+$0xFFFFFD50]  }
0x208: {  	v21 =	vld [tilespmem:s25+$0xFFFFFDD0]  }
0x209: {  	v22 =	vld [tilespmem:s25+$0xFFFFFE50]  }
0x20a: {  	v23 =	vld [tilespmem:s25+$0xFFFFFED0]  }
0x20b: {  	v24 =	vld [tilespmem:s25+$0xFFFFFF50];
	v0 =	vmax.f32 v0, v19  }
0x20c: {  	v25 =	vld [tilespmem:s25+$0xFFFFFFD0];
	v0 =	vmax.f32 v0, v20  }
0x20d: {  	v26 =	vld [tilespmem:s25+$0x50];
	v0 =	vmax.f32 v0, v21  }
0x20e: {  	v27 =	vld [tilespmem:s25+$0xD0];
	v0 =	vmax.f32 v0, v22  }
0x20f: {  	v28 =	vld [tilespmem:s25+$0x150];
	v0 =	vmax.f32 v0, v23  }
0x210: {  	v29 =	vld [tilespmem:s25+$0x1D0];
	v0 =	vmax.f32 v0, v24  }
0x211: {  	v30 =	vld [tilespmem:s25+$0x250];
	v0 =	vmax.f32 v0, v25  }
0x212: {  	v31 =	vld [tilespmem:s25+$0x2D0];
	v0 =	vmax.f32 v0, v26  }
0x213: {  	v32 =	vld [tilespmem:s25+$0x350];
	v0 =	vmax.f32 v0, v27  }
0x214: {  	v33 =	vld [tilespmem:s25+$0x3D0];
	v0 =	vmax.f32 v0, v28  }
0x215: {  	v0 =	vmax.f32 v0, v29  }
0x216: {  	v0 =	vmax.f32 v0, v30  }
0x217: {  	v0 =	vmax.f32 v0, v31  }
0x218: {  	v0 =	vmax.f32 v0, v32  }
0x219: {  	v0 =	vmax.f32 v0, v33  }
0x21a: {  	[tilespmem:s26+$0x10A50] =	vst v0  }
0x21b: {  	v0 =	vld [tilespmem:s25+$0xFFFFFC60]  }
0x21c: {  	v34 =	vld [tilespmem:s25+$0xFFFFFCE0]  }
0x21d: {  	v35 =	vld [tilespmem:s25+$0xFFFFFD60]  }
0x21e: {  	v36 =	vld [tilespmem:s25+$0xFFFFFDE0]  }
0x21f: {  	v37 =	vld [tilespmem:s25+$0xFFFFFE60]  }
0x220: {  	v38 =	vld [tilespmem:s25+$0xFFFFFEE0]  }
0x221: {  	v39 =	vld [tilespmem:s25+$0xFFFFFF60];
	v0 =	vmax.f32 v0, v34  }
0x222: {  	v40 =	vld [tilespmem:s25+$0xFFFFFFE0];
	v0 =	vmax.f32 v0, v35  }
0x223: {  	v41 =	vld [tilespmem:s25+$0x60];
	v0 =	vmax.f32 v0, v36  }
0x224: {  	v42 =	vld [tilespmem:s25+$0xE0];
	v0 =	vmax.f32 v0, v37  }
0x225: {  	v43 =	vld [tilespmem:s25+$0x160];
	v0 =	vmax.f32 v0, v38  }
0x226: {  	v44 =	vld [tilespmem:s25+$0x1E0];
	v0 =	vmax.f32 v0, v39  }
0x227: {  	v45 =	vld [tilespmem:s25+$0x260];
	v0 =	vmax.f32 v0, v40  }
0x228: {  	v46 =	vld [tilespmem:s25+$0x2E0];
	v0 =	vmax.f32 v0, v41  }
0x229: {  	v47 =	vld [tilespmem:s25+$0x360];
	v0 =	vmax.f32 v0, v42  }
0x22a: {  	v48 =	vld [tilespmem:s25+$0x3E0];
	v0 =	vmax.f32 v0, v43  }
0x22b: {  	v0 =	vmax.f32 v0, v44  }
0x22c: {  	v0 =	vmax.f32 v0, v45  }
0x22d: {  	v0 =	vmax.f32 v0, v46  }
0x22e: {  	v0 =	vmax.f32 v0, v47  }
0x22f: {  	v0 =	vmax.f32 v0, v48  }
0x230: {  	[tilespmem:s26+$0x10A60] =	vst v0  }
0x231: {  	v0 =	vld [tilespmem:s25+$0xFFFFFC70]  }
0x232: {  	v49 =	vld [tilespmem:s25+$0xFFFFFCF0]  }
0x233: {  	v50 =	vld [tilespmem:s25+$0xFFFFFD70]  }
0x234: {  	v51 =	vld [tilespmem:s25+$0xFFFFFDF0]  }
0x235: {  	v52 =	vld [tilespmem:s25+$0xFFFFFE70]  }
0x236: {  	v53 =	vld [tilespmem:s25+$0xFFFFFEF0]  }
0x237: {  	v54 =	vld [tilespmem:s25+$0xFFFFFF70];
	v0 =	vmax.f32 v0, v49  }
0x238: {  	v55 =	vld [tilespmem:s25+$0xFFFFFFF0];
	v0 =	vmax.f32 v0, v50  }
0x239: {  	v56 =	vld [tilespmem:s25+$0x70];
	v0 =	vmax.f32 v0, v51  }
0x23a: {  	v57 =	vld [tilespmem:s25+$0xF0];
	v0 =	vmax.f32 v0, v52  }
0x23b: {  	v58 =	vld [tilespmem:s25+$0x170];
	v0 =	vmax.f32 v0, v53  }
0x23c: {  	v59 =	vld [tilespmem:s25+$0x1F0];
	v0 =	vmax.f32 v0, v54  }
0x23d: {  	v60 =	vld [tilespmem:s25+$0x270];
	v0 =	vmax.f32 v0, v55  }
0x23e: {  	v61 =	vld [tilespmem:s25+$0x2F0];
	v0 =	vmax.f32 v0, v56  }
0x23f: {  	v62 =	vld [tilespmem:s25+$0x370];
	v0 =	vmax.f32 v0, v57  }
0x240: {  	v63 =	vld [tilespmem:s25+$0x3F0];
	v0 =	vmax.f32 v0, v58  }
0x241: {  	p0 =	sne.s32 s24, $0xE00;
	v0 =	vmax.f32 v0, v59  }
.Ltmp2:
0x242: {  	v0 =	vmax.f32 v0, v60;
	(pc) =	sbr.rel @p0 .LBB2_7-.Ltmp2, $4  }
0x243: {  	v0 =	vmax.f32 v0, v61  }
0x244: {  	v0 =	vmax.f32 v0, v62  }
0x245: {  	v0 =	vmax.f32 v0, v63  }
0x246: {  	s24 =	sadd.s32 $0x200, s24;
	s25 =	sadd.s32 $0x800, s25;
	[tilespmem:s26+$0x10A70] =	vst v0  }
0x247: {  	s24 =	simm.s32 $0xC600  }
0x248: {  	v0 =	vld [tilespmem:s24+$0xFFFFFC80]  }
0x249: {  	v1 =	vld [tilespmem:s24+$0xFFFFFC00]  }
0x24a: {  	v2 =	vld [tilespmem:s24+$0xFFFFFD00]  }
0x24b: {  	v3 =	vld [tilespmem:s24+$0xFFFFFD80]  }
0x24c: {  	v4 =	vld [tilespmem:s24+$0xFFFFFE00]  }
0x24d: {  	v5 =	vld [tilespmem:s24+$0xFFFFFE80]  }
0x24e: {  	v0 =	vmax.f32 v1, v0;
	v1 =	vld [tilespmem:s24+$0xFFFFFF00]  }
0x24f: {  	v0 =	vmax.f32 v0, v2;
	v2 =	vld [tilespmem:s24+$0xFFFFFF80]  }
0x250: {  	v0 =	vmax.f32 v0, v3;
	v3 =	vld [tilespmem:s24+$0x0]  }
0x251: {  	v0 =	vmax.f32 v0, v4;
	v4 =	vld [tilespmem:s24+$0x80]  }
0x252: {  	v0 =	vmax.f32 v0, v5;
	v5 =	vld [tilespmem:s24+$0x100]  }
0x253: {  	v0 =	vmax.f32 v0, v1;
	v1 =	vld [tilespmem:s24+$0x180]  }
0x254: {  	v0 =	vmax.f32 v0, v2;
	v2 =	vld [tilespmem:s24+$0x200]  }
0x255: {  	v0 =	vmax.f32 v0, v3;
	v3 =	vld [tilespmem:s24+$0x280]  }
0x256: {  	v0 =	vmax.f32 v0, v4;
	v4 =	vld [tilespmem:s24+$0x300]  }
0x257: {  	v0 =	vmax.f32 v0, v5;
	v5 =	vld [tilespmem:s24+$0x380]  }
0x258: {  	v0 =	vmax.f32 v0, v1  }
0x259: {  	v0 =	vmax.f32 v0, v2  }
0x25a: {  	v0 =	vmax.f32 v0, v3  }
0x25b: {  	v0 =	vmax.f32 v0, v4  }
0x25c: {  	s25 =	simm.s32 $0x0;
	v0 =	vmax.f32 v0, v5  }
0x25d: {  	[tilespmem:s25+$0x10E00] =	vst v0  }
0x25e: {  	v0 =	vld [tilespmem:s24+$0xFFFFFC10]  }
0x25f: {  	v1 =	vld [tilespmem:s24+$0xFFFFFC90]  }
0x260: {  	v2 =	vld [tilespmem:s24+$0xFFFFFD10]  }
0x261: {  	v3 =	vld [tilespmem:s24+$0xFFFFFD90]  }
0x262: {  	v4 =	vld [tilespmem:s24+$0xFFFFFE10]  }
0x263: {  	v5 =	vld [tilespmem:s24+$0xFFFFFE90]  }
0x264: {  	v0 =	vmax.f32 v0, v1;
	v1 =	vld [tilespmem:s24+$0xFFFFFF10]  }
0x265: {  	v0 =	vmax.f32 v0, v2;
	v2 =	vld [tilespmem:s24+$0xFFFFFF90]  }
0x266: {  	v0 =	vmax.f32 v0, v3;
	v3 =	vld [tilespmem:s24+$0x10]  }
0x267: {  	v0 =	vmax.f32 v0, v4;
	v4 =	vld [tilespmem:s24+$0x90]  }
0x268: {  	v0 =	vmax.f32 v0, v5;
	v5 =	vld [tilespmem:s24+$0x110]  }
0x269: {  	v0 =	vmax.f32 v0, v1;
	v1 =	vld [tilespmem:s24+$0x190]  }
0x26a: {  	v0 =	vmax.f32 v0, v2;
	v2 =	vld [tilespmem:s24+$0x210]  }
0x26b: {  	v0 =	vmax.f32 v0, v3;
	v3 =	vld [tilespmem:s24+$0x290]  }
0x26c: {  	v0 =	vmax.f32 v0, v4;
	v4 =	vld [tilespmem:s24+$0x310]  }
0x26d: {  	v0 =	vmax.f32 v0, v5;
	v5 =	vld [tilespmem:s24+$0x390]  }
0x26e: {  	v0 =	vmax.f32 v0, v1  }
0x26f: {  	v0 =	vmax.f32 v0, v2  }
0x270: {  	v0 =	vmax.f32 v0, v3  }
0x271: {  	v0 =	vmax.f32 v0, v4  }
0x272: {  	v0 =	vmax.f32 v0, v5  }
0x273: {  	[tilespmem:s25+$0x10E10] =	vst v0  }
0x274: {  	v0 =	vld [tilespmem:s24+$0xFFFFFC20]  }
0x275: {  	v1 =	vld [tilespmem:s24+$0xFFFFFCA0]  }
0x276: {  	v2 =	vld [tilespmem:s24+$0xFFFFFD20]  }
0x277: {  	v3 =	vld [tilespmem:s24+$0xFFFFFDA0]  }
0x278: {  	v4 =	vld [tilespmem:s24+$0xFFFFFE20]  }
0x279: {  	v5 =	vld [tilespmem:s24+$0xFFFFFEA0]  }
0x27a: {  	v0 =	vmax.f32 v0, v1;
	v1 =	vld [tilespmem:s24+$0xFFFFFF20]  }
0x27b: {  	v0 =	vmax.f32 v0, v2;
	v2 =	vld [tilespmem:s24+$0xFFFFFFA0]  }
0x27c: {  	v0 =	vmax.f32 v0, v3;
	v3 =	vld [tilespmem:s24+$0x20]  }
0x27d: {  	v0 =	vmax.f32 v0, v4;
	v4 =	vld [tilespmem:s24+$0xA0]  }
0x27e: {  	v0 =	vmax.f32 v0, v5;
	v5 =	vld [tilespmem:s24+$0x120]  }
0x27f: {  	v0 =	vmax.f32 v0, v1;
	v1 =	vld [tilespmem:s24+$0x1A0]  }
0x280: {  	v0 =	vmax.f32 v0, v2;
	v2 =	vld [tilespmem:s24+$0x220]  }
0x281: {  	v0 =	vmax.f32 v0, v3;
	v3 =	vld [tilespmem:s24+$0x2A0]  }
0x282: {  	v0 =	vmax.f32 v0, v4;
	v4 =	vld [tilespmem:s24+$0x320]  }
0x283: {  	v0 =	vmax.f32 v0, v5;
	v5 =	vld [tilespmem:s24+$0x3A0]  }
0x284: {  	v0 =	vmax.f32 v0, v1  }
0x285: {  	v0 =	vmax.f32 v0, v2  }
0x286: {  	v0 =	vmax.f32 v0, v3  }
0x287: {  	v0 =	vmax.f32 v0, v4  }
0x288: {  	v0 =	vmax.f32 v0, v5  }
0x289: {  	[tilespmem:s25+$0x10E20] =	vst v0  }
0x28a: {  	v0 =	vld [tilespmem:s24+$0xFFFFFC30]  }
0x28b: {  	v1 =	vld [tilespmem:s24+$0xFFFFFCB0]  }
0x28c: {  	v2 =	vld [tilespmem:s24+$0xFFFFFD30]  }
0x28d: {  	v3 =	vld [tilespmem:s24+$0xFFFFFDB0]  }
0x28e: {  	v4 =	vld [tilespmem:s24+$0xFFFFFE30]  }
0x28f: {  	v5 =	vld [tilespmem:s24+$0xFFFFFEB0]  }
0x290: {  	v0 =	vmax.f32 v0, v1;
	v1 =	vld [tilespmem:s24+$0xFFFFFF30]  }
0x291: {  	v0 =	vmax.f32 v0, v2;
	v2 =	vld [tilespmem:s24+$0xFFFFFFB0]  }
0x292: {  	v0 =	vmax.f32 v0, v3;
	v3 =	vld [tilespmem:s24+$0x30]  }
0x293: {  	v0 =	vmax.f32 v0, v4;
	v4 =	vld [tilespmem:s24+$0xB0]  }
0x294: {  	v0 =	vmax.f32 v0, v5;
	v5 =	vld [tilespmem:s24+$0x130]  }
0x295: {  	v0 =	vmax.f32 v0, v1;
	v1 =	vld [tilespmem:s24+$0x1B0]  }
0x296: {  	v0 =	vmax.f32 v0, v2;
	v2 =	vld [tilespmem:s24+$0x230]  }
0x297: {  	v0 =	vmax.f32 v0, v3;
	v3 =	vld [tilespmem:s24+$0x2B0]  }
0x298: {  	v0 =	vmax.f32 v0, v4;
	v4 =	vld [tilespmem:s24+$0x330]  }
0x299: {  	v0 =	vmax.f32 v0, v5;
	v5 =	vld [tilespmem:s24+$0x3B0]  }
0x29a: {  	v0 =	vmax.f32 v0, v1  }
0x29b: {  	v0 =	vmax.f32 v0, v2  }
0x29c: {  	v0 =	vmax.f32 v0, v3  }
0x29d: {  	v0 =	vmax.f32 v0, v4  }
0x29e: {  	v0 =	vmax.f32 v0, v5  }
0x29f: {  	[tilespmem:s25+$0x10E30] =	vst v0  }
0x2a0: {  	v0 =	vld [tilespmem:s24+$0xFFFFFC40]  }
0x2a1: {  	v1 =	vld [tilespmem:s24+$0xFFFFFCC0]  }
0x2a2: {  	v2 =	vld [tilespmem:s24+$0xFFFFFD40]  }
0x2a3: {  	v3 =	vld [tilespmem:s24+$0xFFFFFDC0]  }
0x2a4: {  	v4 =	vld [tilespmem:s24+$0xFFFFFE40]  }
0x2a5: {  	v5 =	vld [tilespmem:s24+$0xFFFFFEC0]  }
0x2a6: {  	v0 =	vmax.f32 v0, v1;
	v1 =	vld [tilespmem:s24+$0xFFFFFF40]  }
0x2a7: {  	v0 =	vmax.f32 v0, v2;
	v2 =	vld [tilespmem:s24+$0xFFFFFFC0]  }
0x2a8: {  	v0 =	vmax.f32 v0, v3;
	v3 =	vld [tilespmem:s24+$0x40]  }
0x2a9: {  	v0 =	vmax.f32 v0, v4;
	v4 =	vld [tilespmem:s24+$0xC0]  }
0x2aa: {  	v0 =	vmax.f32 v0, v5;
	v5 =	vld [tilespmem:s24+$0x140]  }
0x2ab: {  	v0 =	vmax.f32 v0, v1;
	v1 =	vld [tilespmem:s24+$0x1C0]  }
0x2ac: {  	v0 =	vmax.f32 v0, v2;
	v2 =	vld [tilespmem:s24+$0x240]  }
0x2ad: {  	v0 =	vmax.f32 v0, v3;
	v3 =	vld [tilespmem:s24+$0x2C0]  }
0x2ae: {  	v0 =	vmax.f32 v0, v4;
	v4 =	vld [tilespmem:s24+$0x340]  }
0x2af: {  	v0 =	vmax.f32 v0, v5;
	v5 =	vld [tilespmem:s24+$0x3C0]  }
0x2b0: {  	v0 =	vmax.f32 v0, v1  }
0x2b1: {  	v0 =	vmax.f32 v0, v2  }
0x2b2: {  	v0 =	vmax.f32 v0, v3  }
0x2b3: {  	v0 =	vmax.f32 v0, v4  }
0x2b4: {  	v0 =	vmax.f32 v0, v5  }
0x2b5: {  	[tilespmem:s25+$0x10E40] =	vst v0  }
0x2b6: {  	v0 =	vld [tilespmem:s24+$0xFFFFFC50]  }
0x2b7: {  	v1 =	vld [tilespmem:s24+$0xFFFFFCD0]  }
0x2b8: {  	v2 =	vld [tilespmem:s24+$0xFFFFFD50]  }
0x2b9: {  	v3 =	vld [tilespmem:s24+$0xFFFFFDD0]  }
0x2ba: {  	v4 =	vld [tilespmem:s24+$0xFFFFFE50]  }
0x2bb: {  	v5 =	vld [tilespmem:s24+$0xFFFFFED0]  }
0x2bc: {  	v0 =	vmax.f32 v0, v1;
	v1 =	vld [tilespmem:s24+$0xFFFFFF50]  }
0x2bd: {  	v0 =	vmax.f32 v0, v2;
	v2 =	vld [tilespmem:s24+$0xFFFFFFD0]  }
0x2be: {  	v0 =	vmax.f32 v0, v3;
	v3 =	vld [tilespmem:s24+$0x50]  }
0x2bf: {  	v0 =	vmax.f32 v0, v4;
	v4 =	vld [tilespmem:s24+$0xD0]  }
0x2c0: {  	v0 =	vmax.f32 v0, v5;
	v5 =	vld [tilespmem:s24+$0x150]  }
0x2c1: {  	v0 =	vmax.f32 v0, v1;
	v1 =	vld [tilespmem:s24+$0x1D0]  }
0x2c2: {  	v0 =	vmax.f32 v0, v2;
	v2 =	vld [tilespmem:s24+$0x250]  }
0x2c3: {  	v0 =	vmax.f32 v0, v3;
	v3 =	vld [tilespmem:s24+$0x2D0]  }
0x2c4: {  	v0 =	vmax.f32 v0, v4;
	v4 =	vld [tilespmem:s24+$0x350]  }
0x2c5: {  	v0 =	vmax.f32 v0, v5;
	v5 =	vld [tilespmem:s24+$0x3D0]  }
0x2c6: {  	v0 =	vmax.f32 v0, v1  }
0x2c7: {  	v0 =	vmax.f32 v0, v2  }
0x2c8: {  	v0 =	vmax.f32 v0, v3  }
0x2c9: {  	v0 =	vmax.f32 v0, v4  }
0x2ca: {  	v0 =	vmax.f32 v0, v5  }
0x2cb: {  	[tilespmem:s25+$0x10E50] =	vst v0  }
0x2cc: {  	v0 =	vld [tilespmem:s24+$0xFFFFFC60]  }
0x2cd: {  	v1 =	vld [tilespmem:s24+$0xFFFFFCE0]  }
0x2ce: {  	v2 =	vld [tilespmem:s24+$0xFFFFFD60]  }
0x2cf: {  	v3 =	vld [tilespmem:s24+$0xFFFFFDE0]  }
0x2d0: {  	v4 =	vld [tilespmem:s24+$0xFFFFFE60]  }
0x2d1: {  	v5 =	vld [tilespmem:s24+$0xFFFFFEE0]  }
0x2d2: {  	v0 =	vmax.f32 v0, v1;
	v1 =	vld [tilespmem:s24+$0xFFFFFF60]  }
0x2d3: {  	v0 =	vmax.f32 v0, v2;
	v2 =	vld [tilespmem:s24+$0xFFFFFFE0]  }
0x2d4: {  	v0 =	vmax.f32 v0, v3;
	v3 =	vld [tilespmem:s24+$0x60]  }
0x2d5: {  	v0 =	vmax.f32 v0, v4;
	v4 =	vld [tilespmem:s24+$0xE0]  }
0x2d6: {  	v0 =	vmax.f32 v0, v5;
	v5 =	vld [tilespmem:s24+$0x160]  }
0x2d7: {  	v0 =	vmax.f32 v0, v1;
	v1 =	vld [tilespmem:s24+$0x1E0]  }
0x2d8: {  	v0 =	vmax.f32 v0, v2;
	v2 =	vld [tilespmem:s24+$0x260]  }
0x2d9: {  	v0 =	vmax.f32 v0, v3;
	v3 =	vld [tilespmem:s24+$0x2E0]  }
0x2da: {  	v0 =	vmax.f32 v0, v4;
	v4 =	vld [tilespmem:s24+$0x360]  }
0x2db: {  	v0 =	vmax.f32 v0, v5;
	v5 =	vld [tilespmem:s24+$0x3E0]  }
0x2dc: {  	v0 =	vmax.f32 v0, v1  }
0x2dd: {  	v0 =	vmax.f32 v0, v2  }
0x2de: {  	v0 =	vmax.f32 v0, v3  }
0x2df: {  	v0 =	vmax.f32 v0, v4  }
0x2e0: {  	v0 =	vmax.f32 v0, v5  }
0x2e1: {  	[tilespmem:s25+$0x10E60] =	vst v0  }
0x2e2: {  	v0 =	vld [tilespmem:s24+$0xFFFFFC70]  }
0x2e3: {  	v1 =	vld [tilespmem:s24+$0xFFFFFCF0]  }
0x2e4: {  	v2 =	vld [tilespmem:s24+$0xFFFFFD70]  }
0x2e5: {  	v3 =	vld [tilespmem:s24+$0xFFFFFDF0]  }
0x2e6: {  	v5 =	vld [tilespmem:s24+$0xFFFFFE70]  }
0x2e7: {  	v6 =	vld [tilespmem:s24+$0xFFFFFEF0]  }
0x2e8: {  	v7 =	vld [tilespmem:s24+$0xFFFFFF70];
	v0 =	vmax.f32 v0, v1  }
0x2e9: {  	v8 =	vld [tilespmem:s24+$0xFFFFFFF0];
	v0 =	vmax.f32 v0, v2  }
0x2ea: {  	v4 =	vld [tilespmem:s24+$0x70];
	v0 =	vmax.f32 v0, v3  }
0x2eb: {  	v1 =	vld [tilespmem:s24+$0xF0];
	v0 =	vmax.f32 v0, v5  }
0x2ec: {  	v2 =	vld [tilespmem:s24+$0x170];
	v0 =	vmax.f32 v0, v6  }
0x2ed: {  	v3 =	vmax.f32 v0, v7;
	v0 =	vld [tilespmem:s24+$0x1F0]  }
0x2ee: {  	s26 =	simm.s32 $0x200;
	s28 =	simm.s32 $0xC600;
	v5 =	vmax.f32 v3, v8;
	v3 =	vld [tilespmem:s24+$0x270]  }
.LBB2_9:
0x2ef: {  	p0 =	sne.s32 s26, $0xE00  }
0x2f0: {  	v4 =	vmax.f32 v5, v4;
	v5 =	vld [tilespmem:s24+$0x2F0];
	s28 =	sadd.s32 $0x800, s28;
	s29 =	smov.u32 s26;
	s26 =	sadd.s32 $0x200, s26  }
0x2f1: {  	v1 =	vmax.f32 v4, v1;
	v4 =	vld [tilespmem:s24+$0x370]  }
0x2f2: {  	v1 =	vmax.f32 v1, v2;
	v2 =	vld [tilespmem:s24+$0x3F0];
	s24 =	smov.u32 s28  }
0x2f3: {  	v0 =	vmax.f32 v1, v0  }
0x2f4: {  	v0 =	vmax.f32 v0, v3  }
0x2f5: {  	v0 =	vmax.f32 v0, v5  }
0x2f6: {  	v0 =	vmax.f32 v0, v4  }
0x2f7: {  	v0 =	vmax.f32 v0, v2  }
0x2f8: {  	[tilespmem:s25+$0x10E70] =	vst v0  }
0x2f9: {  	v0 =	vld [tilespmem:s28+$0xFFFFFD00]  }
0x2fa: {  	v1 =	vld [tilespmem:s28+$0xFFFFFC80]  }
0x2fb: {  	v2 =	vld [tilespmem:s28+$0xFFFFFC00]  }
0x2fc: {  	v3 =	vld [tilespmem:s28+$0xFFFFFD80]  }
0x2fd: {  	v4 =	vld [tilespmem:s28+$0xFFFFFE00];
	_ =	sdelay $0x1  }
0x2fe: {  	v5 =	vld [tilespmem:s28+$0xFFFFFE80]  }
0x2ff: {  	v1 =	vmax.f32 v2, v1;
	v2 =	vld [tilespmem:s28+$0xFFFFFF00]  }
0x300: {  	v0 =	vmax.f32 v1, v0;
	v1 =	vld [tilespmem:s28+$0xFFFFFF80]  }
0x301: {  	v0 =	vmax.f32 v0, v3;
	v3 =	vld [tilespmem:s28+$0x0]  }
0x302: {  	v0 =	vmax.f32 v0, v4;
	v4 =	vld [tilespmem:s28+$0x80]  }
0x303: {  	v0 =	vmax.f32 v0, v5;
	v5 =	vld [tilespmem:s28+$0x100]  }
0x304: {  	v0 =	vmax.f32 v0, v2;
	v2 =	vld [tilespmem:s28+$0x180]  }
0x305: {  	v0 =	vmax.f32 v0, v1;
	v1 =	vld [tilespmem:s28+$0x200]  }
0x306: {  	v0 =	vmax.f32 v0, v3;
	v3 =	vld [tilespmem:s28+$0x280]  }
0x307: {  	v0 =	vmax.f32 v0, v4;
	v4 =	vld [tilespmem:s28+$0x300]  }
0x308: {  	v0 =	vmax.f32 v0, v5;
	v5 =	vld [tilespmem:s28+$0x380]  }
0x309: {  	v0 =	vmax.f32 v0, v2  }
0x30a: {  	v0 =	vmax.f32 v0, v1  }
0x30b: {  	v0 =	vmax.f32 v0, v3  }
0x30c: {  	v0 =	vmax.f32 v0, v4  }
0x30d: {  	s25 =	sshra.s32 s29, $0x2;
	v0 =	vmax.f32 v0, v5  }
0x30e: {  	[tilespmem:s25+$0x10E00] =	vst v0  }
0x30f: {  	v0 =	vld [tilespmem:s28+$0xFFFFFC10]  }
0x310: {  	v1 =	vld [tilespmem:s28+$0xFFFFFC90]  }
0x311: {  	v2 =	vld [tilespmem:s28+$0xFFFFFD10]  }
0x312: {  	v3 =	vld [tilespmem:s28+$0xFFFFFD90]  }
0x313: {  	v4 =	vld [tilespmem:s28+$0xFFFFFE10]  }
0x314: {  	v5 =	vld [tilespmem:s28+$0xFFFFFE90]  }
0x315: {  	v0 =	vmax.f32 v0, v1;
	v1 =	vld [tilespmem:s28+$0xFFFFFF10]  }
0x316: {  	v0 =	vmax.f32 v0, v2;
	v2 =	vld [tilespmem:s28+$0xFFFFFF90]  }
0x317: {  	v0 =	vmax.f32 v0, v3;
	v3 =	vld [tilespmem:s28+$0x10]  }
0x318: {  	v0 =	vmax.f32 v0, v4;
	v4 =	vld [tilespmem:s28+$0x90]  }
0x319: {  	v0 =	vmax.f32 v0, v5;
	v5 =	vld [tilespmem:s28+$0x110]  }
0x31a: {  	v0 =	vmax.f32 v0, v1;
	v1 =	vld [tilespmem:s28+$0x190]  }
0x31b: {  	v0 =	vmax.f32 v0, v2;
	v2 =	vld [tilespmem:s28+$0x210]  }
0x31c: {  	v0 =	vmax.f32 v0, v3;
	v3 =	vld [tilespmem:s28+$0x290]  }
0x31d: {  	v0 =	vmax.f32 v0, v4;
	v4 =	vld [tilespmem:s28+$0x310]  }
0x31e: {  	v0 =	vmax.f32 v0, v5;
	v5 =	vld [tilespmem:s28+$0x390]  }
0x31f: {  	v0 =	vmax.f32 v0, v1  }
0x320: {  	v0 =	vmax.f32 v0, v2  }
0x321: {  	v0 =	vmax.f32 v0, v3  }
0x322: {  	v0 =	vmax.f32 v0, v4  }
0x323: {  	v0 =	vmax.f32 v0, v5  }
0x324: {  	[tilespmem:s25+$0x10E10] =	vst v0  }
0x325: {  	v0 =	vld [tilespmem:s28+$0xFFFFFC20]  }
0x326: {  	v1 =	vld [tilespmem:s28+$0xFFFFFCA0]  }
0x327: {  	v2 =	vld [tilespmem:s28+$0xFFFFFD20]  }
0x328: {  	v3 =	vld [tilespmem:s28+$0xFFFFFDA0]  }
0x329: {  	v4 =	vld [tilespmem:s28+$0xFFFFFE20]  }
0x32a: {  	v5 =	vld [tilespmem:s28+$0xFFFFFEA0]  }
0x32b: {  	v0 =	vmax.f32 v0, v1;
	v1 =	vld [tilespmem:s28+$0xFFFFFF20]  }
0x32c: {  	v0 =	vmax.f32 v0, v2;
	v2 =	vld [tilespmem:s28+$0xFFFFFFA0]  }
0x32d: {  	v0 =	vmax.f32 v0, v3;
	v3 =	vld [tilespmem:s28+$0x20]  }
0x32e: {  	v0 =	vmax.f32 v0, v4;
	v4 =	vld [tilespmem:s28+$0xA0]  }
0x32f: {  	v0 =	vmax.f32 v0, v5;
	v5 =	vld [tilespmem:s28+$0x120]  }
0x330: {  	v0 =	vmax.f32 v0, v1;
	v1 =	vld [tilespmem:s28+$0x1A0]  }
0x331: {  	v0 =	vmax.f32 v0, v2;
	v2 =	vld [tilespmem:s28+$0x220]  }
0x332: {  	v0 =	vmax.f32 v0, v3;
	v3 =	vld [tilespmem:s28+$0x2A0]  }
0x333: {  	v0 =	vmax.f32 v0, v4;
	v4 =	vld [tilespmem:s28+$0x320]  }
0x334: {  	v0 =	vmax.f32 v0, v5;
	v5 =	vld [tilespmem:s28+$0x3A0]  }
0x335: {  	v0 =	vmax.f32 v0, v1  }
0x336: {  	v0 =	vmax.f32 v0, v2  }
0x337: {  	v0 =	vmax.f32 v0, v3  }
0x338: {  	v0 =	vmax.f32 v0, v4  }
0x339: {  	v0 =	vmax.f32 v0, v5  }
0x33a: {  	[tilespmem:s25+$0x10E20] =	vst v0  }
0x33b: {  	v0 =	vld [tilespmem:s28+$0xFFFFFC30]  }
0x33c: {  	v1 =	vld [tilespmem:s28+$0xFFFFFCB0]  }
0x33d: {  	v2 =	vld [tilespmem:s28+$0xFFFFFD30]  }
0x33e: {  	v3 =	vld [tilespmem:s28+$0xFFFFFDB0]  }
0x33f: {  	v4 =	vld [tilespmem:s28+$0xFFFFFE30]  }
0x340: {  	v5 =	vld [tilespmem:s28+$0xFFFFFEB0]  }
0x341: {  	v0 =	vmax.f32 v0, v1;
	v1 =	vld [tilespmem:s28+$0xFFFFFF30]  }
0x342: {  	v0 =	vmax.f32 v0, v2;
	v2 =	vld [tilespmem:s28+$0xFFFFFFB0]  }
0x343: {  	v0 =	vmax.f32 v0, v3;
	v3 =	vld [tilespmem:s28+$0x30]  }
0x344: {  	v0 =	vmax.f32 v0, v4;
	v4 =	vld [tilespmem:s28+$0xB0]  }
0x345: {  	v0 =	vmax.f32 v0, v5;
	v5 =	vld [tilespmem:s28+$0x130]  }
0x346: {  	v0 =	vmax.f32 v0, v1;
	v1 =	vld [tilespmem:s28+$0x1B0]  }
0x347: {  	v0 =	vmax.f32 v0, v2;
	v2 =	vld [tilespmem:s28+$0x230]  }
0x348: {  	v0 =	vmax.f32 v0, v3;
	v3 =	vld [tilespmem:s28+$0x2B0]  }
0x349: {  	v0 =	vmax.f32 v0, v4;
	v4 =	vld [tilespmem:s28+$0x330]  }
0x34a: {  	v0 =	vmax.f32 v0, v5;
	v5 =	vld [tilespmem:s28+$0x3B0]  }
0x34b: {  	v0 =	vmax.f32 v0, v1  }
0x34c: {  	v0 =	vmax.f32 v0, v2  }
0x34d: {  	v0 =	vmax.f32 v0, v3  }
0x34e: {  	v0 =	vmax.f32 v0, v4  }
0x34f: {  	v0 =	vmax.f32 v0, v5  }
0x350: {  	[tilespmem:s25+$0x10E30] =	vst v0  }
0x351: {  	v0 =	vld [tilespmem:s28+$0xFFFFFC40]  }
0x352: {  	v1 =	vld [tilespmem:s28+$0xFFFFFCC0]  }
0x353: {  	v2 =	vld [tilespmem:s28+$0xFFFFFD40]  }
0x354: {  	v3 =	vld [tilespmem:s28+$0xFFFFFDC0]  }
0x355: {  	v4 =	vld [tilespmem:s28+$0xFFFFFE40]  }
0x356: {  	v5 =	vld [tilespmem:s28+$0xFFFFFEC0]  }
0x357: {  	v0 =	vmax.f32 v0, v1;
	v1 =	vld [tilespmem:s28+$0xFFFFFF40]  }
0x358: {  	v0 =	vmax.f32 v0, v2;
	v2 =	vld [tilespmem:s28+$0xFFFFFFC0]  }
0x359: {  	v0 =	vmax.f32 v0, v3;
	v3 =	vld [tilespmem:s28+$0x40]  }
0x35a: {  	v0 =	vmax.f32 v0, v4;
	v4 =	vld [tilespmem:s28+$0xC0]  }
0x35b: {  	v0 =	vmax.f32 v0, v5;
	v5 =	vld [tilespmem:s28+$0x140]  }
0x35c: {  	v0 =	vmax.f32 v0, v1;
	v1 =	vld [tilespmem:s28+$0x1C0]  }
0x35d: {  	v0 =	vmax.f32 v0, v2;
	v2 =	vld [tilespmem:s28+$0x240]  }
0x35e: {  	v0 =	vmax.f32 v0, v3;
	v3 =	vld [tilespmem:s28+$0x2C0]  }
0x35f: {  	v0 =	vmax.f32 v0, v4;
	v4 =	vld [tilespmem:s28+$0x340]  }
0x360: {  	v0 =	vmax.f32 v0, v5;
	v5 =	vld [tilespmem:s28+$0x3C0]  }
0x361: {  	v0 =	vmax.f32 v0, v1  }
0x362: {  	v0 =	vmax.f32 v0, v2  }
0x363: {  	v0 =	vmax.f32 v0, v3  }
0x364: {  	v0 =	vmax.f32 v0, v4  }
0x365: {  	v0 =	vmax.f32 v0, v5  }
0x366: {  	[tilespmem:s25+$0x10E40] =	vst v0  }
0x367: {  	v0 =	vld [tilespmem:s28+$0xFFFFFC50]  }
0x368: {  	v1 =	vld [tilespmem:s28+$0xFFFFFCD0]  }
0x369: {  	v2 =	vld [tilespmem:s28+$0xFFFFFD50]  }
0x36a: {  	v3 =	vld [tilespmem:s28+$0xFFFFFDD0]  }
0x36b: {  	v4 =	vld [tilespmem:s28+$0xFFFFFE50]  }
0x36c: {  	v5 =	vld [tilespmem:s28+$0xFFFFFED0]  }
0x36d: {  	v0 =	vmax.f32 v0, v1;
	v1 =	vld [tilespmem:s28+$0xFFFFFF50]  }
0x36e: {  	v0 =	vmax.f32 v0, v2;
	v2 =	vld [tilespmem:s28+$0xFFFFFFD0]  }
0x36f: {  	v0 =	vmax.f32 v0, v3;
	v3 =	vld [tilespmem:s28+$0x50]  }
0x370: {  	v0 =	vmax.f32 v0, v4;
	v4 =	vld [tilespmem:s28+$0xD0]  }
0x371: {  	v0 =	vmax.f32 v0, v5;
	v5 =	vld [tilespmem:s28+$0x150]  }
0x372: {  	v0 =	vmax.f32 v0, v1;
	v1 =	vld [tilespmem:s28+$0x1D0]  }
0x373: {  	v0 =	vmax.f32 v0, v2;
	v2 =	vld [tilespmem:s28+$0x250]  }
0x374: {  	v0 =	vmax.f32 v0, v3;
	v3 =	vld [tilespmem:s28+$0x2D0]  }
0x375: {  	v0 =	vmax.f32 v0, v4;
	v4 =	vld [tilespmem:s28+$0x350]  }
0x376: {  	v0 =	vmax.f32 v0, v5;
	v5 =	vld [tilespmem:s28+$0x3D0]  }
0x377: {  	v0 =	vmax.f32 v0, v1  }
0x378: {  	v0 =	vmax.f32 v0, v2  }
0x379: {  	v0 =	vmax.f32 v0, v3  }
0x37a: {  	v0 =	vmax.f32 v0, v4  }
0x37b: {  	v0 =	vmax.f32 v0, v5  }
0x37c: {  	[tilespmem:s25+$0x10E50] =	vst v0  }
0x37d: {  	v0 =	vld [tilespmem:s28+$0xFFFFFC60]  }
0x37e: {  	v1 =	vld [tilespmem:s28+$0xFFFFFCE0]  }
0x37f: {  	v2 =	vld [tilespmem:s28+$0xFFFFFD60]  }
0x380: {  	v3 =	vld [tilespmem:s28+$0xFFFFFDE0]  }
0x381: {  	v4 =	vld [tilespmem:s28+$0xFFFFFE60]  }
0x382: {  	v5 =	vld [tilespmem:s28+$0xFFFFFEE0]  }
0x383: {  	v0 =	vmax.f32 v0, v1;
	v1 =	vld [tilespmem:s28+$0xFFFFFF60]  }
0x384: {  	v0 =	vmax.f32 v0, v2;
	v2 =	vld [tilespmem:s28+$0xFFFFFFE0]  }
0x385: {  	v0 =	vmax.f32 v0, v3;
	v3 =	vld [tilespmem:s28+$0x60]  }
0x386: {  	v0 =	vmax.f32 v0, v4;
	v4 =	vld [tilespmem:s28+$0xE0]  }
0x387: {  	v0 =	vmax.f32 v0, v5;
	v5 =	vld [tilespmem:s28+$0x160]  }
0x388: {  	v0 =	vmax.f32 v0, v1;
	v1 =	vld [tilespmem:s28+$0x1E0]  }
0x389: {  	v0 =	vmax.f32 v0, v2;
	v2 =	vld [tilespmem:s28+$0x260]  }
0x38a: {  	v0 =	vmax.f32 v0, v3;
	v3 =	vld [tilespmem:s28+$0x2E0]  }
0x38b: {  	v0 =	vmax.f32 v0, v4;
	v4 =	vld [tilespmem:s28+$0x360]  }
0x38c: {  	v0 =	vmax.f32 v0, v5;
	v5 =	vld [tilespmem:s28+$0x3E0]  }
0x38d: {  	v0 =	vmax.f32 v0, v1  }
0x38e: {  	v0 =	vmax.f32 v0, v2  }
0x38f: {  	v0 =	vmax.f32 v0, v3  }
0x390: {  	v0 =	vmax.f32 v0, v4  }
0x391: {  	v0 =	vmax.f32 v0, v5  }
0x392: {  	[tilespmem:s25+$0x10E60] =	vst v0  }
0x393: {  	v0 =	vld [tilespmem:s28+$0xFFFFFC70]  }
0x394: {  	v1 =	vld [tilespmem:s28+$0xFFFFFCF0]  }
0x395: {  	v2 =	vld [tilespmem:s28+$0xFFFFFD70]  }
0x396: {  	v3 =	vld [tilespmem:s28+$0xFFFFFDF0]  }
0x397: {  	v5 =	vld [tilespmem:s28+$0xFFFFFE70]  }
0x398: {  	v6 =	vld [tilespmem:s28+$0xFFFFFEF0]  }
0x399: {  	v0 =	vmax.f32 v0, v1;
	v7 =	vld [tilespmem:s28+$0xFFFFFF70]  }
0x39a: {  	v0 =	vmax.f32 v0, v2;
	v8 =	vld [tilespmem:s28+$0xFFFFFFF0]  }
.Ltmp3:
0x39b: {  	v0 =	vmax.f32 v0, v3;
	v4 =	vld [tilespmem:s28+$0x70];
	(pc) =	sbr.rel @p0 .LBB2_9-.Ltmp3, $4  }
0x39c: {  	v0 =	vmax.f32 v0, v5;
	v1 =	vld [tilespmem:s28+$0xF0]  }
0x39d: {  	v0 =	vmax.f32 v0, v6;
	v2 =	vld [tilespmem:s28+$0x170]  }
0x39e: {  	v3 =	vmax.f32 v0, v7;
	v0 =	vld [tilespmem:s28+$0x1F0]  }
0x39f: {  	v5 =	vmax.f32 v3, v8;
	v3 =	vld [tilespmem:s28+$0x270]  }
0x3a0: {  	v4 =	vmax.f32 v5, v4;
	v61 =	vld [tilespmem:s24+$0x2F0]  }
0x3a1: {  	v62 =	vld [tilespmem:s24+$0x370];
	v1 =	vmax.f32 v4, v1  }
0x3a2: {  	v63 =	vld [tilespmem:s24+$0x3F0];
	v1 =	vmax.f32 v1, v2  }
0x3a3: {  	v0 =	vmax.f32 v1, v0  }
0x3a4: {  	v0 =	vmax.f32 v0, v3  }
0x3a5: {  	v0 =	vmax.f32 v0, v61  }
0x3a6: {  	s22 =	sadd.s32 $0x1, s22;
	v0 =	vmax.f32 v0, v62  }
0x3a7: {  	s23 =	sshll.u32 s23, $0x4;
	p0 =	sne.s32 s22, $0xA;
	v0 =	vmax.f32 v0, v63  }
.Ltmp4:
0x3a8: {  	s23 =	sadd.s32 s5, s23;
	[tilespmem:s25+$0x10E70] =	vst v0;
	(pc) =	sbr.rel @p0 .LBB2_2-.Ltmp4, $4  }
0x3a9: {  	[hbm4b:s23+s2] =	stream.linear.scatter [tilespmem:s20], [sflag:$0x2], $0x1000, $0x38;
	[tilespmem:$0x11200] =	vst v63  }
0x3aa: {  	_ =	swait.ge [sflag:s11], $0x1000  }
0x3ab: {  	[sflag:s11] =	ssyncset.done $0x0  }
0x3ac: {  	[sflag:s11] =	ssyncadd.s32 $0xFFFFF000  }
0x3ad: {  	s21 =	sadd.s32 $0x1, s21  }
0x3ae: {  	p0 =	sne.s32 s21, s10  }
.Ltmp5:
0x3af: {  	_ = 	snop;
	(pc) =	sbr.rel @p0 .LBB2_1-.Ltmp5, $1  }
0x3b0: {  	_ =	sdelay $0x3  }
0x3b1: {  	_ =	sfence.sel $0x180000  }
0x3b2: {  	[bflag:$0x0] =	sbarrier.arrive $0xFFFF  }
0x3b3: {  	p0 =	sne.s32 s1, $0x0;
	_ =	strace $0x90000047  }
0x3b4: {  	s0 =	sadd.s32 @!p0 $0x100000, s0;
	[bflag:$0x2] =	sbarrier.arrive $0xFFFF  }
0x3b5: {  	[sflag:s0] =	ssyncadd.tile.s32 @!p0 $0x1;
	_ =	shalt  }
.Lfunc_end2:
_tile_overlayer_lowered:
.L_overlay_start_2:
0x3b6: {  	(tag) =	ssettag $0x2  }
0x3b7: {  	s0 =	rddreg [dreg:$0x0];
	s2 =	stileid.u32  }
0x3b8: {  	s1 =	rddreg [dreg:$0x1];
	p0 =	sne.s32 s2, $0x0  }
0x3b9: {  	s3 =	rddreg [dreg:$0x2];
	[bflag:$0x3] =	sbarrier.arrive $0xFFFF;
	s2 =	simm.s32 @!p0 $0x1C02  }
0x3ba: {  	[timem:s3], [sflag:s2] =	dma.local @!p0 [hbm:s0], s1  }
0x3bb: {  	s0 =	simm.s32 @!p0 $0x2  }
0x3bc: {  	_ =	swait.ge @!p0 [sflag:s0], s1  }
0x3bd: {  	s1 =	ssub.s32 @!p0 $0x0, s1;
	[sflag:s0] =	ssyncset.done @!p0 $0x0  }
0x3be: {  	[sflag:s0] =	ssyncadd.s32 @!p0 s1  }
0x3bf: {  	[bflag:$0x3] =	sbarrier.arrive $0xFFFF  }
0x3c0: {  	_ =	shalt  }

</sc_bundles>
